<compile_context>
chip_gen: v7x
topology: tpu7x:2x2x1
jax: 0.10.2.dev20260603
libtpu: 0.0.44.dev20260713+nightly
codegen_flags: <defaults>
</compile_context>

<pallas_src>
import functools

import jax
import jax.numpy as jnp
from jax import lax
from jax.experimental import pallas as pl
from jax.experimental.pallas import tpu as pltpu
from jax.experimental.pallas import tpu_sc as plsc

B, N1, N2, C1, C2 = 8, 4096, 1024, 128, 256
BN = B * N1
TILE = 512
TILE3 = 1024
NW = 32
PW = BN // NW
CH = 64



def _topk_body(x1t_ref, x2_ref, idx_ref, w_ref):
    b = pl.program_id(0)
    x1t = x1t_ref[0]
    x2 = x2_ref[0]
    d = None
    for c in range(3):
        term = x2[:, c:c + 1] - x1t[c:c + 1, :]
        sq = term * term
        d = sq if d is None else d + sq
    iota = lax.broadcasted_iota(jnp.int32, (N2, TILE), 0).astype(jnp.float32)
    cur = d
    ims, ms = [], []
    for k in range(3):
        m = jnp.min(cur, axis=0, keepdims=True)
        hit = cur == m
        im = jnp.min(jnp.where(hit, iota, jnp.float32(N2)),
                     axis=0, keepdims=True)
        ms.append(m)
        ims.append(im)
        if k < 2:
            cur = jnp.where(hit, jnp.float32(jnp.inf), cur)
    dist3 = jnp.maximum(jnp.concatenate(ms, axis=0), 1e-10)
    inv = 1.0 / dist3
    w3 = inv / jnp.sum(inv, axis=0, keepdims=True)
    idx3 = jnp.concatenate(ims, axis=0).astype(jnp.int32) + b * N2
    idx_ref[0] = idx3
    w_ref[0] = w3


def _topk_stage(xyz1t, xyz2):
    nb = xyz1t.shape[0]
    return pl.pallas_call(
        _topk_body,
        grid=(nb, N1 // TILE),
        in_specs=[
            pl.BlockSpec((1, 3, TILE), lambda b, t: (b, 0, t)),
            pl.BlockSpec((1, N2, 3), lambda b, t: (b, 0, 0)),
        ],
        out_specs=[
            pl.BlockSpec((1, 3, TILE), lambda b, t: (b, 0, t)),
            pl.BlockSpec((1, 3, TILE), lambda b, t: (b, 0, t)),
        ],
        out_shape=[
            jax.ShapeDtypeStruct((nb, 3, N1), jnp.int32),
            jax.ShapeDtypeStruct((nb, 3, N1), jnp.float32),
        ],
    )(xyz1t, xyz2)



def _sc_interp(idx_pl, w_pl, table):
    mesh = plsc.VectorSubcoreMesh(core_axis_name="c", subcore_axis_name="s")
    nb = idx_pl.shape[0]
    npts = nb * N1
    pw = npts // NW
    wpb = N1 // pw

    @functools.partial(
        pl.kernel,
        mesh=mesh,
        compiler_params=pltpu.CompilerParams(use_tc_tiling_on_sc=False,
                                             needs_layout_passes=False),
        out_type=jax.ShapeDtypeStruct((npts, C2), jnp.float32),
        scratch_types=[
            pltpu.VMEM((3, pw), jnp.int32),
            pltpu.VMEM((3, pw + 16), jnp.float32),
            pltpu.VMEM((CH, C2), jnp.float32),
            pltpu.VMEM((CH, C2), jnp.float32),
            pltpu.VMEM((CH, C2), jnp.float32),
            pltpu.VMEM((CH, C2), jnp.float32),
            pltpu.SemaphoreType.DMA,
        ],
    )
    def k(idx_hbm, w_hbm, table_hbm, out_hbm,
          iv, wv, r0, r1, r2, ov, sem):
        wid = lax.axis_index("s") * 2 + lax.axis_index("c")
        base_w = wid * pw
        bb = wid // wpb
        rr = (wid % wpb) * pw
        zero16 = jnp.zeros((16, 1), jnp.int32)
        dnums = lax.GatherDimensionNumbers(
            offset_dims=(), collapsed_slice_dims=(0,), start_index_map=(0,))

        def bcast0(vec):
            return lax.gather(vec, zero16, dnums, slice_sizes=(1,),
                              mode=lax.GatherScatterMode.PROMISE_IN_BOUNDS)
        pltpu.sync_copy(idx_hbm.at[bb, :, pl.ds(rr, pw)], iv)
        pltpu.sync_copy(w_hbm.at[bb, :, pl.ds(rr, pw)],
                        wv.at[:, pl.ds(0, pw)])

        def chunk(ci, _):
            off = ci * CH
            cp0 = pltpu.async_copy(table_hbm.at[iv.at[0, pl.ds(off, CH)]], r0, sem)
            cp1 = pltpu.async_copy(table_hbm.at[iv.at[1, pl.ds(off, CH)]], r1, sem)
            cp2 = pltpu.async_copy(table_hbm.at[iv.at[2, pl.ds(off, CH)]], r2, sem)
            cp0.wait()
            cp1.wait()
            cp2.wait()

            @plsc.parallel_loop(0, CH, unroll=4)
            def point(p):
                b0 = bcast0(wv[0, pl.ds(off + p, 16)])
                b1 = bcast0(wv[1, pl.ds(off + p, 16)])
                b2 = bcast0(wv[2, pl.ds(off + p, 16)])
                for c in range(C2 // 16):
                    s = pl.ds(c * 16, 16)
                    t01 = r0[p, s] * b0 + r1[p, s] * b1
                    ov[p, s] = t01 + r2[p, s] * b2

            pltpu.sync_copy(ov, out_hbm.at[pl.ds(base_w + off, CH)])
            return 0

        lax.fori_loop(0, pw // CH, chunk, 0)

    return k(idx_pl, w_pl, table)



def _mlp_body(interp_ref, f1_ref, w1a_ref, w1b_ref, b1_ref, w2_ref, b2_ref, out_ref):
    h = jnp.dot(interp_ref[...], w1a_ref[...], preferred_element_type=jnp.float32)
    h = h + jnp.dot(f1_ref[...], w1b_ref[...], preferred_element_type=jnp.float32)
    h = jnp.maximum(h + b1_ref[...], 0.0)
    o = jnp.dot(h, w2_ref[...], preferred_element_type=jnp.float32)
    out_ref[...] = jnp.maximum(o + b2_ref[...], 0.0)


def _mlp_stage(interp, f1, w1a, w1b, b1, w2, b2):
    nrows = interp.shape[0]
    return pl.pallas_call(
        _mlp_body,
        grid=(nrows // TILE3,),
        in_specs=[
            pl.BlockSpec((TILE3, C2), lambda t: (t, 0)),
            pl.BlockSpec((TILE3, C1), lambda t: (t, 0)),
            pl.BlockSpec((C2, 256), lambda t: (0, 0)),
            pl.BlockSpec((C1, 256), lambda t: (0, 0)),
            pl.BlockSpec((1, 256), lambda t: (0, 0)),
            pl.BlockSpec((256, 256), lambda t: (0, 0)),
            pl.BlockSpec((1, 256), lambda t: (0, 0)),
        ],
        out_specs=pl.BlockSpec((TILE3, 256), lambda t: (t, 0)),
        out_shape=jax.ShapeDtypeStruct((nrows, 256), jnp.float32),
    )(interp, f1, w1a, w1b, b1, w2, b2)



NSLICE = 4


def kernel(xyz1, xyz2, features1, features2, W1, b1, W2, b2):
    xyz1t = jnp.transpose(xyz1, (0, 2, 1))
    w1a, w1b = W1[:C2], W1[C2:]
    b1r, b2r = b1.reshape(1, 256), b2.reshape(1, 256)
    bs = B // NSLICE
    outs = []
    for s in range(NSLICE):
        sl = slice(s * bs, (s + 1) * bs)
        idx3, w3 = _topk_stage(xyz1t[sl], xyz2[sl])
        table = features2[sl].reshape(bs * N2, C2)
        interp = _sc_interp(idx3, w3, table)
        outs.append(_mlp_stage(interp, features1[sl].reshape(bs * N1, C1),
                               w1a, w1b, b1r, W2, b2r))
    return jnp.concatenate(outs, axis=0).reshape(B, N1, 256)

# --- scband reference (transcript-rebuilt; emitter-appended) ---
"""Pipeline reference for scband-point-net-feature-propagation-30270929502681 (READ-ONLY COPY).

The authoritative reference and input builder live on the scoring server;
editing this copy changes nothing except your own understanding.
"""

import jax, jax.numpy as jnp
import numpy as np

B, N1, N2, C1, C2 = 8, 4096, 1024, 128, 256
MLP_IN = C2 + C1
MLP_CH = [256, 256]


def setup_inputs(seed: int = 0) -> dict:
    key = jax.random.key(seed)
    k = jax.random.split(key, 8)
    xyz1 = jax.random.normal(k[0], (B, N1, 3), dtype=jnp.float32)
    xyz2 = jax.random.normal(k[1], (B, N2, 3), dtype=jnp.float32)
    features1 = jax.random.normal(k[2], (B, N1, C1), dtype=jnp.float32)
    features2 = jax.random.normal(k[3], (B, N2, C2), dtype=jnp.float32)
    W1 = jax.random.normal(k[4], (MLP_IN, MLP_CH[0]), dtype=jnp.float32) * (1.0 / np.sqrt(MLP_IN))
    b1 = jnp.zeros((MLP_CH[0],), dtype=jnp.float32)
    W2 = jax.random.normal(k[5], (MLP_CH[0], MLP_CH[1]), dtype=jnp.float32) * (1.0 / np.sqrt(MLP_CH[0]))
    b2 = jnp.zeros((MLP_CH[1],), dtype=jnp.float32)
    return {"xyz1": xyz1, "xyz2": xyz2, "features1": features1, "features2": features2,
            "W1": W1, "b1": b1, "W2": W2, "b2": b2}


def reference(xyz1, xyz2, features1, features2, W1, b1, W2, b2):
    # pairwise squared distances [B, N1, N2]
    diff = xyz1[:, :, None, :] - xyz2[:, None, :, :]
    dist = jnp.sum(diff ** 2, axis=-1)
    # 3 nearest coarse points per dense point
    idx = jnp.argsort(dist, axis=-1)[:, :, :3]                      # [B, N1, 3]
    dist_sorted = jnp.take_along_axis(dist, idx, axis=-1)            # [B, N1, 3]
    dist_sorted = jnp.maximum(dist_sorted, 1e-10)
    weight = 1.0 / dist_sorted
    weight = weight / jnp.sum(weight, axis=-1, keepdims=True)        # [B, N1, 3]
    # gather features2 at the 3-NN indices: [B, N1, 3, C2]
    gathered = jax.vmap(lambda f, i: f[i])(features2, idx)
    interpolated = jnp.sum(gathered * weight[..., None], axis=2)     # [B, N1, C2]
    new_features = jnp.concatenate([interpolated, features1], axis=-1)  # [B, N1, C2+C1]
    flat = new_features.reshape(B * N1, MLP_IN)
    h = jax.nn.relu(flat @ W1 + b1)
    h = jax.nn.relu(h @ W2 + b2)
    out = h.reshape(B, N1, MLP_CH[1])
    return out

if __name__ == "__main__":
    import jax
    _d = setup_inputs()
    print(jax.jit(kernel)(*tuple(_d.values())))

</pallas_src>

<mosaic_0001>
#map = affine_map<(d0, d1) -> (0, 0, 0)>
#map1 = affine_map<(d0, d1) -> (0, 0)>
module attributes {stable_mosaic.version = 14 : i64} {
  func.func @k(%arg0: i32, %arg1: i32, %arg2: memref<2x3x4096xi32, #tpu.memory_space<hbm>>, %arg3: memref<2x3x4096xf32, #tpu.memory_space<hbm>>, %arg4: memref<2048x256xf32, #tpu.memory_space<hbm>>, %arg5: memref<8192x256xf32, #tpu.memory_space<hbm>>, %arg6: memref<3x256xi32, #tpu.memory_space<vmem>>, %arg7: memref<3x272xf32, #tpu.memory_space<vmem>>, %arg8: memref<64x256xf32, #tpu.memory_space<vmem>>, %arg9: memref<64x256xf32, #tpu.memory_space<vmem>>, %arg10: memref<64x256xf32, #tpu.memory_space<vmem>>, %arg11: memref<64x256xf32, #tpu.memory_space<vmem>>, %arg12: memref<!tpu.dma_semaphore, #tpu.memory_space<semaphore_mem>>) attributes {dimension_semantics = [#tpu.dimension_semantics<core_parallel>, #tpu.dimension_semantics<subcore_parallel>], iteration_bounds = array<i64: 2, 16>, scalar_prefetch = 0 : i64, scratch_operands = 7 : i64, tpu.core_type = #tpu.core_type<sc_vector_subcore>, window_params = [{transform_indices = #map}, {transform_indices = #map}, {transform_indices = #map1}, {transform_indices = #map1}]} {
    %mul3A = arith.constant 2 : i32
    %mul3A_0 = arith.muli %arg1, %mul3A : i32
    %add3A = arith.addi %mul3A_0, %arg0 : i32
    %mul3A_1 = arith.constant 256 : i32
    %mul3A_2 = arith.muli %add3A, %mul3A_1 : i32
    %jit3A = arith.constant 16 : i32
    %div3A = arith.divsi %add3A, %jit3A : i32
    %sign3A = arith.constant 0 : i32
    %sign3A_3 = arith.cmpi sgt, %add3A, %sign3A : i32
    %sign3A_4 = arith.extui %sign3A_3 : i1 to i32
    %sign3A_5 = arith.constant 0 : i32
    %sign3A_6 = arith.cmpi slt, %add3A, %sign3A_5 : i32
    %sign3A_7 = arith.extui %sign3A_6 : i1 to i32
    %sign3A_8 = arith.subi %sign3A_4, %sign3A_7 : i32
    %sign3A_9 = arith.constant 0 : i32
    %sign3A_10 = arith.cmpi sgt, %jit3A, %sign3A_9 : i32
    %sign3A_11 = arith.extui %sign3A_10 : i1 to i32
    %sign3A_12 = arith.constant 0 : i32
    %sign3A_13 = arith.cmpi slt, %jit3A, %sign3A_12 : i32
    %sign3A_14 = arith.extui %sign3A_13 : i1 to i32
    %sign3A_15 = arith.subi %sign3A_11, %sign3A_14 : i32
    %ne3A = arith.cmpi ne, %sign3A_8, %sign3A_15 : i32
    %rem3A = arith.remsi %add3A, %jit3A : i32
    %ne3A_16 = arith.constant 0 : i32
    %ne3A_17 = arith.cmpi ne, %rem3A, %ne3A_16 : i32
    %and3A = arith.andi %ne3A, %ne3A_17 : i1
    %sub3A = arith.constant 1 : i32
    %sub3A_18 = arith.subi %div3A, %sub3A : i32
    %select_n3A = arith.select %and3A, %sub3A_18, %div3A : i32
    %jit3A_19 = arith.constant 16 : i32
    %eq3A = arith.constant 0 : i32
    %eq3A_20 = arith.cmpi eq, %jit3A_19, %eq3A : i32
    %jit3A_21 = arith.constant 1 : i32
    %select_n3A_22 = arith.select %eq3A_20, %jit3A_21, %jit3A_19 : i32
    %rem3A_23 = arith.remsi %add3A, %select_n3A_22 : i32
    %ne3A_24 = arith.constant 0 : i32
    %ne3A_25 = arith.cmpi ne, %rem3A_23, %ne3A_24 : i32
    %lt3A = arith.constant 0 : i32
    %lt3A_26 = arith.cmpi slt, %rem3A_23, %lt3A : i32
    %lt3A_27 = arith.constant 0 : i32
    %lt3A_28 = arith.cmpi slt, %select_n3A_22, %lt3A_27 : i32
    %ne3A_29 = arith.xori %lt3A_26, %lt3A_28 : i1
    %and3A_30 = arith.andi %ne3A_29, %ne3A_25 : i1
    %add3A_31 = arith.addi %rem3A_23, %select_n3A_22 : i32
    %select_n3A_32 = arith.select %and3A_30, %add3A_31, %rem3A_23 : i32
    %mul3A_33 = arith.constant 256 : i32
    %mul3A_34 = arith.muli %select_n3A_32, %mul3A_33 : i32
    %broadcast_in_dim3A = arith.constant 0 : i32
    %broadcast_in_dim3A_35 = vector.broadcast %broadcast_in_dim3A : i32 to vector<16x1xi32>
    "tpu.region"() ({
      %run_scoped3A = tpu.sem_alloc : memref<!tpu.dma_semaphore, #tpu.memory_space<semaphore_mem>>
      %dma_start3A = arith.constant 0 : i32
      %dma_start3A_42 = tpu.memref_slice %arg2[%select_n3A, %dma_start3A, %mul3A_34] : memref<2x3x4096xi32, #tpu.memory_space<hbm>> -> memref<1x3x256xi32, #tpu.memory_space<hbm>>
      %dma_start3A_43 = tpu.memref_squeeze %dma_start3A_42 : memref<1x3x256xi32, #tpu.memory_space<hbm>> -> memref<3x256xi32, #tpu.memory_space<hbm>>
      %dma_start3A_44 = arith.constant 0 : i32
      %dma_start3A_45 = tpu.memref_slice %arg2[%select_n3A, %dma_start3A_44, %mul3A_34] : memref<2x3x4096xi32, #tpu.memory_space<hbm>> -> memref<1x3x256xi32, #tpu.memory_space<hbm>>
      %dma_start3A_46 = tpu.memref_squeeze %dma_start3A_45 : memref<1x3x256xi32, #tpu.memory_space<hbm>> -> memref<3x256xi32, #tpu.memory_space<hbm>>
      tpu.enqueue_dma source(%dma_start3A_46 : memref<3x256xi32, #tpu.memory_space<hbm>>) target(%arg6 : memref<3x256xi32, #tpu.memory_space<vmem>>) target_semaphore(%run_scoped3A : memref<!tpu.dma_semaphore, #tpu.memory_space<semaphore_mem>>)
      %dma_wait3A = arith.constant 0 : i32
      %dma_wait3A_47 = tpu.memref_slice %arg2[%select_n3A, %dma_wait3A, %mul3A_34] : memref<2x3x4096xi32, #tpu.memory_space<hbm>> -> memref<1x3x256xi32, #tpu.memory_space<hbm>>
      %dma_wait3A_48 = tpu.memref_squeeze %dma_wait3A_47 : memref<1x3x256xi32, #tpu.memory_space<hbm>> -> memref<3x256xi32, #tpu.memory_space<hbm>>
      %dma_wait3A_49 = arith.constant 0 : i32
      %dma_wait3A_50 = tpu.memref_slice %arg2[%select_n3A, %dma_wait3A_49, %mul3A_34] : memref<2x3x4096xi32, #tpu.memory_space<hbm>> -> memref<1x3x256xi32, #tpu.memory_space<hbm>>
      %dma_wait3A_51 = tpu.memref_squeeze %dma_wait3A_50 : memref<1x3x256xi32, #tpu.memory_space<hbm>> -> memref<3x256xi32, #tpu.memory_space<hbm>>
      tpu.wait_dma2 semaphore(%run_scoped3A : memref<!tpu.dma_semaphore, #tpu.memory_space<semaphore_mem>>) src(%dma_wait3A_51 : memref<3x256xi32, #tpu.memory_space<hbm>>) dst(%arg6 : memref<3x256xi32, #tpu.memory_space<vmem>>)
      tpu.yield
    }) : () -> ()
    "tpu.region"() ({
      %run_scoped3A = tpu.sem_alloc : memref<!tpu.dma_semaphore, #tpu.memory_space<semaphore_mem>>
      %dma_start3A = arith.constant 0 : i32
      %dma_start3A_42 = arith.constant 0 : i32
      %dma_start3A_43 = tpu.memref_slice %arg7[%dma_start3A, %dma_start3A_42] : memref<3x272xf32, #tpu.memory_space<vmem>> -> memref<3x256xf32, #tpu.memory_space<vmem>>
      %dma_start3A_44 = arith.constant 0 : i32
      %dma_start3A_45 = tpu.memref_slice %arg3[%select_n3A, %dma_start3A_44, %mul3A_34] : memref<2x3x4096xf32, #tpu.memory_space<hbm>> -> memref<1x3x256xf32, #tpu.memory_space<hbm>>
      %dma_start3A_46 = tpu.memref_squeeze %dma_start3A_45 : memref<1x3x256xf32, #tpu.memory_space<hbm>> -> memref<3x256xf32, #tpu.memory_space<hbm>>
      %dma_start3A_47 = arith.constant 0 : i32
      %dma_start3A_48 = arith.constant 0 : i32
      %dma_start3A_49 = tpu.memref_slice %arg7[%dma_start3A_47, %dma_start3A_48] : memref<3x272xf32, #tpu.memory_space<vmem>> -> memref<3x256xf32, #tpu.memory_space<vmem>>
      %dma_start3A_50 = arith.constant 0 : i32
      %dma_start3A_51 = tpu.memref_slice %arg3[%select_n3A, %dma_start3A_50, %mul3A_34] : memref<2x3x4096xf32, #tpu.memory_space<hbm>> -> memref<1x3x256xf32, #tpu.memory_space<hbm>>
      %dma_start3A_52 = tpu.memref_squeeze %dma_start3A_51 : memref<1x3x256xf32, #tpu.memory_space<hbm>> -> memref<3x256xf32, #tpu.memory_space<hbm>>
      tpu.enqueue_dma source(%dma_start3A_52 : memref<3x256xf32, #tpu.memory_space<hbm>>) target(%dma_start3A_49 : memref<3x256xf32, #tpu.memory_space<vmem>>) target_semaphore(%run_scoped3A : memref<!tpu.dma_semaphore, #tpu.memory_space<semaphore_mem>>)
      %dma_wait3A = arith.constant 0 : i32
      %dma_wait3A_53 = arith.constant 0 : i32
      %dma_wait3A_54 = tpu.memref_slice %arg7[%dma_wait3A, %dma_wait3A_53] : memref<3x272xf32, #tpu.memory_space<vmem>> -> memref<3x256xf32, #tpu.memory_space<vmem>>
      %dma_wait3A_55 = arith.constant 0 : i32
      %dma_wait3A_56 = tpu.memref_slice %arg3[%select_n3A, %dma_wait3A_55, %mul3A_34] : memref<2x3x4096xf32, #tpu.memory_space<hbm>> -> memref<1x3x256xf32, #tpu.memory_space<hbm>>
      %dma_wait3A_57 = tpu.memref_squeeze %dma_wait3A_56 : memref<1x3x256xf32, #tpu.memory_space<hbm>> -> memref<3x256xf32, #tpu.memory_space<hbm>>
      %dma_wait3A_58 = arith.constant 0 : i32
      %dma_wait3A_59 = arith.constant 0 : i32
      %dma_wait3A_60 = tpu.memref_slice %arg7[%dma_wait3A_58, %dma_wait3A_59] : memref<3x272xf32, #tpu.memory_space<vmem>> -> memref<3x256xf32, #tpu.memory_space<vmem>>
      %dma_wait3A_61 = arith.constant 0 : i32
      %dma_wait3A_62 = tpu.memref_slice %arg3[%select_n3A, %dma_wait3A_61, %mul3A_34] : memref<2x3x4096xf32, #tpu.memory_space<hbm>> -> memref<1x3x256xf32, #tpu.memory_space<hbm>>
      %dma_wait3A_63 = tpu.memref_squeeze %dma_wait3A_62 : memref<1x3x256xf32, #tpu.memory_space<hbm>> -> memref<3x256xf32, #tpu.memory_space<hbm>>
      tpu.wait_dma2 semaphore(%run_scoped3A : memref<!tpu.dma_semaphore, #tpu.memory_space<semaphore_mem>>) src(%dma_wait3A_63 : memref<3x256xf32, #tpu.memory_space<hbm>>) dst(%dma_wait3A_60 : memref<3x256xf32, #tpu.memory_space<vmem>>)
      tpu.yield
    }) : () -> ()
    %scan3A = arith.constant 0 : i32
    %scan3A_36 = arith.constant 0 : i32
    %scan3A_37 = arith.constant 4 : i32
    %scan3A_38 = arith.addi %scan3A_36, %scan3A_37 : i32
    %scan3A_39 = arith.constant 1 : i32
    %scan3A_40 = scf.for %scan3A_42 = %scan3A_36 to %scan3A_38 step %scan3A_39 iter_args(%scan3A_43 = %scan3A) -> (i32)  : i32 {
      %mul3A_44 = arith.constant 64 : i32
      %mul3A_45 = arith.muli %scan3A_42, %mul3A_44 : i32
      %dma_start3A = arith.constant 0 : i32
      %dma_start3A_46 = tpu.memref_slice %arg6[%dma_start3A, %mul3A_45] : memref<3x256xi32, #tpu.memory_space<vmem>> -> memref<1x64xi32, #tpu.memory_space<vmem>>
      %dma_start3A_47 = tpu.memref_squeeze %dma_start3A_46 : memref<1x64xi32, #tpu.memory_space<vmem>> -> memref<64xi32, #tpu.memory_space<vmem>>
      %dma_start3A_48 = arith.constant 0 : i32
      %dma_start3A_49 = arith.constant 0 : i32
      %dma_start3A_50 = tpu.memref_slice %arg4[%dma_start3A_48, %dma_start3A_49] : memref<2048x256xf32, #tpu.memory_space<hbm>> -> memref<2048x256xf32, #tpu.memory_space<hbm>>
      tpu.enqueue_indirect_dma source(%dma_start3A_50 : memref<2048x256xf32, #tpu.memory_space<hbm>>) target(%arg8 : memref<64x256xf32, #tpu.memory_space<vmem>>) offsets(%dma_start3A_47 : memref<64xi32, #tpu.memory_space<vmem>>) semaphore(%arg12 : memref<!tpu.dma_semaphore, #tpu.memory_space<semaphore_mem>>)
      %dma_start3A_51 = arith.constant 1 : i32
      %dma_start3A_52 = tpu.memref_slice %arg6[%dma_start3A_51, %mul3A_45] : memref<3x256xi32, #tpu.memory_space<vmem>> -> memref<1x64xi32, #tpu.memory_space<vmem>>
      %dma_start3A_53 = tpu.memref_squeeze %dma_start3A_52 : memref<1x64xi32, #tpu.memory_space<vmem>> -> memref<64xi32, #tpu.memory_space<vmem>>
      %dma_start3A_54 = arith.constant 0 : i32
      %dma_start3A_55 = arith.constant 0 : i32
      %dma_start3A_56 = tpu.memref_slice %arg4[%dma_start3A_54, %dma_start3A_55] : memref<2048x256xf32, #tpu.memory_space<hbm>> -> memref<2048x256xf32, #tpu.memory_space<hbm>>
      tpu.enqueue_indirect_dma source(%dma_start3A_56 : memref<2048x256xf32, #tpu.memory_space<hbm>>) target(%arg9 : memref<64x256xf32, #tpu.memory_space<vmem>>) offsets(%dma_start3A_53 : memref<64xi32, #tpu.memory_space<vmem>>) semaphore(%arg12 : memref<!tpu.dma_semaphore, #tpu.memory_space<semaphore_mem>>)
      %dma_start3A_57 = arith.constant 2 : i32
      %dma_start3A_58 = tpu.memref_slice %arg6[%dma_start3A_57, %mul3A_45] : memref<3x256xi32, #tpu.memory_space<vmem>> -> memref<1x64xi32, #tpu.memory_space<vmem>>
      %dma_start3A_59 = tpu.memref_squeeze %dma_start3A_58 : memref<1x64xi32, #tpu.memory_space<vmem>> -> memref<64xi32, #tpu.memory_space<vmem>>
      %dma_start3A_60 = arith.constant 0 : i32
      %dma_start3A_61 = arith.constant 0 : i32
      %dma_start3A_62 = tpu.memref_slice %arg4[%dma_start3A_60, %dma_start3A_61] : memref<2048x256xf32, #tpu.memory_space<hbm>> -> memref<2048x256xf32, #tpu.memory_space<hbm>>
      tpu.enqueue_indirect_dma source(%dma_start3A_62 : memref<2048x256xf32, #tpu.memory_space<hbm>>) target(%arg10 : memref<64x256xf32, #tpu.memory_space<vmem>>) offsets(%dma_start3A_59 : memref<64xi32, #tpu.memory_space<vmem>>) semaphore(%arg12 : memref<!tpu.dma_semaphore, #tpu.memory_space<semaphore_mem>>)
      %dma_wait3A = arith.constant 0 : i32
      %dma_wait3A_63 = tpu.memref_slice %arg6[%dma_wait3A, %mul3A_45] : memref<3x256xi32, #tpu.memory_space<vmem>> -> memref<1x64xi32, #tpu.memory_space<vmem>>
      %dma_wait3A_64 = tpu.memref_squeeze %dma_wait3A_63 : memref<1x64xi32, #tpu.memory_space<vmem>> -> memref<64xi32, #tpu.memory_space<vmem>>
      %dma_wait3A_65 = arith.constant 0 : i32
      %dma_wait3A_66 = arith.constant 0 : i32
      %dma_wait3A_67 = tpu.memref_slice %arg4[%dma_wait3A_65, %dma_wait3A_66] : memref<2048x256xf32, #tpu.memory_space<hbm>> -> memref<2048x256xf32, #tpu.memory_space<hbm>>
      tpu.wait_indirect_dma semaphore(%arg12 : memref<!tpu.dma_semaphore, #tpu.memory_space<semaphore_mem>>) src(%dma_wait3A_67 : memref<2048x256xf32, #tpu.memory_space<hbm>>) dst(%arg8 : memref<64x256xf32, #tpu.memory_space<vmem>>)
      %dma_wait3A_68 = arith.constant 1 : i32
      %dma_wait3A_69 = tpu.memref_slice %arg6[%dma_wait3A_68, %mul3A_45] : memref<3x256xi32, #tpu.memory_space<vmem>> -> memref<1x64xi32, #tpu.memory_space<vmem>>
      %dma_wait3A_70 = tpu.memref_squeeze %dma_wait3A_69 : memref<1x64xi32, #tpu.memory_space<vmem>> -> memref<64xi32, #tpu.memory_space<vmem>>
      %dma_wait3A_71 = arith.constant 0 : i32
      %dma_wait3A_72 = arith.constant 0 : i32
      %dma_wait3A_73 = tpu.memref_slice %arg4[%dma_wait3A_71, %dma_wait3A_72] : memref<2048x256xf32, #tpu.memory_space<hbm>> -> memref<2048x256xf32, #tpu.memory_space<hbm>>
      tpu.wait_indirect_dma semaphore(%arg12 : memref<!tpu.dma_semaphore, #tpu.memory_space<semaphore_mem>>) src(%dma_wait3A_73 : memref<2048x256xf32, #tpu.memory_space<hbm>>) dst(%arg9 : memref<64x256xf32, #tpu.memory_space<vmem>>)
      %dma_wait3A_74 = arith.constant 2 : i32
      %dma_wait3A_75 = tpu.memref_slice %arg6[%dma_wait3A_74, %mul3A_45] : memref<3x256xi32, #tpu.memory_space<vmem>> -> memref<1x64xi32, #tpu.memory_space<vmem>>
      %dma_wait3A_76 = tpu.memref_squeeze %dma_wait3A_75 : memref<1x64xi32, #tpu.memory_space<vmem>> -> memref<64xi32, #tpu.memory_space<vmem>>
      %dma_wait3A_77 = arith.constant 0 : i32
      %dma_wait3A_78 = arith.constant 0 : i32
      %dma_wait3A_79 = tpu.memref_slice %arg4[%dma_wait3A_77, %dma_wait3A_78] : memref<2048x256xf32, #tpu.memory_space<hbm>> -> memref<2048x256xf32, #tpu.memory_space<hbm>>
      tpu.wait_indirect_dma semaphore(%arg12 : memref<!tpu.dma_semaphore, #tpu.memory_space<semaphore_mem>>) src(%dma_wait3A_79 : memref<2048x256xf32, #tpu.memory_space<hbm>>) dst(%arg10 : memref<64x256xf32, #tpu.memory_space<vmem>>)
      %parallel_loop3A = arith.constant 0 : i32
      %parallel_loop3A_80 = arith.constant 64 : i32
      %parallel_loop3A_81 = arith.constant 1 : i32
      scf.for %parallel_loop3A_84 = %parallel_loop3A to %parallel_loop3A_80 step %parallel_loop3A_81  : i32 {
        %parallel_loop3A_85 = arith.addi %mul3A_45, %parallel_loop3A_84 : i32
        %parallel_loop3A_86 = arith.constant 0 : i32
        %parallel_loop3A_87 = arith.index_cast %parallel_loop3A_86 : i32 to index
        %parallel_loop3A_88 = arith.index_cast %parallel_loop3A_85 : i32 to index
        %parallel_loop3A_89 = tpu.vector_load %arg7[%parallel_loop3A_87, %parallel_loop3A_88] {strides = array<i32>} : memref<3x272xf32, #tpu.memory_space<vmem>>, vector<16xf32>,
        %parallel_loop3A_90 = vector.shape_cast %broadcast_in_dim3A_35 : vector<16x1xi32> to vector<16xi32>
        %parallel_loop3A_91 = tpu.dynamic_gather %parallel_loop3A_89[%parallel_loop3A_90] in [0] : vector<16xf32>, vector<16xi32> -> vector<16xf32>
        %parallel_loop3A_92 = arith.addi %mul3A_45, %parallel_loop3A_84 : i32
        %parallel_loop3A_93 = arith.constant 1 : i32
        %parallel_loop3A_94 = arith.index_cast %parallel_loop3A_93 : i32 to index
        %parallel_loop3A_95 = arith.index_cast %parallel_loop3A_92 : i32 to index
        %parallel_loop3A_96 = tpu.vector_load %arg7[%parallel_loop3A_94, %parallel_loop3A_95] {strides = array<i32>} : memref<3x272xf32, #tpu.memory_space<vmem>>, vector<16xf32>,
        %parallel_loop3A_97 = vector.shape_cast %broadcast_in_dim3A_35 : vector<16x1xi32> to vector<16xi32>
        %parallel_loop3A_98 = tpu.dynamic_gather %parallel_loop3A_96[%parallel_loop3A_97] in [0] : vector<16xf32>, vector<16xi32> -> vector<16xf32>
        %parallel_loop3A_99 = arith.addi %mul3A_45, %parallel_loop3A_84 : i32
        %parallel_loop3A_100 = arith.constant 2 : i32
        %parallel_loop3A_101 = arith.index_cast %parallel_loop3A_100 : i32 to index
        %parallel_loop3A_102 = arith.index_cast %parallel_loop3A_99 : i32 to index
        %parallel_loop3A_103 = tpu.vector_load %arg7[%parallel_loop3A_101, %parallel_loop3A_102] {strides = array<i32>} : memref<3x272xf32, #tpu.memory_space<vmem>>, vector<16xf32>,
        %parallel_loop3A_104 = vector.shape_cast %broadcast_in_dim3A_35 : vector<16x1xi32> to vector<16xi32>
        %parallel_loop3A_105 = tpu.dynamic_gather %parallel_loop3A_103[%parallel_loop3A_104] in [0] : vector<16xf32>, vector<16xi32> -> vector<16xf32>
        %parallel_loop3A_106 = arith.index_cast %parallel_loop3A_84 : i32 to index
        %parallel_loop3A_107 = arith.constant 0 : index
        %parallel_loop3A_108 = tpu.vector_load %arg8[%parallel_loop3A_106, %parallel_loop3A_107] {strides = array<i32>} : memref<64x256xf32, #tpu.memory_space<vmem>>, vector<16xf32>,
        %parallel_loop3A_109 = arith.mulf %parallel_loop3A_108, %parallel_loop3A_91 : vector<16xf32>
        %parallel_loop3A_110 = arith.index_cast %parallel_loop3A_84 : i32 to index
        %parallel_loop3A_111 = arith.constant 0 : index
        %parallel_loop3A_112 = tpu.vector_load %arg9[%parallel_loop3A_110, %parallel_loop3A_111] {strides = array<i32>} : memref<64x256xf32, #tpu.memory_space<vmem>>, vector<16xf32>,
        %parallel_loop3A_113 = arith.mulf %parallel_loop3A_112, %parallel_loop3A_98 : vector<16xf32>
        %parallel_loop3A_114 = arith.addf %parallel_loop3A_109, %parallel_loop3A_113 : vector<16xf32>
        %parallel_loop3A_115 = arith.index_cast %parallel_loop3A_84 : i32 to index
        %parallel_loop3A_116 = arith.constant 0 : index
        %parallel_loop3A_117 = tpu.vector_load %arg10[%parallel_loop3A_115, %parallel_loop3A_116] {strides = array<i32>} : memref<64x256xf32, #tpu.memory_space<vmem>>, vector<16xf32>,
        %parallel_loop3A_118 = arith.mulf %parallel_loop3A_117, %parallel_loop3A_105 : vector<16xf32>
        %parallel_loop3A_119 = arith.addf %parallel_loop3A_114, %parallel_loop3A_118 : vector<16xf32>
        %parallel_loop3A_120 = arith.index_cast %parallel_loop3A_84 : i32 to index
        %parallel_loop3A_121 = arith.constant 0 : index
        %parallel_loop3A_122 = tpu.vector_load %arg11[%parallel_loop3A_120, %parallel_loop3A_121] {strides = array<i32>} : memref<64x256xf32, #tpu.memory_space<vmem>>, vector<16xf32>,
        tpu.vector_store %arg11[%parallel_loop3A_120, %parallel_loop3A_121], %parallel_loop3A_119 {strides = array<i32>} : memref<64x256xf32, #tpu.memory_space<vmem>>, vector<16xf32>,
        %parallel_loop3A_123 = arith.index_cast %parallel_loop3A_84 : i32 to index
        %parallel_loop3A_124 = arith.constant 16 : index
        %parallel_loop3A_125 = tpu.vector_load %arg8[%parallel_loop3A_123, %parallel_loop3A_124] {strides = array<i32>} : memref<64x256xf32, #tpu.memory_space<vmem>>, vector<16xf32>,
        %parallel_loop3A_126 = arith.mulf %parallel_loop3A_125, %parallel_loop3A_91 : vector<16xf32>
        %parallel_loop3A_127 = arith.index_cast %parallel_loop3A_84 : i32 to index
        %parallel_loop3A_128 = arith.constant 16 : index
        %parallel_loop3A_129 = tpu.vector_load %arg9[%parallel_loop3A_127, %parallel_loop3A_128] {strides = array<i32>} : memref<64x256xf32, #tpu.memory_space<vmem>>, vector<16xf32>,
        %parallel_loop3A_130 = arith.mulf %parallel_loop3A_129, %parallel_loop3A_98 : vector<16xf32>
        %parallel_loop3A_131 = arith.addf %parallel_loop3A_126, %parallel_loop3A_130 : vector<16xf32>
        %parallel_loop3A_132 = arith.index_cast %parallel_loop3A_84 : i32 to index
        %parallel_loop3A_133 = arith.constant 16 : index
        %parallel_loop3A_134 = tpu.vector_load %arg10[%parallel_loop3A_132, %parallel_loop3A_133] {strides = array<i32>} : memref<64x256xf32, #tpu.memory_space<vmem>>, vector<16xf32>,
        %parallel_loop3A_135 = arith.mulf %parallel_loop3A_134, %parallel_loop3A_105 : vector<16xf32>
        %parallel_loop3A_136 = arith.addf %parallel_loop3A_131, %parallel_loop3A_135 : vector<16xf32>
        %parallel_loop3A_137 = arith.index_cast %parallel_loop3A_84 : i32 to index
        %parallel_loop3A_138 = arith.constant 16 : index
        %parallel_loop3A_139 = tpu.vector_load %arg11[%parallel_loop3A_137, %parallel_loop3A_138] {strides = array<i32>} : memref<64x256xf32, #tpu.memory_space<vmem>>, vector<16xf32>,
        tpu.vector_store %arg11[%parallel_loop3A_137, %parallel_loop3A_138], %parallel_loop3A_136 {strides = array<i32>} : memref<64x256xf32, #tpu.memory_space<vmem>>, vector<16xf32>,
        %parallel_loop3A_140 = arith.index_cast %parallel_loop3A_84 : i32 to index
        %parallel_loop3A_141 = arith.constant 32 : index
        %parallel_loop3A_142 = tpu.vector_load %arg8[%parallel_loop3A_140, %parallel_loop3A_141] {strides = array<i32>} : memref<64x256xf32, #tpu.memory_space<vmem>>, vector<16xf32>,
        %parallel_loop3A_143 = arith.mulf %parallel_loop3A_142, %parallel_loop3A_91 : vector<16xf32>
        %parallel_loop3A_144 = arith.index_cast %parallel_loop3A_84 : i32 to index
        %parallel_loop3A_145 = arith.constant 32 : index
        %parallel_loop3A_146 = tpu.vector_load %arg9[%parallel_loop3A_144, %parallel_loop3A_145] {strides = array<i32>} : memref<64x256xf32, #tpu.memory_space<vmem>>, vector<16xf32>,
        %parallel_loop3A_147 = arith.mulf %parallel_loop3A_146, %parallel_loop3A_98 : vector<16xf32>
        %parallel_loop3A_148 = arith.addf %parallel_loop3A_143, %parallel_loop3A_147 : vector<16xf32>
        %parallel_loop3A_149 = arith.index_cast %parallel_loop3A_84 : i32 to index
        %parallel_loop3A_150 = arith.constant 32 : index
        %parallel_loop3A_151 = tpu.vector_load %arg10[%parallel_loop3A_149, %parallel_loop3A_150] {strides = array<i32>} : memref<64x256xf32, #tpu.memory_space<vmem>>, vector<16xf32>,
        %parallel_loop3A_152 = arith.mulf %parallel_loop3A_151, %parallel_loop3A_105 : vector<16xf32>
        %parallel_loop3A_153 = arith.addf %parallel_loop3A_148, %parallel_loop3A_152 : vector<16xf32>
        %parallel_loop3A_154 = arith.index_cast %parallel_loop3A_84 : i32 to index
        %parallel_loop3A_155 = arith.constant 32 : index
        %parallel_loop3A_156 = tpu.vector_load %arg11[%parallel_loop3A_154, %parallel_loop3A_155] {strides = array<i32>} : memref<64x256xf32, #tpu.memory_space<vmem>>, vector<16xf32>,
        tpu.vector_store %arg11[%parallel_loop3A_154, %parallel_loop3A_155], %parallel_loop3A_153 {strides = array<i32>} : memref<64x256xf32, #tpu.memory_space<vmem>>, vector<16xf32>,
        %parallel_loop3A_157 = arith.index_cast %parallel_loop3A_84 : i32 to index
        %parallel_loop3A_158 = arith.constant 48 : index
        %parallel_loop3A_159 = tpu.vector_load %arg8[%parallel_loop3A_157, %parallel_loop3A_158] {strides = array<i32>} : memref<64x256xf32, #tpu.memory_space<vmem>>, vector<16xf32>,
        %parallel_loop3A_160 = arith.mulf %parallel_loop3A_159, %parallel_loop3A_91 : vector<16xf32>
        %parallel_loop3A_161 = arith.index_cast %parallel_loop3A_84 : i32 to index
        %parallel_loop3A_162 = arith.constant 48 : index
        %parallel_loop3A_163 = tpu.vector_load %arg9[%parallel_loop3A_161, %parallel_loop3A_162] {strides = array<i32>} : memref<64x256xf32, #tpu.memory_space<vmem>>, vector<16xf32>,
        %parallel_loop3A_164 = arith.mulf %parallel_loop3A_163, %parallel_loop3A_98 : vector<16xf32>
        %parallel_loop3A_165 = arith.addf %parallel_loop3A_160, %parallel_loop3A_164 : vector<16xf32>
        %parallel_loop3A_166 = arith.index_cast %parallel_loop3A_84 : i32 to index
        %parallel_loop3A_167 = arith.constant 48 : index
        %parallel_loop3A_168 = tpu.vector_load %arg10[%parallel_loop3A_166, %parallel_loop3A_167] {strides = array<i32>} : memref<64x256xf32, #tpu.memory_space<vmem>>, vector<16xf32>,
        %parallel_loop3A_169 = arith.mulf %parallel_loop3A_168, %parallel_loop3A_105 : vector<16xf32>
        %parallel_loop3A_170 = arith.addf %parallel_loop3A_165, %parallel_loop3A_169 : vector<16xf32>
        %parallel_loop3A_171 = arith.index_cast %parallel_loop3A_84 : i32 to index
        %parallel_loop3A_172 = arith.constant 48 : index
        %parallel_loop3A_173 = tpu.vector_load %arg11[%parallel_loop3A_171, %parallel_loop3A_172] {strides = array<i32>} : memref<64x256xf32, #tpu.memory_space<vmem>>, vector<16xf32>,
        tpu.vector_store %arg11[%parallel_loop3A_171, %parallel_loop3A_172], %parallel_loop3A_170 {strides = array<i32>} : memref<64x256xf32, #tpu.memory_space<vmem>>, vector<16xf32>,
        %parallel_loop3A_174 = arith.index_cast %parallel_loop3A_84 : i32 to index
        %parallel_loop3A_175 = arith.constant 64 : index
        %parallel_loop3A_176 = tpu.vector_load %arg8[%parallel_loop3A_174, %parallel_loop3A_175] {strides = array<i32>} : memref<64x256xf32, #tpu.memory_space<vmem>>, vector<16xf32>,
        %parallel_loop3A_177 = arith.mulf %parallel_loop3A_176, %parallel_loop3A_91 : vector<16xf32>
        %parallel_loop3A_178 = arith.index_cast %parallel_loop3A_84 : i32 to index
        %parallel_loop3A_179 = arith.constant 64 : index
        %parallel_loop3A_180 = tpu.vector_load %arg9[%parallel_loop3A_178, %parallel_loop3A_179] {strides = array<i32>} : memref<64x256xf32, #tpu.memory_space<vmem>>, vector<16xf32>,
        %parallel_loop3A_181 = arith.mulf %parallel_loop3A_180, %parallel_loop3A_98 : vector<16xf32>
        %parallel_loop3A_182 = arith.addf %parallel_loop3A_177, %parallel_loop3A_181 : vector<16xf32>
        %parallel_loop3A_183 = arith.index_cast %parallel_loop3A_84 : i32 to index
        %parallel_loop3A_184 = arith.constant 64 : index
        %parallel_loop3A_185 = tpu.vector_load %arg10[%parallel_loop3A_183, %parallel_loop3A_184] {strides = array<i32>} : memref<64x256xf32, #tpu.memory_space<vmem>>, vector<16xf32>,
        %parallel_loop3A_186 = arith.mulf %parallel_loop3A_185, %parallel_loop3A_105 : vector<16xf32>
        %parallel_loop3A_187 = arith.addf %parallel_loop3A_182, %parallel_loop3A_186 : vector<16xf32>
        %parallel_loop3A_188 = arith.index_cast %parallel_loop3A_84 : i32 to index
        %parallel_loop3A_189 = arith.constant 64 : index
        %parallel_loop3A_190 = tpu.vector_load %arg11[%parallel_loop3A_188, %parallel_loop3A_189] {strides = array<i32>} : memref<64x256xf32, #tpu.memory_space<vmem>>, vector<16xf32>,
        tpu.vector_store %arg11[%parallel_loop3A_188, %parallel_loop3A_189], %parallel_loop3A_187 {strides = array<i32>} : memref<64x256xf32, #tpu.memory_space<vmem>>, vector<16xf32>,
        %parallel_loop3A_191 = arith.index_cast %parallel_loop3A_84 : i32 to index
        %parallel_loop3A_192 = arith.constant 80 : index
        %parallel_loop3A_193 = tpu.vector_load %arg8[%parallel_loop3A_191, %parallel_loop3A_192] {strides = array<i32>} : memref<64x256xf32, #tpu.memory_space<vmem>>, vector<16xf32>,
        %parallel_loop3A_194 = arith.mulf %parallel_loop3A_193, %parallel_loop3A_91 : vector<16xf32>
        %parallel_loop3A_195 = arith.index_cast %parallel_loop3A_84 : i32 to index
        %parallel_loop3A_196 = arith.constant 80 : index
        %parallel_loop3A_197 = tpu.vector_load %arg9[%parallel_loop3A_195, %parallel_loop3A_196] {strides = array<i32>} : memref<64x256xf32, #tpu.memory_space<vmem>>, vector<16xf32>,
        %parallel_loop3A_198 = arith.mulf %parallel_loop3A_197, %parallel_loop3A_98 : vector<16xf32>
        %parallel_loop3A_199 = arith.addf %parallel_loop3A_194, %parallel_loop3A_198 : vector<16xf32>
        %parallel_loop3A_200 = arith.index_cast %parallel_loop3A_84 : i32 to index
        %parallel_loop3A_201 = arith.constant 80 : index
        %parallel_loop3A_202 = tpu.vector_load %arg10[%parallel_loop3A_200, %parallel_loop3A_201] {strides = array<i32>} : memref<64x256xf32, #tpu.memory_space<vmem>>, vector<16xf32>,
        %parallel_loop3A_203 = arith.mulf %parallel_loop3A_202, %parallel_loop3A_105 : vector<16xf32>
        %parallel_loop3A_204 = arith.addf %parallel_loop3A_199, %parallel_loop3A_203 : vector<16xf32>
        %parallel_loop3A_205 = arith.index_cast %parallel_loop3A_84 : i32 to index
        %parallel_loop3A_206 = arith.constant 80 : index
        %parallel_loop3A_207 = tpu.vector_load %arg11[%parallel_loop3A_205, %parallel_loop3A_206] {strides = array<i32>} : memref<64x256xf32, #tpu.memory_space<vmem>>, vector<16xf32>,
        tpu.vector_store %arg11[%parallel_loop3A_205, %parallel_loop3A_206], %parallel_loop3A_204 {strides = array<i32>} : memref<64x256xf32, #tpu.memory_space<vmem>>, vector<16xf32>,
        %parallel_loop3A_208 = arith.index_cast %parallel_loop3A_84 : i32 to index
        %parallel_loop3A_209 = arith.constant 96 : index
        %parallel_loop3A_210 = tpu.vector_load %arg8[%parallel_loop3A_208, %parallel_loop3A_209] {strides = array<i32>} : memref<64x256xf32, #tpu.memory_space<vmem>>, vector<16xf32>,
        %parallel_loop3A_211 = arith.mulf %parallel_loop3A_210, %parallel_loop3A_91 : vector<16xf32>
        %parallel_loop3A_212 = arith.index_cast %parallel_loop3A_84 : i32 to index
        %parallel_loop3A_213 = arith.constant 96 : index
        %parallel_loop3A_214 = tpu.vector_load %arg9[%parallel_loop3A_212, %parallel_loop3A_213] {strides = array<i32>} : memref<64x256xf32, #tpu.memory_space<vmem>>, vector<16xf32>,
        %parallel_loop3A_215 = arith.mulf %parallel_loop3A_214, %parallel_loop3A_98 : vector<16xf32>
        %parallel_loop3A_216 = arith.addf %parallel_loop3A_211, %parallel_loop3A_215 : vector<16xf32>
        %parallel_loop3A_217 = arith.index_cast %parallel_loop3A_84 : i32 to index
        %parallel_loop3A_218 = arith.constant 96 : index
        %parallel_loop3A_219 = tpu.vector_load %arg10[%parallel_loop3A_217, %parallel_loop3A_218] {strides = array<i32>} : memref<64x256xf32, #tpu.memory_space<vmem>>, vector<16xf32>,
        %parallel_loop3A_220 = arith.mulf %parallel_loop3A_219, %parallel_loop3A_105 : vector<16xf32>
        %parallel_loop3A_221 = arith.addf %parallel_loop3A_216, %parallel_loop3A_220 : vector<16xf32>
        %parallel_loop3A_222 = arith.index_cast %parallel_loop3A_84 : i32 to index
        %parallel_loop3A_223 = arith.constant 96 : index
        %parallel_loop3A_224 = tpu.vector_load %arg11[%parallel_loop3A_222, %parallel_loop3A_223] {strides = array<i32>} : memref<64x256xf32, #tpu.memory_space<vmem>>, vector<16xf32>,
        tpu.vector_store %arg11[%parallel_loop3A_222, %parallel_loop3A_223], %parallel_loop3A_221 {strides = array<i32>} : memref<64x256xf32, #tpu.memory_space<vmem>>, vector<16xf32>,
        %parallel_loop3A_225 = arith.index_cast %parallel_loop3A_84 : i32 to index
        %parallel_loop3A_226 = arith.constant 112 : index
        %parallel_loop3A_227 = tpu.vector_load %arg8[%parallel_loop3A_225, %parallel_loop3A_226] {strides = array<i32>} : memref<64x256xf32, #tpu.memory_space<vmem>>, vector<16xf32>,
        %parallel_loop3A_228 = arith.mulf %parallel_loop3A_227, %parallel_loop3A_91 : vector<16xf32>
        %parallel_loop3A_229 = arith.index_cast %parallel_loop3A_84 : i32 to index
        %parallel_loop3A_230 = arith.constant 112 : index
        %parallel_loop3A_231 = tpu.vector_load %arg9[%parallel_loop3A_229, %parallel_loop3A_230] {strides = array<i32>} : memref<64x256xf32, #tpu.memory_space<vmem>>, vector<16xf32>,
        %parallel_loop3A_232 = arith.mulf %parallel_loop3A_231, %parallel_loop3A_98 : vector<16xf32>
        %parallel_loop3A_233 = arith.addf %parallel_loop3A_228, %parallel_loop3A_232 : vector<16xf32>
        %parallel_loop3A_234 = arith.index_cast %parallel_loop3A_84 : i32 to index
        %parallel_loop3A_235 = arith.constant 112 : index
        %parallel_loop3A_236 = tpu.vector_load %arg10[%parallel_loop3A_234, %parallel_loop3A_235] {strides = array<i32>} : memref<64x256xf32, #tpu.memory_space<vmem>>, vector<16xf32>,
        %parallel_loop3A_237 = arith.mulf %parallel_loop3A_236, %parallel_loop3A_105 : vector<16xf32>
        %parallel_loop3A_238 = arith.addf %parallel_loop3A_233, %parallel_loop3A_237 : vector<16xf32>
        %parallel_loop3A_239 = arith.index_cast %parallel_loop3A_84 : i32 to index
        %parallel_loop3A_240 = arith.constant 112 : index
        %parallel_loop3A_241 = tpu.vector_load %arg11[%parallel_loop3A_239, %parallel_loop3A_240] {strides = array<i32>} : memref<64x256xf32, #tpu.memory_space<vmem>>, vector<16xf32>,
        tpu.vector_store %arg11[%parallel_loop3A_239, %parallel_loop3A_240], %parallel_loop3A_238 {strides = array<i32>} : memref<64x256xf32, #tpu.memory_space<vmem>>, vector<16xf32>,
        %parallel_loop3A_242 = arith.index_cast %parallel_loop3A_84 : i32 to index
        %parallel_loop3A_243 = arith.constant 128 : index
        %parallel_loop3A_244 = tpu.vector_load %arg8[%parallel_loop3A_242, %parallel_loop3A_243] {strides = array<i32>} : memref<64x256xf32, #tpu.memory_space<vmem>>, vector<16xf32>,
        %parallel_loop3A_245 = arith.mulf %parallel_loop3A_244, %parallel_loop3A_91 : vector<16xf32>
        %parallel_loop3A_246 = arith.index_cast %parallel_loop3A_84 : i32 to index
        %parallel_loop3A_247 = arith.constant 128 : index
        %parallel_loop3A_248 = tpu.vector_load %arg9[%parallel_loop3A_246, %parallel_loop3A_247] {strides = array<i32>} : memref<64x256xf32, #tpu.memory_space<vmem>>, vector<16xf32>,
        %parallel_loop3A_249 = arith.mulf %parallel_loop3A_248, %parallel_loop3A_98 : vector<16xf32>
        %parallel_loop3A_250 = arith.addf %parallel_loop3A_245, %parallel_loop3A_249 : vector<16xf32>
        %parallel_loop3A_251 = arith.index_cast %parallel_loop3A_84 : i32 to index
        %parallel_loop3A_252 = arith.constant 128 : index
        %parallel_loop3A_253 = tpu.vector_load %arg10[%parallel_loop3A_251, %parallel_loop3A_252] {strides = array<i32>} : memref<64x256xf32, #tpu.memory_space<vmem>>, vector<16xf32>,
        %parallel_loop3A_254 = arith.mulf %parallel_loop3A_253, %parallel_loop3A_105 : vector<16xf32>
        %parallel_loop3A_255 = arith.addf %parallel_loop3A_250, %parallel_loop3A_254 : vector<16xf32>
        %parallel_loop3A_256 = arith.index_cast %parallel_loop3A_84 : i32 to index
        %parallel_loop3A_257 = arith.constant 128 : index
        %parallel_loop3A_258 = tpu.vector_load %arg11[%parallel_loop3A_256, %parallel_loop3A_257] {strides = array<i32>} : memref<64x256xf32, #tpu.memory_space<vmem>>, vector<16xf32>,
        tpu.vector_store %arg11[%parallel_loop3A_256, %parallel_loop3A_257], %parallel_loop3A_255 {strides = array<i32>} : memref<64x256xf32, #tpu.memory_space<vmem>>, vector<16xf32>,
        %parallel_loop3A_259 = arith.index_cast %parallel_loop3A_84 : i32 to index
        %parallel_loop3A_260 = arith.constant 144 : index
        %parallel_loop3A_261 = tpu.vector_load %arg8[%parallel_loop3A_259, %parallel_loop3A_260] {strides = array<i32>} : memref<64x256xf32, #tpu.memory_space<vmem>>, vector<16xf32>,
        %parallel_loop3A_262 = arith.mulf %parallel_loop3A_261, %parallel_loop3A_91 : vector<16xf32>
        %parallel_loop3A_263 = arith.index_cast %parallel_loop3A_84 : i32 to index
        %parallel_loop3A_264 = arith.constant 144 : index
        %parallel_loop3A_265 = tpu.vector_load %arg9[%parallel_loop3A_263, %parallel_loop3A_264] {strides = array<i32>} : memref<64x256xf32, #tpu.memory_space<vmem>>, vector<16xf32>,
        %parallel_loop3A_266 = arith.mulf %parallel_loop3A_265, %parallel_loop3A_98 : vector<16xf32>
        %parallel_loop3A_267 = arith.addf %parallel_loop3A_262, %parallel_loop3A_266 : vector<16xf32>
        %parallel_loop3A_268 = arith.index_cast %parallel_loop3A_84 : i32 to index
        %parallel_loop3A_269 = arith.constant 144 : index
        %parallel_loop3A_270 = tpu.vector_load %arg10[%parallel_loop3A_268, %parallel_loop3A_269] {strides = array<i32>} : memref<64x256xf32, #tpu.memory_space<vmem>>, vector<16xf32>,
        %parallel_loop3A_271 = arith.mulf %parallel_loop3A_270, %parallel_loop3A_105 : vector<16xf32>
        %parallel_loop3A_272 = arith.addf %parallel_loop3A_267, %parallel_loop3A_271 : vector<16xf32>
        %parallel_loop3A_273 = arith.index_cast %parallel_loop3A_84 : i32 to index
        %parallel_loop3A_274 = arith.constant 144 : index
        %parallel_loop3A_275 = tpu.vector_load %arg11[%parallel_loop3A_273, %parallel_loop3A_274] {strides = array<i32>} : memref<64x256xf32, #tpu.memory_space<vmem>>, vector<16xf32>,
        tpu.vector_store %arg11[%parallel_loop3A_273, %parallel_loop3A_274], %parallel_loop3A_272 {strides = array<i32>} : memref<64x256xf32, #tpu.memory_space<vmem>>, vector<16xf32>,
        %parallel_loop3A_276 = arith.index_cast %parallel_loop3A_84 : i32 to index
        %parallel_loop3A_277 = arith.constant 160 : index
        %parallel_loop3A_278 = tpu.vector_load %arg8[%parallel_loop3A_276, %parallel_loop3A_277] {strides = array<i32>} : memref<64x256xf32, #tpu.memory_space<vmem>>, vector<16xf32>,
        %parallel_loop3A_279 = arith.mulf %parallel_loop3A_278, %parallel_loop3A_91 : vector<16xf32>
        %parallel_loop3A_280 = arith.index_cast %parallel_loop3A_84 : i32 to index
        %parallel_loop3A_281 = arith.constant 160 : index
        %parallel_loop3A_282 = tpu.vector_load %arg9[%parallel_loop3A_280, %parallel_loop3A_281] {strides = array<i32>} : memref<64x256xf32, #tpu.memory_space<vmem>>, vector<16xf32>,
        %parallel_loop3A_283 = arith.mulf %parallel_loop3A_282, %parallel_loop3A_98 : vector<16xf32>
        %parallel_loop3A_284 = arith.addf %parallel_loop3A_279, %parallel_loop3A_283 : vector<16xf32>
        %parallel_loop3A_285 = arith.index_cast %parallel_loop3A_84 : i32 to index
        %parallel_loop3A_286 = arith.constant 160 : index
        %parallel_loop3A_287 = tpu.vector_load %arg10[%parallel_loop3A_285, %parallel_loop3A_286] {strides = array<i32>} : memref<64x256xf32, #tpu.memory_space<vmem>>, vector<16xf32>,
        %parallel_loop3A_288 = arith.mulf %parallel_loop3A_287, %parallel_loop3A_105 : vector<16xf32>
        %parallel_loop3A_289 = arith.addf %parallel_loop3A_284, %parallel_loop3A_288 : vector<16xf32>
        %parallel_loop3A_290 = arith.index_cast %parallel_loop3A_84 : i32 to index
        %parallel_loop3A_291 = arith.constant 160 : index
        %parallel_loop3A_292 = tpu.vector_load %arg11[%parallel_loop3A_290, %parallel_loop3A_291] {strides = array<i32>} : memref<64x256xf32, #tpu.memory_space<vmem>>, vector<16xf32>,
        tpu.vector_store %arg11[%parallel_loop3A_290, %parallel_loop3A_291], %parallel_loop3A_289 {strides = array<i32>} : memref<64x256xf32, #tpu.memory_space<vmem>>, vector<16xf32>,
        %parallel_loop3A_293 = arith.index_cast %parallel_loop3A_84 : i32 to index
        %parallel_loop3A_294 = arith.constant 176 : index
        %parallel_loop3A_295 = tpu.vector_load %arg8[%parallel_loop3A_293, %parallel_loop3A_294] {strides = array<i32>} : memref<64x256xf32, #tpu.memory_space<vmem>>, vector<16xf32>,
        %parallel_loop3A_296 = arith.mulf %parallel_loop3A_295, %parallel_loop3A_91 : vector<16xf32>
        %parallel_loop3A_297 = arith.index_cast %parallel_loop3A_84 : i32 to index
        %parallel_loop3A_298 = arith.constant 176 : index
        %parallel_loop3A_299 = tpu.vector_load %arg9[%parallel_loop3A_297, %parallel_loop3A_298] {strides = array<i32>} : memref<64x256xf32, #tpu.memory_space<vmem>>, vector<16xf32>,
        %parallel_loop3A_300 = arith.mulf %parallel_loop3A_299, %parallel_loop3A_98 : vector<16xf32>
        %parallel_loop3A_301 = arith.addf %parallel_loop3A_296, %parallel_loop3A_300 : vector<16xf32>
        %parallel_loop3A_302 = arith.index_cast %parallel_loop3A_84 : i32 to index
        %parallel_loop3A_303 = arith.constant 176 : index
        %parallel_loop3A_304 = tpu.vector_load %arg10[%parallel_loop3A_302, %parallel_loop3A_303] {strides = array<i32>} : memref<64x256xf32, #tpu.memory_space<vmem>>, vector<16xf32>,
        %parallel_loop3A_305 = arith.mulf %parallel_loop3A_304, %parallel_loop3A_105 : vector<16xf32>
        %parallel_loop3A_306 = arith.addf %parallel_loop3A_301, %parallel_loop3A_305 : vector<16xf32>
        %parallel_loop3A_307 = arith.index_cast %parallel_loop3A_84 : i32 to index
        %parallel_loop3A_308 = arith.constant 176 : index
        %parallel_loop3A_309 = tpu.vector_load %arg11[%parallel_loop3A_307, %parallel_loop3A_308] {strides = array<i32>} : memref<64x256xf32, #tpu.memory_space<vmem>>, vector<16xf32>,
        tpu.vector_store %arg11[%parallel_loop3A_307, %parallel_loop3A_308], %parallel_loop3A_306 {strides = array<i32>} : memref<64x256xf32, #tpu.memory_space<vmem>>, vector<16xf32>,
        %parallel_loop3A_310 = arith.index_cast %parallel_loop3A_84 : i32 to index
        %parallel_loop3A_311 = arith.constant 192 : index
        %parallel_loop3A_312 = tpu.vector_load %arg8[%parallel_loop3A_310, %parallel_loop3A_311] {strides = array<i32>} : memref<64x256xf32, #tpu.memory_space<vmem>>, vector<16xf32>,
        %parallel_loop3A_313 = arith.mulf %parallel_loop3A_312, %parallel_loop3A_91 : vector<16xf32>
        %parallel_loop3A_314 = arith.index_cast %parallel_loop3A_84 : i32 to index
        %parallel_loop3A_315 = arith.constant 192 : index
        %parallel_loop3A_316 = tpu.vector_load %arg9[%parallel_loop3A_314, %parallel_loop3A_315] {strides = array<i32>} : memref<64x256xf32, #tpu.memory_space<vmem>>, vector<16xf32>,
        %parallel_loop3A_317 = arith.mulf %parallel_loop3A_316, %parallel_loop3A_98 : vector<16xf32>
        %parallel_loop3A_318 = arith.addf %parallel_loop3A_313, %parallel_loop3A_317 : vector<16xf32>
        %parallel_loop3A_319 = arith.index_cast %parallel_loop3A_84 : i32 to index
        %parallel_loop3A_320 = arith.constant 192 : index
        %parallel_loop3A_321 = tpu.vector_load %arg10[%parallel_loop3A_319, %parallel_loop3A_320] {strides = array<i32>} : memref<64x256xf32, #tpu.memory_space<vmem>>, vector<16xf32>,
        %parallel_loop3A_322 = arith.mulf %parallel_loop3A_321, %parallel_loop3A_105 : vector<16xf32>
        %parallel_loop3A_323 = arith.addf %parallel_loop3A_318, %parallel_loop3A_322 : vector<16xf32>
        %parallel_loop3A_324 = arith.index_cast %parallel_loop3A_84 : i32 to index
        %parallel_loop3A_325 = arith.constant 192 : index
        %parallel_loop3A_326 = tpu.vector_load %arg11[%parallel_loop3A_324, %parallel_loop3A_325] {strides = array<i32>} : memref<64x256xf32, #tpu.memory_space<vmem>>, vector<16xf32>,
        tpu.vector_store %arg11[%parallel_loop3A_324, %parallel_loop3A_325], %parallel_loop3A_323 {strides = array<i32>} : memref<64x256xf32, #tpu.memory_space<vmem>>, vector<16xf32>,
        %parallel_loop3A_327 = arith.index_cast %parallel_loop3A_84 : i32 to index
        %parallel_loop3A_328 = arith.constant 208 : index
        %parallel_loop3A_329 = tpu.vector_load %arg8[%parallel_loop3A_327, %parallel_loop3A_328] {strides = array<i32>} : memref<64x256xf32, #tpu.memory_space<vmem>>, vector<16xf32>,
        %parallel_loop3A_330 = arith.mulf %parallel_loop3A_329, %parallel_loop3A_91 : vector<16xf32>
        %parallel_loop3A_331 = arith.index_cast %parallel_loop3A_84 : i32 to index
        %parallel_loop3A_332 = arith.constant 208 : index
        %parallel_loop3A_333 = tpu.vector_load %arg9[%parallel_loop3A_331, %parallel_loop3A_332] {strides = array<i32>} : memref<64x256xf32, #tpu.memory_space<vmem>>, vector<16xf32>,
        %parallel_loop3A_334 = arith.mulf %parallel_loop3A_333, %parallel_loop3A_98 : vector<16xf32>
        %parallel_loop3A_335 = arith.addf %parallel_loop3A_330, %parallel_loop3A_334 : vector<16xf32>
        %parallel_loop3A_336 = arith.index_cast %parallel_loop3A_84 : i32 to index
        %parallel_loop3A_337 = arith.constant 208 : index
        %parallel_loop3A_338 = tpu.vector_load %arg10[%parallel_loop3A_336, %parallel_loop3A_337] {strides = array<i32>} : memref<64x256xf32, #tpu.memory_space<vmem>>, vector<16xf32>,
        %parallel_loop3A_339 = arith.mulf %parallel_loop3A_338, %parallel_loop3A_105 : vector<16xf32>
        %parallel_loop3A_340 = arith.addf %parallel_loop3A_335, %parallel_loop3A_339 : vector<16xf32>
        %parallel_loop3A_341 = arith.index_cast %parallel_loop3A_84 : i32 to index
        %parallel_loop3A_342 = arith.constant 208 : index
        %parallel_loop3A_343 = tpu.vector_load %arg11[%parallel_loop3A_341, %parallel_loop3A_342] {strides = array<i32>} : memref<64x256xf32, #tpu.memory_space<vmem>>, vector<16xf32>,
        tpu.vector_store %arg11[%parallel_loop3A_341, %parallel_loop3A_342], %parallel_loop3A_340 {strides = array<i32>} : memref<64x256xf32, #tpu.memory_space<vmem>>, vector<16xf32>,
        %parallel_loop3A_344 = arith.index_cast %parallel_loop3A_84 : i32 to index
        %parallel_loop3A_345 = arith.constant 224 : index
        %parallel_loop3A_346 = tpu.vector_load %arg8[%parallel_loop3A_344, %parallel_loop3A_345] {strides = array<i32>} : memref<64x256xf32, #tpu.memory_space<vmem>>, vector<16xf32>,
        %parallel_loop3A_347 = arith.mulf %parallel_loop3A_346, %parallel_loop3A_91 : vector<16xf32>
        %parallel_loop3A_348 = arith.index_cast %parallel_loop3A_84 : i32 to index
        %parallel_loop3A_349 = arith.constant 224 : index
        %parallel_loop3A_350 = tpu.vector_load %arg9[%parallel_loop3A_348, %parallel_loop3A_349] {strides = array<i32>} : memref<64x256xf32, #tpu.memory_space<vmem>>, vector<16xf32>,
        %parallel_loop3A_351 = arith.mulf %parallel_loop3A_350, %parallel_loop3A_98 : vector<16xf32>
        %parallel_loop3A_352 = arith.addf %parallel_loop3A_347, %parallel_loop3A_351 : vector<16xf32>
        %parallel_loop3A_353 = arith.index_cast %parallel_loop3A_84 : i32 to index
        %parallel_loop3A_354 = arith.constant 224 : index
        %parallel_loop3A_355 = tpu.vector_load %arg10[%parallel_loop3A_353, %parallel_loop3A_354] {strides = array<i32>} : memref<64x256xf32, #tpu.memory_space<vmem>>, vector<16xf32>,
        %parallel_loop3A_356 = arith.mulf %parallel_loop3A_355, %parallel_loop3A_105 : vector<16xf32>
        %parallel_loop3A_357 = arith.addf %parallel_loop3A_352, %parallel_loop3A_356 : vector<16xf32>
        %parallel_loop3A_358 = arith.index_cast %parallel_loop3A_84 : i32 to index
        %parallel_loop3A_359 = arith.constant 224 : index
        %parallel_loop3A_360 = tpu.vector_load %arg11[%parallel_loop3A_358, %parallel_loop3A_359] {strides = array<i32>} : memref<64x256xf32, #tpu.memory_space<vmem>>, vector<16xf32>,
        tpu.vector_store %arg11[%parallel_loop3A_358, %parallel_loop3A_359], %parallel_loop3A_357 {strides = array<i32>} : memref<64x256xf32, #tpu.memory_space<vmem>>, vector<16xf32>,
        %parallel_loop3A_361 = arith.index_cast %parallel_loop3A_84 : i32 to index
        %parallel_loop3A_362 = arith.constant 240 : index
        %parallel_loop3A_363 = tpu.vector_load %arg8[%parallel_loop3A_361, %parallel_loop3A_362] {strides = array<i32>} : memref<64x256xf32, #tpu.memory_space<vmem>>, vector<16xf32>,
        %parallel_loop3A_364 = arith.mulf %parallel_loop3A_363, %parallel_loop3A_91 : vector<16xf32>
        %parallel_loop3A_365 = arith.index_cast %parallel_loop3A_84 : i32 to index
        %parallel_loop3A_366 = arith.constant 240 : index
        %parallel_loop3A_367 = tpu.vector_load %arg9[%parallel_loop3A_365, %parallel_loop3A_366] {strides = array<i32>} : memref<64x256xf32, #tpu.memory_space<vmem>>, vector<16xf32>,
        %parallel_loop3A_368 = arith.mulf %parallel_loop3A_367, %parallel_loop3A_98 : vector<16xf32>
        %parallel_loop3A_369 = arith.addf %parallel_loop3A_364, %parallel_loop3A_368 : vector<16xf32>
        %parallel_loop3A_370 = arith.index_cast %parallel_loop3A_84 : i32 to index
        %parallel_loop3A_371 = arith.constant 240 : index
        %parallel_loop3A_372 = tpu.vector_load %arg10[%parallel_loop3A_370, %parallel_loop3A_371] {strides = array<i32>} : memref<64x256xf32, #tpu.memory_space<vmem>>, vector<16xf32>,
        %parallel_loop3A_373 = arith.mulf %parallel_loop3A_372, %parallel_loop3A_105 : vector<16xf32>
        %parallel_loop3A_374 = arith.addf %parallel_loop3A_369, %parallel_loop3A_373 : vector<16xf32>
        %parallel_loop3A_375 = arith.index_cast %parallel_loop3A_84 : i32 to index
        %parallel_loop3A_376 = arith.constant 240 : index
        %parallel_loop3A_377 = tpu.vector_load %arg11[%parallel_loop3A_375, %parallel_loop3A_376] {strides = array<i32>} : memref<64x256xf32, #tpu.memory_space<vmem>>, vector<16xf32>,
        tpu.vector_store %arg11[%parallel_loop3A_375, %parallel_loop3A_376], %parallel_loop3A_374 {strides = array<i32>} : memref<64x256xf32, #tpu.memory_space<vmem>>, vector<16xf32>,
      } {sc.loop_unroll_factor = 4 : i64, sc.parallel_access}
      %add3A_82 = arith.addi %mul3A_2, %mul3A_45 : i32
      "tpu.region"() ({
        %run_scoped3A = tpu.sem_alloc : memref<!tpu.dma_semaphore, #tpu.memory_space<semaphore_mem>>
        %dma_start3A_84 = arith.constant 0 : i32
        %dma_start3A_85 = tpu.memref_slice %arg5[%add3A_82, %dma_start3A_84] : memref<8192x256xf32, #tpu.memory_space<hbm>> -> memref<64x256xf32, #tpu.memory_space<hbm>>
        %dma_start3A_86 = arith.constant 0 : i32
        %dma_start3A_87 = tpu.memref_slice %arg5[%add3A_82, %dma_start3A_86] : memref<8192x256xf32, #tpu.memory_space<hbm>> -> memref<64x256xf32, #tpu.memory_space<hbm>>
        tpu.enqueue_dma source(%arg11 : memref<64x256xf32, #tpu.memory_space<vmem>>) target(%dma_start3A_87 : memref<64x256xf32, #tpu.memory_space<hbm>>) target_semaphore(%run_scoped3A : memref<!tpu.dma_semaphore, #tpu.memory_space<semaphore_mem>>)
        %dma_wait3A_88 = arith.constant 0 : i32
        %dma_wait3A_89 = tpu.memref_slice %arg5[%add3A_82, %dma_wait3A_88] : memref<8192x256xf32, #tpu.memory_space<hbm>> -> memref<64x256xf32, #tpu.memory_space<hbm>>
        %dma_wait3A_90 = arith.constant 0 : i32
        %dma_wait3A_91 = tpu.memref_slice %arg5[%add3A_82, %dma_wait3A_90] : memref<8192x256xf32, #tpu.memory_space<hbm>> -> memref<64x256xf32, #tpu.memory_space<hbm>>
        tpu.wait_dma2 semaphore(%run_scoped3A : memref<!tpu.dma_semaphore, #tpu.memory_space<semaphore_mem>>) src(%arg11 : memref<64x256xf32, #tpu.memory_space<vmem>>) dst(%dma_wait3A_91 : memref<64x256xf32, #tpu.memory_space<hbm>>)
        tpu.yield
      }) : () -> ()
      %scan3A_83 = arith.constant 0 : i32
      scf.yield %scan3A_83 : i32
    }
    %scan3A_41 = arith.constant 4 : i32
    return
  }
}

#map = affine_map<(d0, d1) -> (0, 0, 0)>
#map1 = affine_map<(d0, d1) -> (0, 0)>
module attributes {stable_mosaic.version = 14 : i64} {
  func.func @k(%arg0: i32, %arg1: i32, %arg2: memref<2x3x4096xi32, #tpu.memory_space<hbm>>, %arg3: memref<2x3x4096xf32, #tpu.memory_space<hbm>>, %arg4: memref<2048x256xf32, #tpu.memory_space<hbm>>, %arg5: memref<8192x256xf32, #tpu.memory_space<hbm>>, %arg6: memref<3x256xi32, #tpu.memory_space<vmem>>, %arg7: memref<3x272xf32, #tpu.memory_space<vmem>>, %arg8: memref<64x256xf32, #tpu.memory_space<vmem>>, %arg9: memref<64x256xf32, #tpu.memory_space<vmem>>, %arg10: memref<64x256xf32, #tpu.memory_space<vmem>>, %arg11: memref<64x256xf32, #tpu.memory_space<vmem>>, %arg12: memref<!tpu.dma_semaphore, #tpu.memory_space<semaphore_mem>>) attributes {dimension_semantics = [#tpu.dimension_semantics<core_parallel>, #tpu.dimension_semantics<subcore_parallel>], iteration_bounds = array<i64: 2, 16>, scalar_prefetch = 0 : i64, scratch_operands = 7 : i64, tpu.core_type = #tpu.core_type<sc_vector_subcore>, window_params = [{transform_indices = #map}, {transform_indices = #map}, {transform_indices = #map1}, {transform_indices = #map1}]} {
    %mul3A = arith.constant 2 : i32
    %mul3A_0 = arith.muli %arg1, %mul3A : i32
    %add3A = arith.addi %mul3A_0, %arg0 : i32
    %mul3A_1 = arith.constant 256 : i32
    %mul3A_2 = arith.muli %add3A, %mul3A_1 : i32
    %jit3A = arith.constant 16 : i32
    %div3A = arith.divsi %add3A, %jit3A : i32
    %sign3A = arith.constant 0 : i32
    %sign3A_3 = arith.cmpi sgt, %add3A, %sign3A : i32
    %sign3A_4 = arith.extui %sign3A_3 : i1 to i32
    %sign3A_5 = arith.constant 0 : i32
    %sign3A_6 = arith.cmpi slt, %add3A, %sign3A_5 : i32
    %sign3A_7 = arith.extui %sign3A_6 : i1 to i32
    %sign3A_8 = arith.subi %sign3A_4, %sign3A_7 : i32
    %sign3A_9 = arith.constant 0 : i32
    %sign3A_10 = arith.cmpi sgt, %jit3A, %sign3A_9 : i32
    %sign3A_11 = arith.extui %sign3A_10 : i1 to i32
    %sign3A_12 = arith.constant 0 : i32
    %sign3A_13 = arith.cmpi slt, %jit3A, %sign3A_12 : i32
    %sign3A_14 = arith.extui %sign3A_13 : i1 to i32
    %sign3A_15 = arith.subi %sign3A_11, %sign3A_14 : i32
    %ne3A = arith.cmpi ne, %sign3A_8, %sign3A_15 : i32
    %rem3A = arith.remsi %add3A, %jit3A : i32
    %ne3A_16 = arith.constant 0 : i32
    %ne3A_17 = arith.cmpi ne, %rem3A, %ne3A_16 : i32
    %and3A = arith.andi %ne3A, %ne3A_17 : i1
    %sub3A = arith.constant 1 : i32
    %sub3A_18 = arith.subi %div3A, %sub3A : i32
    %select_n3A = arith.select %and3A, %sub3A_18, %div3A : i32
    %jit3A_19 = arith.constant 16 : i32
    %eq3A = arith.constant 0 : i32
    %eq3A_20 = arith.cmpi eq, %jit3A_19, %eq3A : i32
    %jit3A_21 = arith.constant 1 : i32
    %select_n3A_22 = arith.select %eq3A_20, %jit3A_21, %jit3A_19 : i32
    %rem3A_23 = arith.remsi %add3A, %select_n3A_22 : i32
    %ne3A_24 = arith.constant 0 : i32
    %ne3A_25 = arith.cmpi ne, %rem3A_23, %ne3A_24 : i32
    %lt3A = arith.constant 0 : i32
    %lt3A_26 = arith.cmpi slt, %rem3A_23, %lt3A : i32
    %lt3A_27 = arith.constant 0 : i32
    %lt3A_28 = arith.cmpi slt, %select_n3A_22, %lt3A_27 : i32
    %ne3A_29 = arith.xori %lt3A_26, %lt3A_28 : i1
    %and3A_30 = arith.andi %ne3A_29, %ne3A_25 : i1
    %add3A_31 = arith.addi %rem3A_23, %select_n3A_22 : i32
    %select_n3A_32 = arith.select %and3A_30, %add3A_31, %rem3A_23 : i32
    %mul3A_33 = arith.constant 256 : i32
    %mul3A_34 = arith.muli %select_n3A_32, %mul3A_33 : i32
    %broadcast_in_dim3A = arith.constant 0 : i32
    %broadcast_in_dim3A_35 = vector.broadcast %broadcast_in_dim3A : i32 to vector<16x1xi32>
    "tpu.region"() ({
      %run_scoped3A = tpu.sem_alloc : memref<!tpu.dma_semaphore, #tpu.memory_space<semaphore_mem>>
      %dma_start3A = arith.constant 0 : i32
      %dma_start3A_42 = tpu.memref_slice %arg2[%select_n3A, %dma_start3A, %mul3A_34] : memref<2x3x4096xi32, #tpu.memory_space<hbm>> -> memref<1x3x256xi32, #tpu.memory_space<hbm>>
      %dma_start3A_43 = tpu.memref_squeeze %dma_start3A_42 : memref<1x3x256xi32, #tpu.memory_space<hbm>> -> memref<3x256xi32, #tpu.memory_space<hbm>>
      %dma_start3A_44 = arith.constant 0 : i32
      %dma_start3A_45 = tpu.memref_slice %arg2[%select_n3A, %dma_start3A_44, %mul3A_34] : memref<2x3x4096xi32, #tpu.memory_space<hbm>> -> memref<1x3x256xi32, #tpu.memory_space<hbm>>
      %dma_start3A_46 = tpu.memref_squeeze %dma_start3A_45 : memref<1x3x256xi32, #tpu.memory_space<hbm>> -> memref<3x256xi32, #tpu.memory_space<hbm>>
      tpu.enqueue_dma source(%dma_start3A_46 : memref<3x256xi32, #tpu.memory_space<hbm>>) target(%arg6 : memref<3x256xi32, #tpu.memory_space<vmem>>) target_semaphore(%run_scoped3A : memref<!tpu.dma_semaphore, #tpu.memory_space<semaphore_mem>>)
      %dma_wait3A = arith.constant 0 : i32
      %dma_wait3A_47 = tpu.memref_slice %arg2[%select_n3A, %dma_wait3A, %mul3A_34] : memref<2x3x4096xi32, #tpu.memory_space<hbm>> -> memref<1x3x256xi32, #tpu.memory_space<hbm>>
      %dma_wait3A_48 = tpu.memref_squeeze %dma_wait3A_47 : memref<1x3x256xi32, #tpu.memory_space<hbm>> -> memref<3x256xi32, #tpu.memory_space<hbm>>
      %dma_wait3A_49 = arith.constant 0 : i32
      %dma_wait3A_50 = tpu.memref_slice %arg2[%select_n3A, %dma_wait3A_49, %mul3A_34] : memref<2x3x4096xi32, #tpu.memory_space<hbm>> -> memref<1x3x256xi32, #tpu.memory_space<hbm>>
      %dma_wait3A_51 = tpu.memref_squeeze %dma_wait3A_50 : memref<1x3x256xi32, #tpu.memory_space<hbm>> -> memref<3x256xi32, #tpu.memory_space<hbm>>
      tpu.wait_dma2 semaphore(%run_scoped3A : memref<!tpu.dma_semaphore, #tpu.memory_space<semaphore_mem>>) src(%dma_wait3A_51 : memref<3x256xi32, #tpu.memory_space<hbm>>) dst(%arg6 : memref<3x256xi32, #tpu.memory_space<vmem>>)
      tpu.yield
    }) : () -> ()
    "tpu.region"() ({
      %run_scoped3A = tpu.sem_alloc : memref<!tpu.dma_semaphore, #tpu.memory_space<semaphore_mem>>
      %dma_start3A = arith.constant 0 : i32
      %dma_start3A_42 = arith.constant 0 : i32
      %dma_start3A_43 = tpu.memref_slice %arg7[%dma_start3A, %dma_start3A_42] : memref<3x272xf32, #tpu.memory_space<vmem>> -> memref<3x256xf32, #tpu.memory_space<vmem>>
      %dma_start3A_44 = arith.constant 0 : i32
      %dma_start3A_45 = tpu.memref_slice %arg3[%select_n3A, %dma_start3A_44, %mul3A_34] : memref<2x3x4096xf32, #tpu.memory_space<hbm>> -> memref<1x3x256xf32, #tpu.memory_space<hbm>>
      %dma_start3A_46 = tpu.memref_squeeze %dma_start3A_45 : memref<1x3x256xf32, #tpu.memory_space<hbm>> -> memref<3x256xf32, #tpu.memory_space<hbm>>
      %dma_start3A_47 = arith.constant 0 : i32
      %dma_start3A_48 = arith.constant 0 : i32
      %dma_start3A_49 = tpu.memref_slice %arg7[%dma_start3A_47, %dma_start3A_48] : memref<3x272xf32, #tpu.memory_space<vmem>> -> memref<3x256xf32, #tpu.memory_space<vmem>>
      %dma_start3A_50 = arith.constant 0 : i32
      %dma_start3A_51 = tpu.memref_slice %arg3[%select_n3A, %dma_start3A_50, %mul3A_34] : memref<2x3x4096xf32, #tpu.memory_space<hbm>> -> memref<1x3x256xf32, #tpu.memory_space<hbm>>
      %dma_start3A_52 = tpu.memref_squeeze %dma_start3A_51 : memref<1x3x256xf32, #tpu.memory_space<hbm>> -> memref<3x256xf32, #tpu.memory_space<hbm>>
      tpu.enqueue_dma source(%dma_start3A_52 : memref<3x256xf32, #tpu.memory_space<hbm>>) target(%dma_start3A_49 : memref<3x256xf32, #tpu.memory_space<vmem>>) target_semaphore(%run_scoped3A : memref<!tpu.dma_semaphore, #tpu.memory_space<semaphore_mem>>)
      %dma_wait3A = arith.constant 0 : i32
      %dma_wait3A_53 = arith.constant 0 : i32
      %dma_wait3A_54 = tpu.memref_slice %arg7[%dma_wait3A, %dma_wait3A_53] : memref<3x272xf32, #tpu.memory_space<vmem>> -> memref<3x256xf32, #tpu.memory_space<vmem>>
      %dma_wait3A_55 = arith.constant 0 : i32
      %dma_wait3A_56 = tpu.memref_slice %arg3[%select_n3A, %dma_wait3A_55, %mul3A_34] : memref<2x3x4096xf32, #tpu.memory_space<hbm>> -> memref<1x3x256xf32, #tpu.memory_space<hbm>>
      %dma_wait3A_57 = tpu.memref_squeeze %dma_wait3A_56 : memref<1x3x256xf32, #tpu.memory_space<hbm>> -> memref<3x256xf32, #tpu.memory_space<hbm>>
      %dma_wait3A_58 = arith.constant 0 : i32
      %dma_wait3A_59 = arith.constant 0 : i32
      %dma_wait3A_60 = tpu.memref_slice %arg7[%dma_wait3A_58, %dma_wait3A_59] : memref<3x272xf32, #tpu.memory_space<vmem>> -> memref<3x256xf32, #tpu.memory_space<vmem>>
      %dma_wait3A_61 = arith.constant 0 : i32
      %dma_wait3A_62 = tpu.memref_slice %arg3[%select_n3A, %dma_wait3A_61, %mul3A_34] : memref<2x3x4096xf32, #tpu.memory_space<hbm>> -> memref<1x3x256xf32, #tpu.memory_space<hbm>>
      %dma_wait3A_63 = tpu.memref_squeeze %dma_wait3A_62 : memref<1x3x256xf32, #tpu.memory_space<hbm>> -> memref<3x256xf32, #tpu.memory_space<hbm>>
      tpu.wait_dma2 semaphore(%run_scoped3A : memref<!tpu.dma_semaphore, #tpu.memory_space<semaphore_mem>>) src(%dma_wait3A_63 : memref<3x256xf32, #tpu.memory_space<hbm>>) dst(%dma_wait3A_60 : memref<3x256xf32, #tpu.memory_space<vmem>>)
      tpu.yield
    }) : () -> ()
    %scan3A = arith.constant 0 : i32
    %scan3A_36 = arith.constant 0 : i32
    %scan3A_37 = arith.constant 4 : i32
    %scan3A_38 = arith.addi %scan3A_36, %scan3A_37 : i32
    %scan3A_39 = arith.constant 1 : i32
    %scan3A_40 = scf.for %scan3A_42 = %scan3A_36 to %scan3A_38 step %scan3A_39 iter_args(%scan3A_43 = %scan3A) -> (i32)  : i32 {
      %mul3A_44 = arith.constant 64 : i32
      %mul3A_45 = arith.muli %scan3A_42, %mul3A_44 : i32
      %dma_start3A = arith.constant 0 : i32
      %dma_start3A_46 = tpu.memref_slice %arg6[%dma_start3A, %mul3A_45] : memref<3x256xi32, #tpu.memory_space<vmem>> -> memref<1x64xi32, #tpu.memory_space<vmem>>
      %dma_start3A_47 = tpu.memref_squeeze %dma_start3A_46 : memref<1x64xi32, #tpu.memory_space<vmem>> -> memref<64xi32, #tpu.memory_space<vmem>>
      %dma_start3A_48 = arith.constant 0 : i32
      %dma_start3A_49 = arith.constant 0 : i32
      %dma_start3A_50 = tpu.memref_slice %arg4[%dma_start3A_48, %dma_start3A_49] : memref<2048x256xf32, #tpu.memory_space<hbm>> -> memref<2048x256xf32, #tpu.memory_space<hbm>>
      tpu.enqueue_indirect_dma source(%dma_start3A_50 : memref<2048x256xf32, #tpu.memory_space<hbm>>) target(%arg8 : memref<64x256xf32, #tpu.memory_space<vmem>>) offsets(%dma_start3A_47 : memref<64xi32, #tpu.memory_space<vmem>>) semaphore(%arg12 : memref<!tpu.dma_semaphore, #tpu.memory_space<semaphore_mem>>)
      %dma_start3A_51 = arith.constant 1 : i32
      %dma_start3A_52 = tpu.memref_slice %arg6[%dma_start3A_51, %mul3A_45] : memref<3x256xi32, #tpu.memory_space<vmem>> -> memref<1x64xi32, #tpu.memory_space<vmem>>
      %dma_start3A_53 = tpu.memref_squeeze %dma_start3A_52 : memref<1x64xi32, #tpu.memory_space<vmem>> -> memref<64xi32, #tpu.memory_space<vmem>>
      %dma_start3A_54 = arith.constant 0 : i32
      %dma_start3A_55 = arith.constant 0 : i32
      %dma_start3A_56 = tpu.memref_slice %arg4[%dma_start3A_54, %dma_start3A_55] : memref<2048x256xf32, #tpu.memory_space<hbm>> -> memref<2048x256xf32, #tpu.memory_space<hbm>>
      tpu.enqueue_indirect_dma source(%dma_start3A_56 : memref<2048x256xf32, #tpu.memory_space<hbm>>) target(%arg9 : memref<64x256xf32, #tpu.memory_space<vmem>>) offsets(%dma_start3A_53 : memref<64xi32, #tpu.memory_space<vmem>>) semaphore(%arg12 : memref<!tpu.dma_semaphore, #tpu.memory_space<semaphore_mem>>)
      %dma_start3A_57 = arith.constant 2 : i32
      %dma_start3A_58 = tpu.memref_slice %arg6[%dma_start3A_57, %mul3A_45] : memref<3x256xi32, #tpu.memory_space<vmem>> -> memref<1x64xi32, #tpu.memory_space<vmem>>
      %dma_start3A_59 = tpu.memref_squeeze %dma_start3A_58 : memref<1x64xi32, #tpu.memory_space<vmem>> -> memref<64xi32, #tpu.memory_space<vmem>>
      %dma_start3A_60 = arith.constant 0 : i32
      %dma_start3A_61 = arith.constant 0 : i32
      %dma_start3A_62 = tpu.memref_slice %arg4[%dma_start3A_60, %dma_start3A_61] : memref<2048x256xf32, #tpu.memory_space<hbm>> -> memref<2048x256xf32, #tpu.memory_space<hbm>>
      tpu.enqueue_indirect_dma source(%dma_start3A_62 : memref<2048x256xf32, #tpu.memory_space<hbm>>) target(%arg10 : memref<64x256xf32, #tpu.memory_space<vmem>>) offsets(%dma_start3A_59 : memref<64xi32, #tpu.memory_space<vmem>>) semaphore(%arg12 : memref<!tpu.dma_semaphore, #tpu.memory_space<semaphore_mem>>)
      %dma_wait3A = arith.constant 0 : i32
      %dma_wait3A_63 = tpu.memref_slice %arg6[%dma_wait3A, %mul3A_45] : memref<3x256xi32, #tpu.memory_space<vmem>> -> memref<1x64xi32, #tpu.memory_space<vmem>>
      %dma_wait3A_64 = tpu.memref_squeeze %dma_wait3A_63 : memref<1x64xi32, #tpu.memory_space<vmem>> -> memref<64xi32, #tpu.memory_space<vmem>>
      %dma_wait3A_65 = arith.constant 0 : i32
      %dma_wait3A_66 = arith.constant 0 : i32
      %dma_wait3A_67 = tpu.memref_slice %arg4[%dma_wait3A_65, %dma_wait3A_66] : memref<2048x256xf32, #tpu.memory_space<hbm>> -> memref<2048x256xf32, #tpu.memory_space<hbm>>
      tpu.wait_indirect_dma semaphore(%arg12 : memref<!tpu.dma_semaphore, #tpu.memory_space<semaphore_mem>>) src(%dma_wait3A_67 : memref<2048x256xf32, #tpu.memory_space<hbm>>) dst(%arg8 : memref<64x256xf32, #tpu.memory_space<vmem>>)
      %dma_wait3A_68 = arith.constant 1 : i32
      %dma_wait3A_69 = tpu.memref_slice %arg6[%dma_wait3A_68, %mul3A_45] : memref<3x256xi32, #tpu.memory_space<vmem>> -> memref<1x64xi32, #tpu.memory_space<vmem>>
      %dma_wait3A_70 = tpu.memref_squeeze %dma_wait3A_69 : memref<1x64xi32, #tpu.memory_space<vmem>> -> memref<64xi32, #tpu.memory_space<vmem>>
      %dma_wait3A_71 = arith.constant 0 : i32
      %dma_wait3A_72 = arith.constant 0 : i32
      %dma_wait3A_73 = tpu.memref_slice %arg4[%dma_wait3A_71, %dma_wait3A_72] : memref<2048x256xf32, #tpu.memory_space<hbm>> -> memref<2048x256xf32, #tpu.memory_space<hbm>>
      tpu.wait_indirect_dma semaphore(%arg12 : memref<!tpu.dma_semaphore, #tpu.memory_space<semaphore_mem>>) src(%dma_wait3A_73 : memref<2048x256xf32, #tpu.memory_space<hbm>>) dst(%arg9 : memref<64x256xf32, #tpu.memory_space<vmem>>)
      %dma_wait3A_74 = arith.constant 2 : i32
      %dma_wait3A_75 = tpu.memref_slice %arg6[%dma_wait3A_74, %mul3A_45] : memref<3x256xi32, #tpu.memory_space<vmem>> -> memref<1x64xi32, #tpu.memory_space<vmem>>
      %dma_wait3A_76 = tpu.memref_squeeze %dma_wait3A_75 : memref<1x64xi32, #tpu.memory_space<vmem>> -> memref<64xi32, #tpu.memory_space<vmem>>
      %dma_wait3A_77 = arith.constant 0 : i32
      %dma_wait3A_78 = arith.constant 0 : i32
      %dma_wait3A_79 = tpu.memref_slice %arg4[%dma_wait3A_77, %dma_wait3A_78] : memref<2048x256xf32, #tpu.memory_space<hbm>> -> memref<2048x256xf32, #tpu.memory_space<hbm>>
      tpu.wait_indirect_dma semaphore(%arg12 : memref<!tpu.dma_semaphore, #tpu.memory_space<semaphore_mem>>) src(%dma_wait3A_79 : memref<2048x256xf32, #tpu.memory_space<hbm>>) dst(%arg10 : memref<64x256xf32, #tpu.memory_space<vmem>>)
      %parallel_loop3A = arith.constant 0 : i32
      %parallel_loop3A_80 = arith.constant 64 : i32
      %parallel_loop3A_81 = arith.constant 1 : i32
      scf.for %parallel_loop3A_84 = %parallel_loop3A to %parallel_loop3A_80 step %parallel_loop3A_81  : i32 {
        %parallel_loop3A_85 = arith.addi %mul3A_45, %parallel_loop3A_84 : i32
        %parallel_loop3A_86 = arith.constant 0 : i32
        %parallel_loop3A_87 = arith.index_cast %parallel_loop3A_86 : i32 to index
        %parallel_loop3A_88 = arith.index_cast %parallel_loop3A_85 : i32 to index
        %parallel_loop3A_89 = tpu.vector_load %arg7[%parallel_loop3A_87, %parallel_loop3A_88] {strides = array<i32>} : memref<3x272xf32, #tpu.memory_space<vmem>>, vector<16xf32>,
        %parallel_loop3A_90 = vector.shape_cast %broadcast_in_dim3A_35 : vector<16x1xi32> to vector<16xi32>
        %parallel_loop3A_91 = tpu.dynamic_gather %parallel_loop3A_89[%parallel_loop3A_90] in [0] : vector<16xf32>, vector<16xi32> -> vector<16xf32>
        %parallel_loop3A_92 = arith.addi %mul3A_45, %parallel_loop3A_84 : i32
        %parallel_loop3A_93 = arith.constant 1 : i32
        %parallel_loop3A_94 = arith.index_cast %parallel_loop3A_93 : i32 to index
        %parallel_loop3A_95 = arith.index_cast %parallel_loop3A_92 : i32 to index
        %parallel_loop3A_96 = tpu.vector_load %arg7[%parallel_loop3A_94, %parallel_loop3A_95] {strides = array<i32>} : memref<3x272xf32, #tpu.memory_space<vmem>>, vector<16xf32>,
        %parallel_loop3A_97 = vector.shape_cast %broadcast_in_dim3A_35 : vector<16x1xi32> to vector<16xi32>
        %parallel_loop3A_98 = tpu.dynamic_gather %parallel_loop3A_96[%parallel_loop3A_97] in [0] : vector<16xf32>, vector<16xi32> -> vector<16xf32>
        %parallel_loop3A_99 = arith.addi %mul3A_45, %parallel_loop3A_84 : i32
        %parallel_loop3A_100 = arith.constant 2 : i32
        %parallel_loop3A_101 = arith.index_cast %parallel_loop3A_100 : i32 to index
        %parallel_loop3A_102 = arith.index_cast %parallel_loop3A_99 : i32 to index
        %parallel_loop3A_103 = tpu.vector_load %arg7[%parallel_loop3A_101, %parallel_loop3A_102] {strides = array<i32>} : memref<3x272xf32, #tpu.memory_space<vmem>>, vector<16xf32>,
        %parallel_loop3A_104 = vector.shape_cast %broadcast_in_dim3A_35 : vector<16x1xi32> to vector<16xi32>
        %parallel_loop3A_105 = tpu.dynamic_gather %parallel_loop3A_103[%parallel_loop3A_104] in [0] : vector<16xf32>, vector<16xi32> -> vector<16xf32>
        %parallel_loop3A_106 = arith.index_cast %parallel_loop3A_84 : i32 to index
        %parallel_loop3A_107 = arith.constant 0 : index
        %parallel_loop3A_108 = tpu.vector_load %arg8[%parallel_loop3A_106, %parallel_loop3A_107] {strides = array<i32>} : memref<64x256xf32, #tpu.memory_space<vmem>>, vector<16xf32>,
        %parallel_loop3A_109 = arith.mulf %parallel_loop3A_108, %parallel_loop3A_91 : vector<16xf32>
        %parallel_loop3A_110 = arith.index_cast %parallel_loop3A_84 : i32 to index
        %parallel_loop3A_111 = arith.constant 0 : index
        %parallel_loop3A_112 = tpu.vector_load %arg9[%parallel_loop3A_110, %parallel_loop3A_111] {strides = array<i32>} : memref<64x256xf32, #tpu.memory_space<vmem>>, vector<16xf32>,
        %parallel_loop3A_113 = arith.mulf %parallel_loop3A_112, %parallel_loop3A_98 : vector<16xf32>
        %parallel_loop3A_114 = arith.addf %parallel_loop3A_109, %parallel_loop3A_113 : vector<16xf32>
        %parallel_loop3A_115 = arith.index_cast %parallel_loop3A_84 : i32 to index
        %parallel_loop3A_116 = arith.constant 0 : index
        %parallel_loop3A_117 = tpu.vector_load %arg10[%parallel_loop3A_115, %parallel_loop3A_116] {strides = array<i32>} : memref<64x256xf32, #tpu.memory_space<vmem>>, vector<16xf32>,
        %parallel_loop3A_118 = arith.mulf %parallel_loop3A_117, %parallel_loop3A_105 : vector<16xf32>
        %parallel_loop3A_119 = arith.addf %parallel_loop3A_114, %parallel_loop3A_118 : vector<16xf32>
        %parallel_loop3A_120 = arith.index_cast %parallel_loop3A_84 : i32 to index
        %parallel_loop3A_121 = arith.constant 0 : index
        %parallel_loop3A_122 = tpu.vector_load %arg11[%parallel_loop3A_120, %parallel_loop3A_121] {strides = array<i32>} : memref<64x256xf32, #tpu.memory_space<vmem>>, vector<16xf32>,
        tpu.vector_store %arg11[%parallel_loop3A_120, %parallel_loop3A_121], %parallel_loop3A_119 {strides = array<i32>} : memref<64x256xf32, #tpu.memory_space<vmem>>, vector<16xf32>,
        %parallel_loop3A_123 = arith.index_cast %parallel_loop3A_84 : i32 to index
        %parallel_loop3A_124 = arith.constant 16 : index
        %parallel_loop3A_125 = tpu.vector_load %arg8[%parallel_loop3A_123, %parallel_loop3A_124] {strides = array<i32>} : memref<64x256xf32, #tpu.memory_space<vmem>>, vector<16xf32>,
        %parallel_loop3A_126 = arith.mulf %parallel_loop3A_125, %parallel_loop3A_91 : vector<16xf32>
        %parallel_loop3A_127 = arith.index_cast %parallel_loop3A_84 : i32 to index
        %parallel_loop3A_128 = arith.constant 16 : index
        %parallel_loop3A_129 = tpu.vector_load %arg9[%parallel_loop3A_127, %parallel_loop3A_128] {strides = array<i32>} : memref<64x256xf32, #tpu.memory_space<vmem>>, vector<16xf32>,
        %parallel_loop3A_130 = arith.mulf %parallel_loop3A_129, %parallel_loop3A_98 : vector<16xf32>
        %parallel_loop3A_131 = arith.addf %parallel_loop3A_126, %parallel_loop3A_130 : vector<16xf32>
        %parallel_loop3A_132 = arith.index_cast %parallel_loop3A_84 : i32 to index
        %parallel_loop3A_133 = arith.constant 16 : index
        %parallel_loop3A_134 = tpu.vector_load %arg10[%parallel_loop3A_132, %parallel_loop3A_133] {strides = array<i32>} : memref<64x256xf32, #tpu.memory_space<vmem>>, vector<16xf32>,
        %parallel_loop3A_135 = arith.mulf %parallel_loop3A_134, %parallel_loop3A_105 : vector<16xf32>
        %parallel_loop3A_136 = arith.addf %parallel_loop3A_131, %parallel_loop3A_135 : vector<16xf32>
        %parallel_loop3A_137 = arith.index_cast %parallel_loop3A_84 : i32 to index
        %parallel_loop3A_138 = arith.constant 16 : index
        %parallel_loop3A_139 = tpu.vector_load %arg11[%parallel_loop3A_137, %parallel_loop3A_138] {strides = array<i32>} : memref<64x256xf32, #tpu.memory_space<vmem>>, vector<16xf32>,
        tpu.vector_store %arg11[%parallel_loop3A_137, %parallel_loop3A_138], %parallel_loop3A_136 {strides = array<i32>} : memref<64x256xf32, #tpu.memory_space<vmem>>, vector<16xf32>,
        %parallel_loop3A_140 = arith.index_cast %parallel_loop3A_84 : i32 to index
        %parallel_loop3A_141 = arith.constant 32 : index
        %parallel_loop3A_142 = tpu.vector_load %arg8[%parallel_loop3A_140, %parallel_loop3A_141] {strides = array<i32>} : memref<64x256xf32, #tpu.memory_space<vmem>>, vector<16xf32>,
        %parallel_loop3A_143 = arith.mulf %parallel_loop3A_142, %parallel_loop3A_91 : vector<16xf32>
        %parallel_loop3A_144 = arith.index_cast %parallel_loop3A_84 : i32 to index
        %parallel_loop3A_145 = arith.constant 32 : index
        %parallel_loop3A_146 = tpu.vector_load %arg9[%parallel_loop3A_144, %parallel_loop3A_145] {strides = array<i32>} : memref<64x256xf32, #tpu.memory_space<vmem>>, vector<16xf32>,
        %parallel_loop3A_147 = arith.mulf %parallel_loop3A_146, %parallel_loop3A_98 : vector<16xf32>
        %parallel_loop3A_148 = arith.addf %parallel_loop3A_143, %parallel_loop3A_147 : vector<16xf32>
        %parallel_loop3A_149 = arith.index_cast %parallel_loop3A_84 : i32 to index
        %parallel_loop3A_150 = arith.constant 32 : index
        %parallel_loop3A_151 = tpu.vector_load %arg10[%parallel_loop3A_149, %parallel_loop3A_150] {strides = array<i32>} : memref<64x256xf32, #tpu.memory_space<vmem>>, vector<16xf32>,
        %parallel_loop3A_152 = arith.mulf %parallel_loop3A_151, %parallel_loop3A_105 : vector<16xf32>
        %parallel_loop3A_153 = arith.addf %parallel_loop3A_148, %parallel_loop3A_152 : vector<16xf32>
        %parallel_loop3A_154 = arith.index_cast %parallel_loop3A_84 : i32 to index
        %parallel_loop3A_155 = arith.constant 32 : index
        %parallel_loop3A_156 = tpu.vector_load %arg11[%parallel_loop3A_154, %parallel_loop3A_155] {strides = array<i32>} : memref<64x256xf32, #tpu.memory_space<vmem>>, vector<16xf32>,
        tpu.vector_store %arg11[%parallel_loop3A_154, %parallel_loop3A_155], %parallel_loop3A_153 {strides = array<i32>} : memref<64x256xf32, #tpu.memory_space<vmem>>, vector<16xf32>,
        %parallel_loop3A_157 = arith.index_cast %parallel_loop3A_84 : i32 to index
        %parallel_loop3A_158 = arith.constant 48 : index
        %parallel_loop3A_159 = tpu.vector_load %arg8[%parallel_loop3A_157, %parallel_loop3A_158] {strides = array<i32>} : memref<64x256xf32, #tpu.memory_space<vmem>>, vector<16xf32>,
        %parallel_loop3A_160 = arith.mulf %parallel_loop3A_159, %parallel_loop3A_91 : vector<16xf32>
        %parallel_loop3A_161 = arith.index_cast %parallel_loop3A_84 : i32 to index
        %parallel_loop3A_162 = arith.constant 48 : index
        %parallel_loop3A_163 = tpu.vector_load %arg9[%parallel_loop3A_161, %parallel_loop3A_162] {strides = array<i32>} : memref<64x256xf32, #tpu.memory_space<vmem>>, vector<16xf32>,
        %parallel_loop3A_164 = arith.mulf %parallel_loop3A_163, %parallel_loop3A_98 : vector<16xf32>
        %parallel_loop3A_165 = arith.addf %parallel_loop3A_160, %parallel_loop3A_164 : vector<16xf32>
        %parallel_loop3A_166 = arith.index_cast %parallel_loop3A_84 : i32 to index
        %parallel_loop3A_167 = arith.constant 48 : index
        %parallel_loop3A_168 = tpu.vector_load %arg10[%parallel_loop3A_166, %parallel_loop3A_167] {strides = array<i32>} : memref<64x256xf32, #tpu.memory_space<vmem>>, vector<16xf32>,
        %parallel_loop3A_169 = arith.mulf %parallel_loop3A_168, %parallel_loop3A_105 : vector<16xf32>
        %parallel_loop3A_170 = arith.addf %parallel_loop3A_165, %parallel_loop3A_169 : vector<16xf32>
        %parallel_loop3A_171 = arith.index_cast %parallel_loop3A_84 : i32 to index
        %parallel_loop3A_172 = arith.constant 48 : index
        %parallel_loop3A_173 = tpu.vector_load %arg11[%parallel_loop3A_171, %parallel_loop3A_172] {strides = array<i32>} : memref<64x256xf32, #tpu.memory_space<vmem>>, vector<16xf32>,
        tpu.vector_store %arg11[%parallel_loop3A_171, %parallel_loop3A_172], %parallel_loop3A_170 {strides = array<i32>} : memref<64x256xf32, #tpu.memory_space<vmem>>, vector<16xf32>,
        %parallel_loop3A_174 = arith.index_cast %parallel_loop3A_84 : i32 to index
        %parallel_loop3A_175 = arith.constant 64 : index
        %parallel_loop3A_176 = tpu.vector_load %arg8[%parallel_loop3A_174, %parallel_loop3A_175] {strides = array<i32>} : memref<64x256xf32, #tpu.memory_space<vmem>>, vector<16xf32>,
        %parallel_loop3A_177 = arith.mulf %parallel_loop3A_176, %parallel_loop3A_91 : vector<16xf32>
        %parallel_loop3A_178 = arith.index_cast %parallel_loop3A_84 : i32 to index
        %parallel_loop3A_179 = arith.constant 64 : index
        %parallel_loop3A_180 = tpu.vector_load %arg9[%parallel_loop3A_178, %parallel_loop3A_179] {strides = array<i32>} : memref<64x256xf32, #tpu.memory_space<vmem>>, vector<16xf32>,
        %parallel_loop3A_181 = arith.mulf %parallel_loop3A_180, %parallel_loop3A_98 : vector<16xf32>
        %parallel_loop3A_182 = arith.addf %parallel_loop3A_177, %parallel_loop3A_181 : vector<16xf32>
        %parallel_loop3A_183 = arith.index_cast %parallel_loop3A_84 : i32 to index
        %parallel_loop3A_184 = arith.constant 64 : index
        %parallel_loop3A_185 = tpu.vector_load %arg10[%parallel_loop3A_183, %parallel_loop3A_184] {strides = array<i32>} : memref<64x256xf32, #tpu.memory_space<vmem>>, vector<16xf32>,
        %parallel_loop3A_186 = arith.mulf %parallel_loop3A_185, %parallel_loop3A_105 : vector<16xf32>
        %parallel_loop3A_187 = arith.addf %parallel_loop3A_182, %parallel_loop3A_186 : vector<16xf32>
        %parallel_loop3A_188 = arith.index_cast %parallel_loop3A_84 : i32 to index
        %parallel_loop3A_189 = arith.constant 64 : index
        %parallel_loop3A_190 = tpu.vector_load %arg11[%parallel_loop3A_188, %parallel_loop3A_189] {strides = array<i32>} : memref<64x256xf32, #tpu.memory_space<vmem>>, vector<16xf32>,
        tpu.vector_store %arg11[%parallel_loop3A_188, %parallel_loop3A_189], %parallel_loop3A_187 {strides = array<i32>} : memref<64x256xf32, #tpu.memory_space<vmem>>, vector<16xf32>,
        %parallel_loop3A_191 = arith.index_cast %parallel_loop3A_84 : i32 to index
        %parallel_loop3A_192 = arith.constant 80 : index
        %parallel_loop3A_193 = tpu.vector_load %arg8[%parallel_loop3A_191, %parallel_loop3A_192] {strides = array<i32>} : memref<64x256xf32, #tpu.memory_space<vmem>>, vector<16xf32>,
        %parallel_loop3A_194 = arith.mulf %parallel_loop3A_193, %parallel_loop3A_91 : vector<16xf32>
        %parallel_loop3A_195 = arith.index_cast %parallel_loop3A_84 : i32 to index
        %parallel_loop3A_196 = arith.constant 80 : index
        %parallel_loop3A_197 = tpu.vector_load %arg9[%parallel_loop3A_195, %parallel_loop3A_196] {strides = array<i32>} : memref<64x256xf32, #tpu.memory_space<vmem>>, vector<16xf32>,
        %parallel_loop3A_198 = arith.mulf %parallel_loop3A_197, %parallel_loop3A_98 : vector<16xf32>
        %parallel_loop3A_199 = arith.addf %parallel_loop3A_194, %parallel_loop3A_198 : vector<16xf32>
        %parallel_loop3A_200 = arith.index_cast %parallel_loop3A_84 : i32 to index
        %parallel_loop3A_201 = arith.constant 80 : index
        %parallel_loop3A_202 = tpu.vector_load %arg10[%parallel_loop3A_200, %parallel_loop3A_201] {strides = array<i32>} : memref<64x256xf32, #tpu.memory_space<vmem>>, vector<16xf32>,
        %parallel_loop3A_203 = arith.mulf %parallel_loop3A_202, %parallel_loop3A_105 : vector<16xf32>
        %parallel_loop3A_204 = arith.addf %parallel_loop3A_199, %parallel_loop3A_203 : vector<16xf32>
        %parallel_loop3A_205 = arith.index_cast %parallel_loop3A_84 : i32 to index
        %parallel_loop3A_206 = arith.constant 80 : index
        %parallel_loop3A_207 = tpu.vector_load %arg11[%parallel_loop3A_205, %parallel_loop3A_206] {strides = array<i32>} : memref<64x256xf32, #tpu.memory_space<vmem>>, vector<16xf32>,
        tpu.vector_store %arg11[%parallel_loop3A_205, %parallel_loop3A_206], %parallel_loop3A_204 {strides = array<i32>} : memref<64x256xf32, #tpu.memory_space<vmem>>, vector<16xf32>,
        %parallel_loop3A_208 = arith.index_cast %parallel_loop3A_84 : i32 to index
        %parallel_loop3A_209 = arith.constant 96 : index
        %parallel_loop3A_210 = tpu.vector_load %arg8[%parallel_loop3A_208, %parallel_loop3A_209] {strides = array<i32>} : memref<64x256xf32, #tpu.memory_space<vmem>>, vector<16xf32>,
        %parallel_loop3A_211 = arith.mulf %parallel_loop3A_210, %parallel_loop3A_91 : vector<16xf32>
        %parallel_loop3A_212 = arith.index_cast %parallel_loop3A_84 : i32 to index
        %parallel_loop3A_213 = arith.constant 96 : index
        %parallel_loop3A_214 = tpu.vector_load %arg9[%parallel_loop3A_212, %parallel_loop3A_213] {strides = array<i32>} : memref<64x256xf32, #tpu.memory_space<vmem>>, vector<16xf32>,
        %parallel_loop3A_215 = arith.mulf %parallel_loop3A_214, %parallel_loop3A_98 : vector<16xf32>
        %parallel_loop3A_216 = arith.addf %parallel_loop3A_211, %parallel_loop3A_215 : vector<16xf32>
        %parallel_loop3A_217 = arith.index_cast %parallel_loop3A_84 : i32 to index
        %parallel_loop3A_218 = arith.constant 96 : index
        %parallel_loop3A_219 = tpu.vector_load %arg10[%parallel_loop3A_217, %parallel_loop3A_218] {strides = array<i32>} : memref<64x256xf32, #tpu.memory_space<vmem>>, vector<16xf32>,
        %parallel_loop3A_220 = arith.mulf %parallel_loop3A_219, %parallel_loop3A_105 : vector<16xf32>
        %parallel_loop3A_221 = arith.addf %parallel_loop3A_216, %parallel_loop3A_220 : vector<16xf32>
        %parallel_loop3A_222 = arith.index_cast %parallel_loop3A_84 : i32 to index
        %parallel_loop3A_223 = arith.constant 96 : index
        %parallel_loop3A_224 = tpu.vector_load %arg11[%parallel_loop3A_222, %parallel_loop3A_223] {strides = array<i32>} : memref<64x256xf32, #tpu.memory_space<vmem>>, vector<16xf32>,
        tpu.vector_store %arg11[%parallel_loop3A_222, %parallel_loop3A_223], %parallel_loop3A_221 {strides = array<i32>} : memref<64x256xf32, #tpu.memory_space<vmem>>, vector<16xf32>,
        %parallel_loop3A_225 = arith.index_cast %parallel_loop3A_84 : i32 to index
        %parallel_loop3A_226 = arith.constant 112 : index
        %parallel_loop3A_227 = tpu.vector_load %arg8[%parallel_loop3A_225, %parallel_loop3A_226] {strides = array<i32>} : memref<64x256xf32, #tpu.memory_space<vmem>>, vector<16xf32>,
        %parallel_loop3A_228 = arith.mulf %parallel_loop3A_227, %parallel_loop3A_91 : vector<16xf32>
        %parallel_loop3A_229 = arith.index_cast %parallel_loop3A_84 : i32 to index
        %parallel_loop3A_230 = arith.constant 112 : index
        %parallel_loop3A_231 = tpu.vector_load %arg9[%parallel_loop3A_229, %parallel_loop3A_230] {strides = array<i32>} : memref<64x256xf32, #tpu.memory_space<vmem>>, vector<16xf32>,
        %parallel_loop3A_232 = arith.mulf %parallel_loop3A_231, %parallel_loop3A_98 : vector<16xf32>
        %parallel_loop3A_233 = arith.addf %parallel_loop3A_228, %parallel_loop3A_232 : vector<16xf32>
        %parallel_loop3A_234 = arith.index_cast %parallel_loop3A_84 : i32 to index
        %parallel_loop3A_235 = arith.constant 112 : index
        %parallel_loop3A_236 = tpu.vector_load %arg10[%parallel_loop3A_234, %parallel_loop3A_235] {strides = array<i32>} : memref<64x256xf32, #tpu.memory_space<vmem>>, vector<16xf32>,
        %parallel_loop3A_237 = arith.mulf %parallel_loop3A_236, %parallel_loop3A_105 : vector<16xf32>
        %parallel_loop3A_238 = arith.addf %parallel_loop3A_233, %parallel_loop3A_237 : vector<16xf32>
        %parallel_loop3A_239 = arith.index_cast %parallel_loop3A_84 : i32 to index
        %parallel_loop3A_240 = arith.constant 112 : index
        %parallel_loop3A_241 = tpu.vector_load %arg11[%parallel_loop3A_239, %parallel_loop3A_240] {strides = array<i32>} : memref<64x256xf32, #tpu.memory_space<vmem>>, vector<16xf32>,
        tpu.vector_store %arg11[%parallel_loop3A_239, %parallel_loop3A_240], %parallel_loop3A_238 {strides = array<i32>} : memref<64x256xf32, #tpu.memory_space<vmem>>, vector<16xf32>,
        %parallel_loop3A_242 = arith.index_cast %parallel_loop3A_84 : i32 to index
        %parallel_loop3A_243 = arith.constant 128 : index
        %parallel_loop3A_244 = tpu.vector_load %arg8[%parallel_loop3A_242, %parallel_loop3A_243] {strides = array<i32>} : memref<64x256xf32, #tpu.memory_space<vmem>>, vector<16xf32>,
        %parallel_loop3A_245 = arith.mulf %parallel_loop3A_244, %parallel_loop3A_91 : vector<16xf32>
        %parallel_loop3A_246 = arith.index_cast %parallel_loop3A_84 : i32 to index
        %parallel_loop3A_247 = arith.constant 128 : index
        %parallel_loop3A_248 = tpu.vector_load %arg9[%parallel_loop3A_246, %parallel_loop3A_247] {strides = array<i32>} : memref<64x256xf32, #tpu.memory_space<vmem>>, vector<16xf32>,
        %parallel_loop3A_249 = arith.mulf %parallel_loop3A_248, %parallel_loop3A_98 : vector<16xf32>
        %parallel_loop3A_250 = arith.addf %parallel_loop3A_245, %parallel_loop3A_249 : vector<16xf32>
        %parallel_loop3A_251 = arith.index_cast %parallel_loop3A_84 : i32 to index
        %parallel_loop3A_252 = arith.constant 128 : index
        %parallel_loop3A_253 = tpu.vector_load %arg10[%parallel_loop3A_251, %parallel_loop3A_252] {strides = array<i32>} : memref<64x256xf32, #tpu.memory_space<vmem>>, vector<16xf32>,
        %parallel_loop3A_254 = arith.mulf %parallel_loop3A_253, %parallel_loop3A_105 : vector<16xf32>
        %parallel_loop3A_255 = arith.addf %parallel_loop3A_250, %parallel_loop3A_254 : vector<16xf32>
        %parallel_loop3A_256 = arith.index_cast %parallel_loop3A_84 : i32 to index
        %parallel_loop3A_257 = arith.constant 128 : index
        %parallel_loop3A_258 = tpu.vector_load %arg11[%parallel_loop3A_256, %parallel_loop3A_257] {strides = array<i32>} : memref<64x256xf32, #tpu.memory_space<vmem>>, vector<16xf32>,
        tpu.vector_store %arg11[%parallel_loop3A_256, %parallel_loop3A_257], %parallel_loop3A_255 {strides = array<i32>} : memref<64x256xf32, #tpu.memory_space<vmem>>, vector<16xf32>,
        %parallel_loop3A_259 = arith.index_cast %parallel_loop3A_84 : i32 to index
        %parallel_loop3A_260 = arith.constant 144 : index
        %parallel_loop3A_261 = tpu.vector_load %arg8[%parallel_loop3A_259, %parallel_loop3A_260] {strides = array<i32>} : memref<64x256xf32, #tpu.memory_space<vmem>>, vector<16xf32>,
        %parallel_loop3A_262 = arith.mulf %parallel_loop3A_261, %parallel_loop3A_91 : vector<16xf32>
        %parallel_loop3A_263 = arith.index_cast %parallel_loop3A_84 : i32 to index
        %parallel_loop3A_264 = arith.constant 144 : index
        %parallel_loop3A_265 = tpu.vector_load %arg9[%parallel_loop3A_263, %parallel_loop3A_264] {strides = array<i32>} : memref<64x256xf32, #tpu.memory_space<vmem>>, vector<16xf32>,
        %parallel_loop3A_266 = arith.mulf %parallel_loop3A_265, %parallel_loop3A_98 : vector<16xf32>
        %parallel_loop3A_267 = arith.addf %parallel_loop3A_262, %parallel_loop3A_266 : vector<16xf32>
        %parallel_loop3A_268 = arith.index_cast %parallel_loop3A_84 : i32 to index
        %parallel_loop3A_269 = arith.constant 144 : index
        %parallel_loop3A_270 = tpu.vector_load %arg10[%parallel_loop3A_268, %parallel_loop3A_269] {strides = array<i32>} : memref<64x256xf32, #tpu.memory_space<vmem>>, vector<16xf32>,
        %parallel_loop3A_271 = arith.mulf %parallel_loop3A_270, %parallel_loop3A_105 : vector<16xf32>
        %parallel_loop3A_272 = arith.addf %parallel_loop3A_267, %parallel_loop3A_271 : vector<16xf32>
        %parallel_loop3A_273 = arith.index_cast %parallel_loop3A_84 : i32 to index
        %parallel_loop3A_274 = arith.constant 144 : index
        %parallel_loop3A_275 = tpu.vector_load %arg11[%parallel_loop3A_273, %parallel_loop3A_274] {strides = array<i32>} : memref<64x256xf32, #tpu.memory_space<vmem>>, vector<16xf32>,
        tpu.vector_store %arg11[%parallel_loop3A_273, %parallel_loop3A_274], %parallel_loop3A_272 {strides = array<i32>} : memref<64x256xf32, #tpu.memory_space<vmem>>, vector<16xf32>,
        %parallel_loop3A_276 = arith.index_cast %parallel_loop3A_84 : i32 to index
        %parallel_loop3A_277 = arith.constant 160 : index
        %parallel_loop3A_278 = tpu.vector_load %arg8[%parallel_loop3A_276, %parallel_loop3A_277] {strides = array<i32>} : memref<64x256xf32, #tpu.memory_space<vmem>>, vector<16xf32>,
        %parallel_loop3A_279 = arith.mulf %parallel_loop3A_278, %parallel_loop3A_91 : vector<16xf32>
        %parallel_loop3A_280 = arith.index_cast %parallel_loop3A_84 : i32 to index
        %parallel_loop3A_281 = arith.constant 160 : index
        %parallel_loop3A_282 = tpu.vector_load %arg9[%parallel_loop3A_280, %parallel_loop3A_281] {strides = array<i32>} : memref<64x256xf32, #tpu.memory_space<vmem>>, vector<16xf32>,
        %parallel_loop3A_283 = arith.mulf %parallel_loop3A_282, %parallel_loop3A_98 : vector<16xf32>
        %parallel_loop3A_284 = arith.addf %parallel_loop3A_279, %parallel_loop3A_283 : vector<16xf32>
        %parallel_loop3A_285 = arith.index_cast %parallel_loop3A_84 : i32 to index
        %parallel_loop3A_286 = arith.constant 160 : index
        %parallel_loop3A_287 = tpu.vector_load %arg10[%parallel_loop3A_285, %parallel_loop3A_286] {strides = array<i32>} : memref<64x256xf32, #tpu.memory_space<vmem>>, vector<16xf32>,
        %parallel_loop3A_288 = arith.mulf %parallel_loop3A_287, %parallel_loop3A_105 : vector<16xf32>
        %parallel_loop3A_289 = arith.addf %parallel_loop3A_284, %parallel_loop3A_288 : vector<16xf32>
        %parallel_loop3A_290 = arith.index_cast %parallel_loop3A_84 : i32 to index
        %parallel_loop3A_291 = arith.constant 160 : index
        %parallel_loop3A_292 = tpu.vector_load %arg11[%parallel_loop3A_290, %parallel_loop3A_291] {strides = array<i32>} : memref<64x256xf32, #tpu.memory_space<vmem>>, vector<16xf32>,
        tpu.vector_store %arg11[%parallel_loop3A_290, %parallel_loop3A_291], %parallel_loop3A_289 {strides = array<i32>} : memref<64x256xf32, #tpu.memory_space<vmem>>, vector<16xf32>,
        %parallel_loop3A_293 = arith.index_cast %parallel_loop3A_84 : i32 to index
        %parallel_loop3A_294 = arith.constant 176 : index
        %parallel_loop3A_295 = tpu.vector_load %arg8[%parallel_loop3A_293, %parallel_loop3A_294] {strides = array<i32>} : memref<64x256xf32, #tpu.memory_space<vmem>>, vector<16xf32>,
        %parallel_loop3A_296 = arith.mulf %parallel_loop3A_295, %parallel_loop3A_91 : vector<16xf32>
        %parallel_loop3A_297 = arith.index_cast %parallel_loop3A_84 : i32 to index
        %parallel_loop3A_298 = arith.constant 176 : index
        %parallel_loop3A_299 = tpu.vector_load %arg9[%parallel_loop3A_297, %parallel_loop3A_298] {strides = array<i32>} : memref<64x256xf32, #tpu.memory_space<vmem>>, vector<16xf32>,
        %parallel_loop3A_300 = arith.mulf %parallel_loop3A_299, %parallel_loop3A_98 : vector<16xf32>
        %parallel_loop3A_301 = arith.addf %parallel_loop3A_296, %parallel_loop3A_300 : vector<16xf32>
        %parallel_loop3A_302 = arith.index_cast %parallel_loop3A_84 : i32 to index
        %parallel_loop3A_303 = arith.constant 176 : index
        %parallel_loop3A_304 = tpu.vector_load %arg10[%parallel_loop3A_302, %parallel_loop3A_303] {strides = array<i32>} : memref<64x256xf32, #tpu.memory_space<vmem>>, vector<16xf32>,
        %parallel_loop3A_305 = arith.mulf %parallel_loop3A_304, %parallel_loop3A_105 : vector<16xf32>
        %parallel_loop3A_306 = arith.addf %parallel_loop3A_301, %parallel_loop3A_305 : vector<16xf32>
        %parallel_loop3A_307 = arith.index_cast %parallel_loop3A_84 : i32 to index
        %parallel_loop3A_308 = arith.constant 176 : index
        %parallel_loop3A_309 = tpu.vector_load %arg11[%parallel_loop3A_307, %parallel_loop3A_308] {strides = array<i32>} : memref<64x256xf32, #tpu.memory_space<vmem>>, vector<16xf32>,
        tpu.vector_store %arg11[%parallel_loop3A_307, %parallel_loop3A_308], %parallel_loop3A_306 {strides = array<i32>} : memref<64x256xf32, #tpu.memory_space<vmem>>, vector<16xf32>,
        %parallel_loop3A_310 = arith.index_cast %parallel_loop3A_84 : i32 to index
        %parallel_loop3A_311 = arith.constant 192 : index
        %parallel_loop3A_312 = tpu.vector_load %arg8[%parallel_loop3A_310, %parallel_loop3A_311] {strides = array<i32>} : memref<64x256xf32, #tpu.memory_space<vmem>>, vector<16xf32>,
        %parallel_loop3A_313 = arith.mulf %parallel_loop3A_312, %parallel_loop3A_91 : vector<16xf32>
        %parallel_loop3A_314 = arith.index_cast %parallel_loop3A_84 : i32 to index
        %parallel_loop3A_315 = arith.constant 192 : index
        %parallel_loop3A_316 = tpu.vector_load %arg9[%parallel_loop3A_314, %parallel_loop3A_315] {strides = array<i32>} : memref<64x256xf32, #tpu.memory_space<vmem>>, vector<16xf32>,
        %parallel_loop3A_317 = arith.mulf %parallel_loop3A_316, %parallel_loop3A_98 : vector<16xf32>
        %parallel_loop3A_318 = arith.addf %parallel_loop3A_313, %parallel_loop3A_317 : vector<16xf32>
        %parallel_loop3A_319 = arith.index_cast %parallel_loop3A_84 : i32 to index
        %parallel_loop3A_320 = arith.constant 192 : index
        %parallel_loop3A_321 = tpu.vector_load %arg10[%parallel_loop3A_319, %parallel_loop3A_320] {strides = array<i32>} : memref<64x256xf32, #tpu.memory_space<vmem>>, vector<16xf32>,
        %parallel_loop3A_322 = arith.mulf %parallel_loop3A_321, %parallel_loop3A_105 : vector<16xf32>
        %parallel_loop3A_323 = arith.addf %parallel_loop3A_318, %parallel_loop3A_322 : vector<16xf32>
        %parallel_loop3A_324 = arith.index_cast %parallel_loop3A_84 : i32 to index
        %parallel_loop3A_325 = arith.constant 192 : index
        %parallel_loop3A_326 = tpu.vector_load %arg11[%parallel_loop3A_324, %parallel_loop3A_325] {strides = array<i32>} : memref<64x256xf32, #tpu.memory_space<vmem>>, vector<16xf32>,
        tpu.vector_store %arg11[%parallel_loop3A_324, %parallel_loop3A_325], %parallel_loop3A_323 {strides = array<i32>} : memref<64x256xf32, #tpu.memory_space<vmem>>, vector<16xf32>,
        %parallel_loop3A_327 = arith.index_cast %parallel_loop3A_84 : i32 to index
        %parallel_loop3A_328 = arith.constant 208 : index
        %parallel_loop3A_329 = tpu.vector_load %arg8[%parallel_loop3A_327, %parallel_loop3A_328] {strides = array<i32>} : memref<64x256xf32, #tpu.memory_space<vmem>>, vector<16xf32>,
        %parallel_loop3A_330 = arith.mulf %parallel_loop3A_329, %parallel_loop3A_91 : vector<16xf32>
        %parallel_loop3A_331 = arith.index_cast %parallel_loop3A_84 : i32 to index
        %parallel_loop3A_332 = arith.constant 208 : index
        %parallel_loop3A_333 = tpu.vector_load %arg9[%parallel_loop3A_331, %parallel_loop3A_332] {strides = array<i32>} : memref<64x256xf32, #tpu.memory_space<vmem>>, vector<16xf32>,
        %parallel_loop3A_334 = arith.mulf %parallel_loop3A_333, %parallel_loop3A_98 : vector<16xf32>
        %parallel_loop3A_335 = arith.addf %parallel_loop3A_330, %parallel_loop3A_334 : vector<16xf32>
        %parallel_loop3A_336 = arith.index_cast %parallel_loop3A_84 : i32 to index
        %parallel_loop3A_337 = arith.constant 208 : index
        %parallel_loop3A_338 = tpu.vector_load %arg10[%parallel_loop3A_336, %parallel_loop3A_337] {strides = array<i32>} : memref<64x256xf32, #tpu.memory_space<vmem>>, vector<16xf32>,
        %parallel_loop3A_339 = arith.mulf %parallel_loop3A_338, %parallel_loop3A_105 : vector<16xf32>
        %parallel_loop3A_340 = arith.addf %parallel_loop3A_335, %parallel_loop3A_339 : vector<16xf32>
        %parallel_loop3A_341 = arith.index_cast %parallel_loop3A_84 : i32 to index
        %parallel_loop3A_342 = arith.constant 208 : index
        %parallel_loop3A_343 = tpu.vector_load %arg11[%parallel_loop3A_341, %parallel_loop3A_342] {strides = array<i32>} : memref<64x256xf32, #tpu.memory_space<vmem>>, vector<16xf32>,
        tpu.vector_store %arg11[%parallel_loop3A_341, %parallel_loop3A_342], %parallel_loop3A_340 {strides = array<i32>} : memref<64x256xf32, #tpu.memory_space<vmem>>, vector<16xf32>,
        %parallel_loop3A_344 = arith.index_cast %parallel_loop3A_84 : i32 to index
        %parallel_loop3A_345 = arith.constant 224 : index
        %parallel_loop3A_346 = tpu.vector_load %arg8[%parallel_loop3A_344, %parallel_loop3A_345] {strides = array<i32>} : memref<64x256xf32, #tpu.memory_space<vmem>>, vector<16xf32>,
        %parallel_loop3A_347 = arith.mulf %parallel_loop3A_346, %parallel_loop3A_91 : vector<16xf32>
        %parallel_loop3A_348 = arith.index_cast %parallel_loop3A_84 : i32 to index
        %parallel_loop3A_349 = arith.constant 224 : index
        %parallel_loop3A_350 = tpu.vector_load %arg9[%parallel_loop3A_348, %parallel_loop3A_349] {strides = array<i32>} : memref<64x256xf32, #tpu.memory_space<vmem>>, vector<16xf32>,
        %parallel_loop3A_351 = arith.mulf %parallel_loop3A_350, %parallel_loop3A_98 : vector<16xf32>
        %parallel_loop3A_352 = arith.addf %parallel_loop3A_347, %parallel_loop3A_351 : vector<16xf32>
        %parallel_loop3A_353 = arith.index_cast %parallel_loop3A_84 : i32 to index
        %parallel_loop3A_354 = arith.constant 224 : index
        %parallel_loop3A_355 = tpu.vector_load %arg10[%parallel_loop3A_353, %parallel_loop3A_354] {strides = array<i32>} : memref<64x256xf32, #tpu.memory_space<vmem>>, vector<16xf32>,
        %parallel_loop3A_356 = arith.mulf %parallel_loop3A_355, %parallel_loop3A_105 : vector<16xf32>
        %parallel_loop3A_357 = arith.addf %parallel_loop3A_352, %parallel_loop3A_356 : vector<16xf32>
        %parallel_loop3A_358 = arith.index_cast %parallel_loop3A_84 : i32 to index
        %parallel_loop3A_359 = arith.constant 224 : index
        %parallel_loop3A_360 = tpu.vector_load %arg11[%parallel_loop3A_358, %parallel_loop3A_359] {strides = array<i32>} : memref<64x256xf32, #tpu.memory_space<vmem>>, vector<16xf32>,
        tpu.vector_store %arg11[%parallel_loop3A_358, %parallel_loop3A_359], %parallel_loop3A_357 {strides = array<i32>} : memref<64x256xf32, #tpu.memory_space<vmem>>, vector<16xf32>,
        %parallel_loop3A_361 = arith.index_cast %parallel_loop3A_84 : i32 to index
        %parallel_loop3A_362 = arith.constant 240 : index
        %parallel_loop3A_363 = tpu.vector_load %arg8[%parallel_loop3A_361, %parallel_loop3A_362] {strides = array<i32>} : memref<64x256xf32, #tpu.memory_space<vmem>>, vector<16xf32>,
        %parallel_loop3A_364 = arith.mulf %parallel_loop3A_363, %parallel_loop3A_91 : vector<16xf32>
        %parallel_loop3A_365 = arith.index_cast %parallel_loop3A_84 : i32 to index
        %parallel_loop3A_366 = arith.constant 240 : index
        %parallel_loop3A_367 = tpu.vector_load %arg9[%parallel_loop3A_365, %parallel_loop3A_366] {strides = array<i32>} : memref<64x256xf32, #tpu.memory_space<vmem>>, vector<16xf32>,
        %parallel_loop3A_368 = arith.mulf %parallel_loop3A_367, %parallel_loop3A_98 : vector<16xf32>
        %parallel_loop3A_369 = arith.addf %parallel_loop3A_364, %parallel_loop3A_368 : vector<16xf32>
        %parallel_loop3A_370 = arith.index_cast %parallel_loop3A_84 : i32 to index
        %parallel_loop3A_371 = arith.constant 240 : index
        %parallel_loop3A_372 = tpu.vector_load %arg10[%parallel_loop3A_370, %parallel_loop3A_371] {strides = array<i32>} : memref<64x256xf32, #tpu.memory_space<vmem>>, vector<16xf32>,
        %parallel_loop3A_373 = arith.mulf %parallel_loop3A_372, %parallel_loop3A_105 : vector<16xf32>
        %parallel_loop3A_374 = arith.addf %parallel_loop3A_369, %parallel_loop3A_373 : vector<16xf32>
        %parallel_loop3A_375 = arith.index_cast %parallel_loop3A_84 : i32 to index
        %parallel_loop3A_376 = arith.constant 240 : index
        %parallel_loop3A_377 = tpu.vector_load %arg11[%parallel_loop3A_375, %parallel_loop3A_376] {strides = array<i32>} : memref<64x256xf32, #tpu.memory_space<vmem>>, vector<16xf32>,
        tpu.vector_store %arg11[%parallel_loop3A_375, %parallel_loop3A_376], %parallel_loop3A_374 {strides = array<i32>} : memref<64x256xf32, #tpu.memory_space<vmem>>, vector<16xf32>,
      } {sc.loop_unroll_factor = 4 : i64, sc.parallel_access}
      %add3A_82 = arith.addi %mul3A_2, %mul3A_45 : i32
      "tpu.region"() ({
        %run_scoped3A = tpu.sem_alloc : memref<!tpu.dma_semaphore, #tpu.memory_space<semaphore_mem>>
        %dma_start3A_84 = arith.constant 0 : i32
        %dma_start3A_85 = tpu.memref_slice %arg5[%add3A_82, %dma_start3A_84] : memref<8192x256xf32, #tpu.memory_space<hbm>> -> memref<64x256xf32, #tpu.memory_space<hbm>>
        %dma_start3A_86 = arith.constant 0 : i32
        %dma_start3A_87 = tpu.memref_slice %arg5[%add3A_82, %dma_start3A_86] : memref<8192x256xf32, #tpu.memory_space<hbm>> -> memref<64x256xf32, #tpu.memory_space<hbm>>
        tpu.enqueue_dma source(%arg11 : memref<64x256xf32, #tpu.memory_space<vmem>>) target(%dma_start3A_87 : memref<64x256xf32, #tpu.memory_space<hbm>>) target_semaphore(%run_scoped3A : memref<!tpu.dma_semaphore, #tpu.memory_space<semaphore_mem>>)
        %dma_wait3A_88 = arith.constant 0 : i32
        %dma_wait3A_89 = tpu.memref_slice %arg5[%add3A_82, %dma_wait3A_88] : memref<8192x256xf32, #tpu.memory_space<hbm>> -> memref<64x256xf32, #tpu.memory_space<hbm>>
        %dma_wait3A_90 = arith.constant 0 : i32
        %dma_wait3A_91 = tpu.memref_slice %arg5[%add3A_82, %dma_wait3A_90] : memref<8192x256xf32, #tpu.memory_space<hbm>> -> memref<64x256xf32, #tpu.memory_space<hbm>>
        tpu.wait_dma2 semaphore(%run_scoped3A : memref<!tpu.dma_semaphore, #tpu.memory_space<semaphore_mem>>) src(%arg11 : memref<64x256xf32, #tpu.memory_space<vmem>>) dst(%dma_wait3A_91 : memref<64x256xf32, #tpu.memory_space<hbm>>)
        tpu.yield
      }) : () -> ()
      %scan3A_83 = arith.constant 0 : i32
      scf.yield %scan3A_83 : i32
    }
    %scan3A_41 = arith.constant 4 : i32
    return
  }
}

#map = affine_map<(d0, d1) -> (0, 0, 0)>
#map1 = affine_map<(d0, d1) -> (0, 0)>
module attributes {stable_mosaic.version = 14 : i64} {
  func.func @k(%arg0: i32, %arg1: i32, %arg2: memref<2x3x4096xi32, #tpu.memory_space<hbm>>, %arg3: memref<2x3x4096xf32, #tpu.memory_space<hbm>>, %arg4: memref<2048x256xf32, #tpu.memory_space<hbm>>, %arg5: memref<8192x256xf32, #tpu.memory_space<hbm>>, %arg6: memref<3x256xi32, #tpu.memory_space<vmem>>, %arg7: memref<3x272xf32, #tpu.memory_space<vmem>>, %arg8: memref<64x256xf32, #tpu.memory_space<vmem>>, %arg9: memref<64x256xf32, #tpu.memory_space<vmem>>, %arg10: memref<64x256xf32, #tpu.memory_space<vmem>>, %arg11: memref<64x256xf32, #tpu.memory_space<vmem>>, %arg12: memref<!tpu.dma_semaphore, #tpu.memory_space<semaphore_mem>>) attributes {dimension_semantics = [#tpu.dimension_semantics<core_parallel>, #tpu.dimension_semantics<subcore_parallel>], iteration_bounds = array<i64: 2, 16>, scalar_prefetch = 0 : i64, scratch_operands = 7 : i64, tpu.core_type = #tpu.core_type<sc_vector_subcore>, window_params = [{transform_indices = #map}, {transform_indices = #map}, {transform_indices = #map1}, {transform_indices = #map1}]} {
    %mul3A = arith.constant 2 : i32
    %mul3A_0 = arith.muli %arg1, %mul3A : i32
    %add3A = arith.addi %mul3A_0, %arg0 : i32
    %mul3A_1 = arith.constant 256 : i32
    %mul3A_2 = arith.muli %add3A, %mul3A_1 : i32
    %jit3A = arith.constant 16 : i32
    %div3A = arith.divsi %add3A, %jit3A : i32
    %sign3A = arith.constant 0 : i32
    %sign3A_3 = arith.cmpi sgt, %add3A, %sign3A : i32
    %sign3A_4 = arith.extui %sign3A_3 : i1 to i32
    %sign3A_5 = arith.constant 0 : i32
    %sign3A_6 = arith.cmpi slt, %add3A, %sign3A_5 : i32
    %sign3A_7 = arith.extui %sign3A_6 : i1 to i32
    %sign3A_8 = arith.subi %sign3A_4, %sign3A_7 : i32
    %sign3A_9 = arith.constant 0 : i32
    %sign3A_10 = arith.cmpi sgt, %jit3A, %sign3A_9 : i32
    %sign3A_11 = arith.extui %sign3A_10 : i1 to i32
    %sign3A_12 = arith.constant 0 : i32
    %sign3A_13 = arith.cmpi slt, %jit3A, %sign3A_12 : i32
    %sign3A_14 = arith.extui %sign3A_13 : i1 to i32
    %sign3A_15 = arith.subi %sign3A_11, %sign3A_14 : i32
    %ne3A = arith.cmpi ne, %sign3A_8, %sign3A_15 : i32
    %rem3A = arith.remsi %add3A, %jit3A : i32
    %ne3A_16 = arith.constant 0 : i32
    %ne3A_17 = arith.cmpi ne, %rem3A, %ne3A_16 : i32
    %and3A = arith.andi %ne3A, %ne3A_17 : i1
    %sub3A = arith.constant 1 : i32
    %sub3A_18 = arith.subi %div3A, %sub3A : i32
    %select_n3A = arith.select %and3A, %sub3A_18, %div3A : i32
    %jit3A_19 = arith.constant 16 : i32
    %eq3A = arith.constant 0 : i32
    %eq3A_20 = arith.cmpi eq, %jit3A_19, %eq3A : i32
    %jit3A_21 = arith.constant 1 : i32
    %select_n3A_22 = arith.select %eq3A_20, %jit3A_21, %jit3A_19 : i32
    %rem3A_23 = arith.remsi %add3A, %select_n3A_22 : i32
    %ne3A_24 = arith.constant 0 : i32
    %ne3A_25 = arith.cmpi ne, %rem3A_23, %ne3A_24 : i32
    %lt3A = arith.constant 0 : i32
    %lt3A_26 = arith.cmpi slt, %rem3A_23, %lt3A : i32
    %lt3A_27 = arith.constant 0 : i32
    %lt3A_28 = arith.cmpi slt, %select_n3A_22, %lt3A_27 : i32
    %ne3A_29 = arith.xori %lt3A_26, %lt3A_28 : i1
    %and3A_30 = arith.andi %ne3A_29, %ne3A_25 : i1
    %add3A_31 = arith.addi %rem3A_23, %select_n3A_22 : i32
    %select_n3A_32 = arith.select %and3A_30, %add3A_31, %rem3A_23 : i32
    %mul3A_33 = arith.constant 256 : i32
    %mul3A_34 = arith.muli %select_n3A_32, %mul3A_33 : i32
    %broadcast_in_dim3A = arith.constant 0 : i32
    %broadcast_in_dim3A_35 = vector.broadcast %broadcast_in_dim3A : i32 to vector<16x1xi32>
    "tpu.region"() ({
      %run_scoped3A = tpu.sem_alloc : memref<!tpu.dma_semaphore, #tpu.memory_space<semaphore_mem>>
      %dma_start3A = arith.constant 0 : i32
      %dma_start3A_42 = tpu.memref_slice %arg2[%select_n3A, %dma_start3A, %mul3A_34] : memref<2x3x4096xi32, #tpu.memory_space<hbm>> -> memref<1x3x256xi32, #tpu.memory_space<hbm>>
      %dma_start3A_43 = tpu.memref_squeeze %dma_start3A_42 : memref<1x3x256xi32, #tpu.memory_space<hbm>> -> memref<3x256xi32, #tpu.memory_space<hbm>>
      %dma_start3A_44 = arith.constant 0 : i32
      %dma_start3A_45 = tpu.memref_slice %arg2[%select_n3A, %dma_start3A_44, %mul3A_34] : memref<2x3x4096xi32, #tpu.memory_space<hbm>> -> memref<1x3x256xi32, #tpu.memory_space<hbm>>
      %dma_start3A_46 = tpu.memref_squeeze %dma_start3A_45 : memref<1x3x256xi32, #tpu.memory_space<hbm>> -> memref<3x256xi32, #tpu.memory_space<hbm>>
      tpu.enqueue_dma source(%dma_start3A_46 : memref<3x256xi32, #tpu.memory_space<hbm>>) target(%arg6 : memref<3x256xi32, #tpu.memory_space<vmem>>) target_semaphore(%run_scoped3A : memref<!tpu.dma_semaphore, #tpu.memory_space<semaphore_mem>>)
      %dma_wait3A = arith.constant 0 : i32
      %dma_wait3A_47 = tpu.memref_slice %arg2[%select_n3A, %dma_wait3A, %mul3A_34] : memref<2x3x4096xi32, #tpu.memory_space<hbm>> -> memref<1x3x256xi32, #tpu.memory_space<hbm>>
      %dma_wait3A_48 = tpu.memref_squeeze %dma_wait3A_47 : memref<1x3x256xi32, #tpu.memory_space<hbm>> -> memref<3x256xi32, #tpu.memory_space<hbm>>
      %dma_wait3A_49 = arith.constant 0 : i32
      %dma_wait3A_50 = tpu.memref_slice %arg2[%select_n3A, %dma_wait3A_49, %mul3A_34] : memref<2x3x4096xi32, #tpu.memory_space<hbm>> -> memref<1x3x256xi32, #tpu.memory_space<hbm>>
      %dma_wait3A_51 = tpu.memref_squeeze %dma_wait3A_50 : memref<1x3x256xi32, #tpu.memory_space<hbm>> -> memref<3x256xi32, #tpu.memory_space<hbm>>
      tpu.wait_dma2 semaphore(%run_scoped3A : memref<!tpu.dma_semaphore, #tpu.memory_space<semaphore_mem>>) src(%dma_wait3A_51 : memref<3x256xi32, #tpu.memory_space<hbm>>) dst(%arg6 : memref<3x256xi32, #tpu.memory_space<vmem>>)
      tpu.yield
    }) : () -> ()
    "tpu.region"() ({
      %run_scoped3A = tpu.sem_alloc : memref<!tpu.dma_semaphore, #tpu.memory_space<semaphore_mem>>
      %dma_start3A = arith.constant 0 : i32
      %dma_start3A_42 = arith.constant 0 : i32
      %dma_start3A_43 = tpu.memref_slice %arg7[%dma_start3A, %dma_start3A_42] : memref<3x272xf32, #tpu.memory_space<vmem>> -> memref<3x256xf32, #tpu.memory_space<vmem>>
      %dma_start3A_44 = arith.constant 0 : i32
      %dma_start3A_45 = tpu.memref_slice %arg3[%select_n3A, %dma_start3A_44, %mul3A_34] : memref<2x3x4096xf32, #tpu.memory_space<hbm>> -> memref<1x3x256xf32, #tpu.memory_space<hbm>>
      %dma_start3A_46 = tpu.memref_squeeze %dma_start3A_45 : memref<1x3x256xf32, #tpu.memory_space<hbm>> -> memref<3x256xf32, #tpu.memory_space<hbm>>
      %dma_start3A_47 = arith.constant 0 : i32
      %dma_start3A_48 = arith.constant 0 : i32
      %dma_start3A_49 = tpu.memref_slice %arg7[%dma_start3A_47, %dma_start3A_48] : memref<3x272xf32, #tpu.memory_space<vmem>> -> memref<3x256xf32, #tpu.memory_space<vmem>>
      %dma_start3A_50 = arith.constant 0 : i32
      %dma_start3A_51 = tpu.memref_slice %arg3[%select_n3A, %dma_start3A_50, %mul3A_34] : memref<2x3x4096xf32, #tpu.memory_space<hbm>> -> memref<1x3x256xf32, #tpu.memory_space<hbm>>
      %dma_start3A_52 = tpu.memref_squeeze %dma_start3A_51 : memref<1x3x256xf32, #tpu.memory_space<hbm>> -> memref<3x256xf32, #tpu.memory_space<hbm>>
      tpu.enqueue_dma source(%dma_start3A_52 : memref<3x256xf32, #tpu.memory_space<hbm>>) target(%dma_start3A_49 : memref<3x256xf32, #tpu.memory_space<vmem>>) target_semaphore(%run_scoped3A : memref<!tpu.dma_semaphore, #tpu.memory_space<semaphore_mem>>)
      %dma_wait3A = arith.constant 0 : i32
      %dma_wait3A_53 = arith.constant 0 : i32
      %dma_wait3A_54 = tpu.memref_slice %arg7[%dma_wait3A, %dma_wait3A_53] : memref<3x272xf32, #tpu.memory_space<vmem>> -> memref<3x256xf32, #tpu.memory_space<vmem>>
      %dma_wait3A_55 = arith.constant 0 : i32
      %dma_wait3A_56 = tpu.memref_slice %arg3[%select_n3A, %dma_wait3A_55, %mul3A_34] : memref<2x3x4096xf32, #tpu.memory_space<hbm>> -> memref<1x3x256xf32, #tpu.memory_space<hbm>>
      %dma_wait3A_57 = tpu.memref_squeeze %dma_wait3A_56 : memref<1x3x256xf32, #tpu.memory_space<hbm>> -> memref<3x256xf32, #tpu.memory_space<hbm>>
      %dma_wait3A_58 = arith.constant 0 : i32
      %dma_wait3A_59 = arith.constant 0 : i32
      %dma_wait3A_60 = tpu.memref_slice %arg7[%dma_wait3A_58, %dma_wait3A_59] : memref<3x272xf32, #tpu.memory_space<vmem>> -> memref<3x256xf32, #tpu.memory_space<vmem>>
      %dma_wait3A_61 = arith.constant 0 : i32
      %dma_wait3A_62 = tpu.memref_slice %arg3[%select_n3A, %dma_wait3A_61, %mul3A_34] : memref<2x3x4096xf32, #tpu.memory_space<hbm>> -> memref<1x3x256xf32, #tpu.memory_space<hbm>>
      %dma_wait3A_63 = tpu.memref_squeeze %dma_wait3A_62 : memref<1x3x256xf32, #tpu.memory_space<hbm>> -> memref<3x256xf32, #tpu.memory_space<hbm>>
      tpu.wait_dma2 semaphore(%run_scoped3A : memref<!tpu.dma_semaphore, #tpu.memory_space<semaphore_mem>>) src(%dma_wait3A_63 : memref<3x256xf32, #tpu.memory_space<hbm>>) dst(%dma_wait3A_60 : memref<3x256xf32, #tpu.memory_space<vmem>>)
      tpu.yield
    }) : () -> ()
    %scan3A = arith.constant 0 : i32
    %scan3A_36 = arith.constant 0 : i32
    %scan3A_37 = arith.constant 4 : i32
    %scan3A_38 = arith.addi %scan3A_36, %scan3A_37 : i32
    %scan3A_39 = arith.constant 1 : i32
    %scan3A_40 = scf.for %scan3A_42 = %scan3A_36 to %scan3A_38 step %scan3A_39 iter_args(%scan3A_43 = %scan3A) -> (i32)  : i32 {
      %mul3A_44 = arith.constant 64 : i32
      %mul3A_45 = arith.muli %scan3A_42, %mul3A_44 : i32
      %dma_start3A = arith.constant 0 : i32
      %dma_start3A_46 = tpu.memref_slice %arg6[%dma_start3A, %mul3A_45] : memref<3x256xi32, #tpu.memory_space<vmem>> -> memref<1x64xi32, #tpu.memory_space<vmem>>
      %dma_start3A_47 = tpu.memref_squeeze %dma_start3A_46 : memref<1x64xi32, #tpu.memory_space<vmem>> -> memref<64xi32, #tpu.memory_space<vmem>>
      %dma_start3A_48 = arith.constant 0 : i32
      %dma_start3A_49 = arith.constant 0 : i32
      %dma_start3A_50 = tpu.memref_slice %arg4[%dma_start3A_48, %dma_start3A_49] : memref<2048x256xf32, #tpu.memory_space<hbm>> -> memref<2048x256xf32, #tpu.memory_space<hbm>>
      tpu.enqueue_indirect_dma source(%dma_start3A_50 : memref<2048x256xf32, #tpu.memory_space<hbm>>) target(%arg8 : memref<64x256xf32, #tpu.memory_space<vmem>>) offsets(%dma_start3A_47 : memref<64xi32, #tpu.memory_space<vmem>>) semaphore(%arg12 : memref<!tpu.dma_semaphore, #tpu.memory_space<semaphore_mem>>)
      %dma_start3A_51 = arith.constant 1 : i32
      %dma_start3A_52 = tpu.memref_slice %arg6[%dma_start3A_51, %mul3A_45] : memref<3x256xi32, #tpu.memory_space<vmem>> -> memref<1x64xi32, #tpu.memory_space<vmem>>
      %dma_start3A_53 = tpu.memref_squeeze %dma_start3A_52 : memref<1x64xi32, #tpu.memory_space<vmem>> -> memref<64xi32, #tpu.memory_space<vmem>>
      %dma_start3A_54 = arith.constant 0 : i32
      %dma_start3A_55 = arith.constant 0 : i32
      %dma_start3A_56 = tpu.memref_slice %arg4[%dma_start3A_54, %dma_start3A_55] : memref<2048x256xf32, #tpu.memory_space<hbm>> -> memref<2048x256xf32, #tpu.memory_space<hbm>>
      tpu.enqueue_indirect_dma source(%dma_start3A_56 : memref<2048x256xf32, #tpu.memory_space<hbm>>) target(%arg9 : memref<64x256xf32, #tpu.memory_space<vmem>>) offsets(%dma_start3A_53 : memref<64xi32, #tpu.memory_space<vmem>>) semaphore(%arg12 : memref<!tpu.dma_semaphore, #tpu.memory_space<semaphore_mem>>)
      %dma_start3A_57 = arith.constant 2 : i32
      %dma_start3A_58 = tpu.memref_slice %arg6[%dma_start3A_57, %mul3A_45] : memref<3x256xi32, #tpu.memory_space<vmem>> -> memref<1x64xi32, #tpu.memory_space<vmem>>
      %dma_start3A_59 = tpu.memref_squeeze %dma_start3A_58 : memref<1x64xi32, #tpu.memory_space<vmem>> -> memref<64xi32, #tpu.memory_space<vmem>>
      %dma_start3A_60 = arith.constant 0 : i32
      %dma_start3A_61 = arith.constant 0 : i32
      %dma_start3A_62 = tpu.memref_slice %arg4[%dma_start3A_60, %dma_start3A_61] : memref<2048x256xf32, #tpu.memory_space<hbm>> -> memref<2048x256xf32, #tpu.memory_space<hbm>>
      tpu.enqueue_indirect_dma source(%dma_start3A_62 : memref<2048x256xf32, #tpu.memory_space<hbm>>) target(%arg10 : memref<64x256xf32, #tpu.memory_space<vmem>>) offsets(%dma_start3A_59 : memref<64xi32, #tpu.memory_space<vmem>>) semaphore(%arg12 : memref<!tpu.dma_semaphore, #tpu.memory_space<semaphore_mem>>)
      %dma_wait3A = arith.constant 0 : i32
      %dma_wait3A_63 = tpu.memref_slice %arg6[%dma_wait3A, %mul3A_45] : memref<3x256xi32, #tpu.memory_space<vmem>> -> memref<1x64xi32, #tpu.memory_space<vmem>>
      %dma_wait3A_64 = tpu.memref_squeeze %dma_wait3A_63 : memref<1x64xi32, #tpu.memory_space<vmem>> -> memref<64xi32, #tpu.memory_space<vmem>>
      %dma_wait3A_65 = arith.constant 0 : i32
      %dma_wait3A_66 = arith.constant 0 : i32
      %dma_wait3A_67 = tpu.memref_slice %arg4[%dma_wait3A_65, %dma_wait3A_66] : memref<2048x256xf32, #tpu.memory_space<hbm>> -> memref<2048x256xf32, #tpu.memory_space<hbm>>
      tpu.wait_indirect_dma semaphore(%arg12 : memref<!tpu.dma_semaphore, #tpu.memory_space<semaphore_mem>>) src(%dma_wait3A_67 : memref<2048x256xf32, #tpu.memory_space<hbm>>) dst(%arg8 : memref<64x256xf32, #tpu.memory_space<vmem>>)
      %dma_wait3A_68 = arith.constant 1 : i32
      %dma_wait3A_69 = tpu.memref_slice %arg6[%dma_wait3A_68, %mul3A_45] : memref<3x256xi32, #tpu.memory_space<vmem>> -> memref<1x64xi32, #tpu.memory_space<vmem>>
      %dma_wait3A_70 = tpu.memref_squeeze %dma_wait3A_69 : memref<1x64xi32, #tpu.memory_space<vmem>> -> memref<64xi32, #tpu.memory_space<vmem>>
      %dma_wait3A_71 = arith.constant 0 : i32
      %dma_wait3A_72 = arith.constant 0 : i32
      %dma_wait3A_73 = tpu.memref_slice %arg4[%dma_wait3A_71, %dma_wait3A_72] : memref<2048x256xf32, #tpu.memory_space<hbm>> -> memref<2048x256xf32, #tpu.memory_space<hbm>>
      tpu.wait_indirect_dma semaphore(%arg12 : memref<!tpu.dma_semaphore, #tpu.memory_space<semaphore_mem>>) src(%dma_wait3A_73 : memref<2048x256xf32, #tpu.memory_space<hbm>>) dst(%arg9 : memref<64x256xf32, #tpu.memory_space<vmem>>)
      %dma_wait3A_74 = arith.constant 2 : i32
      %dma_wait3A_75 = tpu.memref_slice %arg6[%dma_wait3A_74, %mul3A_45] : memref<3x256xi32, #tpu.memory_space<vmem>> -> memref<1x64xi32, #tpu.memory_space<vmem>>
      %dma_wait3A_76 = tpu.memref_squeeze %dma_wait3A_75 : memref<1x64xi32, #tpu.memory_space<vmem>> -> memref<64xi32, #tpu.memory_space<vmem>>
      %dma_wait3A_77 = arith.constant 0 : i32
      %dma_wait3A_78 = arith.constant 0 : i32
      %dma_wait3A_79 = tpu.memref_slice %arg4[%dma_wait3A_77, %dma_wait3A_78] : memref<2048x256xf32, #tpu.memory_space<hbm>> -> memref<2048x256xf32, #tpu.memory_space<hbm>>
      tpu.wait_indirect_dma semaphore(%arg12 : memref<!tpu.dma_semaphore, #tpu.memory_space<semaphore_mem>>) src(%dma_wait3A_79 : memref<2048x256xf32, #tpu.memory_space<hbm>>) dst(%arg10 : memref<64x256xf32, #tpu.memory_space<vmem>>)
      %parallel_loop3A = arith.constant 0 : i32
      %parallel_loop3A_80 = arith.constant 64 : i32
      %parallel_loop3A_81 = arith.constant 1 : i32
      scf.for %parallel_loop3A_84 = %parallel_loop3A to %parallel_loop3A_80 step %parallel_loop3A_81  : i32 {
        %parallel_loop3A_85 = arith.addi %mul3A_45, %parallel_loop3A_84 : i32
        %parallel_loop3A_86 = arith.constant 0 : i32
        %parallel_loop3A_87 = arith.index_cast %parallel_loop3A_86 : i32 to index
        %parallel_loop3A_88 = arith.index_cast %parallel_loop3A_85 : i32 to index
        %parallel_loop3A_89 = tpu.vector_load %arg7[%parallel_loop3A_87, %parallel_loop3A_88] {strides = array<i32>} : memref<3x272xf32, #tpu.memory_space<vmem>>, vector<16xf32>,
        %parallel_loop3A_90 = vector.shape_cast %broadcast_in_dim3A_35 : vector<16x1xi32> to vector<16xi32>
        %parallel_loop3A_91 = tpu.dynamic_gather %parallel_loop3A_89[%parallel_loop3A_90] in [0] : vector<16xf32>, vector<16xi32> -> vector<16xf32>
        %parallel_loop3A_92 = arith.addi %mul3A_45, %parallel_loop3A_84 : i32
        %parallel_loop3A_93 = arith.constant 1 : i32
        %parallel_loop3A_94 = arith.index_cast %parallel_loop3A_93 : i32 to index
        %parallel_loop3A_95 = arith.index_cast %parallel_loop3A_92 : i32 to index
        %parallel_loop3A_96 = tpu.vector_load %arg7[%parallel_loop3A_94, %parallel_loop3A_95] {strides = array<i32>} : memref<3x272xf32, #tpu.memory_space<vmem>>, vector<16xf32>,
        %parallel_loop3A_97 = vector.shape_cast %broadcast_in_dim3A_35 : vector<16x1xi32> to vector<16xi32>
        %parallel_loop3A_98 = tpu.dynamic_gather %parallel_loop3A_96[%parallel_loop3A_97] in [0] : vector<16xf32>, vector<16xi32> -> vector<16xf32>
        %parallel_loop3A_99 = arith.addi %mul3A_45, %parallel_loop3A_84 : i32
        %parallel_loop3A_100 = arith.constant 2 : i32
        %parallel_loop3A_101 = arith.index_cast %parallel_loop3A_100 : i32 to index
        %parallel_loop3A_102 = arith.index_cast %parallel_loop3A_99 : i32 to index
        %parallel_loop3A_103 = tpu.vector_load %arg7[%parallel_loop3A_101, %parallel_loop3A_102] {strides = array<i32>} : memref<3x272xf32, #tpu.memory_space<vmem>>, vector<16xf32>,
        %parallel_loop3A_104 = vector.shape_cast %broadcast_in_dim3A_35 : vector<16x1xi32> to vector<16xi32>
        %parallel_loop3A_105 = tpu.dynamic_gather %parallel_loop3A_103[%parallel_loop3A_104] in [0] : vector<16xf32>, vector<16xi32> -> vector<16xf32>
        %parallel_loop3A_106 = arith.index_cast %parallel_loop3A_84 : i32 to index
        %parallel_loop3A_107 = arith.constant 0 : index
        %parallel_loop3A_108 = tpu.vector_load %arg8[%parallel_loop3A_106, %parallel_loop3A_107] {strides = array<i32>} : memref<64x256xf32, #tpu.memory_space<vmem>>, vector<16xf32>,
        %parallel_loop3A_109 = arith.mulf %parallel_loop3A_108, %parallel_loop3A_91 : vector<16xf32>
        %parallel_loop3A_110 = arith.index_cast %parallel_loop3A_84 : i32 to index
        %parallel_loop3A_111 = arith.constant 0 : index
        %parallel_loop3A_112 = tpu.vector_load %arg9[%parallel_loop3A_110, %parallel_loop3A_111] {strides = array<i32>} : memref<64x256xf32, #tpu.memory_space<vmem>>, vector<16xf32>,
        %parallel_loop3A_113 = arith.mulf %parallel_loop3A_112, %parallel_loop3A_98 : vector<16xf32>
        %parallel_loop3A_114 = arith.addf %parallel_loop3A_109, %parallel_loop3A_113 : vector<16xf32>
        %parallel_loop3A_115 = arith.index_cast %parallel_loop3A_84 : i32 to index
        %parallel_loop3A_116 = arith.constant 0 : index
        %parallel_loop3A_117 = tpu.vector_load %arg10[%parallel_loop3A_115, %parallel_loop3A_116] {strides = array<i32>} : memref<64x256xf32, #tpu.memory_space<vmem>>, vector<16xf32>,
        %parallel_loop3A_118 = arith.mulf %parallel_loop3A_117, %parallel_loop3A_105 : vector<16xf32>
        %parallel_loop3A_119 = arith.addf %parallel_loop3A_114, %parallel_loop3A_118 : vector<16xf32>
        %parallel_loop3A_120 = arith.index_cast %parallel_loop3A_84 : i32 to index
        %parallel_loop3A_121 = arith.constant 0 : index
        %parallel_loop3A_122 = tpu.vector_load %arg11[%parallel_loop3A_120, %parallel_loop3A_121] {strides = array<i32>} : memref<64x256xf32, #tpu.memory_space<vmem>>, vector<16xf32>,
        tpu.vector_store %arg11[%parallel_loop3A_120, %parallel_loop3A_121], %parallel_loop3A_119 {strides = array<i32>} : memref<64x256xf32, #tpu.memory_space<vmem>>, vector<16xf32>,
        %parallel_loop3A_123 = arith.index_cast %parallel_loop3A_84 : i32 to index
        %parallel_loop3A_124 = arith.constant 16 : index
        %parallel_loop3A_125 = tpu.vector_load %arg8[%parallel_loop3A_123, %parallel_loop3A_124] {strides = array<i32>} : memref<64x256xf32, #tpu.memory_space<vmem>>, vector<16xf32>,
        %parallel_loop3A_126 = arith.mulf %parallel_loop3A_125, %parallel_loop3A_91 : vector<16xf32>
        %parallel_loop3A_127 = arith.index_cast %parallel_loop3A_84 : i32 to index
        %parallel_loop3A_128 = arith.constant 16 : index
        %parallel_loop3A_129 = tpu.vector_load %arg9[%parallel_loop3A_127, %parallel_loop3A_128] {strides = array<i32>} : memref<64x256xf32, #tpu.memory_space<vmem>>, vector<16xf32>,
        %parallel_loop3A_130 = arith.mulf %parallel_loop3A_129, %parallel_loop3A_98 : vector<16xf32>
        %parallel_loop3A_131 = arith.addf %parallel_loop3A_126, %parallel_loop3A_130 : vector<16xf32>
        %parallel_loop3A_132 = arith.index_cast %parallel_loop3A_84 : i32 to index
        %parallel_loop3A_133 = arith.constant 16 : index
        %parallel_loop3A_134 = tpu.vector_load %arg10[%parallel_loop3A_132, %parallel_loop3A_133] {strides = array<i32>} : memref<64x256xf32, #tpu.memory_space<vmem>>, vector<16xf32>,
        %parallel_loop3A_135 = arith.mulf %parallel_loop3A_134, %parallel_loop3A_105 : vector<16xf32>
        %parallel_loop3A_136 = arith.addf %parallel_loop3A_131, %parallel_loop3A_135 : vector<16xf32>
        %parallel_loop3A_137 = arith.index_cast %parallel_loop3A_84 : i32 to index
        %parallel_loop3A_138 = arith.constant 16 : index
        %parallel_loop3A_139 = tpu.vector_load %arg11[%parallel_loop3A_137, %parallel_loop3A_138] {strides = array<i32>} : memref<64x256xf32, #tpu.memory_space<vmem>>, vector<16xf32>,
        tpu.vector_store %arg11[%parallel_loop3A_137, %parallel_loop3A_138], %parallel_loop3A_136 {strides = array<i32>} : memref<64x256xf32, #tpu.memory_space<vmem>>, vector<16xf32>,
        %parallel_loop3A_140 = arith.index_cast %parallel_loop3A_84 : i32 to index
        %parallel_loop3A_141 = arith.constant 32 : index
        %parallel_loop3A_142 = tpu.vector_load %arg8[%parallel_loop3A_140, %parallel_loop3A_141] {strides = array<i32>} : memref<64x256xf32, #tpu.memory_space<vmem>>, vector<16xf32>,
        %parallel_loop3A_143 = arith.mulf %parallel_loop3A_142, %parallel_loop3A_91 : vector<16xf32>
        %parallel_loop3A_144 = arith.index_cast %parallel_loop3A_84 : i32 to index
        %parallel_loop3A_145 = arith.constant 32 : index
        %parallel_loop3A_146 = tpu.vector_load %arg9[%parallel_loop3A_144, %parallel_loop3A_145] {strides = array<i32>} : memref<64x256xf32, #tpu.memory_space<vmem>>, vector<16xf32>,
        %parallel_loop3A_147 = arith.mulf %parallel_loop3A_146, %parallel_loop3A_98 : vector<16xf32>
        %parallel_loop3A_148 = arith.addf %parallel_loop3A_143, %parallel_loop3A_147 : vector<16xf32>
        %parallel_loop3A_149 = arith.index_cast %parallel_loop3A_84 : i32 to index
        %parallel_loop3A_150 = arith.constant 32 : index
        %parallel_loop3A_151 = tpu.vector_load %arg10[%parallel_loop3A_149, %parallel_loop3A_150] {strides = array<i32>} : memref<64x256xf32, #tpu.memory_space<vmem>>, vector<16xf32>,
        %parallel_loop3A_152 = arith.mulf %parallel_loop3A_151, %parallel_loop3A_105 : vector<16xf32>
        %parallel_loop3A_153 = arith.addf %parallel_loop3A_148, %parallel_loop3A_152 : vector<16xf32>
        %parallel_loop3A_154 = arith.index_cast %parallel_loop3A_84 : i32 to index
        %parallel_loop3A_155 = arith.constant 32 : index
        %parallel_loop3A_156 = tpu.vector_load %arg11[%parallel_loop3A_154, %parallel_loop3A_155] {strides = array<i32>} : memref<64x256xf32, #tpu.memory_space<vmem>>, vector<16xf32>,
        tpu.vector_store %arg11[%parallel_loop3A_154, %parallel_loop3A_155], %parallel_loop3A_153 {strides = array<i32>} : memref<64x256xf32, #tpu.memory_space<vmem>>, vector<16xf32>,
        %parallel_loop3A_157 = arith.index_cast %parallel_loop3A_84 : i32 to index
        %parallel_loop3A_158 = arith.constant 48 : index
        %parallel_loop3A_159 = tpu.vector_load %arg8[%parallel_loop3A_157, %parallel_loop3A_158] {strides = array<i32>} : memref<64x256xf32, #tpu.memory_space<vmem>>, vector<16xf32>,
        %parallel_loop3A_160 = arith.mulf %parallel_loop3A_159, %parallel_loop3A_91 : vector<16xf32>
        %parallel_loop3A_161 = arith.index_cast %parallel_loop3A_84 : i32 to index
        %parallel_loop3A_162 = arith.constant 48 : index
        %parallel_loop3A_163 = tpu.vector_load %arg9[%parallel_loop3A_161, %parallel_loop3A_162] {strides = array<i32>} : memref<64x256xf32, #tpu.memory_space<vmem>>, vector<16xf32>,
        %parallel_loop3A_164 = arith.mulf %parallel_loop3A_163, %parallel_loop3A_98 : vector<16xf32>
        %parallel_loop3A_165 = arith.addf %parallel_loop3A_160, %parallel_loop3A_164 : vector<16xf32>
        %parallel_loop3A_166 = arith.index_cast %parallel_loop3A_84 : i32 to index
        %parallel_loop3A_167 = arith.constant 48 : index
        %parallel_loop3A_168 = tpu.vector_load %arg10[%parallel_loop3A_166, %parallel_loop3A_167] {strides = array<i32>} : memref<64x256xf32, #tpu.memory_space<vmem>>, vector<16xf32>,
        %parallel_loop3A_169 = arith.mulf %parallel_loop3A_168, %parallel_loop3A_105 : vector<16xf32>
        %parallel_loop3A_170 = arith.addf %parallel_loop3A_165, %parallel_loop3A_169 : vector<16xf32>
        %parallel_loop3A_171 = arith.index_cast %parallel_loop3A_84 : i32 to index
        %parallel_loop3A_172 = arith.constant 48 : index
        %parallel_loop3A_173 = tpu.vector_load %arg11[%parallel_loop3A_171, %parallel_loop3A_172] {strides = array<i32>} : memref<64x256xf32, #tpu.memory_space<vmem>>, vector<16xf32>,
        tpu.vector_store %arg11[%parallel_loop3A_171, %parallel_loop3A_172], %parallel_loop3A_170 {strides = array<i32>} : memref<64x256xf32, #tpu.memory_space<vmem>>, vector<16xf32>,
        %parallel_loop3A_174 = arith.index_cast %parallel_loop3A_84 : i32 to index
        %parallel_loop3A_175 = arith.constant 64 : index
        %parallel_loop3A_176 = tpu.vector_load %arg8[%parallel_loop3A_174, %parallel_loop3A_175] {strides = array<i32>} : memref<64x256xf32, #tpu.memory_space<vmem>>, vector<16xf32>,
        %parallel_loop3A_177 = arith.mulf %parallel_loop3A_176, %parallel_loop3A_91 : vector<16xf32>
        %parallel_loop3A_178 = arith.index_cast %parallel_loop3A_84 : i32 to index
        %parallel_loop3A_179 = arith.constant 64 : index
        %parallel_loop3A_180 = tpu.vector_load %arg9[%parallel_loop3A_178, %parallel_loop3A_179] {strides = array<i32>} : memref<64x256xf32, #tpu.memory_space<vmem>>, vector<16xf32>,
        %parallel_loop3A_181 = arith.mulf %parallel_loop3A_180, %parallel_loop3A_98 : vector<16xf32>
        %parallel_loop3A_182 = arith.addf %parallel_loop3A_177, %parallel_loop3A_181 : vector<16xf32>
        %parallel_loop3A_183 = arith.index_cast %parallel_loop3A_84 : i32 to index
        %parallel_loop3A_184 = arith.constant 64 : index
        %parallel_loop3A_185 = tpu.vector_load %arg10[%parallel_loop3A_183, %parallel_loop3A_184] {strides = array<i32>} : memref<64x256xf32, #tpu.memory_space<vmem>>, vector<16xf32>,
        %parallel_loop3A_186 = arith.mulf %parallel_loop3A_185, %parallel_loop3A_105 : vector<16xf32>
        %parallel_loop3A_187 = arith.addf %parallel_loop3A_182, %parallel_loop3A_186 : vector<16xf32>
        %parallel_loop3A_188 = arith.index_cast %parallel_loop3A_84 : i32 to index
        %parallel_loop3A_189 = arith.constant 64 : index
        %parallel_loop3A_190 = tpu.vector_load %arg11[%parallel_loop3A_188, %parallel_loop3A_189] {strides = array<i32>} : memref<64x256xf32, #tpu.memory_space<vmem>>, vector<16xf32>,
        tpu.vector_store %arg11[%parallel_loop3A_188, %parallel_loop3A_189], %parallel_loop3A_187 {strides = array<i32>} : memref<64x256xf32, #tpu.memory_space<vmem>>, vector<16xf32>,
        %parallel_loop3A_191 = arith.index_cast %parallel_loop3A_84 : i32 to index
        %parallel_loop3A_192 = arith.constant 80 : index
        %parallel_loop3A_193 = tpu.vector_load %arg8[%parallel_loop3A_191, %parallel_loop3A_192] {strides = array<i32>} : memref<64x256xf32, #tpu.memory_space<vmem>>, vector<16xf32>,
        %parallel_loop3A_194 = arith.mulf %parallel_loop3A_193, %parallel_loop3A_91 : vector<16xf32>
        %parallel_loop3A_195 = arith.index_cast %parallel_loop3A_84 : i32 to index
        %parallel_loop3A_196 = arith.constant 80 : index
        %parallel_loop3A_197 = tpu.vector_load %arg9[%parallel_loop3A_195, %parallel_loop3A_196] {strides = array<i32>} : memref<64x256xf32, #tpu.memory_space<vmem>>, vector<16xf32>,
        %parallel_loop3A_198 = arith.mulf %parallel_loop3A_197, %parallel_loop3A_98 : vector<16xf32>
        %parallel_loop3A_199 = arith.addf %parallel_loop3A_194, %parallel_loop3A_198 : vector<16xf32>
        %parallel_loop3A_200 = arith.index_cast %parallel_loop3A_84 : i32 to index
        %parallel_loop3A_201 = arith.constant 80 : index
        %parallel_loop3A_202 = tpu.vector_load %arg10[%parallel_loop3A_200, %parallel_loop3A_201] {strides = array<i32>} : memref<64x256xf32, #tpu.memory_space<vmem>>, vector<16xf32>,
        %parallel_loop3A_203 = arith.mulf %parallel_loop3A_202, %parallel_loop3A_105 : vector<16xf32>
        %parallel_loop3A_204 = arith.addf %parallel_loop3A_199, %parallel_loop3A_203 : vector<16xf32>
        %parallel_loop3A_205 = arith.index_cast %parallel_loop3A_84 : i32 to index
        %parallel_loop3A_206 = arith.constant 80 : index
        %parallel_loop3A_207 = tpu.vector_load %arg11[%parallel_loop3A_205, %parallel_loop3A_206] {strides = array<i32>} : memref<64x256xf32, #tpu.memory_space<vmem>>, vector<16xf32>,
        tpu.vector_store %arg11[%parallel_loop3A_205, %parallel_loop3A_206], %parallel_loop3A_204 {strides = array<i32>} : memref<64x256xf32, #tpu.memory_space<vmem>>, vector<16xf32>,
        %parallel_loop3A_208 = arith.index_cast %parallel_loop3A_84 : i32 to index
        %parallel_loop3A_209 = arith.constant 96 : index
        %parallel_loop3A_210 = tpu.vector_load %arg8[%parallel_loop3A_208, %parallel_loop3A_209] {strides = array<i32>} : memref<64x256xf32, #tpu.memory_space<vmem>>, vector<16xf32>,
        %parallel_loop3A_211 = arith.mulf %parallel_loop3A_210, %parallel_loop3A_91 : vector<16xf32>
        %parallel_loop3A_212 = arith.index_cast %parallel_loop3A_84 : i32 to index
        %parallel_loop3A_213 = arith.constant 96 : index
        %parallel_loop3A_214 = tpu.vector_load %arg9[%parallel_loop3A_212, %parallel_loop3A_213] {strides = array<i32>} : memref<64x256xf32, #tpu.memory_space<vmem>>, vector<16xf32>,
        %parallel_loop3A_215 = arith.mulf %parallel_loop3A_214, %parallel_loop3A_98 : vector<16xf32>
        %parallel_loop3A_216 = arith.addf %parallel_loop3A_211, %parallel_loop3A_215 : vector<16xf32>
        %parallel_loop3A_217 = arith.index_cast %parallel_loop3A_84 : i32 to index
        %parallel_loop3A_218 = arith.constant 96 : index
        %parallel_loop3A_219 = tpu.vector_load %arg10[%parallel_loop3A_217, %parallel_loop3A_218] {strides = array<i32>} : memref<64x256xf32, #tpu.memory_space<vmem>>, vector<16xf32>,
        %parallel_loop3A_220 = arith.mulf %parallel_loop3A_219, %parallel_loop3A_105 : vector<16xf32>
        %parallel_loop3A_221 = arith.addf %parallel_loop3A_216, %parallel_loop3A_220 : vector<16xf32>
        %parallel_loop3A_222 = arith.index_cast %parallel_loop3A_84 : i32 to index
        %parallel_loop3A_223 = arith.constant 96 : index
        %parallel_loop3A_224 = tpu.vector_load %arg11[%parallel_loop3A_222, %parallel_loop3A_223] {strides = array<i32>} : memref<64x256xf32, #tpu.memory_space<vmem>>, vector<16xf32>,
        tpu.vector_store %arg11[%parallel_loop3A_222, %parallel_loop3A_223], %parallel_loop3A_221 {strides = array<i32>} : memref<64x256xf32, #tpu.memory_space<vmem>>, vector<16xf32>,
        %parallel_loop3A_225 = arith.index_cast %parallel_loop3A_84 : i32 to index
        %parallel_loop3A_226 = arith.constant 112 : index
        %parallel_loop3A_227 = tpu.vector_load %arg8[%parallel_loop3A_225, %parallel_loop3A_226] {strides = array<i32>} : memref<64x256xf32, #tpu.memory_space<vmem>>, vector<16xf32>,
        %parallel_loop3A_228 = arith.mulf %parallel_loop3A_227, %parallel_loop3A_91 : vector<16xf32>
        %parallel_loop3A_229 = arith.index_cast %parallel_loop3A_84 : i32 to index
        %parallel_loop3A_230 = arith.constant 112 : index
        %parallel_loop3A_231 = tpu.vector_load %arg9[%parallel_loop3A_229, %parallel_loop3A_230] {strides = array<i32>} : memref<64x256xf32, #tpu.memory_space<vmem>>, vector<16xf32>,
        %parallel_loop3A_232 = arith.mulf %parallel_loop3A_231, %parallel_loop3A_98 : vector<16xf32>
        %parallel_loop3A_233 = arith.addf %parallel_loop3A_228, %parallel_loop3A_232 : vector<16xf32>
        %parallel_loop3A_234 = arith.index_cast %parallel_loop3A_84 : i32 to index
        %parallel_loop3A_235 = arith.constant 112 : index
        %parallel_loop3A_236 = tpu.vector_load %arg10[%parallel_loop3A_234, %parallel_loop3A_235] {strides = array<i32>} : memref<64x256xf32, #tpu.memory_space<vmem>>, vector<16xf32>,
        %parallel_loop3A_237 = arith.mulf %parallel_loop3A_236, %parallel_loop3A_105 : vector<16xf32>
        %parallel_loop3A_238 = arith.addf %parallel_loop3A_233, %parallel_loop3A_237 : vector<16xf32>
        %parallel_loop3A_239 = arith.index_cast %parallel_loop3A_84 : i32 to index
        %parallel_loop3A_240 = arith.constant 112 : index
        %parallel_loop3A_241 = tpu.vector_load %arg11[%parallel_loop3A_239, %parallel_loop3A_240] {strides = array<i32>} : memref<64x256xf32, #tpu.memory_space<vmem>>, vector<16xf32>,
        tpu.vector_store %arg11[%parallel_loop3A_239, %parallel_loop3A_240], %parallel_loop3A_238 {strides = array<i32>} : memref<64x256xf32, #tpu.memory_space<vmem>>, vector<16xf32>,
        %parallel_loop3A_242 = arith.index_cast %parallel_loop3A_84 : i32 to index
        %parallel_loop3A_243 = arith.constant 128 : index
        %parallel_loop3A_244 = tpu.vector_load %arg8[%parallel_loop3A_242, %parallel_loop3A_243] {strides = array<i32>} : memref<64x256xf32, #tpu.memory_space<vmem>>, vector<16xf32>,
        %parallel_loop3A_245 = arith.mulf %parallel_loop3A_244, %parallel_loop3A_91 : vector<16xf32>
        %parallel_loop3A_246 = arith.index_cast %parallel_loop3A_84 : i32 to index
        %parallel_loop3A_247 = arith.constant 128 : index
        %parallel_loop3A_248 = tpu.vector_load %arg9[%parallel_loop3A_246, %parallel_loop3A_247] {strides = array<i32>} : memref<64x256xf32, #tpu.memory_space<vmem>>, vector<16xf32>,
        %parallel_loop3A_249 = arith.mulf %parallel_loop3A_248, %parallel_loop3A_98 : vector<16xf32>
        %parallel_loop3A_250 = arith.addf %parallel_loop3A_245, %parallel_loop3A_249 : vector<16xf32>
        %parallel_loop3A_251 = arith.index_cast %parallel_loop3A_84 : i32 to index
        %parallel_loop3A_252 = arith.constant 128 : index
        %parallel_loop3A_253 = tpu.vector_load %arg10[%parallel_loop3A_251, %parallel_loop3A_252] {strides = array<i32>} : memref<64x256xf32, #tpu.memory_space<vmem>>, vector<16xf32>,
        %parallel_loop3A_254 = arith.mulf %parallel_loop3A_253, %parallel_loop3A_105 : vector<16xf32>
        %parallel_loop3A_255 = arith.addf %parallel_loop3A_250, %parallel_loop3A_254 : vector<16xf32>
        %parallel_loop3A_256 = arith.index_cast %parallel_loop3A_84 : i32 to index
        %parallel_loop3A_257 = arith.constant 128 : index
        %parallel_loop3A_258 = tpu.vector_load %arg11[%parallel_loop3A_256, %parallel_loop3A_257] {strides = array<i32>} : memref<64x256xf32, #tpu.memory_space<vmem>>, vector<16xf32>,
        tpu.vector_store %arg11[%parallel_loop3A_256, %parallel_loop3A_257], %parallel_loop3A_255 {strides = array<i32>} : memref<64x256xf32, #tpu.memory_space<vmem>>, vector<16xf32>,
        %parallel_loop3A_259 = arith.index_cast %parallel_loop3A_84 : i32 to index
        %parallel_loop3A_260 = arith.constant 144 : index
        %parallel_loop3A_261 = tpu.vector_load %arg8[%parallel_loop3A_259, %parallel_loop3A_260] {strides = array<i32>} : memref<64x256xf32, #tpu.memory_space<vmem>>, vector<16xf32>,
        %parallel_loop3A_262 = arith.mulf %parallel_loop3A_261, %parallel_loop3A_91 : vector<16xf32>
        %parallel_loop3A_263 = arith.index_cast %parallel_loop3A_84 : i32 to index
        %parallel_loop3A_264 = arith.constant 144 : index
        %parallel_loop3A_265 = tpu.vector_load %arg9[%parallel_loop3A_263, %parallel_loop3A_264] {strides = array<i32>} : memref<64x256xf32, #tpu.memory_space<vmem>>, vector<16xf32>,
        %parallel_loop3A_266 = arith.mulf %parallel_loop3A_265, %parallel_loop3A_98 : vector<16xf32>
        %parallel_loop3A_267 = arith.addf %parallel_loop3A_262, %parallel_loop3A_266 : vector<16xf32>
        %parallel_loop3A_268 = arith.index_cast %parallel_loop3A_84 : i32 to index
        %parallel_loop3A_269 = arith.constant 144 : index
        %parallel_loop3A_270 = tpu.vector_load %arg10[%parallel_loop3A_268, %parallel_loop3A_269] {strides = array<i32>} : memref<64x256xf32, #tpu.memory_space<vmem>>, vector<16xf32>,
        %parallel_loop3A_271 = arith.mulf %parallel_loop3A_270, %parallel_loop3A_105 : vector<16xf32>
        %parallel_loop3A_272 = arith.addf %parallel_loop3A_267, %parallel_loop3A_271 : vector<16xf32>
        %parallel_loop3A_273 = arith.index_cast %parallel_loop3A_84 : i32 to index
        %parallel_loop3A_274 = arith.constant 144 : index
        %parallel_loop3A_275 = tpu.vector_load %arg11[%parallel_loop3A_273, %parallel_loop3A_274] {strides = array<i32>} : memref<64x256xf32, #tpu.memory_space<vmem>>, vector<16xf32>,
        tpu.vector_store %arg11[%parallel_loop3A_273, %parallel_loop3A_274], %parallel_loop3A_272 {strides = array<i32>} : memref<64x256xf32, #tpu.memory_space<vmem>>, vector<16xf32>,
        %parallel_loop3A_276 = arith.index_cast %parallel_loop3A_84 : i32 to index
        %parallel_loop3A_277 = arith.constant 160 : index
        %parallel_loop3A_278 = tpu.vector_load %arg8[%parallel_loop3A_276, %parallel_loop3A_277] {strides = array<i32>} : memref<64x256xf32, #tpu.memory_space<vmem>>, vector<16xf32>,
        %parallel_loop3A_279 = arith.mulf %parallel_loop3A_278, %parallel_loop3A_91 : vector<16xf32>
        %parallel_loop3A_280 = arith.index_cast %parallel_loop3A_84 : i32 to index
        %parallel_loop3A_281 = arith.constant 160 : index
        %parallel_loop3A_282 = tpu.vector_load %arg9[%parallel_loop3A_280, %parallel_loop3A_281] {strides = array<i32>} : memref<64x256xf32, #tpu.memory_space<vmem>>, vector<16xf32>,
        %parallel_loop3A_283 = arith.mulf %parallel_loop3A_282, %parallel_loop3A_98 : vector<16xf32>
        %parallel_loop3A_284 = arith.addf %parallel_loop3A_279, %parallel_loop3A_283 : vector<16xf32>
        %parallel_loop3A_285 = arith.index_cast %parallel_loop3A_84 : i32 to index
        %parallel_loop3A_286 = arith.constant 160 : index
        %parallel_loop3A_287 = tpu.vector_load %arg10[%parallel_loop3A_285, %parallel_loop3A_286] {strides = array<i32>} : memref<64x256xf32, #tpu.memory_space<vmem>>, vector<16xf32>,
        %parallel_loop3A_288 = arith.mulf %parallel_loop3A_287, %parallel_loop3A_105 : vector<16xf32>
        %parallel_loop3A_289 = arith.addf %parallel_loop3A_284, %parallel_loop3A_288 : vector<16xf32>
        %parallel_loop3A_290 = arith.index_cast %parallel_loop3A_84 : i32 to index
        %parallel_loop3A_291 = arith.constant 160 : index
        %parallel_loop3A_292 = tpu.vector_load %arg11[%parallel_loop3A_290, %parallel_loop3A_291] {strides = array<i32>} : memref<64x256xf32, #tpu.memory_space<vmem>>, vector<16xf32>,
        tpu.vector_store %arg11[%parallel_loop3A_290, %parallel_loop3A_291], %parallel_loop3A_289 {strides = array<i32>} : memref<64x256xf32, #tpu.memory_space<vmem>>, vector<16xf32>,
        %parallel_loop3A_293 = arith.index_cast %parallel_loop3A_84 : i32 to index
        %parallel_loop3A_294 = arith.constant 176 : index
        %parallel_loop3A_295 = tpu.vector_load %arg8[%parallel_loop3A_293, %parallel_loop3A_294] {strides = array<i32>} : memref<64x256xf32, #tpu.memory_space<vmem>>, vector<16xf32>,
        %parallel_loop3A_296 = arith.mulf %parallel_loop3A_295, %parallel_loop3A_91 : vector<16xf32>
        %parallel_loop3A_297 = arith.index_cast %parallel_loop3A_84 : i32 to index
        %parallel_loop3A_298 = arith.constant 176 : index
        %parallel_loop3A_299 = tpu.vector_load %arg9[%parallel_loop3A_297, %parallel_loop3A_298] {strides = array<i32>} : memref<64x256xf32, #tpu.memory_space<vmem>>, vector<16xf32>,
        %parallel_loop3A_300 = arith.mulf %parallel_loop3A_299, %parallel_loop3A_98 : vector<16xf32>
        %parallel_loop3A_301 = arith.addf %parallel_loop3A_296, %parallel_loop3A_300 : vector<16xf32>
        %parallel_loop3A_302 = arith.index_cast %parallel_loop3A_84 : i32 to index
        %parallel_loop3A_303 = arith.constant 176 : index
        %parallel_loop3A_304 = tpu.vector_load %arg10[%parallel_loop3A_302, %parallel_loop3A_303] {strides = array<i32>} : memref<64x256xf32, #tpu.memory_space<vmem>>, vector<16xf32>,
        %parallel_loop3A_305 = arith.mulf %parallel_loop3A_304, %parallel_loop3A_105 : vector<16xf32>
        %parallel_loop3A_306 = arith.addf %parallel_loop3A_301, %parallel_loop3A_305 : vector<16xf32>
        %parallel_loop3A_307 = arith.index_cast %parallel_loop3A_84 : i32 to index
        %parallel_loop3A_308 = arith.constant 176 : index
        %parallel_loop3A_309 = tpu.vector_load %arg11[%parallel_loop3A_307, %parallel_loop3A_308] {strides = array<i32>} : memref<64x256xf32, #tpu.memory_space<vmem>>, vector<16xf32>,
        tpu.vector_store %arg11[%parallel_loop3A_307, %parallel_loop3A_308], %parallel_loop3A_306 {strides = array<i32>} : memref<64x256xf32, #tpu.memory_space<vmem>>, vector<16xf32>,
        %parallel_loop3A_310 = arith.index_cast %parallel_loop3A_84 : i32 to index
        %parallel_loop3A_311 = arith.constant 192 : index
        %parallel_loop3A_312 = tpu.vector_load %arg8[%parallel_loop3A_310, %parallel_loop3A_311] {strides = array<i32>} : memref<64x256xf32, #tpu.memory_space<vmem>>, vector<16xf32>,
        %parallel_loop3A_313 = arith.mulf %parallel_loop3A_312, %parallel_loop3A_91 : vector<16xf32>
        %parallel_loop3A_314 = arith.index_cast %parallel_loop3A_84 : i32 to index
        %parallel_loop3A_315 = arith.constant 192 : index
        %parallel_loop3A_316 = tpu.vector_load %arg9[%parallel_loop3A_314, %parallel_loop3A_315] {strides = array<i32>} : memref<64x256xf32, #tpu.memory_space<vmem>>, vector<16xf32>,
        %parallel_loop3A_317 = arith.mulf %parallel_loop3A_316, %parallel_loop3A_98 : vector<16xf32>
        %parallel_loop3A_318 = arith.addf %parallel_loop3A_313, %parallel_loop3A_317 : vector<16xf32>
        %parallel_loop3A_319 = arith.index_cast %parallel_loop3A_84 : i32 to index
        %parallel_loop3A_320 = arith.constant 192 : index
        %parallel_loop3A_321 = tpu.vector_load %arg10[%parallel_loop3A_319, %parallel_loop3A_320] {strides = array<i32>} : memref<64x256xf32, #tpu.memory_space<vmem>>, vector<16xf32>,
        %parallel_loop3A_322 = arith.mulf %parallel_loop3A_321, %parallel_loop3A_105 : vector<16xf32>
        %parallel_loop3A_323 = arith.addf %parallel_loop3A_318, %parallel_loop3A_322 : vector<16xf32>
        %parallel_loop3A_324 = arith.index_cast %parallel_loop3A_84 : i32 to index
        %parallel_loop3A_325 = arith.constant 192 : index
        %parallel_loop3A_326 = tpu.vector_load %arg11[%parallel_loop3A_324, %parallel_loop3A_325] {strides = array<i32>} : memref<64x256xf32, #tpu.memory_space<vmem>>, vector<16xf32>,
        tpu.vector_store %arg11[%parallel_loop3A_324, %parallel_loop3A_325], %parallel_loop3A_323 {strides = array<i32>} : memref<64x256xf32, #tpu.memory_space<vmem>>, vector<16xf32>,
        %parallel_loop3A_327 = arith.index_cast %parallel_loop3A_84 : i32 to index
        %parallel_loop3A_328 = arith.constant 208 : index
        %parallel_loop3A_329 = tpu.vector_load %arg8[%parallel_loop3A_327, %parallel_loop3A_328] {strides = array<i32>} : memref<64x256xf32, #tpu.memory_space<vmem>>, vector<16xf32>,
        %parallel_loop3A_330 = arith.mulf %parallel_loop3A_329, %parallel_loop3A_91 : vector<16xf32>
        %parallel_loop3A_331 = arith.index_cast %parallel_loop3A_84 : i32 to index
        %parallel_loop3A_332 = arith.constant 208 : index
        %parallel_loop3A_333 = tpu.vector_load %arg9[%parallel_loop3A_331, %parallel_loop3A_332] {strides = array<i32>} : memref<64x256xf32, #tpu.memory_space<vmem>>, vector<16xf32>,
        %parallel_loop3A_334 = arith.mulf %parallel_loop3A_333, %parallel_loop3A_98 : vector<16xf32>
        %parallel_loop3A_335 = arith.addf %parallel_loop3A_330, %parallel_loop3A_334 : vector<16xf32>
        %parallel_loop3A_336 = arith.index_cast %parallel_loop3A_84 : i32 to index
        %parallel_loop3A_337 = arith.constant 208 : index
        %parallel_loop3A_338 = tpu.vector_load %arg10[%parallel_loop3A_336, %parallel_loop3A_337] {strides = array<i32>} : memref<64x256xf32, #tpu.memory_space<vmem>>, vector<16xf32>,
        %parallel_loop3A_339 = arith.mulf %parallel_loop3A_338, %parallel_loop3A_105 : vector<16xf32>
        %parallel_loop3A_340 = arith.addf %parallel_loop3A_335, %parallel_loop3A_339 : vector<16xf32>
        %parallel_loop3A_341 = arith.index_cast %parallel_loop3A_84 : i32 to index
        %parallel_loop3A_342 = arith.constant 208 : index
        %parallel_loop3A_343 = tpu.vector_load %arg11[%parallel_loop3A_341, %parallel_loop3A_342] {strides = array<i32>} : memref<64x256xf32, #tpu.memory_space<vmem>>, vector<16xf32>,
        tpu.vector_store %arg11[%parallel_loop3A_341, %parallel_loop3A_342], %parallel_loop3A_340 {strides = array<i32>} : memref<64x256xf32, #tpu.memory_space<vmem>>, vector<16xf32>,
        %parallel_loop3A_344 = arith.index_cast %parallel_loop3A_84 : i32 to index
        %parallel_loop3A_345 = arith.constant 224 : index
        %parallel_loop3A_346 = tpu.vector_load %arg8[%parallel_loop3A_344, %parallel_loop3A_345] {strides = array<i32>} : memref<64x256xf32, #tpu.memory_space<vmem>>, vector<16xf32>,
        %parallel_loop3A_347 = arith.mulf %parallel_loop3A_346, %parallel_loop3A_91 : vector<16xf32>
        %parallel_loop3A_348 = arith.index_cast %parallel_loop3A_84 : i32 to index
        %parallel_loop3A_349 = arith.constant 224 : index
        %parallel_loop3A_350 = tpu.vector_load %arg9[%parallel_loop3A_348, %parallel_loop3A_349] {strides = array<i32>} : memref<64x256xf32, #tpu.memory_space<vmem>>, vector<16xf32>,
        %parallel_loop3A_351 = arith.mulf %parallel_loop3A_350, %parallel_loop3A_98 : vector<16xf32>
        %parallel_loop3A_352 = arith.addf %parallel_loop3A_347, %parallel_loop3A_351 : vector<16xf32>
        %parallel_loop3A_353 = arith.index_cast %parallel_loop3A_84 : i32 to index
        %parallel_loop3A_354 = arith.constant 224 : index
        %parallel_loop3A_355 = tpu.vector_load %arg10[%parallel_loop3A_353, %parallel_loop3A_354] {strides = array<i32>} : memref<64x256xf32, #tpu.memory_space<vmem>>, vector<16xf32>,
        %parallel_loop3A_356 = arith.mulf %parallel_loop3A_355, %parallel_loop3A_105 : vector<16xf32>
        %parallel_loop3A_357 = arith.addf %parallel_loop3A_352, %parallel_loop3A_356 : vector<16xf32>
        %parallel_loop3A_358 = arith.index_cast %parallel_loop3A_84 : i32 to index
        %parallel_loop3A_359 = arith.constant 224 : index
        %parallel_loop3A_360 = tpu.vector_load %arg11[%parallel_loop3A_358, %parallel_loop3A_359] {strides = array<i32>} : memref<64x256xf32, #tpu.memory_space<vmem>>, vector<16xf32>,
        tpu.vector_store %arg11[%parallel_loop3A_358, %parallel_loop3A_359], %parallel_loop3A_357 {strides = array<i32>} : memref<64x256xf32, #tpu.memory_space<vmem>>, vector<16xf32>,
        %parallel_loop3A_361 = arith.index_cast %parallel_loop3A_84 : i32 to index
        %parallel_loop3A_362 = arith.constant 240 : index
        %parallel_loop3A_363 = tpu.vector_load %arg8[%parallel_loop3A_361, %parallel_loop3A_362] {strides = array<i32>} : memref<64x256xf32, #tpu.memory_space<vmem>>, vector<16xf32>,
        %parallel_loop3A_364 = arith.mulf %parallel_loop3A_363, %parallel_loop3A_91 : vector<16xf32>
        %parallel_loop3A_365 = arith.index_cast %parallel_loop3A_84 : i32 to index
        %parallel_loop3A_366 = arith.constant 240 : index
        %parallel_loop3A_367 = tpu.vector_load %arg9[%parallel_loop3A_365, %parallel_loop3A_366] {strides = array<i32>} : memref<64x256xf32, #tpu.memory_space<vmem>>, vector<16xf32>,
        %parallel_loop3A_368 = arith.mulf %parallel_loop3A_367, %parallel_loop3A_98 : vector<16xf32>
        %parallel_loop3A_369 = arith.addf %parallel_loop3A_364, %parallel_loop3A_368 : vector<16xf32>
        %parallel_loop3A_370 = arith.index_cast %parallel_loop3A_84 : i32 to index
        %parallel_loop3A_371 = arith.constant 240 : index
        %parallel_loop3A_372 = tpu.vector_load %arg10[%parallel_loop3A_370, %parallel_loop3A_371] {strides = array<i32>} : memref<64x256xf32, #tpu.memory_space<vmem>>, vector<16xf32>,
        %parallel_loop3A_373 = arith.mulf %parallel_loop3A_372, %parallel_loop3A_105 : vector<16xf32>
        %parallel_loop3A_374 = arith.addf %parallel_loop3A_369, %parallel_loop3A_373 : vector<16xf32>
        %parallel_loop3A_375 = arith.index_cast %parallel_loop3A_84 : i32 to index
        %parallel_loop3A_376 = arith.constant 240 : index
        %parallel_loop3A_377 = tpu.vector_load %arg11[%parallel_loop3A_375, %parallel_loop3A_376] {strides = array<i32>} : memref<64x256xf32, #tpu.memory_space<vmem>>, vector<16xf32>,
        tpu.vector_store %arg11[%parallel_loop3A_375, %parallel_loop3A_376], %parallel_loop3A_374 {strides = array<i32>} : memref<64x256xf32, #tpu.memory_space<vmem>>, vector<16xf32>,
      } {sc.loop_unroll_factor = 4 : i64, sc.parallel_access}
      %add3A_82 = arith.addi %mul3A_2, %mul3A_45 : i32
      "tpu.region"() ({
        %run_scoped3A = tpu.sem_alloc : memref<!tpu.dma_semaphore, #tpu.memory_space<semaphore_mem>>
        %dma_start3A_84 = arith.constant 0 : i32
        %dma_start3A_85 = tpu.memref_slice %arg5[%add3A_82, %dma_start3A_84] : memref<8192x256xf32, #tpu.memory_space<hbm>> -> memref<64x256xf32, #tpu.memory_space<hbm>>
        %dma_start3A_86 = arith.constant 0 : i32
        %dma_start3A_87 = tpu.memref_slice %arg5[%add3A_82, %dma_start3A_86] : memref<8192x256xf32, #tpu.memory_space<hbm>> -> memref<64x256xf32, #tpu.memory_space<hbm>>
        tpu.enqueue_dma source(%arg11 : memref<64x256xf32, #tpu.memory_space<vmem>>) target(%dma_start3A_87 : memref<64x256xf32, #tpu.memory_space<hbm>>) target_semaphore(%run_scoped3A : memref<!tpu.dma_semaphore, #tpu.memory_space<semaphore_mem>>)
        %dma_wait3A_88 = arith.constant 0 : i32
        %dma_wait3A_89 = tpu.memref_slice %arg5[%add3A_82, %dma_wait3A_88] : memref<8192x256xf32, #tpu.memory_space<hbm>> -> memref<64x256xf32, #tpu.memory_space<hbm>>
        %dma_wait3A_90 = arith.constant 0 : i32
        %dma_wait3A_91 = tpu.memref_slice %arg5[%add3A_82, %dma_wait3A_90] : memref<8192x256xf32, #tpu.memory_space<hbm>> -> memref<64x256xf32, #tpu.memory_space<hbm>>
        tpu.wait_dma2 semaphore(%run_scoped3A : memref<!tpu.dma_semaphore, #tpu.memory_space<semaphore_mem>>) src(%arg11 : memref<64x256xf32, #tpu.memory_space<vmem>>) dst(%dma_wait3A_91 : memref<64x256xf32, #tpu.memory_space<hbm>>)
        tpu.yield
      }) : () -> ()
      %scan3A_83 = arith.constant 0 : i32
      scf.yield %scan3A_83 : i32
    }
    %scan3A_41 = arith.constant 4 : i32
    return
  }
}

#map = affine_map<(d0, d1) -> (0, 0, 0)>
#map1 = affine_map<(d0, d1) -> (0, 0)>
module attributes {stable_mosaic.version = 14 : i64} {
  func.func @k(%arg0: i32, %arg1: i32, %arg2: memref<2x3x4096xi32, #tpu.memory_space<hbm>>, %arg3: memref<2x3x4096xf32, #tpu.memory_space<hbm>>, %arg4: memref<2048x256xf32, #tpu.memory_space<hbm>>, %arg5: memref<8192x256xf32, #tpu.memory_space<hbm>>, %arg6: memref<3x256xi32, #tpu.memory_space<vmem>>, %arg7: memref<3x272xf32, #tpu.memory_space<vmem>>, %arg8: memref<64x256xf32, #tpu.memory_space<vmem>>, %arg9: memref<64x256xf32, #tpu.memory_space<vmem>>, %arg10: memref<64x256xf32, #tpu.memory_space<vmem>>, %arg11: memref<64x256xf32, #tpu.memory_space<vmem>>, %arg12: memref<!tpu.dma_semaphore, #tpu.memory_space<semaphore_mem>>) attributes {dimension_semantics = [#tpu.dimension_semantics<core_parallel>, #tpu.dimension_semantics<subcore_parallel>], iteration_bounds = array<i64: 2, 16>, scalar_prefetch = 0 : i64, scratch_operands = 7 : i64, tpu.core_type = #tpu.core_type<sc_vector_subcore>, window_params = [{transform_indices = #map}, {transform_indices = #map}, {transform_indices = #map1}, {transform_indices = #map1}]} {
    %mul3A = arith.constant 2 : i32
    %mul3A_0 = arith.muli %arg1, %mul3A : i32
    %add3A = arith.addi %mul3A_0, %arg0 : i32
    %mul3A_1 = arith.constant 256 : i32
    %mul3A_2 = arith.muli %add3A, %mul3A_1 : i32
    %jit3A = arith.constant 16 : i32
    %div3A = arith.divsi %add3A, %jit3A : i32
    %sign3A = arith.constant 0 : i32
    %sign3A_3 = arith.cmpi sgt, %add3A, %sign3A : i32
    %sign3A_4 = arith.extui %sign3A_3 : i1 to i32
    %sign3A_5 = arith.constant 0 : i32
    %sign3A_6 = arith.cmpi slt, %add3A, %sign3A_5 : i32
    %sign3A_7 = arith.extui %sign3A_6 : i1 to i32
    %sign3A_8 = arith.subi %sign3A_4, %sign3A_7 : i32
    %sign3A_9 = arith.constant 0 : i32
    %sign3A_10 = arith.cmpi sgt, %jit3A, %sign3A_9 : i32
    %sign3A_11 = arith.extui %sign3A_10 : i1 to i32
    %sign3A_12 = arith.constant 0 : i32
    %sign3A_13 = arith.cmpi slt, %jit3A, %sign3A_12 : i32
    %sign3A_14 = arith.extui %sign3A_13 : i1 to i32
    %sign3A_15 = arith.subi %sign3A_11, %sign3A_14 : i32
    %ne3A = arith.cmpi ne, %sign3A_8, %sign3A_15 : i32
    %rem3A = arith.remsi %add3A, %jit3A : i32
    %ne3A_16 = arith.constant 0 : i32
    %ne3A_17 = arith.cmpi ne, %rem3A, %ne3A_16 : i32
    %and3A = arith.andi %ne3A, %ne3A_17 : i1
    %sub3A = arith.constant 1 : i32
    %sub3A_18 = arith.subi %div3A, %sub3A : i32
    %select_n3A = arith.select %and3A, %sub3A_18, %div3A : i32
    %jit3A_19 = arith.constant 16 : i32
    %eq3A = arith.constant 0 : i32
    %eq3A_20 = arith.cmpi eq, %jit3A_19, %eq3A : i32
    %jit3A_21 = arith.constant 1 : i32
    %select_n3A_22 = arith.select %eq3A_20, %jit3A_21, %jit3A_19 : i32
    %rem3A_23 = arith.remsi %add3A, %select_n3A_22 : i32
    %ne3A_24 = arith.constant 0 : i32
    %ne3A_25 = arith.cmpi ne, %rem3A_23, %ne3A_24 : i32
    %lt3A = arith.constant 0 : i32
    %lt3A_26 = arith.cmpi slt, %rem3A_23, %lt3A : i32
    %lt3A_27 = arith.constant 0 : i32
    %lt3A_28 = arith.cmpi slt, %select_n3A_22, %lt3A_27 : i32
    %ne3A_29 = arith.xori %lt3A_26, %lt3A_28 : i1
    %and3A_30 = arith.andi %ne3A_29, %ne3A_25 : i1
    %add3A_31 = arith.addi %rem3A_23, %select_n3A_22 : i32
    %select_n3A_32 = arith.select %and3A_30, %add3A_31, %rem3A_23 : i32
    %mul3A_33 = arith.constant 256 : i32
    %mul3A_34 = arith.muli %select_n3A_32, %mul3A_33 : i32
    %broadcast_in_dim3A = arith.constant 0 : i32
    %broadcast_in_dim3A_35 = vector.broadcast %broadcast_in_dim3A : i32 to vector<16x1xi32>
    "tpu.region"() ({
      %run_scoped3A = tpu.sem_alloc : memref<!tpu.dma_semaphore, #tpu.memory_space<semaphore_mem>>
      %dma_start3A = arith.constant 0 : i32
      %dma_start3A_42 = tpu.memref_slice %arg2[%select_n3A, %dma_start3A, %mul3A_34] : memref<2x3x4096xi32, #tpu.memory_space<hbm>> -> memref<1x3x256xi32, #tpu.memory_space<hbm>>
      %dma_start3A_43 = tpu.memref_squeeze %dma_start3A_42 : memref<1x3x256xi32, #tpu.memory_space<hbm>> -> memref<3x256xi32, #tpu.memory_space<hbm>>
      %dma_start3A_44 = arith.constant 0 : i32
      %dma_start3A_45 = tpu.memref_slice %arg2[%select_n3A, %dma_start3A_44, %mul3A_34] : memref<2x3x4096xi32, #tpu.memory_space<hbm>> -> memref<1x3x256xi32, #tpu.memory_space<hbm>>
      %dma_start3A_46 = tpu.memref_squeeze %dma_start3A_45 : memref<1x3x256xi32, #tpu.memory_space<hbm>> -> memref<3x256xi32, #tpu.memory_space<hbm>>
      tpu.enqueue_dma source(%dma_start3A_46 : memref<3x256xi32, #tpu.memory_space<hbm>>) target(%arg6 : memref<3x256xi32, #tpu.memory_space<vmem>>) target_semaphore(%run_scoped3A : memref<!tpu.dma_semaphore, #tpu.memory_space<semaphore_mem>>)
      %dma_wait3A = arith.constant 0 : i32
      %dma_wait3A_47 = tpu.memref_slice %arg2[%select_n3A, %dma_wait3A, %mul3A_34] : memref<2x3x4096xi32, #tpu.memory_space<hbm>> -> memref<1x3x256xi32, #tpu.memory_space<hbm>>
      %dma_wait3A_48 = tpu.memref_squeeze %dma_wait3A_47 : memref<1x3x256xi32, #tpu.memory_space<hbm>> -> memref<3x256xi32, #tpu.memory_space<hbm>>
      %dma_wait3A_49 = arith.constant 0 : i32
      %dma_wait3A_50 = tpu.memref_slice %arg2[%select_n3A, %dma_wait3A_49, %mul3A_34] : memref<2x3x4096xi32, #tpu.memory_space<hbm>> -> memref<1x3x256xi32, #tpu.memory_space<hbm>>
      %dma_wait3A_51 = tpu.memref_squeeze %dma_wait3A_50 : memref<1x3x256xi32, #tpu.memory_space<hbm>> -> memref<3x256xi32, #tpu.memory_space<hbm>>
      tpu.wait_dma2 semaphore(%run_scoped3A : memref<!tpu.dma_semaphore, #tpu.memory_space<semaphore_mem>>) src(%dma_wait3A_51 : memref<3x256xi32, #tpu.memory_space<hbm>>) dst(%arg6 : memref<3x256xi32, #tpu.memory_space<vmem>>)
      tpu.yield
    }) : () -> ()
    "tpu.region"() ({
      %run_scoped3A = tpu.sem_alloc : memref<!tpu.dma_semaphore, #tpu.memory_space<semaphore_mem>>
      %dma_start3A = arith.constant 0 : i32
      %dma_start3A_42 = arith.constant 0 : i32
      %dma_start3A_43 = tpu.memref_slice %arg7[%dma_start3A, %dma_start3A_42] : memref<3x272xf32, #tpu.memory_space<vmem>> -> memref<3x256xf32, #tpu.memory_space<vmem>>
      %dma_start3A_44 = arith.constant 0 : i32
      %dma_start3A_45 = tpu.memref_slice %arg3[%select_n3A, %dma_start3A_44, %mul3A_34] : memref<2x3x4096xf32, #tpu.memory_space<hbm>> -> memref<1x3x256xf32, #tpu.memory_space<hbm>>
      %dma_start3A_46 = tpu.memref_squeeze %dma_start3A_45 : memref<1x3x256xf32, #tpu.memory_space<hbm>> -> memref<3x256xf32, #tpu.memory_space<hbm>>
      %dma_start3A_47 = arith.constant 0 : i32
      %dma_start3A_48 = arith.constant 0 : i32
      %dma_start3A_49 = tpu.memref_slice %arg7[%dma_start3A_47, %dma_start3A_48] : memref<3x272xf32, #tpu.memory_space<vmem>> -> memref<3x256xf32, #tpu.memory_space<vmem>>
      %dma_start3A_50 = arith.constant 0 : i32
      %dma_start3A_51 = tpu.memref_slice %arg3[%select_n3A, %dma_start3A_50, %mul3A_34] : memref<2x3x4096xf32, #tpu.memory_space<hbm>> -> memref<1x3x256xf32, #tpu.memory_space<hbm>>
      %dma_start3A_52 = tpu.memref_squeeze %dma_start3A_51 : memref<1x3x256xf32, #tpu.memory_space<hbm>> -> memref<3x256xf32, #tpu.memory_space<hbm>>
      tpu.enqueue_dma source(%dma_start3A_52 : memref<3x256xf32, #tpu.memory_space<hbm>>) target(%dma_start3A_49 : memref<3x256xf32, #tpu.memory_space<vmem>>) target_semaphore(%run_scoped3A : memref<!tpu.dma_semaphore, #tpu.memory_space<semaphore_mem>>)
      %dma_wait3A = arith.constant 0 : i32
      %dma_wait3A_53 = arith.constant 0 : i32
      %dma_wait3A_54 = tpu.memref_slice %arg7[%dma_wait3A, %dma_wait3A_53] : memref<3x272xf32, #tpu.memory_space<vmem>> -> memref<3x256xf32, #tpu.memory_space<vmem>>
      %dma_wait3A_55 = arith.constant 0 : i32
      %dma_wait3A_56 = tpu.memref_slice %arg3[%select_n3A, %dma_wait3A_55, %mul3A_34] : memref<2x3x4096xf32, #tpu.memory_space<hbm>> -> memref<1x3x256xf32, #tpu.memory_space<hbm>>
      %dma_wait3A_57 = tpu.memref_squeeze %dma_wait3A_56 : memref<1x3x256xf32, #tpu.memory_space<hbm>> -> memref<3x256xf32, #tpu.memory_space<hbm>>
      %dma_wait3A_58 = arith.constant 0 : i32
      %dma_wait3A_59 = arith.constant 0 : i32
      %dma_wait3A_60 = tpu.memref_slice %arg7[%dma_wait3A_58, %dma_wait3A_59] : memref<3x272xf32, #tpu.memory_space<vmem>> -> memref<3x256xf32, #tpu.memory_space<vmem>>
      %dma_wait3A_61 = arith.constant 0 : i32
      %dma_wait3A_62 = tpu.memref_slice %arg3[%select_n3A, %dma_wait3A_61, %mul3A_34] : memref<2x3x4096xf32, #tpu.memory_space<hbm>> -> memref<1x3x256xf32, #tpu.memory_space<hbm>>
      %dma_wait3A_63 = tpu.memref_squeeze %dma_wait3A_62 : memref<1x3x256xf32, #tpu.memory_space<hbm>> -> memref<3x256xf32, #tpu.memory_space<hbm>>
      tpu.wait_dma2 semaphore(%run_scoped3A : memref<!tpu.dma_semaphore, #tpu.memory_space<semaphore_mem>>) src(%dma_wait3A_63 : memref<3x256xf32, #tpu.memory_space<hbm>>) dst(%dma_wait3A_60 : memref<3x256xf32, #tpu.memory_space<vmem>>)
      tpu.yield
    }) : () -> ()
    %scan3A = arith.constant 0 : i32
    %scan3A_36 = arith.constant 0 : i32
    %scan3A_37 = arith.constant 4 : i32
    %scan3A_38 = arith.addi %scan3A_36, %scan3A_37 : i32
    %scan3A_39 = arith.constant 1 : i32
    %scan3A_40 = scf.for %scan3A_42 = %scan3A_36 to %scan3A_38 step %scan3A_39 iter_args(%scan3A_43 = %scan3A) -> (i32)  : i32 {
      %mul3A_44 = arith.constant 64 : i32
      %mul3A_45 = arith.muli %scan3A_42, %mul3A_44 : i32
      %dma_start3A = arith.constant 0 : i32
      %dma_start3A_46 = tpu.memref_slice %arg6[%dma_start3A, %mul3A_45] : memref<3x256xi32, #tpu.memory_space<vmem>> -> memref<1x64xi32, #tpu.memory_space<vmem>>
      %dma_start3A_47 = tpu.memref_squeeze %dma_start3A_46 : memref<1x64xi32, #tpu.memory_space<vmem>> -> memref<64xi32, #tpu.memory_space<vmem>>
      %dma_start3A_48 = arith.constant 0 : i32
      %dma_start3A_49 = arith.constant 0 : i32
      %dma_start3A_50 = tpu.memref_slice %arg4[%dma_start3A_48, %dma_start3A_49] : memref<2048x256xf32, #tpu.memory_space<hbm>> -> memref<2048x256xf32, #tpu.memory_space<hbm>>
      tpu.enqueue_indirect_dma source(%dma_start3A_50 : memref<2048x256xf32, #tpu.memory_space<hbm>>) target(%arg8 : memref<64x256xf32, #tpu.memory_space<vmem>>) offsets(%dma_start3A_47 : memref<64xi32, #tpu.memory_space<vmem>>) semaphore(%arg12 : memref<!tpu.dma_semaphore, #tpu.memory_space<semaphore_mem>>)
      %dma_start3A_51 = arith.constant 1 : i32
      %dma_start3A_52 = tpu.memref_slice %arg6[%dma_start3A_51, %mul3A_45] : memref<3x256xi32, #tpu.memory_space<vmem>> -> memref<1x64xi32, #tpu.memory_space<vmem>>
      %dma_start3A_53 = tpu.memref_squeeze %dma_start3A_52 : memref<1x64xi32, #tpu.memory_space<vmem>> -> memref<64xi32, #tpu.memory_space<vmem>>
      %dma_start3A_54 = arith.constant 0 : i32
      %dma_start3A_55 = arith.constant 0 : i32
      %dma_start3A_56 = tpu.memref_slice %arg4[%dma_start3A_54, %dma_start3A_55] : memref<2048x256xf32, #tpu.memory_space<hbm>> -> memref<2048x256xf32, #tpu.memory_space<hbm>>
      tpu.enqueue_indirect_dma source(%dma_start3A_56 : memref<2048x256xf32, #tpu.memory_space<hbm>>) target(%arg9 : memref<64x256xf32, #tpu.memory_space<vmem>>) offsets(%dma_start3A_53 : memref<64xi32, #tpu.memory_space<vmem>>) semaphore(%arg12 : memref<!tpu.dma_semaphore, #tpu.memory_space<semaphore_mem>>)
      %dma_start3A_57 = arith.constant 2 : i32
      %dma_start3A_58 = tpu.memref_slice %arg6[%dma_start3A_57, %mul3A_45] : memref<3x256xi32, #tpu.memory_space<vmem>> -> memref<1x64xi32, #tpu.memory_space<vmem>>
      %dma_start3A_59 = tpu.memref_squeeze %dma_start3A_58 : memref<1x64xi32, #tpu.memory_space<vmem>> -> memref<64xi32, #tpu.memory_space<vmem>>
      %dma_start3A_60 = arith.constant 0 : i32
      %dma_start3A_61 = arith.constant 0 : i32
      %dma_start3A_62 = tpu.memref_slice %arg4[%dma_start3A_60, %dma_start3A_61] : memref<2048x256xf32, #tpu.memory_space<hbm>> -> memref<2048x256xf32, #tpu.memory_space<hbm>>
      tpu.enqueue_indirect_dma source(%dma_start3A_62 : memref<2048x256xf32, #tpu.memory_space<hbm>>) target(%arg10 : memref<64x256xf32, #tpu.memory_space<vmem>>) offsets(%dma_start3A_59 : memref<64xi32, #tpu.memory_space<vmem>>) semaphore(%arg12 : memref<!tpu.dma_semaphore, #tpu.memory_space<semaphore_mem>>)
      %dma_wait3A = arith.constant 0 : i32
      %dma_wait3A_63 = tpu.memref_slice %arg6[%dma_wait3A, %mul3A_45] : memref<3x256xi32, #tpu.memory_space<vmem>> -> memref<1x64xi32, #tpu.memory_space<vmem>>
      %dma_wait3A_64 = tpu.memref_squeeze %dma_wait3A_63 : memref<1x64xi32, #tpu.memory_space<vmem>> -> memref<64xi32, #tpu.memory_space<vmem>>
      %dma_wait3A_65 = arith.constant 0 : i32
      %dma_wait3A_66 = arith.constant 0 : i32
      %dma_wait3A_67 = tpu.memref_slice %arg4[%dma_wait3A_65, %dma_wait3A_66] : memref<2048x256xf32, #tpu.memory_space<hbm>> -> memref<2048x256xf32, #tpu.memory_space<hbm>>
      tpu.wait_indirect_dma semaphore(%arg12 : memref<!tpu.dma_semaphore, #tpu.memory_space<semaphore_mem>>) src(%dma_wait3A_67 : memref<2048x256xf32, #tpu.memory_space<hbm>>) dst(%arg8 : memref<64x256xf32, #tpu.memory_space<vmem>>)
      %dma_wait3A_68 = arith.constant 1 : i32
      %dma_wait3A_69 = tpu.memref_slice %arg6[%dma_wait3A_68, %mul3A_45] : memref<3x256xi32, #tpu.memory_space<vmem>> -> memref<1x64xi32, #tpu.memory_space<vmem>>
      %dma_wait3A_70 = tpu.memref_squeeze %dma_wait3A_69 : memref<1x64xi32, #tpu.memory_space<vmem>> -> memref<64xi32, #tpu.memory_space<vmem>>
      %dma_wait3A_71 = arith.constant 0 : i32
      %dma_wait3A_72 = arith.constant 0 : i32
      %dma_wait3A_73 = tpu.memref_slice %arg4[%dma_wait3A_71, %dma_wait3A_72] : memref<2048x256xf32, #tpu.memory_space<hbm>> -> memref<2048x256xf32, #tpu.memory_space<hbm>>
      tpu.wait_indirect_dma semaphore(%arg12 : memref<!tpu.dma_semaphore, #tpu.memory_space<semaphore_mem>>) src(%dma_wait3A_73 : memref<2048x256xf32, #tpu.memory_space<hbm>>) dst(%arg9 : memref<64x256xf32, #tpu.memory_space<vmem>>)
      %dma_wait3A_74 = arith.constant 2 : i32
      %dma_wait3A_75 = tpu.memref_slice %arg6[%dma_wait3A_74, %mul3A_45] : memref<3x256xi32, #tpu.memory_space<vmem>> -> memref<1x64xi32, #tpu.memory_space<vmem>>
      %dma_wait3A_76 = tpu.memref_squeeze %dma_wait3A_75 : memref<1x64xi32, #tpu.memory_space<vmem>> -> memref<64xi32, #tpu.memory_space<vmem>>
      %dma_wait3A_77 = arith.constant 0 : i32
      %dma_wait3A_78 = arith.constant 0 : i32
      %dma_wait3A_79 = tpu.memref_slice %arg4[%dma_wait3A_77, %dma_wait3A_78] : memref<2048x256xf32, #tpu.memory_space<hbm>> -> memref<2048x256xf32, #tpu.memory_space<hbm>>
      tpu.wait_indirect_dma semaphore(%arg12 : memref<!tpu.dma_semaphore, #tpu.memory_space<semaphore_mem>>) src(%dma_wait3A_79 : memref<2048x256xf32, #tpu.memory_space<hbm>>) dst(%arg10 : memref<64x256xf32, #tpu.memory_space<vmem>>)
      %parallel_loop3A = arith.constant 0 : i32
      %parallel_loop3A_80 = arith.constant 64 : i32
      %parallel_loop3A_81 = arith.constant 1 : i32
      scf.for %parallel_loop3A_84 = %parallel_loop3A to %parallel_loop3A_80 step %parallel_loop3A_81  : i32 {
        %parallel_loop3A_85 = arith.addi %mul3A_45, %parallel_loop3A_84 : i32
        %parallel_loop3A_86 = arith.constant 0 : i32
        %parallel_loop3A_87 = arith.index_cast %parallel_loop3A_86 : i32 to index
        %parallel_loop3A_88 = arith.index_cast %parallel_loop3A_85 : i32 to index
        %parallel_loop3A_89 = tpu.vector_load %arg7[%parallel_loop3A_87, %parallel_loop3A_88] {strides = array<i32>} : memref<3x272xf32, #tpu.memory_space<vmem>>, vector<16xf32>,
        %parallel_loop3A_90 = vector.shape_cast %broadcast_in_dim3A_35 : vector<16x1xi32> to vector<16xi32>
        %parallel_loop3A_91 = tpu.dynamic_gather %parallel_loop3A_89[%parallel_loop3A_90] in [0] : vector<16xf32>, vector<16xi32> -> vector<16xf32>
        %parallel_loop3A_92 = arith.addi %mul3A_45, %parallel_loop3A_84 : i32
        %parallel_loop3A_93 = arith.constant 1 : i32
        %parallel_loop3A_94 = arith.index_cast %parallel_loop3A_93 : i32 to index
        %parallel_loop3A_95 = arith.index_cast %parallel_loop3A_92 : i32 to index
        %parallel_loop3A_96 = tpu.vector_load %arg7[%parallel_loop3A_94, %parallel_loop3A_95] {strides = array<i32>} : memref<3x272xf32, #tpu.memory_space<vmem>>, vector<16xf32>,
        %parallel_loop3A_97 = vector.shape_cast %broadcast_in_dim3A_35 : vector<16x1xi32> to vector<16xi32>
        %parallel_loop3A_98 = tpu.dynamic_gather %parallel_loop3A_96[%parallel_loop3A_97] in [0] : vector<16xf32>, vector<16xi32> -> vector<16xf32>
        %parallel_loop3A_99 = arith.addi %mul3A_45, %parallel_loop3A_84 : i32
        %parallel_loop3A_100 = arith.constant 2 : i32
        %parallel_loop3A_101 = arith.index_cast %parallel_loop3A_100 : i32 to index
        %parallel_loop3A_102 = arith.index_cast %parallel_loop3A_99 : i32 to index
        %parallel_loop3A_103 = tpu.vector_load %arg7[%parallel_loop3A_101, %parallel_loop3A_102] {strides = array<i32>} : memref<3x272xf32, #tpu.memory_space<vmem>>, vector<16xf32>,
        %parallel_loop3A_104 = vector.shape_cast %broadcast_in_dim3A_35 : vector<16x1xi32> to vector<16xi32>
        %parallel_loop3A_105 = tpu.dynamic_gather %parallel_loop3A_103[%parallel_loop3A_104] in [0] : vector<16xf32>, vector<16xi32> -> vector<16xf32>
        %parallel_loop3A_106 = arith.index_cast %parallel_loop3A_84 : i32 to index
        %parallel_loop3A_107 = arith.constant 0 : index
        %parallel_loop3A_108 = tpu.vector_load %arg8[%parallel_loop3A_106, %parallel_loop3A_107] {strides = array<i32>} : memref<64x256xf32, #tpu.memory_space<vmem>>, vector<16xf32>,
        %parallel_loop3A_109 = arith.mulf %parallel_loop3A_108, %parallel_loop3A_91 : vector<16xf32>
        %parallel_loop3A_110 = arith.index_cast %parallel_loop3A_84 : i32 to index
        %parallel_loop3A_111 = arith.constant 0 : index
        %parallel_loop3A_112 = tpu.vector_load %arg9[%parallel_loop3A_110, %parallel_loop3A_111] {strides = array<i32>} : memref<64x256xf32, #tpu.memory_space<vmem>>, vector<16xf32>,
        %parallel_loop3A_113 = arith.mulf %parallel_loop3A_112, %parallel_loop3A_98 : vector<16xf32>
        %parallel_loop3A_114 = arith.addf %parallel_loop3A_109, %parallel_loop3A_113 : vector<16xf32>
        %parallel_loop3A_115 = arith.index_cast %parallel_loop3A_84 : i32 to index
        %parallel_loop3A_116 = arith.constant 0 : index
        %parallel_loop3A_117 = tpu.vector_load %arg10[%parallel_loop3A_115, %parallel_loop3A_116] {strides = array<i32>} : memref<64x256xf32, #tpu.memory_space<vmem>>, vector<16xf32>,
        %parallel_loop3A_118 = arith.mulf %parallel_loop3A_117, %parallel_loop3A_105 : vector<16xf32>
        %parallel_loop3A_119 = arith.addf %parallel_loop3A_114, %parallel_loop3A_118 : vector<16xf32>
        %parallel_loop3A_120 = arith.index_cast %parallel_loop3A_84 : i32 to index
        %parallel_loop3A_121 = arith.constant 0 : index
        %parallel_loop3A_122 = tpu.vector_load %arg11[%parallel_loop3A_120, %parallel_loop3A_121] {strides = array<i32>} : memref<64x256xf32, #tpu.memory_space<vmem>>, vector<16xf32>,
        tpu.vector_store %arg11[%parallel_loop3A_120, %parallel_loop3A_121], %parallel_loop3A_119 {strides = array<i32>} : memref<64x256xf32, #tpu.memory_space<vmem>>, vector<16xf32>,
        %parallel_loop3A_123 = arith.index_cast %parallel_loop3A_84 : i32 to index
        %parallel_loop3A_124 = arith.constant 16 : index
        %parallel_loop3A_125 = tpu.vector_load %arg8[%parallel_loop3A_123, %parallel_loop3A_124] {strides = array<i32>} : memref<64x256xf32, #tpu.memory_space<vmem>>, vector<16xf32>,
        %parallel_loop3A_126 = arith.mulf %parallel_loop3A_125, %parallel_loop3A_91 : vector<16xf32>
        %parallel_loop3A_127 = arith.index_cast %parallel_loop3A_84 : i32 to index
        %parallel_loop3A_128 = arith.constant 16 : index
        %parallel_loop3A_129 = tpu.vector_load %arg9[%parallel_loop3A_127, %parallel_loop3A_128] {strides = array<i32>} : memref<64x256xf32, #tpu.memory_space<vmem>>, vector<16xf32>,
        %parallel_loop3A_130 = arith.mulf %parallel_loop3A_129, %parallel_loop3A_98 : vector<16xf32>
        %parallel_loop3A_131 = arith.addf %parallel_loop3A_126, %parallel_loop3A_130 : vector<16xf32>
        %parallel_loop3A_132 = arith.index_cast %parallel_loop3A_84 : i32 to index
        %parallel_loop3A_133 = arith.constant 16 : index
        %parallel_loop3A_134 = tpu.vector_load %arg10[%parallel_loop3A_132, %parallel_loop3A_133] {strides = array<i32>} : memref<64x256xf32, #tpu.memory_space<vmem>>, vector<16xf32>,
        %parallel_loop3A_135 = arith.mulf %parallel_loop3A_134, %parallel_loop3A_105 : vector<16xf32>
        %parallel_loop3A_136 = arith.addf %parallel_loop3A_131, %parallel_loop3A_135 : vector<16xf32>
        %parallel_loop3A_137 = arith.index_cast %parallel_loop3A_84 : i32 to index
        %parallel_loop3A_138 = arith.constant 16 : index
        %parallel_loop3A_139 = tpu.vector_load %arg11[%parallel_loop3A_137, %parallel_loop3A_138] {strides = array<i32>} : memref<64x256xf32, #tpu.memory_space<vmem>>, vector<16xf32>,
        tpu.vector_store %arg11[%parallel_loop3A_137, %parallel_loop3A_138], %parallel_loop3A_136 {strides = array<i32>} : memref<64x256xf32, #tpu.memory_space<vmem>>, vector<16xf32>,
        %parallel_loop3A_140 = arith.index_cast %parallel_loop3A_84 : i32 to index
        %parallel_loop3A_141 = arith.constant 32 : index
        %parallel_loop3A_142 = tpu.vector_load %arg8[%parallel_loop3A_140, %parallel_loop3A_141] {strides = array<i32>} : memref<64x256xf32, #tpu.memory_space<vmem>>, vector<16xf32>,
        %parallel_loop3A_143 = arith.mulf %parallel_loop3A_142, %parallel_loop3A_91 : vector<16xf32>
        %parallel_loop3A_144 = arith.index_cast %parallel_loop3A_84 : i32 to index
        %parallel_loop3A_145 = arith.constant 32 : index
        %parallel_loop3A_146 = tpu.vector_load %arg9[%parallel_loop3A_144, %parallel_loop3A_145] {strides = array<i32>} : memref<64x256xf32, #tpu.memory_space<vmem>>, vector<16xf32>,
        %parallel_loop3A_147 = arith.mulf %parallel_loop3A_146, %parallel_loop3A_98 : vector<16xf32>
        %parallel_loop3A_148 = arith.addf %parallel_loop3A_143, %parallel_loop3A_147 : vector<16xf32>
        %parallel_loop3A_149 = arith.index_cast %parallel_loop3A_84 : i32 to index
        %parallel_loop3A_150 = arith.constant 32 : index
        %parallel_loop3A_151 = tpu.vector_load %arg10[%parallel_loop3A_149, %parallel_loop3A_150] {strides = array<i32>} : memref<64x256xf32, #tpu.memory_space<vmem>>, vector<16xf32>,
        %parallel_loop3A_152 = arith.mulf %parallel_loop3A_151, %parallel_loop3A_105 : vector<16xf32>
        %parallel_loop3A_153 = arith.addf %parallel_loop3A_148, %parallel_loop3A_152 : vector<16xf32>
        %parallel_loop3A_154 = arith.index_cast %parallel_loop3A_84 : i32 to index
        %parallel_loop3A_155 = arith.constant 32 : index
        %parallel_loop3A_156 = tpu.vector_load %arg11[%parallel_loop3A_154, %parallel_loop3A_155] {strides = array<i32>} : memref<64x256xf32, #tpu.memory_space<vmem>>, vector<16xf32>,
        tpu.vector_store %arg11[%parallel_loop3A_154, %parallel_loop3A_155], %parallel_loop3A_153 {strides = array<i32>} : memref<64x256xf32, #tpu.memory_space<vmem>>, vector<16xf32>,
        %parallel_loop3A_157 = arith.index_cast %parallel_loop3A_84 : i32 to index
        %parallel_loop3A_158 = arith.constant 48 : index
        %parallel_loop3A_159 = tpu.vector_load %arg8[%parallel_loop3A_157, %parallel_loop3A_158] {strides = array<i32>} : memref<64x256xf32, #tpu.memory_space<vmem>>, vector<16xf32>,
        %parallel_loop3A_160 = arith.mulf %parallel_loop3A_159, %parallel_loop3A_91 : vector<16xf32>
        %parallel_loop3A_161 = arith.index_cast %parallel_loop3A_84 : i32 to index
        %parallel_loop3A_162 = arith.constant 48 : index
        %parallel_loop3A_163 = tpu.vector_load %arg9[%parallel_loop3A_161, %parallel_loop3A_162] {strides = array<i32>} : memref<64x256xf32, #tpu.memory_space<vmem>>, vector<16xf32>,
        %parallel_loop3A_164 = arith.mulf %parallel_loop3A_163, %parallel_loop3A_98 : vector<16xf32>
        %parallel_loop3A_165 = arith.addf %parallel_loop3A_160, %parallel_loop3A_164 : vector<16xf32>
        %parallel_loop3A_166 = arith.index_cast %parallel_loop3A_84 : i32 to index
        %parallel_loop3A_167 = arith.constant 48 : index
        %parallel_loop3A_168 = tpu.vector_load %arg10[%parallel_loop3A_166, %parallel_loop3A_167] {strides = array<i32>} : memref<64x256xf32, #tpu.memory_space<vmem>>, vector<16xf32>,
        %parallel_loop3A_169 = arith.mulf %parallel_loop3A_168, %parallel_loop3A_105 : vector<16xf32>
        %parallel_loop3A_170 = arith.addf %parallel_loop3A_165, %parallel_loop3A_169 : vector<16xf32>
        %parallel_loop3A_171 = arith.index_cast %parallel_loop3A_84 : i32 to index
        %parallel_loop3A_172 = arith.constant 48 : index
        %parallel_loop3A_173 = tpu.vector_load %arg11[%parallel_loop3A_171, %parallel_loop3A_172] {strides = array<i32>} : memref<64x256xf32, #tpu.memory_space<vmem>>, vector<16xf32>,
        tpu.vector_store %arg11[%parallel_loop3A_171, %parallel_loop3A_172], %parallel_loop3A_170 {strides = array<i32>} : memref<64x256xf32, #tpu.memory_space<vmem>>, vector<16xf32>,
        %parallel_loop3A_174 = arith.index_cast %parallel_loop3A_84 : i32 to index
        %parallel_loop3A_175 = arith.constant 64 : index
        %parallel_loop3A_176 = tpu.vector_load %arg8[%parallel_loop3A_174, %parallel_loop3A_175] {strides = array<i32>} : memref<64x256xf32, #tpu.memory_space<vmem>>, vector<16xf32>,
        %parallel_loop3A_177 = arith.mulf %parallel_loop3A_176, %parallel_loop3A_91 : vector<16xf32>
        %parallel_loop3A_178 = arith.index_cast %parallel_loop3A_84 : i32 to index
        %parallel_loop3A_179 = arith.constant 64 : index
        %parallel_loop3A_180 = tpu.vector_load %arg9[%parallel_loop3A_178, %parallel_loop3A_179] {strides = array<i32>} : memref<64x256xf32, #tpu.memory_space<vmem>>, vector<16xf32>,
        %parallel_loop3A_181 = arith.mulf %parallel_loop3A_180, %parallel_loop3A_98 : vector<16xf32>
        %parallel_loop3A_182 = arith.addf %parallel_loop3A_177, %parallel_loop3A_181 : vector<16xf32>
        %parallel_loop3A_183 = arith.index_cast %parallel_loop3A_84 : i32 to index
        %parallel_loop3A_184 = arith.constant 64 : index
        %parallel_loop3A_185 = tpu.vector_load %arg10[%parallel_loop3A_183, %parallel_loop3A_184] {strides = array<i32>} : memref<64x256xf32, #tpu.memory_space<vmem>>, vector<16xf32>,
        %parallel_loop3A_186 = arith.mulf %parallel_loop3A_185, %parallel_loop3A_105 : vector<16xf32>
        %parallel_loop3A_187 = arith.addf %parallel_loop3A_182, %parallel_loop3A_186 : vector<16xf32>
        %parallel_loop3A_188 = arith.index_cast %parallel_loop3A_84 : i32 to index
        %parallel_loop3A_189 = arith.constant 64 : index
        %parallel_loop3A_190 = tpu.vector_load %arg11[%parallel_loop3A_188, %parallel_loop3A_189] {strides = array<i32>} : memref<64x256xf32, #tpu.memory_space<vmem>>, vector<16xf32>,
        tpu.vector_store %arg11[%parallel_loop3A_188, %parallel_loop3A_189], %parallel_loop3A_187 {strides = array<i32>} : memref<64x256xf32, #tpu.memory_space<vmem>>, vector<16xf32>,
        %parallel_loop3A_191 = arith.index_cast %parallel_loop3A_84 : i32 to index
        %parallel_loop3A_192 = arith.constant 80 : index
        %parallel_loop3A_193 = tpu.vector_load %arg8[%parallel_loop3A_191, %parallel_loop3A_192] {strides = array<i32>} : memref<64x256xf32, #tpu.memory_space<vmem>>, vector<16xf32>,
        %parallel_loop3A_194 = arith.mulf %parallel_loop3A_193, %parallel_loop3A_91 : vector<16xf32>
        %parallel_loop3A_195 = arith.index_cast %parallel_loop3A_84 : i32 to index
        %parallel_loop3A_196 = arith.constant 80 : index
        %parallel_loop3A_197 = tpu.vector_load %arg9[%parallel_loop3A_195, %parallel_loop3A_196] {strides = array<i32>} : memref<64x256xf32, #tpu.memory_space<vmem>>, vector<16xf32>,
        %parallel_loop3A_198 = arith.mulf %parallel_loop3A_197, %parallel_loop3A_98 : vector<16xf32>
        %parallel_loop3A_199 = arith.addf %parallel_loop3A_194, %parallel_loop3A_198 : vector<16xf32>
        %parallel_loop3A_200 = arith.index_cast %parallel_loop3A_84 : i32 to index
        %parallel_loop3A_201 = arith.constant 80 : index
        %parallel_loop3A_202 = tpu.vector_load %arg10[%parallel_loop3A_200, %parallel_loop3A_201] {strides = array<i32>} : memref<64x256xf32, #tpu.memory_space<vmem>>, vector<16xf32>,
        %parallel_loop3A_203 = arith.mulf %parallel_loop3A_202, %parallel_loop3A_105 : vector<16xf32>
        %parallel_loop3A_204 = arith.addf %parallel_loop3A_199, %parallel_loop3A_203 : vector<16xf32>
        %parallel_loop3A_205 = arith.index_cast %parallel_loop3A_84 : i32 to index
        %parallel_loop3A_206 = arith.constant 80 : index
        %parallel_loop3A_207 = tpu.vector_load %arg11[%parallel_loop3A_205, %parallel_loop3A_206] {strides = array<i32>} : memref<64x256xf32, #tpu.memory_space<vmem>>, vector<16xf32>,
        tpu.vector_store %arg11[%parallel_loop3A_205, %parallel_loop3A_206], %parallel_loop3A_204 {strides = array<i32>} : memref<64x256xf32, #tpu.memory_space<vmem>>, vector<16xf32>,
        %parallel_loop3A_208 = arith.index_cast %parallel_loop3A_84 : i32 to index
        %parallel_loop3A_209 = arith.constant 96 : index
        %parallel_loop3A_210 = tpu.vector_load %arg8[%parallel_loop3A_208, %parallel_loop3A_209] {strides = array<i32>} : memref<64x256xf32, #tpu.memory_space<vmem>>, vector<16xf32>,
        %parallel_loop3A_211 = arith.mulf %parallel_loop3A_210, %parallel_loop3A_91 : vector<16xf32>
        %parallel_loop3A_212 = arith.index_cast %parallel_loop3A_84 : i32 to index
        %parallel_loop3A_213 = arith.constant 96 : index
        %parallel_loop3A_214 = tpu.vector_load %arg9[%parallel_loop3A_212, %parallel_loop3A_213] {strides = array<i32>} : memref<64x256xf32, #tpu.memory_space<vmem>>, vector<16xf32>,
        %parallel_loop3A_215 = arith.mulf %parallel_loop3A_214, %parallel_loop3A_98 : vector<16xf32>
        %parallel_loop3A_216 = arith.addf %parallel_loop3A_211, %parallel_loop3A_215 : vector<16xf32>
        %parallel_loop3A_217 = arith.index_cast %parallel_loop3A_84 : i32 to index
        %parallel_loop3A_218 = arith.constant 96 : index
        %parallel_loop3A_219 = tpu.vector_load %arg10[%parallel_loop3A_217, %parallel_loop3A_218] {strides = array<i32>} : memref<64x256xf32, #tpu.memory_space<vmem>>, vector<16xf32>,
        %parallel_loop3A_220 = arith.mulf %parallel_loop3A_219, %parallel_loop3A_105 : vector<16xf32>
        %parallel_loop3A_221 = arith.addf %parallel_loop3A_216, %parallel_loop3A_220 : vector<16xf32>
        %parallel_loop3A_222 = arith.index_cast %parallel_loop3A_84 : i32 to index
        %parallel_loop3A_223 = arith.constant 96 : index
        %parallel_loop3A_224 = tpu.vector_load %arg11[%parallel_loop3A_222, %parallel_loop3A_223] {strides = array<i32>} : memref<64x256xf32, #tpu.memory_space<vmem>>, vector<16xf32>,
        tpu.vector_store %arg11[%parallel_loop3A_222, %parallel_loop3A_223], %parallel_loop3A_221 {strides = array<i32>} : memref<64x256xf32, #tpu.memory_space<vmem>>, vector<16xf32>,
        %parallel_loop3A_225 = arith.index_cast %parallel_loop3A_84 : i32 to index
        %parallel_loop3A_226 = arith.constant 112 : index
        %parallel_loop3A_227 = tpu.vector_load %arg8[%parallel_loop3A_225, %parallel_loop3A_226] {strides = array<i32>} : memref<64x256xf32, #tpu.memory_space<vmem>>, vector<16xf32>,
        %parallel_loop3A_228 = arith.mulf %parallel_loop3A_227, %parallel_loop3A_91 : vector<16xf32>
        %parallel_loop3A_229 = arith.index_cast %parallel_loop3A_84 : i32 to index
        %parallel_loop3A_230 = arith.constant 112 : index
        %parallel_loop3A_231 = tpu.vector_load %arg9[%parallel_loop3A_229, %parallel_loop3A_230] {strides = array<i32>} : memref<64x256xf32, #tpu.memory_space<vmem>>, vector<16xf32>,
        %parallel_loop3A_232 = arith.mulf %parallel_loop3A_231, %parallel_loop3A_98 : vector<16xf32>
        %parallel_loop3A_233 = arith.addf %parallel_loop3A_228, %parallel_loop3A_232 : vector<16xf32>
        %parallel_loop3A_234 = arith.index_cast %parallel_loop3A_84 : i32 to index
        %parallel_loop3A_235 = arith.constant 112 : index
        %parallel_loop3A_236 = tpu.vector_load %arg10[%parallel_loop3A_234, %parallel_loop3A_235] {strides = array<i32>} : memref<64x256xf32, #tpu.memory_space<vmem>>, vector<16xf32>,
        %parallel_loop3A_237 = arith.mulf %parallel_loop3A_236, %parallel_loop3A_105 : vector<16xf32>
        %parallel_loop3A_238 = arith.addf %parallel_loop3A_233, %parallel_loop3A_237 : vector<16xf32>
        %parallel_loop3A_239 = arith.index_cast %parallel_loop3A_84 : i32 to index
        %parallel_loop3A_240 = arith.constant 112 : index
        %parallel_loop3A_241 = tpu.vector_load %arg11[%parallel_loop3A_239, %parallel_loop3A_240] {strides = array<i32>} : memref<64x256xf32, #tpu.memory_space<vmem>>, vector<16xf32>,
        tpu.vector_store %arg11[%parallel_loop3A_239, %parallel_loop3A_240], %parallel_loop3A_238 {strides = array<i32>} : memref<64x256xf32, #tpu.memory_space<vmem>>, vector<16xf32>,
        %parallel_loop3A_242 = arith.index_cast %parallel_loop3A_84 : i32 to index
        %parallel_loop3A_243 = arith.constant 128 : index
        %parallel_loop3A_244 = tpu.vector_load %arg8[%parallel_loop3A_242, %parallel_loop3A_243] {strides = array<i32>} : memref<64x256xf32, #tpu.memory_space<vmem>>, vector<16xf32>,
        %parallel_loop3A_245 = arith.mulf %parallel_loop3A_244, %parallel_loop3A_91 : vector<16xf32>
        %parallel_loop3A_246 = arith.index_cast %parallel_loop3A_84 : i32 to index
        %parallel_loop3A_247 = arith.constant 128 : index
        %parallel_loop3A_248 = tpu.vector_load %arg9[%parallel_loop3A_246, %parallel_loop3A_247] {strides = array<i32>} : memref<64x256xf32, #tpu.memory_space<vmem>>, vector<16xf32>,
        %parallel_loop3A_249 = arith.mulf %parallel_loop3A_248, %parallel_loop3A_98 : vector<16xf32>
        %parallel_loop3A_250 = arith.addf %parallel_loop3A_245, %parallel_loop3A_249 : vector<16xf32>
        %parallel_loop3A_251 = arith.index_cast %parallel_loop3A_84 : i32 to index
        %parallel_loop3A_252 = arith.constant 128 : index
        %parallel_loop3A_253 = tpu.vector_load %arg10[%parallel_loop3A_251, %parallel_loop3A_252] {strides = array<i32>} : memref<64x256xf32, #tpu.memory_space<vmem>>, vector<16xf32>,
        %parallel_loop3A_254 = arith.mulf %parallel_loop3A_253, %parallel_loop3A_105 : vector<16xf32>
        %parallel_loop3A_255 = arith.addf %parallel_loop3A_250, %parallel_loop3A_254 : vector<16xf32>
        %parallel_loop3A_256 = arith.index_cast %parallel_loop3A_84 : i32 to index
        %parallel_loop3A_257 = arith.constant 128 : index
        %parallel_loop3A_258 = tpu.vector_load %arg11[%parallel_loop3A_256, %parallel_loop3A_257] {strides = array<i32>} : memref<64x256xf32, #tpu.memory_space<vmem>>, vector<16xf32>,
        tpu.vector_store %arg11[%parallel_loop3A_256, %parallel_loop3A_257], %parallel_loop3A_255 {strides = array<i32>} : memref<64x256xf32, #tpu.memory_space<vmem>>, vector<16xf32>,
        %parallel_loop3A_259 = arith.index_cast %parallel_loop3A_84 : i32 to index
        %parallel_loop3A_260 = arith.constant 144 : index
        %parallel_loop3A_261 = tpu.vector_load %arg8[%parallel_loop3A_259, %parallel_loop3A_260] {strides = array<i32>} : memref<64x256xf32, #tpu.memory_space<vmem>>, vector<16xf32>,
        %parallel_loop3A_262 = arith.mulf %parallel_loop3A_261, %parallel_loop3A_91 : vector<16xf32>
        %parallel_loop3A_263 = arith.index_cast %parallel_loop3A_84 : i32 to index
        %parallel_loop3A_264 = arith.constant 144 : index
        %parallel_loop3A_265 = tpu.vector_load %arg9[%parallel_loop3A_263, %parallel_loop3A_264] {strides = array<i32>} : memref<64x256xf32, #tpu.memory_space<vmem>>, vector<16xf32>,
        %parallel_loop3A_266 = arith.mulf %parallel_loop3A_265, %parallel_loop3A_98 : vector<16xf32>
        %parallel_loop3A_267 = arith.addf %parallel_loop3A_262, %parallel_loop3A_266 : vector<16xf32>
        %parallel_loop3A_268 = arith.index_cast %parallel_loop3A_84 : i32 to index
        %parallel_loop3A_269 = arith.constant 144 : index
        %parallel_loop3A_270 = tpu.vector_load %arg10[%parallel_loop3A_268, %parallel_loop3A_269] {strides = array<i32>} : memref<64x256xf32, #tpu.memory_space<vmem>>, vector<16xf32>,
        %parallel_loop3A_271 = arith.mulf %parallel_loop3A_270, %parallel_loop3A_105 : vector<16xf32>
        %parallel_loop3A_272 = arith.addf %parallel_loop3A_267, %parallel_loop3A_271 : vector<16xf32>
        %parallel_loop3A_273 = arith.index_cast %parallel_loop3A_84 : i32 to index
        %parallel_loop3A_274 = arith.constant 144 : index
        %parallel_loop3A_275 = tpu.vector_load %arg11[%parallel_loop3A_273, %parallel_loop3A_274] {strides = array<i32>} : memref<64x256xf32, #tpu.memory_space<vmem>>, vector<16xf32>,
        tpu.vector_store %arg11[%parallel_loop3A_273, %parallel_loop3A_274], %parallel_loop3A_272 {strides = array<i32>} : memref<64x256xf32, #tpu.memory_space<vmem>>, vector<16xf32>,
        %parallel_loop3A_276 = arith.index_cast %parallel_loop3A_84 : i32 to index
        %parallel_loop3A_277 = arith.constant 160 : index
        %parallel_loop3A_278 = tpu.vector_load %arg8[%parallel_loop3A_276, %parallel_loop3A_277] {strides = array<i32>} : memref<64x256xf32, #tpu.memory_space<vmem>>, vector<16xf32>,
        %parallel_loop3A_279 = arith.mulf %parallel_loop3A_278, %parallel_loop3A_91 : vector<16xf32>
        %parallel_loop3A_280 = arith.index_cast %parallel_loop3A_84 : i32 to index
        %parallel_loop3A_281 = arith.constant 160 : index
        %parallel_loop3A_282 = tpu.vector_load %arg9[%parallel_loop3A_280, %parallel_loop3A_281] {strides = array<i32>} : memref<64x256xf32, #tpu.memory_space<vmem>>, vector<16xf32>,
        %parallel_loop3A_283 = arith.mulf %parallel_loop3A_282, %parallel_loop3A_98 : vector<16xf32>
        %parallel_loop3A_284 = arith.addf %parallel_loop3A_279, %parallel_loop3A_283 : vector<16xf32>
        %parallel_loop3A_285 = arith.index_cast %parallel_loop3A_84 : i32 to index
        %parallel_loop3A_286 = arith.constant 160 : index
        %parallel_loop3A_287 = tpu.vector_load %arg10[%parallel_loop3A_285, %parallel_loop3A_286] {strides = array<i32>} : memref<64x256xf32, #tpu.memory_space<vmem>>, vector<16xf32>,
        %parallel_loop3A_288 = arith.mulf %parallel_loop3A_287, %parallel_loop3A_105 : vector<16xf32>
        %parallel_loop3A_289 = arith.addf %parallel_loop3A_284, %parallel_loop3A_288 : vector<16xf32>
        %parallel_loop3A_290 = arith.index_cast %parallel_loop3A_84 : i32 to index
        %parallel_loop3A_291 = arith.constant 160 : index
        %parallel_loop3A_292 = tpu.vector_load %arg11[%parallel_loop3A_290, %parallel_loop3A_291] {strides = array<i32>} : memref<64x256xf32, #tpu.memory_space<vmem>>, vector<16xf32>,
        tpu.vector_store %arg11[%parallel_loop3A_290, %parallel_loop3A_291], %parallel_loop3A_289 {strides = array<i32>} : memref<64x256xf32, #tpu.memory_space<vmem>>, vector<16xf32>,
        %parallel_loop3A_293 = arith.index_cast %parallel_loop3A_84 : i32 to index
        %parallel_loop3A_294 = arith.constant 176 : index
        %parallel_loop3A_295 = tpu.vector_load %arg8[%parallel_loop3A_293, %parallel_loop3A_294] {strides = array<i32>} : memref<64x256xf32, #tpu.memory_space<vmem>>, vector<16xf32>,
        %parallel_loop3A_296 = arith.mulf %parallel_loop3A_295, %parallel_loop3A_91 : vector<16xf32>
        %parallel_loop3A_297 = arith.index_cast %parallel_loop3A_84 : i32 to index
        %parallel_loop3A_298 = arith.constant 176 : index
        %parallel_loop3A_299 = tpu.vector_load %arg9[%parallel_loop3A_297, %parallel_loop3A_298] {strides = array<i32>} : memref<64x256xf32, #tpu.memory_space<vmem>>, vector<16xf32>,
        %parallel_loop3A_300 = arith.mulf %parallel_loop3A_299, %parallel_loop3A_98 : vector<16xf32>
        %parallel_loop3A_301 = arith.addf %parallel_loop3A_296, %parallel_loop3A_300 : vector<16xf32>
        %parallel_loop3A_302 = arith.index_cast %parallel_loop3A_84 : i32 to index
        %parallel_loop3A_303 = arith.constant 176 : index
        %parallel_loop3A_304 = tpu.vector_load %arg10[%parallel_loop3A_302, %parallel_loop3A_303] {strides = array<i32>} : memref<64x256xf32, #tpu.memory_space<vmem>>, vector<16xf32>,
        %parallel_loop3A_305 = arith.mulf %parallel_loop3A_304, %parallel_loop3A_105 : vector<16xf32>
        %parallel_loop3A_306 = arith.addf %parallel_loop3A_301, %parallel_loop3A_305 : vector<16xf32>
        %parallel_loop3A_307 = arith.index_cast %parallel_loop3A_84 : i32 to index
        %parallel_loop3A_308 = arith.constant 176 : index
        %parallel_loop3A_309 = tpu.vector_load %arg11[%parallel_loop3A_307, %parallel_loop3A_308] {strides = array<i32>} : memref<64x256xf32, #tpu.memory_space<vmem>>, vector<16xf32>,
        tpu.vector_store %arg11[%parallel_loop3A_307, %parallel_loop3A_308], %parallel_loop3A_306 {strides = array<i32>} : memref<64x256xf32, #tpu.memory_space<vmem>>, vector<16xf32>,
        %parallel_loop3A_310 = arith.index_cast %parallel_loop3A_84 : i32 to index
        %parallel_loop3A_311 = arith.constant 192 : index
        %parallel_loop3A_312 = tpu.vector_load %arg8[%parallel_loop3A_310, %parallel_loop3A_311] {strides = array<i32>} : memref<64x256xf32, #tpu.memory_space<vmem>>, vector<16xf32>,
        %parallel_loop3A_313 = arith.mulf %parallel_loop3A_312, %parallel_loop3A_91 : vector<16xf32>
        %parallel_loop3A_314 = arith.index_cast %parallel_loop3A_84 : i32 to index
        %parallel_loop3A_315 = arith.constant 192 : index
        %parallel_loop3A_316 = tpu.vector_load %arg9[%parallel_loop3A_314, %parallel_loop3A_315] {strides = array<i32>} : memref<64x256xf32, #tpu.memory_space<vmem>>, vector<16xf32>,
        %parallel_loop3A_317 = arith.mulf %parallel_loop3A_316, %parallel_loop3A_98 : vector<16xf32>
        %parallel_loop3A_318 = arith.addf %parallel_loop3A_313, %parallel_loop3A_317 : vector<16xf32>
        %parallel_loop3A_319 = arith.index_cast %parallel_loop3A_84 : i32 to index
        %parallel_loop3A_320 = arith.constant 192 : index
        %parallel_loop3A_321 = tpu.vector_load %arg10[%parallel_loop3A_319, %parallel_loop3A_320] {strides = array<i32>} : memref<64x256xf32, #tpu.memory_space<vmem>>, vector<16xf32>,
        %parallel_loop3A_322 = arith.mulf %parallel_loop3A_321, %parallel_loop3A_105 : vector<16xf32>
        %parallel_loop3A_323 = arith.addf %parallel_loop3A_318, %parallel_loop3A_322 : vector<16xf32>
        %parallel_loop3A_324 = arith.index_cast %parallel_loop3A_84 : i32 to index
        %parallel_loop3A_325 = arith.constant 192 : index
        %parallel_loop3A_326 = tpu.vector_load %arg11[%parallel_loop3A_324, %parallel_loop3A_325] {strides = array<i32>} : memref<64x256xf32, #tpu.memory_space<vmem>>, vector<16xf32>,
        tpu.vector_store %arg11[%parallel_loop3A_324, %parallel_loop3A_325], %parallel_loop3A_323 {strides = array<i32>} : memref<64x256xf32, #tpu.memory_space<vmem>>, vector<16xf32>,
        %parallel_loop3A_327 = arith.index_cast %parallel_loop3A_84 : i32 to index
        %parallel_loop3A_328 = arith.constant 208 : index
        %parallel_loop3A_329 = tpu.vector_load %arg8[%parallel_loop3A_327, %parallel_loop3A_328] {strides = array<i32>} : memref<64x256xf32, #tpu.memory_space<vmem>>, vector<16xf32>,
        %parallel_loop3A_330 = arith.mulf %parallel_loop3A_329, %parallel_loop3A_91 : vector<16xf32>
        %parallel_loop3A_331 = arith.index_cast %parallel_loop3A_84 : i32 to index
        %parallel_loop3A_332 = arith.constant 208 : index
        %parallel_loop3A_333 = tpu.vector_load %arg9[%parallel_loop3A_331, %parallel_loop3A_332] {strides = array<i32>} : memref<64x256xf32, #tpu.memory_space<vmem>>, vector<16xf32>,
        %parallel_loop3A_334 = arith.mulf %parallel_loop3A_333, %parallel_loop3A_98 : vector<16xf32>
        %parallel_loop3A_335 = arith.addf %parallel_loop3A_330, %parallel_loop3A_334 : vector<16xf32>
        %parallel_loop3A_336 = arith.index_cast %parallel_loop3A_84 : i32 to index
        %parallel_loop3A_337 = arith.constant 208 : index
        %parallel_loop3A_338 = tpu.vector_load %arg10[%parallel_loop3A_336, %parallel_loop3A_337] {strides = array<i32>} : memref<64x256xf32, #tpu.memory_space<vmem>>, vector<16xf32>,
        %parallel_loop3A_339 = arith.mulf %parallel_loop3A_338, %parallel_loop3A_105 : vector<16xf32>
        %parallel_loop3A_340 = arith.addf %parallel_loop3A_335, %parallel_loop3A_339 : vector<16xf32>
        %parallel_loop3A_341 = arith.index_cast %parallel_loop3A_84 : i32 to index
        %parallel_loop3A_342 = arith.constant 208 : index
        %parallel_loop3A_343 = tpu.vector_load %arg11[%parallel_loop3A_341, %parallel_loop3A_342] {strides = array<i32>} : memref<64x256xf32, #tpu.memory_space<vmem>>, vector<16xf32>,
        tpu.vector_store %arg11[%parallel_loop3A_341, %parallel_loop3A_342], %parallel_loop3A_340 {strides = array<i32>} : memref<64x256xf32, #tpu.memory_space<vmem>>, vector<16xf32>,
        %parallel_loop3A_344 = arith.index_cast %parallel_loop3A_84 : i32 to index
        %parallel_loop3A_345 = arith.constant 224 : index
        %parallel_loop3A_346 = tpu.vector_load %arg8[%parallel_loop3A_344, %parallel_loop3A_345] {strides = array<i32>} : memref<64x256xf32, #tpu.memory_space<vmem>>, vector<16xf32>,
        %parallel_loop3A_347 = arith.mulf %parallel_loop3A_346, %parallel_loop3A_91 : vector<16xf32>
        %parallel_loop3A_348 = arith.index_cast %parallel_loop3A_84 : i32 to index
        %parallel_loop3A_349 = arith.constant 224 : index
        %parallel_loop3A_350 = tpu.vector_load %arg9[%parallel_loop3A_348, %parallel_loop3A_349] {strides = array<i32>} : memref<64x256xf32, #tpu.memory_space<vmem>>, vector<16xf32>,
        %parallel_loop3A_351 = arith.mulf %parallel_loop3A_350, %parallel_loop3A_98 : vector<16xf32>
        %parallel_loop3A_352 = arith.addf %parallel_loop3A_347, %parallel_loop3A_351 : vector<16xf32>
        %parallel_loop3A_353 = arith.index_cast %parallel_loop3A_84 : i32 to index
        %parallel_loop3A_354 = arith.constant 224 : index
        %parallel_loop3A_355 = tpu.vector_load %arg10[%parallel_loop3A_353, %parallel_loop3A_354] {strides = array<i32>} : memref<64x256xf32, #tpu.memory_space<vmem>>, vector<16xf32>,
        %parallel_loop3A_356 = arith.mulf %parallel_loop3A_355, %parallel_loop3A_105 : vector<16xf32>
        %parallel_loop3A_357 = arith.addf %parallel_loop3A_352, %parallel_loop3A_356 : vector<16xf32>
        %parallel_loop3A_358 = arith.index_cast %parallel_loop3A_84 : i32 to index
        %parallel_loop3A_359 = arith.constant 224 : index
        %parallel_loop3A_360 = tpu.vector_load %arg11[%parallel_loop3A_358, %parallel_loop3A_359] {strides = array<i32>} : memref<64x256xf32, #tpu.memory_space<vmem>>, vector<16xf32>,
        tpu.vector_store %arg11[%parallel_loop3A_358, %parallel_loop3A_359], %parallel_loop3A_357 {strides = array<i32>} : memref<64x256xf32, #tpu.memory_space<vmem>>, vector<16xf32>,
        %parallel_loop3A_361 = arith.index_cast %parallel_loop3A_84 : i32 to index
        %parallel_loop3A_362 = arith.constant 240 : index
        %parallel_loop3A_363 = tpu.vector_load %arg8[%parallel_loop3A_361, %parallel_loop3A_362] {strides = array<i32>} : memref<64x256xf32, #tpu.memory_space<vmem>>, vector<16xf32>,
        %parallel_loop3A_364 = arith.mulf %parallel_loop3A_363, %parallel_loop3A_91 : vector<16xf32>
        %parallel_loop3A_365 = arith.index_cast %parallel_loop3A_84 : i32 to index
        %parallel_loop3A_366 = arith.constant 240 : index
        %parallel_loop3A_367 = tpu.vector_load %arg9[%parallel_loop3A_365, %parallel_loop3A_366] {strides = array<i32>} : memref<64x256xf32, #tpu.memory_space<vmem>>, vector<16xf32>,
        %parallel_loop3A_368 = arith.mulf %parallel_loop3A_367, %parallel_loop3A_98 : vector<16xf32>
        %parallel_loop3A_369 = arith.addf %parallel_loop3A_364, %parallel_loop3A_368 : vector<16xf32>
        %parallel_loop3A_370 = arith.index_cast %parallel_loop3A_84 : i32 to index
        %parallel_loop3A_371 = arith.constant 240 : index
        %parallel_loop3A_372 = tpu.vector_load %arg10[%parallel_loop3A_370, %parallel_loop3A_371] {strides = array<i32>} : memref<64x256xf32, #tpu.memory_space<vmem>>, vector<16xf32>,
        %parallel_loop3A_373 = arith.mulf %parallel_loop3A_372, %parallel_loop3A_105 : vector<16xf32>
        %parallel_loop3A_374 = arith.addf %parallel_loop3A_369, %parallel_loop3A_373 : vector<16xf32>
        %parallel_loop3A_375 = arith.index_cast %parallel_loop3A_84 : i32 to index
        %parallel_loop3A_376 = arith.constant 240 : index
        %parallel_loop3A_377 = tpu.vector_load %arg11[%parallel_loop3A_375, %parallel_loop3A_376] {strides = array<i32>} : memref<64x256xf32, #tpu.memory_space<vmem>>, vector<16xf32>,
        tpu.vector_store %arg11[%parallel_loop3A_375, %parallel_loop3A_376], %parallel_loop3A_374 {strides = array<i32>} : memref<64x256xf32, #tpu.memory_space<vmem>>, vector<16xf32>,
      } {sc.loop_unroll_factor = 4 : i64, sc.parallel_access}
      %add3A_82 = arith.addi %mul3A_2, %mul3A_45 : i32
      "tpu.region"() ({
        %run_scoped3A = tpu.sem_alloc : memref<!tpu.dma_semaphore, #tpu.memory_space<semaphore_mem>>
        %dma_start3A_84 = arith.constant 0 : i32
        %dma_start3A_85 = tpu.memref_slice %arg5[%add3A_82, %dma_start3A_84] : memref<8192x256xf32, #tpu.memory_space<hbm>> -> memref<64x256xf32, #tpu.memory_space<hbm>>
        %dma_start3A_86 = arith.constant 0 : i32
        %dma_start3A_87 = tpu.memref_slice %arg5[%add3A_82, %dma_start3A_86] : memref<8192x256xf32, #tpu.memory_space<hbm>> -> memref<64x256xf32, #tpu.memory_space<hbm>>
        tpu.enqueue_dma source(%arg11 : memref<64x256xf32, #tpu.memory_space<vmem>>) target(%dma_start3A_87 : memref<64x256xf32, #tpu.memory_space<hbm>>) target_semaphore(%run_scoped3A : memref<!tpu.dma_semaphore, #tpu.memory_space<semaphore_mem>>)
        %dma_wait3A_88 = arith.constant 0 : i32
        %dma_wait3A_89 = tpu.memref_slice %arg5[%add3A_82, %dma_wait3A_88] : memref<8192x256xf32, #tpu.memory_space<hbm>> -> memref<64x256xf32, #tpu.memory_space<hbm>>
        %dma_wait3A_90 = arith.constant 0 : i32
        %dma_wait3A_91 = tpu.memref_slice %arg5[%add3A_82, %dma_wait3A_90] : memref<8192x256xf32, #tpu.memory_space<hbm>> -> memref<64x256xf32, #tpu.memory_space<hbm>>
        tpu.wait_dma2 semaphore(%run_scoped3A : memref<!tpu.dma_semaphore, #tpu.memory_space<semaphore_mem>>) src(%arg11 : memref<64x256xf32, #tpu.memory_space<vmem>>) dst(%dma_wait3A_91 : memref<64x256xf32, #tpu.memory_space<hbm>>)
        tpu.yield
      }) : () -> ()
      %scan3A_83 = arith.constant 0 : i32
      scf.yield %scan3A_83 : i32
    }
    %scan3A_41 = arith.constant 4 : i32
    return
  }
}

module attributes {stable_mosaic.version = 14 : i64} {
  func.func @_topk_body(%arg0: i32, %arg1: i32, %arg2: memref<1x3x512xf32, #tpu.memory_space<vmem>>, %arg3: memref<1x1024x3xf32, #tpu.memory_space<vmem>>, %arg4: memref<1x3x512xi32, #tpu.memory_space<vmem>>, %arg5: memref<1x3x512xf32, #tpu.memory_space<vmem>>) attributes {dimension_semantics = [#tpu.dimension_semantics<arbitrary>, #tpu.dimension_semantics<arbitrary>], iteration_bounds = array<i64: 2, 8>, scalar_prefetch = 0 : i64, scratch_operands = 0 : i64, tpu.core_type = #tpu.core_type<tc>, window_params = [{transform_indices = @transform_0, window_bounds = array<i64: 1, 3, 512>}, {transform_indices = @transform_1, window_bounds = array<i64: 1, 1024, 3>}, {transform_indices = @transform_2, window_bounds = array<i64: 1, 3, 512>}, {transform_indices = @transform_3, window_bounds = array<i64: 1, 3, 512>}]} {
    %get3A = arith.constant 0 : index
    %get3A_0 = arith.constant 0 : index
    %get3A_1 = arith.constant 0 : index
    %get3A_2 = vector.load %arg2[%get3A, %get3A_0, %get3A_1] : memref<1x3x512xf32, #tpu.memory_space<vmem>>, vector<1x3x512xf32>
    %get3A_3 = vector.shape_cast %get3A_2 : vector<1x3x512xf32> to vector<3x512xf32>
    %get3A_4 = arith.constant 0 : index
    %get3A_5 = arith.constant 0 : index
    %get3A_6 = arith.constant 0 : index
    %get3A_7 = vector.load %arg3[%get3A_4, %get3A_5, %get3A_6] : memref<1x1024x3xf32, #tpu.memory_space<vmem>>, vector<1x1024x3xf32>
    %get3A_8 = vector.shape_cast %get3A_7 : vector<1x1024x3xf32> to vector<1024x3xf32>
    %slice3A = vector.extract_strided_slice %get3A_8 {offsets = [0, 0], sizes = [1024, 1], strides = [1, 1]} : vector<1024x3xf32> to vector<1024x1xf32>
    %slice3A_9 = vector.extract_strided_slice %get3A_3 {offsets = [0, 0], sizes = [1, 512], strides = [1, 1]} : vector<3x512xf32> to vector<1x512xf32>
    %sub3A = vector.broadcast %slice3A : vector<1024x1xf32> to vector<1024x512xf32>
    %sub3A_10 = vector.broadcast %slice3A_9 : vector<1x512xf32> to vector<1024x512xf32>
    %sub3A_11 = arith.subf %sub3A, %sub3A_10 : vector<1024x512xf32>
    %mul3A = arith.mulf %sub3A_11, %sub3A_11 : vector<1024x512xf32>
    %slice3A_12 = vector.extract_strided_slice %get3A_8 {offsets = [0, 1], sizes = [1024, 1], strides = [1, 1]} : vector<1024x3xf32> to vector<1024x1xf32>
    %slice3A_13 = vector.extract_strided_slice %get3A_3 {offsets = [1, 0], sizes = [1, 512], strides = [1, 1]} : vector<3x512xf32> to vector<1x512xf32>
    %sub3A_14 = vector.broadcast %slice3A_12 : vector<1024x1xf32> to vector<1024x512xf32>
    %sub3A_15 = vector.broadcast %slice3A_13 : vector<1x512xf32> to vector<1024x512xf32>
    %sub3A_16 = arith.subf %sub3A_14, %sub3A_15 : vector<1024x512xf32>
    %mul3A_17 = arith.mulf %sub3A_16, %sub3A_16 : vector<1024x512xf32>
    %add3A = arith.addf %mul3A, %mul3A_17 : vector<1024x512xf32>
    %slice3A_18 = vector.extract_strided_slice %get3A_8 {offsets = [0, 2], sizes = [1024, 1], strides = [1, 1]} : vector<1024x3xf32> to vector<1024x1xf32>
    %slice3A_19 = vector.extract_strided_slice %get3A_3 {offsets = [2, 0], sizes = [1, 512], strides = [1, 1]} : vector<3x512xf32> to vector<1x512xf32>
    %sub3A_20 = vector.broadcast %slice3A_18 : vector<1024x1xf32> to vector<1024x512xf32>
    %sub3A_21 = vector.broadcast %slice3A_19 : vector<1x512xf32> to vector<1024x512xf32>
    %sub3A_22 = arith.subf %sub3A_20, %sub3A_21 : vector<1024x512xf32>
    %mul3A_23 = arith.mulf %sub3A_22, %sub3A_22 : vector<1024x512xf32>
    %add3A_24 = arith.addf %add3A, %mul3A_23 : vector<1024x512xf32>
    %iota3A = tpu.iota {dimensions = array<i32: 0>} : vector<1024x512xi32>
    %convert_element_type3A = arith.sitofp %iota3A : vector<1024x512xi32> to vector<1024x512xf32>
    %reduce_min3A = arith.constant dense<0x7F800000> : vector<512xf32>
    %reduce_min3A_25 = vector.multi_reduction <minimumf>, %add3A_24, %reduce_min3A [0] : vector<1024x512xf32> to vector<512xf32>
    %broadcast_in_dim3A = vector.shape_cast %reduce_min3A_25 : vector<512xf32> to vector<1x512xf32>
    %eq3A = vector.broadcast %broadcast_in_dim3A : vector<1x512xf32> to vector<1024x512xf32>
    %eq3A_26 = arith.cmpf oeq, %add3A_24, %eq3A : vector<1024x512xf32>
    %jit3A = arith.constant 1.024000e+03 : f32
    %broadcast_in_dim3A_27 = vector.broadcast %jit3A : f32 to vector<1024x512xf32>
    %select_n3A = arith.select %eq3A_26, %convert_element_type3A, %broadcast_in_dim3A_27 : vector<1024x512xi1>, vector<1024x512xf32>
    %reduce_min3A_28 = arith.constant dense<0x7F800000> : vector<512xf32>
    %reduce_min3A_29 = vector.multi_reduction <minimumf>, %select_n3A, %reduce_min3A_28 [0] : vector<1024x512xf32> to vector<512xf32>
    %broadcast_in_dim3A_30 = vector.shape_cast %reduce_min3A_29 : vector<512xf32> to vector<1x512xf32>
    %jit3A_31 = arith.constant 0x7F800000 : f32
    %broadcast_in_dim3A_32 = vector.broadcast %jit3A_31 : f32 to vector<1024x512xf32>
    %select_n3A_33 = arith.select %eq3A_26, %broadcast_in_dim3A_32, %add3A_24 : vector<1024x512xi1>, vector<1024x512xf32>
    %reduce_min3A_34 = arith.constant dense<0x7F800000> : vector<512xf32>
    %reduce_min3A_35 = vector.multi_reduction <minimumf>, %select_n3A_33, %reduce_min3A_34 [0] : vector<1024x512xf32> to vector<512xf32>
    %broadcast_in_dim3A_36 = vector.shape_cast %reduce_min3A_35 : vector<512xf32> to vector<1x512xf32>
    %eq3A_37 = vector.broadcast %broadcast_in_dim3A_36 : vector<1x512xf32> to vector<1024x512xf32>
    %eq3A_38 = arith.cmpf oeq, %select_n3A_33, %eq3A_37 : vector<1024x512xf32>
    %jit3A_39 = arith.constant 1.024000e+03 : f32
    %broadcast_in_dim3A_40 = vector.broadcast %jit3A_39 : f32 to vector<1024x512xf32>
    %select_n3A_41 = arith.select %eq3A_38, %convert_element_type3A, %broadcast_in_dim3A_40 : vector<1024x512xi1>, vector<1024x512xf32>
    %reduce_min3A_42 = arith.constant dense<0x7F800000> : vector<512xf32>
    %reduce_min3A_43 = vector.multi_reduction <minimumf>, %select_n3A_41, %reduce_min3A_42 [0] : vector<1024x512xf32> to vector<512xf32>
    %broadcast_in_dim3A_44 = vector.shape_cast %reduce_min3A_43 : vector<512xf32> to vector<1x512xf32>
    %jit3A_45 = arith.constant 0x7F800000 : f32
    %broadcast_in_dim3A_46 = vector.broadcast %jit3A_45 : f32 to vector<1024x512xf32>
    %select_n3A_47 = arith.select %eq3A_38, %broadcast_in_dim3A_46, %select_n3A_33 : vector<1024x512xi1>, vector<1024x512xf32>
    %reduce_min3A_48 = arith.constant dense<0x7F800000> : vector<512xf32>
    %reduce_min3A_49 = vector.multi_reduction <minimumf>, %select_n3A_47, %reduce_min3A_48 [0] : vector<1024x512xf32> to vector<512xf32>
    %broadcast_in_dim3A_50 = vector.shape_cast %reduce_min3A_49 : vector<512xf32> to vector<1x512xf32>
    %eq3A_51 = vector.broadcast %broadcast_in_dim3A_50 : vector<1x512xf32> to vector<1024x512xf32>
    %eq3A_52 = arith.cmpf oeq, %select_n3A_47, %eq3A_51 : vector<1024x512xf32>
    %jit3A_53 = arith.constant 1.024000e+03 : f32
    %broadcast_in_dim3A_54 = vector.broadcast %jit3A_53 : f32 to vector<1024x512xf32>
    %select_n3A_55 = arith.select %eq3A_52, %convert_element_type3A, %broadcast_in_dim3A_54 : vector<1024x512xi1>, vector<1024x512xf32>
    %reduce_min3A_56 = arith.constant dense<0x7F800000> : vector<512xf32>
    %reduce_min3A_57 = vector.multi_reduction <minimumf>, %select_n3A_55, %reduce_min3A_56 [0] : vector<1024x512xf32> to vector<512xf32>
    %broadcast_in_dim3A_58 = vector.shape_cast %reduce_min3A_57 : vector<512xf32> to vector<1x512xf32>
    %concatenate3A = tpu.concatenate %broadcast_in_dim3A, %broadcast_in_dim3A_36, %broadcast_in_dim3A_50 in 0 : vector<1x512xf32>, vector<1x512xf32>, vector<1x512xf32> -> vector<3x512xf32>
    %max3A = arith.constant 1.000000e-10 : f32
    %max3A_59 = vector.broadcast %max3A : f32 to vector<3x512xf32>
    %max3A_60 = arith.maximumf %concatenate3A, %max3A_59 : vector<3x512xf32>
    %div3A = arith.constant 1.000000e+00 : f32
    %div3A_61 = vector.broadcast %div3A : f32 to vector<3x512xf32>
    %div3A_62 = arith.divf %div3A_61, %max3A_60 : vector<3x512xf32>
    %reduce_sum3A = arith.constant dense<0.000000e+00> : vector<512xf32>
    %reduce_sum3A_63 = vector.multi_reduction <add>, %div3A_62, %reduce_sum3A [0] : vector<3x512xf32> to vector<512xf32>
    %broadcast_in_dim3A_64 = vector.shape_cast %reduce_sum3A_63 : vector<512xf32> to vector<1x512xf32>
    %div3A_65 = vector.broadcast %broadcast_in_dim3A_64 : vector<1x512xf32> to vector<3x512xf32>
    %div3A_66 = arith.divf %div3A_62, %div3A_65 : vector<3x512xf32>
    %concatenate3A_67 = tpu.concatenate %broadcast_in_dim3A_30, %broadcast_in_dim3A_44, %broadcast_in_dim3A_58 in 0 : vector<1x512xf32>, vector<1x512xf32>, vector<1x512xf32> -> vector<3x512xf32>
    %convert_element_type3A_68 = arith.fptosi %concatenate3A_67 : vector<3x512xf32> to vector<3x512xi32>
    %mul3A_69 = arith.constant 1024 : i32
    %mul3A_70 = arith.muli %arg0, %mul3A_69 : i32
    %add3A_71 = vector.broadcast %mul3A_70 : i32 to vector<3x512xi32>
    %add3A_72 = arith.addi %convert_element_type3A_68, %add3A_71 : vector<3x512xi32>
    %swap3A = arith.constant 0 : index
    %swap3A_73 = arith.constant 0 : index
    %swap3A_74 = arith.constant 0 : index
    %swap3A_75 = vector.load %arg4[%swap3A, %swap3A_73, %swap3A_74] : memref<1x3x512xi32, #tpu.memory_space<vmem>>, vector<1x3x512xi32>
    %swap3A_76 = vector.shape_cast %swap3A_75 : vector<1x3x512xi32> to vector<3x512xi32>
    %swap3A_77 = vector.shape_cast %add3A_72 : vector<3x512xi32> to vector<1x3x512xi32>
    tpu.vector_store %arg4[%swap3A, %swap3A_73, %swap3A_74], %swap3A_77 {strides = array<i32>} : memref<1x3x512xi32, #tpu.memory_space<vmem>>, vector<1x3x512xi32>,
    %swap3A_78 = arith.constant 0 : index
    %swap3A_79 = arith.constant 0 : index
    %swap3A_80 = arith.constant 0 : index
    %swap3A_81 = vector.load %arg5[%swap3A_78, %swap3A_79, %swap3A_80] : memref<1x3x512xf32, #tpu.memory_space<vmem>>, vector<1x3x512xf32>
    %swap3A_82 = vector.shape_cast %swap3A_81 : vector<1x3x512xf32> to vector<3x512xf32>
    %swap3A_83 = vector.shape_cast %div3A_66 : vector<3x512xf32> to vector<1x3x512xf32>
    tpu.vector_store %arg5[%swap3A_78, %swap3A_79, %swap3A_80], %swap3A_83 {strides = array<i32>} : memref<1x3x512xf32, #tpu.memory_space<vmem>>, vector<1x3x512xf32>,
    return
  }
  func.func @transform_0(%arg0: i32, %arg1: i32) -> (i32, i32, i32) {
    %c0_i32 = arith.constant 0 : i32
    %c0_i32_0 = arith.constant 0 : i32
    return %arg0, %c0_i32, %arg1 : i32, i32, i32
  }
  func.func @transform_1(%arg0: i32, %arg1: i32) -> (i32, i32, i32) {
    %c0_i32 = arith.constant 0 : i32
    %c0_i32_0 = arith.constant 0 : i32
    %c0_i32_1 = arith.constant 0 : i32
    return %arg0, %c0_i32, %c0_i32_0 : i32, i32, i32
  }
  func.func @transform_2(%arg0: i32, %arg1: i32) -> (i32, i32, i32) {
    %c0_i32 = arith.constant 0 : i32
    %c0_i32_0 = arith.constant 0 : i32
    return %arg0, %c0_i32, %arg1 : i32, i32, i32
  }
  func.func @transform_3(%arg0: i32, %arg1: i32) -> (i32, i32, i32) {
    %c0_i32 = arith.constant 0 : i32
    %c0_i32_0 = arith.constant 0 : i32
    return %arg0, %c0_i32, %arg1 : i32, i32, i32
  }
}

module attributes {stable_mosaic.version = 14 : i64} {
  func.func @_mlp_body(%arg0: i32, %arg1: memref<1024x256xf32, #tpu.memory_space<vmem>>, %arg2: memref<1024x128xf32, #tpu.memory_space<vmem>>, %arg3: memref<256x256xf32, #tpu.memory_space<vmem>>, %arg4: memref<128x256xf32, #tpu.memory_space<vmem>>, %arg5: memref<1x256xf32, #tpu.memory_space<vmem>>, %arg6: memref<256x256xf32, #tpu.memory_space<vmem>>, %arg7: memref<1x256xf32, #tpu.memory_space<vmem>>, %arg8: memref<1024x256xf32, #tpu.memory_space<vmem>>) attributes {dimension_semantics = [#tpu.dimension_semantics<arbitrary>], iteration_bounds = array<i64: 8>, scalar_prefetch = 0 : i64, scratch_operands = 0 : i64, tpu.core_type = #tpu.core_type<tc>, window_params = [{transform_indices = @transform_0, window_bounds = array<i64: 1024, 256>}, {transform_indices = @transform_1, window_bounds = array<i64: 1024, 128>}, {pipeline_mode = #tpu.pipeline_mode<synchronous>, transform_indices = @transform_2, window_bounds = array<i64: 256, 256>}, {pipeline_mode = #tpu.pipeline_mode<synchronous>, transform_indices = @transform_3, window_bounds = array<i64: 128, 256>}, {pipeline_mode = #tpu.pipeline_mode<synchronous>, transform_indices = @transform_4, window_bounds = array<i64: 1, 256>}, {pipeline_mode = #tpu.pipeline_mode<synchronous>, transform_indices = @transform_5, window_bounds = array<i64: 256, 256>}, {pipeline_mode = #tpu.pipeline_mode<synchronous>, transform_indices = @transform_6, window_bounds = array<i64: 1, 256>}, {transform_indices = @transform_7, window_bounds = array<i64: 1024, 256>}]} {
    %get3A = arith.constant 0 : index
    %get3A_0 = arith.constant 0 : index
    %get3A_1 = vector.load %arg1[%get3A, %get3A_0] : memref<1024x256xf32, #tpu.memory_space<vmem>>, vector<1024x256xf32>
    %get3A_2 = arith.constant 0 : index
    %get3A_3 = arith.constant 0 : index
    %get3A_4 = vector.load %arg3[%get3A_2, %get3A_3] : memref<256x256xf32, #tpu.memory_space<vmem>>, vector<256x256xf32>
    %dot_general3A = arith.constant dense<0.000000e+00> : vector<1024x256xf32>
    %dot_general3A_5 = tpu.matmul %get3A_1, %get3A_4, %dot_general3A {dimension_numbers = #tpu.dot_dimension_numbers<[1], [0], [0], [1], [0, 0, 1, 1], [], []>, transpose_lhs_hint = false} : vector<1024x256xf32>, vector<256x256xf32>, vector<1024x256xf32> -> vector<1024x256xf32>
    %get3A_6 = arith.constant 0 : index
    %get3A_7 = arith.constant 0 : index
    %get3A_8 = vector.load %arg2[%get3A_6, %get3A_7] : memref<1024x128xf32, #tpu.memory_space<vmem>>, vector<1024x128xf32>
    %get3A_9 = arith.constant 0 : index
    %get3A_10 = arith.constant 0 : index
    %get3A_11 = vector.load %arg4[%get3A_9, %get3A_10] : memref<128x256xf32, #tpu.memory_space<vmem>>, vector<128x256xf32>
    %dot_general3A_12 = arith.constant dense<0.000000e+00> : vector<1024x256xf32>
    %dot_general3A_13 = tpu.matmul %get3A_8, %get3A_11, %dot_general3A_12 {dimension_numbers = #tpu.dot_dimension_numbers<[1], [0], [0], [1], [0, 0, 1, 1], [], []>, transpose_lhs_hint = false} : vector<1024x128xf32>, vector<128x256xf32>, vector<1024x256xf32> -> vector<1024x256xf32>
    %add3A = arith.addf %dot_general3A_5, %dot_general3A_13 : vector<1024x256xf32>
    %get3A_14 = arith.constant 0 : index
    %get3A_15 = arith.constant 0 : index
    %get3A_16 = vector.load %arg5[%get3A_14, %get3A_15] : memref<1x256xf32, #tpu.memory_space<vmem>>, vector<1x256xf32>
    %add3A_17 = vector.broadcast %get3A_16 : vector<1x256xf32> to vector<1024x256xf32>
    %add3A_18 = arith.addf %add3A, %add3A_17 : vector<1024x256xf32>
    %max3A = arith.constant 0.000000e+00 : f32
    %max3A_19 = vector.broadcast %max3A : f32 to vector<1024x256xf32>
    %max3A_20 = arith.maximumf %add3A_18, %max3A_19 : vector<1024x256xf32>
    %get3A_21 = arith.constant 0 : index
    %get3A_22 = arith.constant 0 : index
    %get3A_23 = vector.load %arg6[%get3A_21, %get3A_22] : memref<256x256xf32, #tpu.memory_space<vmem>>, vector<256x256xf32>
    %dot_general3A_24 = arith.constant dense<0.000000e+00> : vector<1024x256xf32>
    %dot_general3A_25 = tpu.matmul %max3A_20, %get3A_23, %dot_general3A_24 {dimension_numbers = #tpu.dot_dimension_numbers<[1], [0], [0], [1], [0, 0, 1, 1], [], []>, transpose_lhs_hint = false} : vector<1024x256xf32>, vector<256x256xf32>, vector<1024x256xf32> -> vector<1024x256xf32>
    %get3A_26 = arith.constant 0 : index
    %get3A_27 = arith.constant 0 : index
    %get3A_28 = vector.load %arg7[%get3A_26, %get3A_27] : memref<1x256xf32, #tpu.memory_space<vmem>>, vector<1x256xf32>
    %add3A_29 = vector.broadcast %get3A_28 : vector<1x256xf32> to vector<1024x256xf32>
    %add3A_30 = arith.addf %dot_general3A_25, %add3A_29 : vector<1024x256xf32>
    %max3A_31 = arith.constant 0.000000e+00 : f32
    %max3A_32 = vector.broadcast %max3A_31 : f32 to vector<1024x256xf32>
    %max3A_33 = arith.maximumf %add3A_30, %max3A_32 : vector<1024x256xf32>
    %swap3A = arith.constant 0 : index
    %swap3A_34 = arith.constant 0 : index
    %swap3A_35 = vector.load %arg8[%swap3A, %swap3A_34] : memref<1024x256xf32, #tpu.memory_space<vmem>>, vector<1024x256xf32>
    tpu.vector_store %arg8[%swap3A, %swap3A_34], %max3A_33 {strides = array<i32>} : memref<1024x256xf32, #tpu.memory_space<vmem>>, vector<1024x256xf32>,
    return
  }
  func.func @transform_0(%arg0: i32) -> (i32, i32) {
    %c0_i32 = arith.constant 0 : i32
    %c0_i32_0 = arith.constant 0 : i32
    return %arg0, %c0_i32 : i32, i32
  }
  func.func @transform_1(%arg0: i32) -> (i32, i32) {
    %c0_i32 = arith.constant 0 : i32
    %c0_i32_0 = arith.constant 0 : i32
    return %arg0, %c0_i32 : i32, i32
  }
  func.func @transform_2(%arg0: i32) -> (i32, i32) {
    %c0_i32 = arith.constant 0 : i32
    %c0_i32_0 = arith.constant 0 : i32
    %c0_i32_1 = arith.constant 0 : i32
    return %c0_i32, %c0_i32_0 : i32, i32
  }
  func.func @transform_3(%arg0: i32) -> (i32, i32) {
    %c0_i32 = arith.constant 0 : i32
    %c0_i32_0 = arith.constant 0 : i32
    %c0_i32_1 = arith.constant 0 : i32
    return %c0_i32, %c0_i32_0 : i32, i32
  }
  func.func @transform_4(%arg0: i32) -> (i32, i32) {
    %c0_i32 = arith.constant 0 : i32
    %c0_i32_0 = arith.constant 0 : i32
    %c0_i32_1 = arith.constant 0 : i32
    return %c0_i32, %c0_i32_0 : i32, i32
  }
  func.func @transform_5(%arg0: i32) -> (i32, i32) {
    %c0_i32 = arith.constant 0 : i32
    %c0_i32_0 = arith.constant 0 : i32
    %c0_i32_1 = arith.constant 0 : i32
    return %c0_i32, %c0_i32_0 : i32, i32
  }
  func.func @transform_6(%arg0: i32) -> (i32, i32) {
    %c0_i32 = arith.constant 0 : i32
    %c0_i32_0 = arith.constant 0 : i32
    %c0_i32_1 = arith.constant 0 : i32
    return %c0_i32, %c0_i32_0 : i32, i32
  }
  func.func @transform_7(%arg0: i32) -> (i32, i32) {
    %c0_i32 = arith.constant 0 : i32
    %c0_i32_0 = arith.constant 0 : i32
    return %arg0, %c0_i32 : i32, i32
  }
}

</mosaic_0001>

<sc_bundles>
// kernel: kernel.14.cloned.1.call-start
scs
__scs_entry_jumppad:
0x0: {  	(pc) =	sbr.rel $0x88, $3  }
0x1: {  	(tag) =	ssettag $0x0;
	lr =	simm.s32 $0x1  }
0x2: {  	[smem:$0x3F99] =	sst lr;
	_ =	strace $0xD0000000  }
0x3: {  	_ = 	snop  }
0x4: {  	_ = 	snop  }
0x5: {  	_ = 	snop  }
0x6: {  	_ = 	snop  }
0x7: {  	_ = 	snop  }
__scs_overlays_trampoline_lowered:
0x8: {  	[smem:$0x3FA8] =	sst s0  }
0x9: {  	[smem:$0x3FA9] =	sst s1  }
0xa: {  	[smem:$0x3FAA] =	sst s2  }
0xb: {  	[smem:$0x3FAB] =	sst s3  }
0xc: {  	[smem:$0x3FAC] =	sst s4  }
0xd: {  	[smem:$0x3FAD] =	sst s5  }
0xe: {  	[smem:$0x3FAE] =	sst s6  }
0xf: {  	[smem:$0x3FAF] =	sst s7  }
0x10: {  	[smem:$0x3FB0] =	sst s8  }
0x11: {  	[smem:$0x3FB1] =	sst s9;
	s0 =	simm.s32 @!p0 $0x0  }
0x12: {  	s1 =	sld [smem:$0x3F97];
	s0 =	simm.s32 @p0 $0x1  }
0x13: {  	[smem:$0x3FB2] =	sst s0;
	s0 =	simm.s32 @!p1 $0x0  }
0x14: {  	s2 =	sld [smem:$0x3F96];
	s0 =	simm.s32 @p1 $0x1  }
0x15: {  	[smem:$0x3FB3] =	sst s0;
	s0 =	simm.s32 @!p2 $0x0  }
0x16: {  	s3 =	sld [smem:$0x3FDB];
	s0 =	simm.s32 @p2 $0x1  }
0x17: {  	s4 =	simm.s32 $0x1BF5;
	[smem:$0x3FB5] =	sst s0  }
0x18: {  	s0 =	sld [smem:$0x3F98];
	_ =	swait.ge [sflag:s4], $0x0  }
0x19: {  	s7 =	sld [smem:$0x3F99]  }
0x1a: {  	s8 =	sadd.s32 $0xFFFFE003, lr  }
0x1b: {  	s9 =	sadd.s32 $0xFFFFFEF7, lr;
	s5 =	simm.s32 $0xFFFFFFFF;
	p2 =	slt.u32 s8, $0xFFFFF086  }
0x1c: {  	p1 =	slt.u32 s9, $0xF7A;
	s5 =	simm.s32 @!p2 $0x0  }
0x1d: {  	s5 =	simm.s32 @p1 $0x1;
	p0 =	seq.s32 s7, s2  }
0x1e: {  	s7 =	smul.u32 @!p0 $0xF7A, s2;
	p2 =	seq.s32 @!p0 s5, $0x0  }
0x1f: {  	s9 =	smul.u32 $0xF7A, s1;
	s8 =	simm.s32 @!p0 $0x1BF5;
	p2 =	por !p2, p0  }
0x20: {  	[sflag:s8] =	ssyncset.s32 @!p0 $0xFFFFF086;
	s6 =	sadd.s32 @!p0 s3, s7;
	s7 =	simm.s32 @!p0 $0x108  }
0x21: {  	s3 =	sadd.s32 s3, s9;
	s6 =	sadd.s32 @!p0 $0x88, s6;
	s7 =	simm.s32 @p2 $0x1082  }
0x22: {  	[simem:s7], [sflag:s8] =	dma.local @!p0 [hbm:s6], $0xF7A  }
0x23: {  	s9 =	sor.u32 $0xD0000000, s2;
	s6 =	simm.s32 $0x108;
	_ =	swait.ge @!p0 [sflag:s8], $0x0  }
0x24: {  	s3 =	sadd.s32 $0x88, s3;
	s6 =	simm.s32 @!p1 $0x1082;
	[sflag:s4] =	ssyncset.s32 $0xFFFFF086  }
0x25: {  	[simem:s6], [sflag:s4] =	dma.local [hbm:s3], $0xF7A  }
0x26: {  	[smem:$0x3F99] =	sst s1;
	(tag) =	ssettag s2;
	_ =	strace s9  }
0x27: {  	s1 =	sld [smem:$0x3FA9]  }
0x28: {  	s2 =	sld [smem:$0x3FAA]  }
0x29: {  	s4 =	sld [smem:$0x3FAC]  }
0x2a: {  	p0 =	seq.s32 s5, $0x0;
	s5 =	sld [smem:$0x3FAD]  }
0x2b: {  	s6 =	sld [smem:$0x3FAE]  }
0x2c: {  	s7 =	sld [smem:$0x3FAF]  }
0x2d: {  	s3 =	simm.s32 $0x108;
	s8 =	sld [smem:$0x3FB0]  }
0x2e: {  	s3 =	simm.s32 @!p0 $0x1082;
	s9 =	sld [smem:$0x3FB1]  }
0x2f: {  	lr =	sadd.s32 s0, s3;
	s0 =	sld [smem:$0x3FA8]  }
0x30: {  	s3 =	sld [smem:$0x3FAB]  }
0x31: {  	[smem:$0x3FB4] =	sst s10  }
0x32: {  	s10 =	sld [smem:$0x3FB2];
	_ =	sdelay $0x3  }
0x33: {  	p0 =	seq.s32 s10, $0x1;
	s10 =	sld [smem:$0x3FB4];
	_ =	sdelay $0x3  }
0x34: {  	[smem:$0x3FB4] =	sst s10  }
0x35: {  	s10 =	sld [smem:$0x3FB3];
	_ =	sdelay $0x3  }
0x36: {  	p1 =	seq.s32 s10, $0x1;
	s10 =	sld [smem:$0x3FB4];
	_ =	sdelay $0x3  }
0x37: {  	[smem:$0x3FB4] =	sst s10  }
0x38: {  	s10 =	sld [smem:$0x3FB5]  }
0x39: {  	_ = 	snop;
	(pc) =	sbr.ind lr, $3  }
0x3a: {  	_ = 	snop  }
0x3b: {  	_ = 	snop  }
0x3c: {  	p2 =	seq.s32 s10, $0x1;
	s10 =	sld [smem:$0x3FB4]  }
0x3d: {  	_ =	shalt  }
0x3e: {  	_ =	shalt  }
0x3f: {  	_ =	shalt  }
0x40: {  	_ =	shalt  }
0x41: {  	_ =	shalt  }
0x42: {  	_ =	shalt  }
0x43: {  	_ =	shalt  }
0x44: {  	_ =	shalt  }
0x45: {  	_ =	shalt  }
0x46: {  	_ =	shalt  }
0x47: {  	_ =	shalt  }
0x48: {  	_ =	shalt  }
0x49: {  	_ =	shalt  }
0x4a: {  	_ =	shalt  }
0x4b: {  	_ =	shalt  }
0x4c: {  	_ =	shalt  }
0x4d: {  	_ =	shalt  }
0x4e: {  	_ =	shalt  }
0x4f: {  	_ =	shalt  }
0x50: {  	_ =	shalt  }
0x51: {  	_ =	shalt  }
0x52: {  	_ =	shalt  }
0x53: {  	_ =	shalt  }
0x54: {  	_ =	shalt  }
0x55: {  	_ =	shalt  }
0x56: {  	_ =	shalt  }
0x57: {  	_ =	shalt  }
0x58: {  	_ =	shalt  }
0x59: {  	_ =	shalt  }
0x5a: {  	_ =	shalt  }
0x5b: {  	_ =	shalt  }
0x5c: {  	_ =	shalt  }
0x5d: {  	_ =	shalt  }
0x5e: {  	_ =	shalt  }
0x5f: {  	_ =	shalt  }
0x60: {  	_ =	shalt  }
0x61: {  	_ =	shalt  }
0x62: {  	_ =	shalt  }
0x63: {  	_ =	shalt  }
0x64: {  	_ =	shalt  }
0x65: {  	_ =	shalt  }
0x66: {  	_ =	shalt  }
0x67: {  	_ =	shalt  }
0x68: {  	_ =	shalt  }
0x69: {  	_ =	shalt  }
0x6a: {  	_ =	shalt  }
0x6b: {  	_ =	shalt  }
0x6c: {  	_ =	shalt  }
0x6d: {  	_ =	shalt  }
0x6e: {  	_ =	shalt  }
0x6f: {  	_ =	shalt  }
0x70: {  	_ =	shalt  }
0x71: {  	_ =	shalt  }
0x72: {  	_ =	shalt  }
0x73: {  	_ =	shalt  }
0x74: {  	_ =	shalt  }
0x75: {  	_ =	shalt  }
0x76: {  	_ =	shalt  }
0x77: {  	_ =	shalt  }
0x78: {  	_ =	shalt  }
0x79: {  	_ =	shalt  }
0x7a: {  	_ =	shalt  }
0x7b: {  	_ =	shalt  }
0x7c: {  	_ =	shalt  }
0x7d: {  	_ =	shalt  }
0x7e: {  	_ =	shalt  }
0x7f: {  	_ =	shalt  }
0x80: {  	_ =	shalt  }
0x81: {  	_ =	shalt  }
0x82: {  	_ =	shalt  }
0x83: {  	_ =	shalt  }
0x84: {  	_ =	shalt  }
0x85: {  	_ =	shalt  }
0x86: {  	_ =	shalt  }
0x87: {  	_ =	shalt  }
.Lfunc_end0:
.L_simem_size_0:
called_computation_lowered:
.L_overlay_start_0:
0x88: {  	s2 =	sld [smem:$0x3FD9]  }
0x89: {  	s3 =	sld [smem:$0x3FFE];
	_ =	sdelay $0x1  }
0x8a: {  	s1 =	srdreg.scid  }
0x8b: {  	s0 =	sand.u32 $0x1, s1  }
0x8c: {  	s17 =	sshll.u32 s0, $0xA;
	s2 =	sadd.s32 s3, s2  }
0x8d: {  	s2 =	sadd.s32 s2, s17  }
0x8e: {  	[smem:$0x3FC0] =	sst s2  }
0x8f: {  	_ = 	snop  }
0x90: {  	(tm) =	ssettm $0x1  }
0x91: {  	s18 =	sld [smem:$0x3FFB];
	_ =	sdelay $0x3  }
0x92: {  	_ =	strace s18  }
0x93: {  	s2 =	sld [smem:$0x3FFC];
	_ =	sdelay $0x3  }
0x94: {  	_ =	strace s2  }
0x95: {  	s2 =	sld [smem:$0x3FFD];
	_ =	sdelay $0x3  }
0x96: {  	_ =	strace s2  }
0x97: {  	_ =	strace $0x8FFFFFFF  }
0x98: {  	s19 =	sld [smem:$0x3FDB];
	_ =	sdelay $0x1  }
0x99: {  	s20 =	simm.s32 $_scs_section_size  }
0x9a: {  	s4 =	simm.s32 $_size__tile_overlayer_lowered;
	s5 =	simm.s32 $_tile_overlayer_lowered  }
0x9b: {  	s6 =	simm.s32 $0x1BFF;
	s21 =	sshll.u32 s5, $0x1;
	s3 =	sadd.s32 s20, s19  }
0x9c: {  	s22 =	simm.s32 $0x0;
	s4 =	sshll.u32 s4, $0x1;
	s5 =	sadd.s32 s21, s3  }
0x9d: {  	[timem:s22], [sflag:s6] =	dma.local [hbm:s5], s4  }
0x9e: {  	_ =	swait.ge [sflag:s6], s4  }
0x9f: {  	s4 =	ssub.s32 $0x0, s4;
	[sflag:s6] =	ssyncset.done $0x0  }
0xa0: {  	[sflag:s6] =	ssyncadd.s32 s4;
	_ =	sdelay $0x1  }
0xa1: {  	s23 =	simm.s32 $0x1B8B  }
0xa2: {  	_ =	swait.ge [sflag:s23], $0x1  }
0xa3: {  	[sflag:s23] =	ssyncset.done $0x0  }
0xa4: {  	[sflag:s23] =	ssyncadd.s32 $0xFFFFFFFF  }
0xa5: {  	s4 =	sld [smem:$0x0]  }
0xa6: {  	s5 =	sand.u32 $0xFFFFFFFE, s1  }
0xa7: {  	p0 =	sne.s32 s1, s5  }
0xa8: {  	s5 =	sshll.u32 @p0 s5, $0xE  }
0xa9: {  	s5 =	sadd.s32 @p0 $0x11B8D, s5;
	s6 =	sshll.u32 @p0 s4, $0x11  }
0xaa: {  	s5 =	sor.u32 @p0 s6, s5  }
0xab: {  	[sflag:s5] =	ssyncadd.remote.s32 @p0 $0x1;
	_ =	sdelay $0x1  }
0xac: {  	s5 =	simm.s32 @p0 $0x1B8D  }
0xad: {  	_ =	swait.eq @p0 [sflag:s5], $0x1  }
0xae: {  	[sflag:s5] =	ssyncadd.s32 @p0 $0xFFFFFFFF  }
0xaf: {  	s6 =	sshll.u32 @!p0 s1, $0xE  }
0xb0: {  	s6 =	sor.u32 @!p0 $0x4000, s6;
	s5 =	simm.s32 @!p0 $0x1B8D  }
0xb1: {  	s4 =	sshll.u32 @!p0 s4, $0x11;
	s6 =	sadd.s32 @!p0 $0x11B8D, s6;
	_ =	swait.eq @!p0 [sflag:s5], $0x1  }
0xb2: {  	s4 =	sor.u32 @!p0 s4, s6;
	[sflag:s5] =	ssyncadd.s32 @!p0 $0xFFFFFFFF  }
0xb3: {  	s25 =	simm.s32 $0x1B8E;
	s24 =	sld [smem:$0x3FFE];
	[sflag:s4] =	ssyncadd.remote.s32 @!p0 $0x1  }
0xb4: {  	s26 =	simm.s32 $execute0_lowered;
	[smem:$0x3FD2] =	sst s25  }
0xb5: {  	s5 =	sshll.u32 s26, $0x1;
	_ =	strace $0x8000004F;
	[dreg:$0x1] =	wrdreg $0xFFFFFFFF  }
0xb6: {  	s28 =	simm.s32 $_size_execute0_lowered;
	s3 =	sadd.s32 s3, s5;
	[dreg:$0x0] =	wrdreg $0x0  }
0xb7: {  	s5 =	sshll.u32 s28, $0x1;
	[dreg:$0x2] =	wrdreg s3  }
0xb8: {  	[dreg:$0x3] =	wrdreg s5  }
0xb9: {  	[dreg:$0x4] =	wrdreg $0xC0  }
0xba: {  	_ =	task [dreg:s22], $0x5FFFF  }
0xbb: {  	[dreg:$0x1] =	wrdreg $0xFFFFFFFF  }
0xbc: {  	[dreg:$0x0] =	wrdreg $0x60  }
0xbd: {  	[dreg:$0x2] =	wrdreg s24  }
0xbe: {  	[dreg:$0x3] =	wrdreg $0x9  }
0xbf: {  	_ =	task.clear_ibuf [dreg:s22], $0x4FFFF;
	_ =	strace $0x9000004F  }
0xc0: {  	s29 =	simm.s32 $0x9;
	_ =	strace $0x80000051  }
0xc1: {  	_ =	swait.ge [sflag:s29], $0x1  }
0xc2: {  	[sflag:s29] =	ssyncadd.s32 $0xFFFFFFFF  }
0xc3: {  	_ =	strace $0x90000051  }
0xc4: {  	_ =	sfence  }
0xc5: {  	s30 =	sld [smem:$0x0];
	_ =	sdelay $0x2  }
0xc6: {  	s31 =	sshll.u32 s1, $0xD;
	s1 =	sshrl.u32 s1, $0x2  }
0xc7: {  	s4 =	sand.u32 $0x4000, s31;
	s1 =	sadd.s32 s1, s30  }
0xc8: {  	s0 =	sor.u32 s4, s0;
	s1 =	sshll.u32 s1, $0x11  }
0xc9: {  	s0 =	sor.u32 s1, s0  }
0xca: {  	s0 =	sadd.s32 $0x8F2B, s0  }
0xcb: {  	[sflag:s0] =	ssyncadd.remote.s32 $0x1  }
0xcc: {  	_ =	sfence.sel $0xFFFF  }
0xcd: {  	[dreg:$0x0] =	wrdreg $0xFFFFFFFF;
	(pc) =	sbr.abs _section_cstart, $3  }
0xce: {  	[dreg:$0x1] =	wrdreg $0xFFFFFFFF  }
0xcf: {  	_ =	task.clear_ibuf [dreg:s22], $0x2FFFF;
	_ =	strace $0x9FFFFFFF  }
0xd0: {  	(tm) =	ssettm $0x7FFFFFFF  }
0xd1: {  	_ =	shalt  }
tec
execute0_lowered:
.L_overlay_start_1:
0x0: {  	(tag) =	ssettag $0x1  }
0x1: {  	s0 =	srdreg.scid  }
0x2: {  	s2 =	stileid.u32;
	s4 =	rddreg [dreg:$0x0]  }
0x3: {  	s10 =	simm.s32 $0x2;
	s11 =	simm.s32 $0x300;
	s13 =	simm.s32 $0x410  }
0x4: {  	s15 =	simm.s32 $0x520;
	s16 =	simm.s32 $0x40;
	s17 =	simm.s32 $0x630  }
0x5: {  	s18 =	simm.s32 $0x4630;
	s19 =	simm.s32 $0x8630;
	s20 =	simm.s32 $0x1  }
0x6: {  	s21 =	simm.s32 $0xC630;
	s0 =	sand.u32 $0x1, s0;
	s1 =	sshll.u32 s2, $0x1  }
0x7: {  	s22 =	simm.s32 $0x0;
	s2 =	sshrl.u32 s2, $0x3;
	s1 =	sor.u32 s0, s1  }
0x8: {  	s3 =	smul.u32 $0x3000, s2;
	s2 =	simm.s32 $0x0;
	s30 =	sshll.u32 s1, $0x8  }
0x9: {  	s0 =	ssub.s32 $0x2, s0;
	[smem:$0x7FF] =	sst s2;
	s5 =	sand.u32 $0xF00, s30  }
0xa: {  	s1 =	sshll.u32 s1, $0xD;
	s6 =	sshrl.u32 s0, $0x1;
	s3 =	sor.u32 s3, s5  }
0xb: {  	_ =	strace $0x80000050;
	s1 =	sadd.s32 s1, s4;
	s3 =	sshrl.u32 s3, $0x3  }
0xc: {  	s0 =	ssub.s32 s0, s6;
	s6 =	sadd.s32 $0xCAA00, s1;
	s31 =	sadd.s32 s3, s4  }
0xd: {  	s7 =	smax.u32 s0, $0x1;
	s3 =	sadd.s32 $0xBAA00, s4;
	s5 =	sadd.s32 $0xB9E00, s31  }
0xe: {  	v1 =	vimm.s32 $0x0;
	s4 =	sadd.s32 $0xB9200, s31;
	s12 =	sadd.s32 $0x200, s5;
	s14 =	sadd.s32 $0x400, s5  }
.LBB2_1:
0xf: {  	s0 =	simm.s32 $0x100;
	s1 =	simm.s32 $0x1000  }
0x10: {  	[tilespmem:s2], [sflag:$0x2] =	stream.strided.gather [hbm4b:s4+s0], $0x300, s1, s0, $0x38;
	[tilespmem:$0x10630] =	vst v63  }
0x11: {  	_ =	swait.ge [sflag:s10], $0x300  }
0x12: {  	[sflag:s10] =	ssyncset.done $0x0  }
0x13: {  	[sflag:s10] =	ssyncadd.s32 $0xFFFFFD00  }
0x14: {  	[tilespmem:s11], [sflag:$0x2] =	stream.linear.gather [hbm4b:s5+s2], $0x100, $0x38;
	[tilespmem:$0x10630] =	vst v63  }
0x15: {  	_ = 	snop  }
0x16: {  	[tilespmem:s13], [sflag:$0x2] =	stream.linear.gather [hbm4b:s12+s2], $0x100, $0x38;
	[tilespmem:$0x10630] =	vst v63  }
0x17: {  	_ = 	snop  }
0x18: {  	[tilespmem:s15], [sflag:$0x2] =	stream.linear.gather [hbm4b:s14+s2], $0x100, $0x38;
	[tilespmem:$0x10630] =	vst v63  }
0x19: {  	_ =	swait.ge [sflag:s10], $0x300  }
0x1a: {  	[sflag:s10] =	ssyncset.done $0x0  }
0x1b: {  	s23 =	simm.s32 $0x0;
	[sflag:s10] =	ssyncadd.s32 $0xFFFFFD00  }
.LBB2_2:
0x1c: {  	s24 =	sshll.u32 s23, $0x6  }
0x1d: {  	[tilespmem:s17], [sflag:$0x1] =	stream.indirect.gather [hbm4b:s3+s16], $0x100, s24, s16, $0xb8;
	[tilespmem:$0x10630] =	vst v63  }
0x1e: {  	s0 =	sadd.s32 $0x100, s24  }
0x1f: {  	[tilespmem:s18], [sflag:$0x1] =	stream.indirect.gather [hbm4b:s3+s16], $0x100, s0, s16, $0xb8;
	[tilespmem:$0x10630] =	vst v63  }
0x20: {  	s31 =	sadd.s32 $0x200, s24  }
0x21: {  	[tilespmem:s19], [sflag:$0x1] =	stream.indirect.gather [hbm4b:s3+s16], $0x100, s31, s16, $0xb8;
	[tilespmem:$0x10630] =	vst v63  }
0x22: {  	_ =	swait.ge [sflag:s20], $0x4000  }
0x23: {  	[sflag:s20] =	ssyncset.done $0x0  }
0x24: {  	[sflag:s20] =	ssyncadd.s32 $0xFFFFC000  }
0x25: {  	_ =	swait.ge [sflag:s20], $0x4000  }
0x26: {  	[sflag:s20] =	ssyncset.done $0x0  }
0x27: {  	[sflag:s20] =	ssyncadd.s32 $0xFFFFC000  }
0x28: {  	_ =	swait.ge [sflag:s20], $0x4000  }
0x29: {  	s28 =	simm.s32 $0x0;
	[sflag:s20] =	ssyncset.done $0x0  }
0x2a: {  	s25 =	sadd.s32 $0x300, s24;
	s26 =	sand.u32 $0xF8, s24;
	[sflag:s20] =	ssyncadd.s32 $0xFFFFC000  }
.LBB2_3:
0x2b: {  	s0 =	sand.u32 $0x38, s28  }
0x2c: {  	s31 =	sadd.s32 s0, s25  }
0x2d: {  	s8 =	sand.u32 $0x4, s28;
	s29 =	sadd.s32 $0x110, s31  }
0x2e: {  	s30 =	sor.u32 $0x1, s28;
	s1 =	sadd.s32 $0x220, s31;
	s9 =	sadd.s32 s8, s29  }
0x2f: {  	s0 =	sadd.s32 s8, s31;
	v36 =	vld [tilespmem:s9+$0x0];
	s9 =	sadd.s32 s8, s1;
	s8 =	sand.u32 $0x5, s30  }
0x30: {  	v37 =	vld [tilespmem:s9+$0x0];
	s9 =	sadd.s32 s8, s31  }
0x31: {  	v2 =	vld [tilespmem:s9+$0x0];
	_ =	sdelay $0x3  }
0x32: {  	s9 =	sadd.s32 s8, s29  }
0x33: {  	[tilespmem:$0x1FB80] =	vst v2;
	v2 =	vld [tilespmem:s9+$0x0];
	_ =	sdelay $0x3  }
0x34: {  	s9 =	sadd.s32 s8, s1  }
0x35: {  	[tilespmem:$0x1FB90] =	vst v2;
	v2 =	vld [tilespmem:s9+$0x0];
	_ =	sdelay $0x1  }
0x36: {  	v0 =	vld [tilespmem:s0+$0x0];
	s0 =	sor.u32 $0x2, s28  }
0x37: {  	s8 =	sand.u32 $0x6, s0  }
0x38: {  	s31 =	sadd.s32 s8, s31  }
0x39: {  	[tilespmem:$0x1FBA0] =	vst v2;
	v2 =	vld [tilespmem:s31+$0x0];
	_ =	sdelay $0x3  }
0x3a: {  	s30 =	sshll.u32 s30, $0x8  }
0x3b: {  	[tilespmem:$0x1FDF0] =	vst v2;
	v2 =	vld [tilespmem:s30+$0x4660];
	_ =	sdelay $0x4  }
0x3c: {  	[tilespmem:$0x1FBB0] =	vst v2;
	v2 =	vld [tilespmem:s30+$0x8660];
	_ =	sdelay $0x4  }
0x3d: {  	[tilespmem:$0x1FBC0] =	vst v2;
	v2 =	vld [tilespmem:s30+$0x670];
	_ =	sdelay $0x4  }
0x3e: {  	[tilespmem:$0x1FBD0] =	vst v2;
	v2 =	vld [tilespmem:s30+$0x4670];
	_ =	sdelay $0x4  }
0x3f: {  	[tilespmem:$0x1FBE0] =	vst v2;
	v2 =	vld [tilespmem:s30+$0x8670];
	_ =	sdelay $0x4  }
0x40: {  	[tilespmem:$0x1FC10] =	vst v2;
	v2 =	vld [tilespmem:s30+$0x680];
	_ =	sdelay $0x4  }
0x41: {  	[tilespmem:$0x1FBF0] =	vst v2;
	v2 =	vld [tilespmem:s30+$0x4680];
	_ =	sdelay $0x4  }
0x42: {  	[tilespmem:$0x1FC00] =	vst v2;
	v2 =	vld [tilespmem:s30+$0x8680];
	_ =	sdelay $0x4  }
0x43: {  	[tilespmem:$0x1FC20] =	vst v2;
	v2 =	vld [tilespmem:s30+$0x690];
	_ =	sdelay $0x4  }
0x44: {  	[tilespmem:$0x1FC30] =	vst v2;
	v2 =	vld [tilespmem:s30+$0x4690];
	_ =	sdelay $0x4  }
0x45: {  	[tilespmem:$0x1FC40] =	vst v2;
	v2 =	vld [tilespmem:s30+$0x8690];
	_ =	sdelay $0x4  }
0x46: {  	[tilespmem:$0x1FC70] =	vst v2;
	v2 =	vld [tilespmem:s30+$0x6A0];
	_ =	sdelay $0x4  }
0x47: {  	[tilespmem:$0x1FC50] =	vst v2;
	v2 =	vld [tilespmem:s30+$0x46A0];
	_ =	sdelay $0x4  }
0x48: {  	[tilespmem:$0x1FC60] =	vst v2;
	v2 =	vld [tilespmem:s30+$0x86A0];
	_ =	sdelay $0x4  }
0x49: {  	[tilespmem:$0x1FC80] =	vst v2;
	v2 =	vld [tilespmem:s30+$0x6B0];
	_ =	sdelay $0x4  }
0x4a: {  	[tilespmem:$0x1FC90] =	vst v2;
	v2 =	vld [tilespmem:s30+$0x46B0];
	_ =	sdelay $0x4  }
0x4b: {  	[tilespmem:$0x1FCA0] =	vst v2;
	v2 =	vld [tilespmem:s30+$0x86B0];
	_ =	sdelay $0x4  }
0x4c: {  	[tilespmem:$0x1FCD0] =	vst v2;
	v2 =	vld [tilespmem:s30+$0x6C0];
	_ =	sdelay $0x4  }
0x4d: {  	[tilespmem:$0x1FCB0] =	vst v2;
	v2 =	vld [tilespmem:s30+$0x46C0];
	_ =	sdelay $0x4  }
0x4e: {  	[tilespmem:$0x1FCC0] =	vst v2;
	v2 =	vld [tilespmem:s30+$0x86C0];
	_ =	sdelay $0x4  }
0x4f: {  	[tilespmem:$0x1FCE0] =	vst v2;
	v2 =	vld [tilespmem:s30+$0x6D0];
	_ =	sdelay $0x4  }
0x50: {  	[tilespmem:$0x1FCF0] =	vst v2;
	v2 =	vld [tilespmem:s30+$0x46D0];
	_ =	sdelay $0x4  }
0x51: {  	[tilespmem:$0x1FD00] =	vst v2;
	v2 =	vld [tilespmem:s30+$0x86D0];
	_ =	sdelay $0x4  }
0x52: {  	[tilespmem:$0x1FD10] =	vst v2;
	v2 =	vld [tilespmem:s30+$0x6E0];
	_ =	sdelay $0x4  }
0x53: {  	[tilespmem:$0x1FD20] =	vst v2;
	v2 =	vld [tilespmem:s30+$0x46E0];
	_ =	sdelay $0x4  }
0x54: {  	[tilespmem:$0x1FD30] =	vst v2;
	v2 =	vld [tilespmem:s30+$0x86E0];
	_ =	sdelay $0x4  }
0x55: {  	[tilespmem:$0x1FD40] =	vst v2;
	v2 =	vld [tilespmem:s30+$0x6F0];
	_ =	sdelay $0x4  }
0x56: {  	[tilespmem:$0x1FD50] =	vst v2;
	v2 =	vld [tilespmem:s30+$0x46F0];
	_ =	sdelay $0x4  }
0x57: {  	[tilespmem:$0x1FD80] =	vst v2;
	v2 =	vld [tilespmem:s30+$0x86F0];
	_ =	sdelay $0x1  }
0x58: {  	s31 =	sshll.u32 s28, $0x8  }
0x59: {  	v38 =	vld [tilespmem:s31+$0x630]  }
0x5a: {  	v39 =	vld [tilespmem:s31+$0x4630]  }
0x5b: {  	[tilespmem:$0x1FDC0] =	vst v2;
	v2 =	vld [tilespmem:s30+$0x700]  }
0x5c: {  	v50 =	vld [tilespmem:s31+$0x8630]  }
0x5d: {  	v55 =	vld [tilespmem:s31+$0x640]  }
0x5e: {  	v58 =	vld [tilespmem:s31+$0x4640]  }
0x5f: {  	v59 =	vld [tilespmem:s31+$0x8640]  }
0x60: {  	[tilespmem:$0x1FD60] =	vst v2;
	v2 =	vld [tilespmem:s30+$0x4700]  }
0x61: {  	v60 =	vld [tilespmem:s31+$0x650]  }
0x62: {  	v63 =	vld [tilespmem:s31+$0x4650]  }
0x63: {  	v4 =	vld [tilespmem:s31+$0x8650]  }
0x64: {  	v30 =	vld [tilespmem:s31+$0x660]  }
0x65: {  	[tilespmem:$0x1FD90] =	vst v2;
	v2 =	vld [tilespmem:s30+$0x8700]  }
0x66: {  	v3 =	vld [tilespmem:s31+$0x4660]  }
0x67: {  	v5 =	vld [tilespmem:s31+$0x8660]  }
0x68: {  	v6 =	vld [tilespmem:s31+$0x670]  }
0x69: {  	v7 =	vld [tilespmem:s31+$0x4670]  }
0x6a: {  	[tilespmem:$0x1FDD0] =	vst v2;
	v2 =	vld [tilespmem:s30+$0x710]  }
0x6b: {  	v12 =	vld [tilespmem:s31+$0x8670]  }
0x6c: {  	v8 =	vld [tilespmem:s31+$0x680]  }
0x6d: {  	v11 =	vimm.s32 $0x0;
	v9 =	vld [tilespmem:s31+$0x4680]  }
0x6e: {  	v0 =	vperm.xlane v0, v1;
	v1 =	vperm.xlane v36, v11;
	v10 =	vld [tilespmem:s31+$0x8680]  }
0x6f: {  	v13 =	vld [tilespmem:s31+$0x690];
	[tilespmem:$0x1FD70] =	vst v2;
	v2 =	vperm.xlane v37, v11  }
0x70: {  	v14 =	vld [tilespmem:s31+$0x4690];
	v37 =	vmul.f32 v38, v0;
	v38 =	vmul.f32 v39, v1  }
0x71: {  	v16 =	vld [tilespmem:s31+$0x8690]  }
0x72: {  	v37 =	vadd.f32 v38, v37;
	v38 =	vmul.f32 v60, v0;
	v60 =	vmul.f32 v63, v1;
	v63 =	vld [tilespmem:s30+$0x8720]  }
0x73: {  	v15 =	vld [tilespmem:s31+$0x6A0]  }
0x74: {  	v18 =	vld [tilespmem:s31+$0x46A0]  }
0x75: {  	v17 =	vld [tilespmem:s31+$0x86A0]  }
0x76: {  	s29 =	sadd.s32 s8, s29;
	v20 =	vld [tilespmem:s31+$0x6B0]  }
0x77: {  	[tilespmem:$0x1FE10] =	vst v63;
	v63 =	vld [tilespmem:s29+$0x0]  }
0x78: {  	v19 =	vld [tilespmem:s31+$0x46B0];
	v39 =	vmul.f32 v50, v2  }
0x79: {  	v34 =	vld [tilespmem:s31+$0x86B0];
	v50 =	vmul.f32 v55, v0;
	v55 =	vmul.f32 v58, v1  }
0x7a: {  	s1 =	sadd.s32 s8, s1;
	v58 =	vld [tilespmem:s30+$0x4720]  }
0x7b: {  	v50 =	vadd.f32 v55, v50;
	v55 =	vadd.f32 v60, v38;
	v60 =	vld [tilespmem:s1+$0x0];
	s29 =	sshll.u32 s0, $0x8  }
0x7c: {  	v30 =	vmul.f32 v30, v0;
	[tilespmem:$0x1FE00] =	vst v63;
	v63 =	vld [tilespmem:s29+$0x630]  }
0x7d: {  	v22 =	vld [tilespmem:s31+$0x6C0];
	v3 =	vmul.f32 v3, v1;
	v59 =	vmul.f32 v59, v2  }
0x7e: {  	v21 =	vld [tilespmem:s31+$0x46C0];
	v4 =	vmul.f32 v4, v2;
	v5 =	vmul.f32 v5, v2  }
0x7f: {  	v23 =	vld [tilespmem:s31+$0x86C0];
	v3 =	vadd.f32 v3, v30;
	v12 =	vmul.f32 v12, v2;
	v38 =	vmul.f32 v6, v0;
	[tilespmem:$0x1FDB0] =	vst v58  }
0x80: {  	v59 =	vadd.f32 v59, v50;
	v58 =	vadd.f32 v39, v37;
	v39 =	vmul.f32 v7, v1;
	[tilespmem:$0x1FE20] =	vst v60;
	v60 =	vld [tilespmem:s29+$0x4630]  }
0x81: {  	v26 =	vld [tilespmem:s31+$0x6D0];
	v50 =	vadd.f32 v5, v3;
	v3 =	vmul.f32 v8, v0;
	[tilespmem:$0x1FE30] =	vst v63;
	v63 =	vmul.f32 v9, v1  }
0x82: {  	v55 =	vadd.f32 v4, v55;
	v7 =	vmul.f32 v17, v2;
	v17 =	vld [tilespmem:s29+$0x650];
	v4 =	vadd.f32 v39, v38  }
0x83: {  	v30 =	vmul.f32 v10, v2;
	v37 =	vld [tilespmem:s29+$0x640];
	v3 =	vadd.f32 v63, v3  }
0x84: {  	v25 =	vld [tilespmem:s31+$0x6E0];
	v63 =	vadd.f32 v12, v4;
	v4 =	vmul.f32 v16, v2  }
0x85: {  	v43 =	vld [tilespmem:s31+$0x6F0];
	[tilespmem:$0x1FE40] =	vst v60;
	v16 =	vmul.f32 v15, v0;
	v60 =	vadd.f32 v30, v3;
	v3 =	vmul.f32 v18, v1  }
0x86: {  	v29 =	vld [tilespmem:s31+$0x720];
	v38 =	vmul.f32 v13, v0;
	v39 =	vmul.f32 v14, v1  }
0x87: {  	[tilespmem:$0x1FEB0] =	vst v17;
	v17 =	vld [tilespmem:s29+$0x660];
	v3 =	vadd.f32 v3, v16  }
0x88: {  	v54 =	vld [tilespmem:s31+$0x710];
	v5 =	vadd.f32 v39, v38;
	v38 =	vmul.f32 v21, v1;
	[tilespmem:$0x1FE50] =	vst v37;
	v37 =	vmul.f32 v22, v0  }
0x89: {  	v18 =	vmul.f32 v20, v0;
	v20 =	vmul.f32 v19, v1;
	v30 =	vld [tilespmem:s29+$0x4650];
	v3 =	vadd.f32 v7, v3  }
0x8a: {  	v28 =	vld [tilespmem:s31+$0x700]  }
0x8b: {  	v15 =	vadd.f32 v20, v18;
	v18 =	vmul.f32 v23, v2;
	[tilespmem:$0x1FE70] =	vst v3;
	v3 =	vadd.f32 v38, v37  }
0x8c: {  	v41 =	vld [tilespmem:s30+$0x630];
	[tilespmem:$0x1FED0] =	vst v17;
	v17 =	vmul.f32 v29, v0;
	v16 =	vmul.f32 v34, v2  }
0x8d: {  	v35 =	vld [tilespmem:s31+$0x46D0];
	v20 =	vmul.f32 v26, v0;
	v34 =	vmul.f32 v43, v0;
	v3 =	vadd.f32 v18, v3  }
0x8e: {  	v24 =	vld [tilespmem:s31+$0x46E0];
	[tilespmem:$0x1FEC0] =	vst v30;
	v30 =	vadd.f32 v4, v5;
	v4 =	vadd.f32 v16, v15;
	v15 =	vmul.f32 v54, v0  }
0x8f: {  	v38 =	vmul.f32 v28, v0;
	[tilespmem:$0x1FEA0] =	vst v3;
	v3 =	vmul.f32 v25, v0;
	v0 =	vld [tilespmem:s29+$0x690]  }
0x90: {  	v42 =	vld [tilespmem:s31+$0x86E0]  }
0x91: {  	v49 =	vld [tilespmem:s31+$0x46F0]  }
0x92: {  	v31 =	vld [tilespmem:s31+$0x86F0]  }
0x93: {  	v48 =	vld [tilespmem:s31+$0x4700]  }
0x94: {  	[tilespmem:$0x1FF70] =	vst v0;
	v0 =	vld [tilespmem:s29+$0x4690]  }
0x95: {  	v32 =	vld [tilespmem:s31+$0x4710]  }
0x96: {  	v62 =	vld [tilespmem:s31+$0x4720]  }
0x97: {  	v39 =	vld [tilespmem:s29+$0x8650];
	v23 =	vmul.f32 v24, v1  }
0x98: {  	v21 =	vmul.f32 v35, v1;
	v22 =	vld [tilespmem:s29+$0x8660]  }
0x99: {  	v35 =	vmul.f32 v49, v1;
	v26 =	vmul.f32 v42, v2;
	v3 =	vadd.f32 v23, v3;
	[tilespmem:$0x1FF80] =	vst v0;
	v0 =	vld [tilespmem:$0x1FB80]  }
0x9a: {  	v44 =	vld [tilespmem:s30+$0x4630]  }
0x9b: {  	v27 =	vld [tilespmem:s31+$0x86D0];
	v49 =	vmul.f32 v31, v2;
	v42 =	vadd.f32 v26, v3;
	v3 =	vadd.f32 v35, v34  }
0x9c: {  	v33 =	vld [tilespmem:s31+$0x8710];
	[tilespmem:$0x1FEF0] =	vst v39;
	v39 =	vmul.f32 v48, v1  }
0x9d: {  	v37 =	vld [tilespmem:s29+$0x8670];
	v34 =	vadd.f32 v49, v3;
	v3 =	vmul.f32 v32, v1;
	v1 =	vmul.f32 v62, v1  }
0x9e: {  	[tilespmem:$0x1FF00] =	vst v22;
	v22 =	vperm.xlane v0, v11;
	v0 =	vld [tilespmem:$0x1FB90]  }
0x9f: {  	[tilespmem:$0x1FE90] =	vst v4;
	v4 =	vadd.f32 v21, v20;
	v20 =	vadd.f32 v1, v17;
	v1 =	vld [tilespmem:$0x1FBA0]  }
0xa0: {  	v25 =	vmul.f32 v27, v2;
	v27 =	vld [tilespmem:s29+$0x4670];
	_ =	sdelay $0x1  }
0xa1: {  	v52 =	vld [tilespmem:s30+$0x8630]  }
0xa2: {  	v18 =	vmul.f32 v33, v2;
	v3 =	vadd.f32 v3, v15;
	v0 =	vperm.xlane v0, v11  }
0xa3: {  	[tilespmem:$0x1FF30] =	vst v37;
	v37 =	vadd.f32 v25, v4;
	v25 =	vld [tilespmem:s29+$0x86A0];
	v1 =	vperm.xlane v1, v11  }
0xa4: {  	[tilespmem:$0x1FF20] =	vst v27;
	v27 =	vadd.f32 v18, v3;
	v3 =	vmul.f32 v41, v22;
	v23 =	vmul.f32 v44, v0;
	_ =	sdelay $0x1  }
0xa5: {  	v26 =	vmul.f32 v52, v1;
	v3 =	vadd.f32 v23, v3;
	_ =	sdelay $0x1  }
0xa6: {  	[tilespmem:$0x1FFB0] =	vst v25;
	v25 =	vadd.f32 v26, v3;
	v3 =	vld [tilespmem:s29+$0x86B0];
	_ =	sdelay $0x1  }
0xa7: {  	v53 =	vld [tilespmem:s31+$0x8700]  }
0xa8: {  	v40 =	vld [tilespmem:s31+$0x8720]  }
0xa9: {  	v14 =	vld [tilespmem:s29+$0x4640]  }
0xaa: {  	[tilespmem:$0x1FFE0] =	vst v3;
	v3 =	vld [tilespmem:$0x1FBC0];
	_ =	sdelay $0x3  }
0xab: {  	[tilespmem:$0x1FE60] =	vst v14;
	v14 =	vmul.f32 v53, v2  }
0xac: {  	v2 =	vmul.f32 v40, v2;
	v40 =	vmul.f32 v3, v1;
	v3 =	vld [tilespmem:$0x1FBD0];
	_ =	sdelay $0x4  }
0xad: {  	v41 =	vmul.f32 v3, v22;
	v3 =	vld [tilespmem:$0x1FBE0];
	_ =	sdelay $0x2  }
0xae: {  	v45 =	vld [tilespmem:s30+$0x4640]  }
0xaf: {  	v24 =	vld [tilespmem:s29+$0x670]  }
0xb0: {  	v44 =	vmul.f32 v3, v0;
	v3 =	vld [tilespmem:$0x1FBF0];
	_ =	sdelay $0x3  }
0xb1: {  	v46 =	vld [tilespmem:s30+$0x640]  }
0xb2: {  	[tilespmem:$0x1FF10] =	vst v24;
	v24 =	vmul.f32 v45, v0;
	v45 =	vmul.f32 v3, v22;
	v3 =	vld [tilespmem:$0x1FC00];
	_ =	sdelay $0x3  }
0xb3: {  	v51 =	vld [tilespmem:s30+$0x4650]  }
0xb4: {  	v35 =	vadd.f32 v2, v20;
	v2 =	vmul.f32 v46, v22;
	v46 =	vmul.f32 v3, v0;
	v3 =	vld [tilespmem:$0x1FC10];
	_ =	sdelay $0x4  }
0xb5: {  	v32 =	vmul.f32 v51, v0;
	v51 =	vmul.f32 v3, v1;
	v3 =	vld [tilespmem:$0x1FC20];
	_ =	sdelay $0x4  }
0xb6: {  	v52 =	vmul.f32 v3, v1;
	v3 =	vld [tilespmem:$0x1FC30];
	_ =	sdelay $0x4  }
0xb7: {  	v53 =	vmul.f32 v3, v22;
	v3 =	vld [tilespmem:$0x1FC40];
	_ =	sdelay $0x4  }
0xb8: {  	v6 =	vmul.f32 v3, v0;
	v3 =	vld [tilespmem:s29+$0x86D0];
	_ =	sdelay $0x4  }
0xb9: {  	[tilespmem:$0x1FFF0] =	vst v3;
	v3 =	vld [tilespmem:$0x1FC60];
	_ =	sdelay $0x4  }
0xba: {  	v7 =	vmul.f32 v3, v0;
	v3 =	vld [tilespmem:$0x1FC70]  }
0xbb: {  	v56 =	vld [tilespmem:s30+$0x650]  }
0xbc: {  	v57 =	vld [tilespmem:s30+$0x8650]  }
0xbd: {  	v9 =	vld [tilespmem:s29+$0x8630]  }
0xbe: {  	v21 =	vld [tilespmem:s29+$0x6A0]  }
0xbf: {  	v8 =	vmul.f32 v3, v1;
	v3 =	vld [tilespmem:$0x1FC80]  }
0xc0: {  	v31 =	vmul.f32 v56, v22;
	_ =	sdelay $0x1  }
0xc1: {  	[tilespmem:$0x1FE80] =	vst v9;
	v4 =	vadd.f32 v39, v38;
	v38 =	vmul.f32 v57, v1;
	v9 =	vadd.f32 v32, v31  }
0xc2: {  	v47 =	vld [tilespmem:s30+$0x8640]  }
0xc3: {  	[tilespmem:$0x1FF90] =	vst v21;
	v21 =	vadd.f32 v38, v9;
	v9 =	vmul.f32 v3, v1;
	v3 =	vld [tilespmem:$0x1FC90];
	_ =	sdelay $0x3  }
0xc4: {  	v12 =	vld [tilespmem:s29+$0x4680]  }
0xc5: {  	v28 =	vmul.f32 v47, v1;
	v2 =	vadd.f32 v24, v2;
	v10 =	vmul.f32 v3, v22;
	v3 =	vld [tilespmem:$0x1FCA0]  }
0xc6: {  	v61 =	vld [tilespmem:s30+$0x660]  }
0xc7: {  	v26 =	vadd.f32 v28, v2;
	v2 =	vld [tilespmem:$0x1FBB0];
	_ =	sdelay $0x2  }
0xc8: {  	[tilespmem:$0x1FF50] =	vst v12;
	v12 =	vmul.f32 v3, v0;
	v3 =	vld [tilespmem:$0x1FCB0];
	_ =	sdelay $0x1  }
0xc9: {  	v39 =	vmul.f32 v61, v22;
	v2 =	vmul.f32 v2, v0;
	_ =	sdelay $0x1  }
0xca: {  	v2 =	vadd.f32 v2, v39  }
0xcb: {  	v43 =	vadd.f32 v14, v4;
	v14 =	vmul.f32 v3, v22;
	v3 =	vld [tilespmem:$0x1FCC0]  }
0xcc: {  	v23 =	vadd.f32 v40, v2;
	v2 =	vadd.f32 v46, v45;
	_ =	sdelay $0x1  }
0xcd: {  	v57 =	vadd.f32 v52, v2;
	v2 =	vld [tilespmem:$0x1FC50]  }
0xce: {  	v16 =	vld [tilespmem:s29+$0x8680]  }
0xcf: {  	v15 =	vmul.f32 v3, v0;
	v3 =	vld [tilespmem:$0x1FCD0];
	_ =	sdelay $0x2  }
0xd0: {  	v19 =	vld [tilespmem:s29+$0x4660];
	v2 =	vmul.f32 v2, v22;
	_ =	sdelay $0x1  }
0xd1: {  	[tilespmem:$0x1FF60] =	vst v16;
	v2 =	vadd.f32 v7, v2;
	v16 =	vmul.f32 v3, v1;
	v3 =	vld [tilespmem:$0x1FCE0];
	_ =	sdelay $0x1  }
0xd2: {  	v45 =	vadd.f32 v9, v2;
	v2 =	vadd.f32 v12, v10  }
0xd3: {  	[tilespmem:$0x1FEE0] =	vst v19;
	v19 =	vld [tilespmem:s29+$0x8690]  }
0xd4: {  	v52 =	vadd.f32 v16, v2;
	v2 =	vld [tilespmem:$0x1FD00]  }
0xd5: {  	v18 =	vmul.f32 v3, v1;
	v3 =	vld [tilespmem:$0x1FCF0];
	_ =	sdelay $0x4  }
0xd6: {  	[tilespmem:$0x1FFA0] =	vst v19;
	v19 =	vmul.f32 v3, v22;
	v3 =	vmul.f32 v2, v0;
	v2 =	vld [tilespmem:$0x1FD10];
	_ =	sdelay $0x4  }
0xd7: {  	v20 =	vmul.f32 v2, v1;
	v2 =	vld [tilespmem:$0x1FD20]  }
0xd8: {  	v36 =	vld [tilespmem:s30+$0x4710];
	_ =	sdelay $0x1  }
0xd9: {  	v24 =	vadd.f32 v6, v53;
	_ =	sdelay $0x1  }
0xda: {  	v46 =	vadd.f32 v8, v24;
	v8 =	vmul.f32 v2, v22;
	v2 =	vld [tilespmem:$0x1FD30]  }
0xdb: {  	[tilespmem:$0x1FDA0] =	vst v36;
	v36 =	vld [tilespmem:s30+$0x8710]  }
0xdc: {  	v9 =	vld [tilespmem:$0x1FD40];
	_ =	sdelay $0x2  }
0xdd: {  	v2 =	vmul.f32 v2, v0  }
0xde: {  	v47 =	vadd.f32 v44, v41;
	v3 =	vadd.f32 v3, v19  }
0xdf: {  	[tilespmem:$0x1FDE0] =	vst v36;
	v36 =	vld [tilespmem:s30+$0x720];
	v41 =	vmul.f32 v9, v1;
	v17 =	vadd.f32 v15, v14;
	v2 =	vadd.f32 v2, v8  }
0xe0: {  	v61 =	vadd.f32 v51, v47;
	v19 =	vadd.f32 v20, v3;
	v3 =	vld [tilespmem:$0x1FD80]  }
0xe1: {  	v47 =	vadd.f32 v18, v17;
	v18 =	vadd.f32 v41, v2;
	v2 =	vld [tilespmem:$0x1FD90]  }
0xe2: {  	[tilespmem:s31+$0xC640] =	vst v59;
	v59 =	vld [tilespmem:$0x1FDD0]  }
0xe3: {  	[tilespmem:s31+$0xC650] =	vst v55;
	v55 =	vld [tilespmem:s29+$0x4720]  }
0xe4: {  	v48 =	vld [tilespmem:s29+$0x680]  }
0xe5: {  	v15 =	vmul.f32 v3, v0;
	v3 =	vld [tilespmem:$0x1FDB0]  }
0xe6: {  	v17 =	vmul.f32 v2, v0;
	v2 =	vld [tilespmem:$0x1FDA0]  }
0xe7: {  	v29 =	vld [tilespmem:s29+$0x6B0]  }
0xe8: {  	v10 =	vld [tilespmem:$0x1FD50]  }
0xe9: {  	v12 =	vld [tilespmem:$0x1FD60]  }
0xea: {  	v14 =	vld [tilespmem:$0x1FD70]  }
0xeb: {  	v3 =	vmul.f32 v3, v0;
	v2 =	vmul.f32 v2, v0;
	v0 =	vld [tilespmem:$0x1FDC0]  }
0xec: {  	[tilespmem:s31+$0xC660] =	vst v50;
	v50 =	vld [tilespmem:s29+$0x8720]  }
0xed: {  	s0 =	sor.u32 $0x3, s28;
	v13 =	vld [tilespmem:s29+$0x8640]  }
0xee: {  	s9 =	sand.u32 $0xFF, s0;
	[tilespmem:$0x1FF40] =	vst v48;
	v48 =	vld [tilespmem:s29+$0x46C0];
	v5 =	vmul.f32 v10, v22  }
0xef: {  	s8 =	sor.u32 s26, s9;
	[tilespmem:$0x1FFC0] =	vst v29;
	v29 =	vld [tilespmem:s29+$0x46E0];
	v6 =	vmul.f32 v12, v22;
	v7 =	vmul.f32 v14, v22  }
0xf0: {  	[tilespmem:s31+$0xC680] =	vst v60;
	v60 =	vld [tilespmem:s8+$0x410];
	v8 =	vmul.f32 v36, v22;
	v22 =	vadd.f32 v15, v5;
	v0 =	vmul.f32 v0, v1  }
0xf1: {  	v10 =	vld [tilespmem:$0x1FDE0]  }
0xf2: {  	v22 =	vadd.f32 v0, v22;
	v0 =	vld [tilespmem:$0x1FDF0]  }
0xf3: {  	v12 =	vld [tilespmem:$0x1FE10]  }
0xf4: {  	v14 =	vadd.f32 v2, v7;
	v2 =	vld [tilespmem:$0x1FE50]  }
0xf5: {  	v54 =	vld [tilespmem:s29+$0x6C0]  }
0xf6: {  	v33 =	vld [tilespmem:s29+$0x46B0]  }
0xf7: {  	v9 =	vmul.f32 v59, v1;
	v59 =	vperm.xlane v0, v11;
	v0 =	vld [tilespmem:$0x1FE00]  }
0xf8: {  	[tilespmem:s31+$0xC630] =	vst v58;
	v58 =	vmul.f32 v12, v1;
	v5 =	vmul.f32 v10, v1;
	v1 =	vld [tilespmem:$0x1FE20]  }
0xf9: {  	v40 =	vmul.f32 v2, v59;
	v2 =	vld [tilespmem:$0x1FE60]  }
0xfa: {  	[tilespmem:s31+$0xC690] =	vst v30;
	v30 =	vld [tilespmem:s8+$0x520]  }
0xfb: {  	[tilespmem:$0x1FFD0] =	vst v33;
	v33 =	vld [tilespmem:s29+$0x710]  }
0xfc: {  	v62 =	vld [tilespmem:s29+$0x46A0];
	v0 =	vperm.xlane v0, v11  }
0xfd: {  	v49 =	vld [tilespmem:s29+$0x86C0]  }
0xfe: {  	[tilespmem:s31+$0xC670] =	vst v63;
	v56 =	vld [tilespmem:s29+$0x6D0];
	v63 =	vperm.xlane v1, v11;
	v2 =	vmul.f32 v2, v0  }
0xff: {  	v31 =	vld [tilespmem:s29+$0x86F0];
	v3 =	vadd.f32 v3, v8  }
0x100: {  	v32 =	vld [tilespmem:s29+$0x4700];
	v6 =	vadd.f32 v17, v6;
	v8 =	vmul.f32 v13, v63;
	v2 =	vadd.f32 v2, v40  }
0x101: {  	v38 =	vld [tilespmem:s29+$0x6F0]  }
0x102: {  	v15 =	vadd.f32 v9, v6;
	v9 =	vadd.f32 v8, v2;
	v2 =	vld [tilespmem:$0x1FED0]  }
0x103: {  	v1 =	vld [tilespmem:$0x1FE30]  }
0x104: {  	v28 =	vld [tilespmem:s29+$0x700]  }
0x105: {  	v39 =	vld [tilespmem:s29+$0x46D0]  }
0x106: {  	v44 =	vld [tilespmem:s29+$0x6E0]  }
0x107: {  	v8 =	vmul.f32 v2, v59;
	v2 =	vld [tilespmem:$0x1FEE0]  }
0x108: {  	v16 =	vmul.f32 v1, v59;
	v1 =	vld [tilespmem:$0x1FE40]  }
0x109: {  	v51 =	vld [tilespmem:s29+$0x8700]  }
0x10a: {  	v12 =	vld [tilespmem:$0x1FE80]  }
0x10b: {  	v53 =	vld [tilespmem:s29+$0x86E0]  }
0x10c: {  	[tilespmem:s31+$0xC6D0] =	vst v37;
	v37 =	vmul.f32 v2, v0;
	v2 =	vld [tilespmem:$0x1FEF0]  }
0x10d: {  	s9 =	sshll.u32 s0, $0x8;
	v24 =	vld [tilespmem:s29+$0x46F0];
	v1 =	vmul.f32 v1, v0  }
0x10e: {  	[tilespmem:s30+$0xC690] =	vst v46;
	v46 =	vld [tilespmem:s9+$0x680]  }
0x10f: {  	[tilespmem:s30+$0xC6A0] =	vst v45;
	v45 =	vld [tilespmem:s9+$0x4680];
	v4 =	vadd.f32 v5, v14;
	v5 =	vmul.f32 v12, v63;
	v1 =	vadd.f32 v1, v16  }
0x110: {  	v10 =	vld [tilespmem:$0x1FE70]  }
0x111: {  	v6 =	vadd.f32 v5, v1;
	v5 =	vmul.f32 v2, v63;
	v2 =	vld [tilespmem:$0x1FF00]  }
0x112: {  	v20 =	vld [tilespmem:s29+$0x720]  }
0x113: {  	v36 =	vld [tilespmem:s29+$0x4710]  }
0x114: {  	v41 =	vld [tilespmem:s29+$0x8710]  }
0x115: {  	[tilespmem:s31+$0xC6A0] =	vst v10;
	v10 =	vadd.f32 v58, v3;
	v58 =	vld [tilespmem:s9+$0x4630]  }
0x116: {  	[tilespmem:s31+$0xC6E0] =	vst v42;
	v42 =	vmul.f32 v2, v63;
	v2 =	vld [tilespmem:$0x1FF10]  }
0x117: {  	v1 =	vld [tilespmem:$0x1FEB0]  }
0x118: {  	s1 =	sor.u32 s24, s0;
	v3 =	vld [tilespmem:$0x1FEA0]  }
0x119: {  	v17 =	vld [tilespmem:s1+$0x300]  }
0x11a: {  	v14 =	vld [tilespmem:$0x1FE90]  }
0x11b: {  	[tilespmem:s31+$0xC6F0] =	vst v34;
	v34 =	vmul.f32 v2, v59;
	v2 =	vld [tilespmem:$0x1FF20]  }
0x11c: {  	v40 =	vmul.f32 v1, v59;
	v1 =	vld [tilespmem:$0x1FEC0]  }
0x11d: {  	[tilespmem:s31+$0xC6C0] =	vst v3;
	v3 =	vld [tilespmem:s9+$0x650]  }
0x11e: {  	v7 =	vld [tilespmem:s9+$0x8640]  }
0x11f: {  	v12 =	vld [tilespmem:s9+$0x4640]  }
0x120: {  	v8 =	vadd.f32 v37, v8;
	v37 =	vmul.f32 v2, v0;
	v2 =	vld [tilespmem:$0x1FF30]  }
0x121: {  	[tilespmem:s31+$0xC6B0] =	vst v14;
	v14 =	vld [tilespmem:s9+$0x8630];
	v1 =	vmul.f32 v1, v0  }
0x122: {  	[tilespmem:s30+$0xC700] =	vst v15;
	v15 =	vperm.xlane v17, v11;
	v17 =	vperm.xlane v60, v11;
	v13 =	vld [tilespmem:s9+$0x640]  }
0x123: {  	[tilespmem:s30+$0xC680] =	vst v57;
	v57 =	vmul.f32 v56, v59;
	v56 =	vld [tilespmem:$0x1FFF0];
	v1 =	vadd.f32 v1, v40  }
0x124: {  	[tilespmem:s30+$0xC6F0] =	vst v22;
	v22 =	vmul.f32 v12, v17;
	v12 =	vld [tilespmem:s9+$0x46C0]  }
0x125: {  	v1 =	vadd.f32 v5, v1;
	v5 =	vmul.f32 v2, v63;
	v2 =	vld [tilespmem:$0x1FF40]  }
0x126: {  	[tilespmem:s30+$0xC670] =	vst v61;
	v61 =	vmul.f32 v48, v0;
	v48 =	vld [tilespmem:s9+$0x4670]  }
0x127: {  	v40 =	vld [tilespmem:$0x1FF80]  }
0x128: {  	v34 =	vadd.f32 v37, v34;
	v37 =	vld [tilespmem:$0x1FF70]  }
0x129: {  	[tilespmem:s30+$0xC6B0] =	vst v52;
	v52 =	vmul.f32 v36, v0;
	v36 =	vld [tilespmem:s9+$0x86A0]  }
0x12a: {  	[tilespmem:s31+$0xC700] =	vst v43;
	v13 =	vmul.f32 v13, v15;
	v43 =	vmul.f32 v2, v59;
	v2 =	vld [tilespmem:$0x1FF50]  }
0x12b: {  	[tilespmem:s31+$0xC710] =	vst v27;
	v16 =	vld [tilespmem:s9+$0x630]  }
0x12c: {  	[tilespmem:s29+$0xC640] =	vst v9;
	v9 =	vadd.f32 v22, v13;
	v13 =	vld [tilespmem:s9+$0x86D0]  }
0x12d: {  	[tilespmem:s31+$0xC720] =	vst v35;
	v22 =	vld [tilespmem:s9+$0x6E0];
	v35 =	vmul.f32 v37, v59;
	v37 =	vmul.f32 v40, v0  }
0x12e: {  	[tilespmem:s29+$0xC630] =	vst v6;
	v6 =	vld [tilespmem:s9+$0x46D0]  }
0x12f: {  	[tilespmem:s30+$0xC640] =	vst v26;
	v26 =	vadd.f32 v37, v35;
	v37 =	vld [tilespmem:$0x1FFA0];
	v27 =	vmul.f32 v2, v0  }
0x130: {  	v2 =	vld [tilespmem:$0x1FF60]  }
0x131: {  	[tilespmem:s30+$0xC630] =	vst v25;
	v3 =	vmul.f32 v3, v15;
	v46 =	vmul.f32 v46, v15;
	v25 =	vadd.f32 v27, v43;
	v43 =	vld [tilespmem:$0x1FF90]  }
0x132: {  	v49 =	vmul.f32 v49, v63;
	v31 =	vmul.f32 v31, v63;
	v40 =	vld [tilespmem:s9+$0x8650]  }
0x133: {  	[tilespmem:s30+$0xC6C0] =	vst v47;
	v47 =	vmul.f32 v51, v63;
	v38 =	vmul.f32 v38, v59;
	v35 =	vld [tilespmem:s9+$0x4660]  }
0x134: {  	v28 =	vmul.f32 v28, v59;
	v5 =	vadd.f32 v5, v34;
	v34 =	vmul.f32 v37, v63;
	v37 =	vld [tilespmem:$0x1FFB0]  }
0x135: {  	v33 =	vmul.f32 v33, v59;
	v8 =	vadd.f32 v42, v8;
	v42 =	vmul.f32 v2, v63;
	v2 =	vld [tilespmem:s9+$0x4650]  }
0x136: {  	v27 =	vmul.f32 v43, v59;
	v43 =	vmul.f32 v62, v0;
	v62 =	vld [tilespmem:s9+$0x660]  }
0x137: {  	[tilespmem:s30+$0xC650] =	vst v21;
	v20 =	vmul.f32 v20, v59;
	v39 =	vmul.f32 v39, v0;
	v21 =	vadd.f32 v42, v25;
	v42 =	vld [tilespmem:$0x1FFC0]  }
0x138: {  	v29 =	vmul.f32 v29, v0;
	v24 =	vmul.f32 v24, v0;
	v25 =	vadd.f32 v43, v27;
	v43 =	vld [tilespmem:$0x1FFD0]  }
0x139: {  	v39 =	vadd.f32 v39, v57;
	v57 =	vmul.f32 v53, v63;
	v27 =	vmul.f32 v37, v63;
	v37 =	vld [tilespmem:s9+$0x8660]  }
0x13a: {  	v53 =	vmul.f32 v41, v63;
	v12 =	vmul.f32 v12, v17;
	[tilespmem:s29+$0xC680] =	vst v21;
	v21 =	vld [tilespmem:s9+$0x6D0]  }
0x13b: {  	v16 =	vmul.f32 v16, v15;
	v25 =	vadd.f32 v27, v25;
	v27 =	vmul.f32 v54, v59;
	v54 =	vld [tilespmem:$0x1FFE0]  }
0x13c: {  	[tilespmem:s30+$0xC660] =	vst v23;
	v23 =	vadd.f32 v34, v26;
	v2 =	vmul.f32 v2, v17;
	v26 =	vmul.f32 v42, v59;
	v42 =	vld [tilespmem:s9+$0x670]  }
0x13d: {  	v27 =	vadd.f32 v61, v27;
	v61 =	vmul.f32 v44, v59;
	v44 =	vld [tilespmem:s9+$0x690];
	v34 =	vmul.f32 v43, v0  }
0x13e: {  	v2 =	vadd.f32 v2, v3;
	v43 =	vmul.f32 v56, v63;
	v56 =	vmul.f32 v55, v0;
	v55 =	vld [tilespmem:s9+$0x6F0]  }
0x13f: {  	[tilespmem:s30+$0xC6D0] =	vst v19;
	v59 =	vmul.f32 v50, v63;
	v27 =	vadd.f32 v49, v27;
	v49 =	vld [tilespmem:s9+$0x8680];
	v29 =	vadd.f32 v29, v61  }
0x140: {  	[tilespmem:s30+$0xC6E0] =	vst v18;
	v61 =	vmul.f32 v32, v0;
	v32 =	vld [tilespmem:s9+$0x8690];
	v0 =	vperm.xlane v30, v11;
	v26 =	vadd.f32 v34, v26  }
0x141: {  	[tilespmem:s30+$0xC720] =	vst v10;
	v30 =	vld [tilespmem:s9+$0x46B0];
	v34 =	vmul.f32 v54, v63;
	v19 =	vadd.f32 v43, v39;
	v43 =	vadd.f32 v24, v38  }
0x142: {  	[tilespmem:s30+$0xC710] =	vst v4;
	v54 =	vld [tilespmem:s9+$0x8670];
	v60 =	vadd.f32 v56, v20;
	v38 =	vmul.f32 v35, v17;
	v18 =	vadd.f32 v57, v29  }
0x143: {  	[tilespmem:s29+$0xC650] =	vst v1;
	v39 =	vld [tilespmem:s9+$0x4690];
	v51 =	vadd.f32 v61, v28;
	v61 =	vmul.f32 v58, v17;
	v63 =	vmul.f32 v14, v0  }
0x144: {  	[tilespmem:s29+$0xC660] =	vst v8;
	v24 =	vld [tilespmem:s9+$0x6B0];
	v57 =	vadd.f32 v52, v33;
	v7 =	vmul.f32 v7, v0;
	v33 =	vmul.f32 v62, v15  }
0x145: {  	[tilespmem:s29+$0xC670] =	vst v5;
	v35 =	vld [tilespmem:s9+$0x4700];
	v3 =	vmul.f32 v40, v0;
	v11 =	vmul.f32 v37, v0;
	v26 =	vadd.f32 v34, v26  }
0x146: {  	[tilespmem:s29+$0xC690] =	vst v23;
	v29 =	vld [tilespmem:s9+$0x46A0];
	v4 =	vadd.f32 v31, v43;
	v8 =	vadd.f32 v59, v60;
	v43 =	vmul.f32 v48, v17  }
0x147: {  	[tilespmem:s29+$0xC6A0] =	vst v25;
	v14 =	vld [tilespmem:s9+$0x6C0];
	v10 =	vadd.f32 v47, v51;
	v2 =	vadd.f32 v3, v2;
	v3 =	vmul.f32 v42, v15  }
0x148: {  	[tilespmem:s29+$0xC6C0] =	vst v27;
	v52 =	vld [tilespmem:s9+$0x86E0];
	v1 =	vadd.f32 v53, v57;
	v47 =	vmul.f32 v45, v17;
	v53 =	vmul.f32 v44, v15  }
0x149: {  	v58 =	vld [tilespmem:s9+$0x46F0];
	[tilespmem:s29+$0xC6D0] =	vst v19;
	v28 =	vadd.f32 v61, v16;
	v61 =	vmul.f32 v36, v0;
	v44 =	vmul.f32 v6, v17  }
0x14a: {  	v34 =	vld [tilespmem:s9+$0x6A0];
	v41 =	vadd.f32 v38, v33;
	[tilespmem:s29+$0xC6E0] =	vst v18;
	v51 =	vmul.f32 v49, v0;
	v56 =	vmul.f32 v32, v0  }
0x14b: {  	v31 =	vld [tilespmem:s9+$0x86B0];
	v7 =	vadd.f32 v7, v9;
	[tilespmem:s29+$0xC6B0] =	vst v26;
	v30 =	vmul.f32 v30, v17;
	v49 =	vmul.f32 v13, v0  }
0x14c: {  	v48 =	vld [tilespmem:s9+$0x46E0];
	[tilespmem:s29+$0xC6F0] =	vst v4;
	v5 =	vadd.f32 v63, v28;
	v9 =	vadd.f32 v11, v41;
	v50 =	vmul.f32 v54, v0  }
0x14d: {  	v62 =	vld [tilespmem:s9+$0x86F0];
	[tilespmem:s29+$0xC720] =	vst v8;
	v3 =	vadd.f32 v43, v3;
	v54 =	vmul.f32 v39, v17;
	v63 =	vmul.f32 v24, v15  }
0x14e: {  	v16 =	vld [tilespmem:s9+$0x86C0];
	v11 =	vadd.f32 v47, v46;
	[tilespmem:s29+$0xC700] =	vst v10;
	v43 =	vmul.f32 v21, v15;
	v46 =	vmul.f32 v22, v15  }
0x14f: {  	v42 =	vld [tilespmem:s9+$0x710];
	[tilespmem:s29+$0xC710] =	vst v1;
	v60 =	vmul.f32 v29, v17;
	v3 =	vadd.f32 v50, v3;
	v57 =	vmul.f32 v34, v15  }
0x150: {  	v45 =	vld [tilespmem:s9+$0x720];
	[tilespmem:s9+$0xC640] =	vst v7;
	v59 =	vadd.f32 v51, v11;
	v34 =	vmul.f32 v14, v15;
	v37 =	vmul.f32 v31, v0  }
0x151: {  	v38 =	vld [tilespmem:s9+$0x8700];
	[tilespmem:s9+$0xC650] =	vst v2;
	v1 =	vadd.f32 v54, v53;
	v47 =	vmul.f32 v48, v17;
	v50 =	vmul.f32 v52, v0  }
0x152: {  	v32 =	vld [tilespmem:s9+$0x700];
	[tilespmem:s9+$0xC630] =	vst v5;
	v36 =	vadd.f32 v30, v63;
	v52 =	vmul.f32 v55, v15;
	v53 =	vmul.f32 v58, v17  }
0x153: {  	[tilespmem:s9+$0xC660] =	vst v9;
	v48 =	vld [tilespmem:s9+$0x4710];
	v58 =	vmul.f32 v62, v0;
	v41 =	vmul.f32 v16, v0;
	v33 =	vadd.f32 v60, v57  }
0x154: {  	v51 =	vld [tilespmem:s9+$0x4720];
	v55 =	vmul.f32 v42, v15;
	v1 =	vadd.f32 v56, v1;
	v40 =	vadd.f32 v12, v34;
	[tilespmem:s9+$0xC670] =	vst v3  }
0x155: {  	v54 =	vld [tilespmem:s9+$0x8710];
	v6 =	vmul.f32 v45, v15;
	v2 =	vadd.f32 v37, v36;
	v3 =	vadd.f32 v44, v43;
	[tilespmem:s9+$0xC680] =	vst v59  }
0x156: {  	v9 =	vadd.f32 v47, v46;
	v56 =	vld [tilespmem:s9+$0x8720];
	v57 =	vmul.f32 v35, v17;
	v39 =	vadd.f32 v61, v33;
	[tilespmem:s9+$0xC690] =	vst v1  }
0x157: {  	v8 =	vadd.f32 v41, v40;
	v1 =	vadd.f32 v49, v3;
	v3 =	vmul.f32 v32, v15;
	[tilespmem:s9+$0xC6B0] =	vst v2  }
0x158: {  	v5 =	vadd.f32 v50, v9;
	v2 =	vadd.f32 v53, v52;
	v59 =	vmul.f32 v48, v17;
	[tilespmem:s9+$0xC6A0] =	vst v39  }
0x159: {  	v61 =	vmul.f32 v38, v0;
	v60 =	vmul.f32 v51, v17;
	[tilespmem:s9+$0xC6C0] =	vst v8;
	v3 =	vadd.f32 v57, v3  }
0x15a: {  	p0 =	slt.u32 s28, $0x3C;
	v62 =	vmul.f32 v54, v0;
	[tilespmem:s9+$0xC6D0] =	vst v1;
	v1 =	vadd.f32 v58, v2;
	v2 =	vadd.f32 v59, v55  }
.Ltmp0:
0x15b: {  	[tilespmem:s9+$0xC6E0] =	vst v5;
	v63 =	vadd.f32 v60, v6;
	v0 =	vmul.f32 v56, v0;
	v3 =	vadd.f32 v61, v3;
	(pc) =	sbr.rel @p0 .LBB2_3-.Ltmp0, $4  }
0x15c: {  	[tilespmem:s9+$0xC6F0] =	vst v1;
	v1 =	vadd.f32 v62, v2  }
0x15d: {  	v0 =	vadd.f32 v0, v63;
	[tilespmem:s9+$0xC700] =	vst v3  }
0x15e: {  	s31 =	sadd.s32 $0x4, s28;
	[tilespmem:s9+$0xC710] =	vst v1  }
0x15f: {  	s28 =	smov.u32 s31;
	v1 =	vimm.s32 $0x0;
	[tilespmem:s9+$0xC720] =	vst v0  }
0x160: {  	s0 =	sshll.u32 s23, $0xB;
	s23 =	sadd.s32 $0x1, s23  }
0x161: {  	p0 =	sne.s32 s23, $0x4  }
.Ltmp1:
0x162: {  	s0 =	sadd.s32 s0, s6;
	(pc) =	sbr.rel @p0 .LBB2_2-.Ltmp1, $4  }
0x163: {  	[hbm4b:s0+s2] =	stream.linear.scatter [tilespmem:s21], [sflag:$0x2], $0x4000, $0x38;
	[tilespmem:$0x10630] =	vst v63  }
0x164: {  	_ =	swait.ge [sflag:s10], $0x4000  }
0x165: {  	[sflag:s10] =	ssyncset.done $0x0  }
0x166: {  	[sflag:s10] =	ssyncadd.s32 $0xFFFFC000  }
0x167: {  	s22 =	sadd.s32 $0x1, s22  }
0x168: {  	p0 =	sne.s32 s22, s7  }
.Ltmp2:
0x169: {  	_ = 	snop;
	(pc) =	sbr.rel @p0 .LBB2_1-.Ltmp2, $1  }
0x16a: {  	_ =	sdelay $0x3  }
0x16b: {  	_ =	sfence.sel $0x180000  }
0x16c: {  	[bflag:$0x0] =	sbarrier.arrive $0xFFFF  }
0x16d: {  	_ =	strace $0x90000050  }
0x16e: {  	s0 =	stileid.u32;
	[bflag:$0x2] =	sbarrier.arrive $0xFFFF  }
0x16f: {  	p0 =	sne.s32 s0, $0x0;
	s0 =	rddreg [dreg:$0x1]  }
0x170: {  	s0 =	sadd.s32 @!p0 $0x100000, s0  }
0x171: {  	[sflag:s0] =	ssyncadd.tile.s32 @!p0 $0x1;
	_ =	shalt  }
.Lfunc_end2:
_tile_overlayer_lowered:
.L_overlay_start_2:
0x172: {  	(tag) =	ssettag $0x2  }
0x173: {  	s0 =	rddreg [dreg:$0x0];
	s2 =	stileid.u32  }
0x174: {  	s1 =	rddreg [dreg:$0x1];
	p0 =	sne.s32 s2, $0x0  }
0x175: {  	s3 =	rddreg [dreg:$0x2];
	[bflag:$0x3] =	sbarrier.arrive $0xFFFF;
	s2 =	simm.s32 @!p0 $0x1C02  }
0x176: {  	[timem:s3], [sflag:s2] =	dma.local @!p0 [hbm:s0], s1  }
0x177: {  	s0 =	simm.s32 @!p0 $0x2  }
0x178: {  	_ =	swait.ge @!p0 [sflag:s0], s1  }
0x179: {  	s1 =	ssub.s32 @!p0 $0x0, s1;
	[sflag:s0] =	ssyncset.done @!p0 $0x0  }
0x17a: {  	[sflag:s0] =	ssyncadd.s32 @!p0 s1  }
0x17b: {  	[bflag:$0x3] =	sbarrier.arrive $0xFFFF  }
0x17c: {  	_ =	shalt  }

// kernel: kernel.17.cloned.1.call-start
scs
__scs_entry_jumppad:
0x0: {  	(pc) =	sbr.rel $0x88, $3  }
0x1: {  	(tag) =	ssettag $0x0;
	lr =	simm.s32 $0x1  }
0x2: {  	[smem:$0x3F99] =	sst lr;
	_ =	strace $0xD0000000  }
0x3: {  	_ = 	snop  }
0x4: {  	_ = 	snop  }
0x5: {  	_ = 	snop  }
0x6: {  	_ = 	snop  }
0x7: {  	_ = 	snop  }
__scs_overlays_trampoline_lowered:
0x8: {  	[smem:$0x3FA8] =	sst s0  }
0x9: {  	[smem:$0x3FA9] =	sst s1  }
0xa: {  	[smem:$0x3FAA] =	sst s2  }
0xb: {  	[smem:$0x3FAB] =	sst s3  }
0xc: {  	[smem:$0x3FAC] =	sst s4  }
0xd: {  	[smem:$0x3FAD] =	sst s5  }
0xe: {  	[smem:$0x3FAE] =	sst s6  }
0xf: {  	[smem:$0x3FAF] =	sst s7  }
0x10: {  	[smem:$0x3FB0] =	sst s8  }
0x11: {  	[smem:$0x3FB1] =	sst s9;
	s0 =	simm.s32 @!p0 $0x0  }
0x12: {  	s1 =	sld [smem:$0x3F97];
	s0 =	simm.s32 @p0 $0x1  }
0x13: {  	[smem:$0x3FB2] =	sst s0;
	s0 =	simm.s32 @!p1 $0x0  }
0x14: {  	s2 =	sld [smem:$0x3F96];
	s0 =	simm.s32 @p1 $0x1  }
0x15: {  	[smem:$0x3FB3] =	sst s0;
	s0 =	simm.s32 @!p2 $0x0  }
0x16: {  	s3 =	sld [smem:$0x3FDB];
	s0 =	simm.s32 @p2 $0x1  }
0x17: {  	s4 =	simm.s32 $0x1BF5;
	[smem:$0x3FB5] =	sst s0  }
0x18: {  	s0 =	sld [smem:$0x3F98];
	_ =	swait.ge [sflag:s4], $0x0  }
0x19: {  	s7 =	sld [smem:$0x3F99]  }
0x1a: {  	s8 =	sadd.s32 $0xFFFFE003, lr  }
0x1b: {  	s9 =	sadd.s32 $0xFFFFFEF7, lr;
	s5 =	simm.s32 $0xFFFFFFFF;
	p2 =	slt.u32 s8, $0xFFFFF086  }
0x1c: {  	p1 =	slt.u32 s9, $0xF7A;
	s5 =	simm.s32 @!p2 $0x0  }
0x1d: {  	s5 =	simm.s32 @p1 $0x1;
	p0 =	seq.s32 s7, s2  }
0x1e: {  	s7 =	smul.u32 @!p0 $0xF7A, s2;
	p2 =	seq.s32 @!p0 s5, $0x0  }
0x1f: {  	s9 =	smul.u32 $0xF7A, s1;
	s8 =	simm.s32 @!p0 $0x1BF5;
	p2 =	por !p2, p0  }
0x20: {  	[sflag:s8] =	ssyncset.s32 @!p0 $0xFFFFF086;
	s6 =	sadd.s32 @!p0 s3, s7;
	s7 =	simm.s32 @!p0 $0x108  }
0x21: {  	s3 =	sadd.s32 s3, s9;
	s6 =	sadd.s32 @!p0 $0x88, s6;
	s7 =	simm.s32 @p2 $0x1082  }
0x22: {  	[simem:s7], [sflag:s8] =	dma.local @!p0 [hbm:s6], $0xF7A  }
0x23: {  	s9 =	sor.u32 $0xD0000000, s2;
	s6 =	simm.s32 $0x108;
	_ =	swait.ge @!p0 [sflag:s8], $0x0  }
0x24: {  	s3 =	sadd.s32 $0x88, s3;
	s6 =	simm.s32 @!p1 $0x1082;
	[sflag:s4] =	ssyncset.s32 $0xFFFFF086  }
0x25: {  	[simem:s6], [sflag:s4] =	dma.local [hbm:s3], $0xF7A  }
0x26: {  	[smem:$0x3F99] =	sst s1;
	(tag) =	ssettag s2;
	_ =	strace s9  }
0x27: {  	s1 =	sld [smem:$0x3FA9]  }
0x28: {  	s2 =	sld [smem:$0x3FAA]  }
0x29: {  	s4 =	sld [smem:$0x3FAC]  }
0x2a: {  	p0 =	seq.s32 s5, $0x0;
	s5 =	sld [smem:$0x3FAD]  }
0x2b: {  	s6 =	sld [smem:$0x3FAE]  }
0x2c: {  	s7 =	sld [smem:$0x3FAF]  }
0x2d: {  	s3 =	simm.s32 $0x108;
	s8 =	sld [smem:$0x3FB0]  }
0x2e: {  	s3 =	simm.s32 @!p0 $0x1082;
	s9 =	sld [smem:$0x3FB1]  }
0x2f: {  	lr =	sadd.s32 s0, s3;
	s0 =	sld [smem:$0x3FA8]  }
0x30: {  	s3 =	sld [smem:$0x3FAB]  }
0x31: {  	[smem:$0x3FB4] =	sst s10  }
0x32: {  	s10 =	sld [smem:$0x3FB2];
	_ =	sdelay $0x3  }
0x33: {  	p0 =	seq.s32 s10, $0x1;
	s10 =	sld [smem:$0x3FB4];
	_ =	sdelay $0x3  }
0x34: {  	[smem:$0x3FB4] =	sst s10  }
0x35: {  	s10 =	sld [smem:$0x3FB3];
	_ =	sdelay $0x3  }
0x36: {  	p1 =	seq.s32 s10, $0x1;
	s10 =	sld [smem:$0x3FB4];
	_ =	sdelay $0x3  }
0x37: {  	[smem:$0x3FB4] =	sst s10  }
0x38: {  	s10 =	sld [smem:$0x3FB5]  }
0x39: {  	_ = 	snop;
	(pc) =	sbr.ind lr, $3  }
0x3a: {  	_ = 	snop  }
0x3b: {  	_ = 	snop  }
0x3c: {  	p2 =	seq.s32 s10, $0x1;
	s10 =	sld [smem:$0x3FB4]  }
0x3d: {  	_ =	shalt  }
0x3e: {  	_ =	shalt  }
0x3f: {  	_ =	shalt  }
0x40: {  	_ =	shalt  }
0x41: {  	_ =	shalt  }
0x42: {  	_ =	shalt  }
0x43: {  	_ =	shalt  }
0x44: {  	_ =	shalt  }
0x45: {  	_ =	shalt  }
0x46: {  	_ =	shalt  }
0x47: {  	_ =	shalt  }
0x48: {  	_ =	shalt  }
0x49: {  	_ =	shalt  }
0x4a: {  	_ =	shalt  }
0x4b: {  	_ =	shalt  }
0x4c: {  	_ =	shalt  }
0x4d: {  	_ =	shalt  }
0x4e: {  	_ =	shalt  }
0x4f: {  	_ =	shalt  }
0x50: {  	_ =	shalt  }
0x51: {  	_ =	shalt  }
0x52: {  	_ =	shalt  }
0x53: {  	_ =	shalt  }
0x54: {  	_ =	shalt  }
0x55: {  	_ =	shalt  }
0x56: {  	_ =	shalt  }
0x57: {  	_ =	shalt  }
0x58: {  	_ =	shalt  }
0x59: {  	_ =	shalt  }
0x5a: {  	_ =	shalt  }
0x5b: {  	_ =	shalt  }
0x5c: {  	_ =	shalt  }
0x5d: {  	_ =	shalt  }
0x5e: {  	_ =	shalt  }
0x5f: {  	_ =	shalt  }
0x60: {  	_ =	shalt  }
0x61: {  	_ =	shalt  }
0x62: {  	_ =	shalt  }
0x63: {  	_ =	shalt  }
0x64: {  	_ =	shalt  }
0x65: {  	_ =	shalt  }
0x66: {  	_ =	shalt  }
0x67: {  	_ =	shalt  }
0x68: {  	_ =	shalt  }
0x69: {  	_ =	shalt  }
0x6a: {  	_ =	shalt  }
0x6b: {  	_ =	shalt  }
0x6c: {  	_ =	shalt  }
0x6d: {  	_ =	shalt  }
0x6e: {  	_ =	shalt  }
0x6f: {  	_ =	shalt  }
0x70: {  	_ =	shalt  }
0x71: {  	_ =	shalt  }
0x72: {  	_ =	shalt  }
0x73: {  	_ =	shalt  }
0x74: {  	_ =	shalt  }
0x75: {  	_ =	shalt  }
0x76: {  	_ =	shalt  }
0x77: {  	_ =	shalt  }
0x78: {  	_ =	shalt  }
0x79: {  	_ =	shalt  }
0x7a: {  	_ =	shalt  }
0x7b: {  	_ =	shalt  }
0x7c: {  	_ =	shalt  }
0x7d: {  	_ =	shalt  }
0x7e: {  	_ =	shalt  }
0x7f: {  	_ =	shalt  }
0x80: {  	_ =	shalt  }
0x81: {  	_ =	shalt  }
0x82: {  	_ =	shalt  }
0x83: {  	_ =	shalt  }
0x84: {  	_ =	shalt  }
0x85: {  	_ =	shalt  }
0x86: {  	_ =	shalt  }
0x87: {  	_ =	shalt  }
.Lfunc_end0:
.L_simem_size_0:
called_computation.1_lowered:
.L_overlay_start_0:
0x88: {  	s2 =	sld [smem:$0x3FD9]  }
0x89: {  	s3 =	sld [smem:$0x3FFE];
	_ =	sdelay $0x1  }
0x8a: {  	s1 =	srdreg.scid  }
0x8b: {  	s0 =	sand.u32 $0x1, s1  }
0x8c: {  	s16 =	sshll.u32 s0, $0xA;
	s2 =	sadd.s32 s3, s2  }
0x8d: {  	s2 =	sadd.s32 s2, s16  }
0x8e: {  	[smem:$0x3FC0] =	sst s2  }
0x8f: {  	_ = 	snop  }
0x90: {  	(tm) =	ssettm $0x1  }
0x91: {  	s17 =	sld [smem:$0x3FFB];
	_ =	sdelay $0x3  }
0x92: {  	_ =	strace s17  }
0x93: {  	s2 =	sld [smem:$0x3FFC];
	_ =	sdelay $0x3  }
0x94: {  	_ =	strace s2  }
0x95: {  	s2 =	sld [smem:$0x3FFD];
	_ =	sdelay $0x3  }
0x96: {  	_ =	strace s2  }
0x97: {  	_ =	strace $0x8FFFFFFF  }
0x98: {  	s18 =	sld [smem:$0x3FDB];
	_ =	sdelay $0x1  }
0x99: {  	s19 =	simm.s32 $_scs_section_size  }
0x9a: {  	s4 =	simm.s32 $_size__tile_overlayer_lowered;
	s5 =	simm.s32 $_tile_overlayer_lowered  }
0x9b: {  	s22 =	simm.s32 $0x1BFF;
	s21 =	sshll.u32 s5, $0x1;
	s2 =	sadd.s32 s19, s18  }
0x9c: {  	s6 =	simm.s32 $0x0;
	s20 =	sshll.u32 s4, $0x1;
	s4 =	sadd.s32 s21, s2  }
0x9d: {  	[timem:s6], [sflag:s22] =	dma.local [hbm:s4], s20  }
0x9e: {  	_ =	swait.ge [sflag:s22], s20  }
0x9f: {  	s3 =	ssub.s32 $0x0, s20;
	[sflag:s22] =	ssyncset.done $0x0  }
0xa0: {  	[sflag:s22] =	ssyncadd.s32 s3;
	_ =	sdelay $0x1  }
0xa1: {  	s23 =	simm.s32 $0x1B8B  }
0xa2: {  	_ =	swait.ge [sflag:s23], $0x1  }
0xa3: {  	[sflag:s23] =	ssyncset.done $0x0  }
0xa4: {  	s25 =	simm.s32 $0x1B8E;
	s24 =	sld [smem:$0x3FFE];
	[sflag:s23] =	ssyncadd.s32 $0xFFFFFFFF  }
0xa5: {  	s26 =	simm.s32 $execute0_lowered;
	[smem:$0x3FD2] =	sst s25  }
0xa6: {  	s4 =	sshll.u32 s26, $0x1;
	_ =	strace $0x80000046;
	[dreg:$0x1] =	wrdreg $0xFFFFFFFF  }
0xa7: {  	s28 =	simm.s32 $_size_execute0_lowered;
	s2 =	sadd.s32 s2, s4;
	[dreg:$0x0] =	wrdreg $0x0  }
0xa8: {  	s4 =	sshll.u32 s28, $0x1;
	[dreg:$0x2] =	wrdreg s2  }
0xa9: {  	[dreg:$0x3] =	wrdreg s4  }
0xaa: {  	[dreg:$0x4] =	wrdreg $0xC0  }
0xab: {  	_ =	task [dreg:s6], $0x5FFFF  }
0xac: {  	[dreg:$0x1] =	wrdreg $0xFFFFFFFF  }
0xad: {  	[dreg:$0x0] =	wrdreg $0x60  }
0xae: {  	[dreg:$0x2] =	wrdreg s24  }
0xaf: {  	[dreg:$0x3] =	wrdreg $0xA  }
0xb0: {  	_ =	task.clear_ibuf [dreg:s6], $0x4FFFF;
	_ =	strace $0x90000046  }
0xb1: {  	s29 =	simm.s32 $0xA;
	_ =	strace $0x80000048  }
0xb2: {  	_ =	swait.ge [sflag:s29], $0x1  }
0xb3: {  	[sflag:s29] =	ssyncadd.s32 $0xFFFFFFFF  }
0xb4: {  	_ =	strace $0x90000048  }
0xb5: {  	_ =	sfence  }
0xb6: {  	s30 =	sld [smem:$0x0];
	_ =	sdelay $0x2  }
0xb7: {  	s31 =	sshll.u32 s1, $0xD;
	s1 =	sshrl.u32 s1, $0x2  }
0xb8: {  	s3 =	sand.u32 $0x4000, s31;
	s1 =	sadd.s32 s1, s30  }
0xb9: {  	s0 =	sor.u32 s3, s0;
	s1 =	sshll.u32 s1, $0x11  }
0xba: {  	s0 =	sor.u32 s1, s0  }
0xbb: {  	s0 =	sadd.s32 $0x8F2B, s0  }
0xbc: {  	[sflag:s0] =	ssyncadd.remote.s32 $0x1  }
0xbd: {  	_ =	sfence.sel $0xFFFF  }
0xbe: {  	[dreg:$0x0] =	wrdreg $0xFFFFFFFF;
	(pc) =	sbr.abs _section_cstart, $3  }
0xbf: {  	[dreg:$0x1] =	wrdreg $0xFFFFFFFF  }
0xc0: {  	_ =	task.clear_ibuf [dreg:s6], $0x2FFFF;
	_ =	strace $0x9FFFFFFF  }
0xc1: {  	(tm) =	ssettm $0x7FFFFFFF  }
tec
execute0_lowered:
.L_overlay_start_1:
0x0: {  	(tag) =	ssettag $0x1  }
0x1: {  	s0 =	srdreg.scid  }
0x2: {  	s2 =	stileid.u32;
	s4 =	rddreg [dreg:$0x0]  }
0x3: {  	s10 =	simm.s32 $0x2;
	s11 =	simm.s32 $0x300;
	s13 =	simm.s32 $0x410  }
0x4: {  	s15 =	simm.s32 $0x520;
	s16 =	simm.s32 $0x40;
	s17 =	simm.s32 $0x630  }
0x5: {  	s18 =	simm.s32 $0x4630;
	s19 =	simm.s32 $0x8630;
	s20 =	simm.s32 $0x1  }
0x6: {  	s21 =	simm.s32 $0xC630;
	s0 =	sand.u32 $0x1, s0;
	s1 =	sshll.u32 s2, $0x1  }
0x7: {  	s22 =	simm.s32 $0x0;
	s2 =	sshrl.u32 s2, $0x3;
	s1 =	sor.u32 s0, s1  }
0x8: {  	s3 =	smul.u32 $0x3000, s2;
	s2 =	simm.s32 $0x0;
	s30 =	sshll.u32 s1, $0x8  }
0x9: {  	s0 =	ssub.s32 $0x2, s0;
	[smem:$0x7FF] =	sst s2;
	s5 =	sand.u32 $0xF00, s30  }
0xa: {  	s1 =	sshll.u32 s1, $0xD;
	s6 =	sshrl.u32 s0, $0x1;
	s3 =	sor.u32 s3, s5  }
0xb: {  	_ =	strace $0x80000047;
	s1 =	sadd.s32 s1, s4;
	s3 =	sshrl.u32 s3, $0x3  }
0xc: {  	s0 =	ssub.s32 s0, s6;
	s6 =	sadd.s32 $0x16200, s1;
	s31 =	sadd.s32 s3, s4  }
0xd: {  	s7 =	smax.u32 s0, $0x1;
	s3 =	sadd.s32 $0x6200, s4;
	s5 =	sadd.s32 $0x5600, s31  }
0xe: {  	v1 =	vimm.s32 $0x0;
	s4 =	sadd.s32 $0x4A00, s31;
	s12 =	sadd.s32 $0x200, s5;
	s14 =	sadd.s32 $0x400, s5  }
.LBB2_1:
0xf: {  	s0 =	simm.s32 $0x100;
	s1 =	simm.s32 $0x1000  }
0x10: {  	[tilespmem:s2], [sflag:$0x2] =	stream.strided.gather [hbm4b:s4+s0], $0x300, s1, s0, $0x38;
	[tilespmem:$0x10630] =	vst v63  }
0x11: {  	_ =	swait.ge [sflag:s10], $0x300  }
0x12: {  	[sflag:s10] =	ssyncset.done $0x0  }
0x13: {  	[sflag:s10] =	ssyncadd.s32 $0xFFFFFD00  }
0x14: {  	[tilespmem:s11], [sflag:$0x2] =	stream.linear.gather [hbm4b:s5+s2], $0x100, $0x38;
	[tilespmem:$0x10630] =	vst v63  }
0x15: {  	_ = 	snop  }
0x16: {  	[tilespmem:s13], [sflag:$0x2] =	stream.linear.gather [hbm4b:s12+s2], $0x100, $0x38;
	[tilespmem:$0x10630] =	vst v63  }
0x17: {  	_ = 	snop  }
0x18: {  	[tilespmem:s15], [sflag:$0x2] =	stream.linear.gather [hbm4b:s14+s2], $0x100, $0x38;
	[tilespmem:$0x10630] =	vst v63  }
0x19: {  	_ =	swait.ge [sflag:s10], $0x300  }
0x1a: {  	[sflag:s10] =	ssyncset.done $0x0  }
0x1b: {  	s23 =	simm.s32 $0x0;
	[sflag:s10] =	ssyncadd.s32 $0xFFFFFD00  }
.LBB2_2:
0x1c: {  	s24 =	sshll.u32 s23, $0x6  }
0x1d: {  	[tilespmem:s17], [sflag:$0x1] =	stream.indirect.gather [hbm4b:s3+s16], $0x100, s24, s16, $0xb8;
	[tilespmem:$0x10630] =	vst v63  }
0x1e: {  	s0 =	sadd.s32 $0x100, s24  }
0x1f: {  	[tilespmem:s18], [sflag:$0x1] =	stream.indirect.gather [hbm4b:s3+s16], $0x100, s0, s16, $0xb8;
	[tilespmem:$0x10630] =	vst v63  }
0x20: {  	s31 =	sadd.s32 $0x200, s24  }
0x21: {  	[tilespmem:s19], [sflag:$0x1] =	stream.indirect.gather [hbm4b:s3+s16], $0x100, s31, s16, $0xb8;
	[tilespmem:$0x10630] =	vst v63  }
0x22: {  	_ =	swait.ge [sflag:s20], $0x4000  }
0x23: {  	[sflag:s20] =	ssyncset.done $0x0  }
0x24: {  	[sflag:s20] =	ssyncadd.s32 $0xFFFFC000  }
0x25: {  	_ =	swait.ge [sflag:s20], $0x4000  }
0x26: {  	[sflag:s20] =	ssyncset.done $0x0  }
0x27: {  	[sflag:s20] =	ssyncadd.s32 $0xFFFFC000  }
0x28: {  	_ =	swait.ge [sflag:s20], $0x4000  }
0x29: {  	s28 =	simm.s32 $0x0;
	[sflag:s20] =	ssyncset.done $0x0  }
0x2a: {  	s25 =	sadd.s32 $0x300, s24;
	s26 =	sand.u32 $0xF8, s24;
	[sflag:s20] =	ssyncadd.s32 $0xFFFFC000  }
.LBB2_3:
0x2b: {  	s0 =	sand.u32 $0x38, s28  }
0x2c: {  	s31 =	sadd.s32 s0, s25  }
0x2d: {  	s8 =	sand.u32 $0x4, s28;
	s29 =	sadd.s32 $0x110, s31  }
0x2e: {  	s30 =	sor.u32 $0x1, s28;
	s1 =	sadd.s32 $0x220, s31;
	s9 =	sadd.s32 s8, s29  }
0x2f: {  	s0 =	sadd.s32 s8, s31;
	v36 =	vld [tilespmem:s9+$0x0];
	s9 =	sadd.s32 s8, s1;
	s8 =	sand.u32 $0x5, s30  }
0x30: {  	v37 =	vld [tilespmem:s9+$0x0];
	s9 =	sadd.s32 s8, s31  }
0x31: {  	v2 =	vld [tilespmem:s9+$0x0];
	_ =	sdelay $0x3  }
0x32: {  	s9 =	sadd.s32 s8, s29  }
0x33: {  	[tilespmem:$0x1FB80] =	vst v2;
	v2 =	vld [tilespmem:s9+$0x0];
	_ =	sdelay $0x3  }
0x34: {  	s9 =	sadd.s32 s8, s1  }
0x35: {  	[tilespmem:$0x1FB90] =	vst v2;
	v2 =	vld [tilespmem:s9+$0x0];
	_ =	sdelay $0x1  }
0x36: {  	v0 =	vld [tilespmem:s0+$0x0];
	s0 =	sor.u32 $0x2, s28  }
0x37: {  	s8 =	sand.u32 $0x6, s0  }
0x38: {  	s31 =	sadd.s32 s8, s31  }
0x39: {  	[tilespmem:$0x1FBA0] =	vst v2;
	v2 =	vld [tilespmem:s31+$0x0];
	_ =	sdelay $0x3  }
0x3a: {  	s30 =	sshll.u32 s30, $0x8  }
0x3b: {  	[tilespmem:$0x1FDF0] =	vst v2;
	v2 =	vld [tilespmem:s30+$0x4660];
	_ =	sdelay $0x4  }
0x3c: {  	[tilespmem:$0x1FBB0] =	vst v2;
	v2 =	vld [tilespmem:s30+$0x8660];
	_ =	sdelay $0x4  }
0x3d: {  	[tilespmem:$0x1FBC0] =	vst v2;
	v2 =	vld [tilespmem:s30+$0x670];
	_ =	sdelay $0x4  }
0x3e: {  	[tilespmem:$0x1FBD0] =	vst v2;
	v2 =	vld [tilespmem:s30+$0x4670];
	_ =	sdelay $0x4  }
0x3f: {  	[tilespmem:$0x1FBE0] =	vst v2;
	v2 =	vld [tilespmem:s30+$0x8670];
	_ =	sdelay $0x4  }
0x40: {  	[tilespmem:$0x1FC10] =	vst v2;
	v2 =	vld [tilespmem:s30+$0x680];
	_ =	sdelay $0x4  }
0x41: {  	[tilespmem:$0x1FBF0] =	vst v2;
	v2 =	vld [tilespmem:s30+$0x4680];
	_ =	sdelay $0x4  }
0x42: {  	[tilespmem:$0x1FC00] =	vst v2;
	v2 =	vld [tilespmem:s30+$0x8680];
	_ =	sdelay $0x4  }
0x43: {  	[tilespmem:$0x1FC20] =	vst v2;
	v2 =	vld [tilespmem:s30+$0x690];
	_ =	sdelay $0x4  }
0x44: {  	[tilespmem:$0x1FC30] =	vst v2;
	v2 =	vld [tilespmem:s30+$0x4690];
	_ =	sdelay $0x4  }
0x45: {  	[tilespmem:$0x1FC40] =	vst v2;
	v2 =	vld [tilespmem:s30+$0x8690];
	_ =	sdelay $0x4  }
0x46: {  	[tilespmem:$0x1FC70] =	vst v2;
	v2 =	vld [tilespmem:s30+$0x6A0];
	_ =	sdelay $0x4  }
0x47: {  	[tilespmem:$0x1FC50] =	vst v2;
	v2 =	vld [tilespmem:s30+$0x46A0];
	_ =	sdelay $0x4  }
0x48: {  	[tilespmem:$0x1FC60] =	vst v2;
	v2 =	vld [tilespmem:s30+$0x86A0];
	_ =	sdelay $0x4  }
0x49: {  	[tilespmem:$0x1FC80] =	vst v2;
	v2 =	vld [tilespmem:s30+$0x6B0];
	_ =	sdelay $0x4  }
0x4a: {  	[tilespmem:$0x1FC90] =	vst v2;
	v2 =	vld [tilespmem:s30+$0x46B0];
	_ =	sdelay $0x4  }
0x4b: {  	[tilespmem:$0x1FCA0] =	vst v2;
	v2 =	vld [tilespmem:s30+$0x86B0];
	_ =	sdelay $0x4  }
0x4c: {  	[tilespmem:$0x1FCD0] =	vst v2;
	v2 =	vld [tilespmem:s30+$0x6C0];
	_ =	sdelay $0x4  }
0x4d: {  	[tilespmem:$0x1FCB0] =	vst v2;
	v2 =	vld [tilespmem:s30+$0x46C0];
	_ =	sdelay $0x4  }
0x4e: {  	[tilespmem:$0x1FCC0] =	vst v2;
	v2 =	vld [tilespmem:s30+$0x86C0];
	_ =	sdelay $0x4  }
0x4f: {  	[tilespmem:$0x1FCE0] =	vst v2;
	v2 =	vld [tilespmem:s30+$0x6D0];
	_ =	sdelay $0x4  }
0x50: {  	[tilespmem:$0x1FCF0] =	vst v2;
	v2 =	vld [tilespmem:s30+$0x46D0];
	_ =	sdelay $0x4  }
0x51: {  	[tilespmem:$0x1FD00] =	vst v2;
	v2 =	vld [tilespmem:s30+$0x86D0];
	_ =	sdelay $0x4  }
0x52: {  	[tilespmem:$0x1FD10] =	vst v2;
	v2 =	vld [tilespmem:s30+$0x6E0];
	_ =	sdelay $0x4  }
0x53: {  	[tilespmem:$0x1FD20] =	vst v2;
	v2 =	vld [tilespmem:s30+$0x46E0];
	_ =	sdelay $0x4  }
0x54: {  	[tilespmem:$0x1FD30] =	vst v2;
	v2 =	vld [tilespmem:s30+$0x86E0];
	_ =	sdelay $0x4  }
0x55: {  	[tilespmem:$0x1FD40] =	vst v2;
	v2 =	vld [tilespmem:s30+$0x6F0];
	_ =	sdelay $0x4  }
0x56: {  	[tilespmem:$0x1FD50] =	vst v2;
	v2 =	vld [tilespmem:s30+$0x46F0];
	_ =	sdelay $0x4  }
0x57: {  	[tilespmem:$0x1FD80] =	vst v2;
	v2 =	vld [tilespmem:s30+$0x86F0];
	_ =	sdelay $0x1  }
0x58: {  	s31 =	sshll.u32 s28, $0x8  }
0x59: {  	v38 =	vld [tilespmem:s31+$0x630]  }
0x5a: {  	v39 =	vld [tilespmem:s31+$0x4630]  }
0x5b: {  	[tilespmem:$0x1FDC0] =	vst v2;
	v2 =	vld [tilespmem:s30+$0x700]  }
0x5c: {  	v50 =	vld [tilespmem:s31+$0x8630]  }
0x5d: {  	v55 =	vld [tilespmem:s31+$0x640]  }
0x5e: {  	v58 =	vld [tilespmem:s31+$0x4640]  }
0x5f: {  	v59 =	vld [tilespmem:s31+$0x8640]  }
0x60: {  	[tilespmem:$0x1FD60] =	vst v2;
	v2 =	vld [tilespmem:s30+$0x4700]  }
0x61: {  	v60 =	vld [tilespmem:s31+$0x650]  }
0x62: {  	v63 =	vld [tilespmem:s31+$0x4650]  }
0x63: {  	v4 =	vld [tilespmem:s31+$0x8650]  }
0x64: {  	v30 =	vld [tilespmem:s31+$0x660]  }
0x65: {  	[tilespmem:$0x1FD90] =	vst v2;
	v2 =	vld [tilespmem:s30+$0x8700]  }
0x66: {  	v3 =	vld [tilespmem:s31+$0x4660]  }
0x67: {  	v5 =	vld [tilespmem:s31+$0x8660]  }
0x68: {  	v6 =	vld [tilespmem:s31+$0x670]  }
0x69: {  	v7 =	vld [tilespmem:s31+$0x4670]  }
0x6a: {  	[tilespmem:$0x1FDD0] =	vst v2;
	v2 =	vld [tilespmem:s30+$0x710]  }
0x6b: {  	v12 =	vld [tilespmem:s31+$0x8670]  }
0x6c: {  	v8 =	vld [tilespmem:s31+$0x680]  }
0x6d: {  	v11 =	vimm.s32 $0x0;
	v9 =	vld [tilespmem:s31+$0x4680]  }
0x6e: {  	v0 =	vperm.xlane v0, v1;
	v1 =	vperm.xlane v36, v11;
	v10 =	vld [tilespmem:s31+$0x8680]  }
0x6f: {  	v13 =	vld [tilespmem:s31+$0x690];
	[tilespmem:$0x1FD70] =	vst v2;
	v2 =	vperm.xlane v37, v11  }
0x70: {  	v14 =	vld [tilespmem:s31+$0x4690];
	v37 =	vmul.f32 v38, v0;
	v38 =	vmul.f32 v39, v1  }
0x71: {  	v16 =	vld [tilespmem:s31+$0x8690]  }
0x72: {  	v37 =	vadd.f32 v38, v37;
	v38 =	vmul.f32 v60, v0;
	v60 =	vmul.f32 v63, v1;
	v63 =	vld [tilespmem:s30+$0x8720]  }
0x73: {  	v15 =	vld [tilespmem:s31+$0x6A0]  }
0x74: {  	v18 =	vld [tilespmem:s31+$0x46A0]  }
0x75: {  	v17 =	vld [tilespmem:s31+$0x86A0]  }
0x76: {  	s29 =	sadd.s32 s8, s29;
	v20 =	vld [tilespmem:s31+$0x6B0]  }
0x77: {  	[tilespmem:$0x1FE10] =	vst v63;
	v63 =	vld [tilespmem:s29+$0x0]  }
0x78: {  	v19 =	vld [tilespmem:s31+$0x46B0];
	v39 =	vmul.f32 v50, v2  }
0x79: {  	v34 =	vld [tilespmem:s31+$0x86B0];
	v50 =	vmul.f32 v55, v0;
	v55 =	vmul.f32 v58, v1  }
0x7a: {  	s1 =	sadd.s32 s8, s1;
	v58 =	vld [tilespmem:s30+$0x4720]  }
0x7b: {  	v50 =	vadd.f32 v55, v50;
	v55 =	vadd.f32 v60, v38;
	v60 =	vld [tilespmem:s1+$0x0];
	s29 =	sshll.u32 s0, $0x8  }
0x7c: {  	v30 =	vmul.f32 v30, v0;
	[tilespmem:$0x1FE00] =	vst v63;
	v63 =	vld [tilespmem:s29+$0x630]  }
0x7d: {  	v22 =	vld [tilespmem:s31+$0x6C0];
	v3 =	vmul.f32 v3, v1;
	v59 =	vmul.f32 v59, v2  }
0x7e: {  	v21 =	vld [tilespmem:s31+$0x46C0];
	v4 =	vmul.f32 v4, v2;
	v5 =	vmul.f32 v5, v2  }
0x7f: {  	v23 =	vld [tilespmem:s31+$0x86C0];
	v3 =	vadd.f32 v3, v30;
	v12 =	vmul.f32 v12, v2;
	v38 =	vmul.f32 v6, v0;
	[tilespmem:$0x1FDB0] =	vst v58  }
0x80: {  	v59 =	vadd.f32 v59, v50;
	v58 =	vadd.f32 v39, v37;
	v39 =	vmul.f32 v7, v1;
	[tilespmem:$0x1FE20] =	vst v60;
	v60 =	vld [tilespmem:s29+$0x4630]  }
0x81: {  	v26 =	vld [tilespmem:s31+$0x6D0];
	v50 =	vadd.f32 v5, v3;
	v3 =	vmul.f32 v8, v0;
	[tilespmem:$0x1FE30] =	vst v63;
	v63 =	vmul.f32 v9, v1  }
0x82: {  	v55 =	vadd.f32 v4, v55;
	v7 =	vmul.f32 v17, v2;
	v17 =	vld [tilespmem:s29+$0x650];
	v4 =	vadd.f32 v39, v38  }
0x83: {  	v30 =	vmul.f32 v10, v2;
	v37 =	vld [tilespmem:s29+$0x640];
	v3 =	vadd.f32 v63, v3  }
0x84: {  	v25 =	vld [tilespmem:s31+$0x6E0];
	v63 =	vadd.f32 v12, v4;
	v4 =	vmul.f32 v16, v2  }
0x85: {  	v43 =	vld [tilespmem:s31+$0x6F0];
	[tilespmem:$0x1FE40] =	vst v60;
	v16 =	vmul.f32 v15, v0;
	v60 =	vadd.f32 v30, v3;
	v3 =	vmul.f32 v18, v1  }
0x86: {  	v29 =	vld [tilespmem:s31+$0x720];
	v38 =	vmul.f32 v13, v0;
	v39 =	vmul.f32 v14, v1  }
0x87: {  	[tilespmem:$0x1FEB0] =	vst v17;
	v17 =	vld [tilespmem:s29+$0x660];
	v3 =	vadd.f32 v3, v16  }
0x88: {  	v54 =	vld [tilespmem:s31+$0x710];
	v5 =	vadd.f32 v39, v38;
	v38 =	vmul.f32 v21, v1;
	[tilespmem:$0x1FE50] =	vst v37;
	v37 =	vmul.f32 v22, v0  }
0x89: {  	v18 =	vmul.f32 v20, v0;
	v20 =	vmul.f32 v19, v1;
	v30 =	vld [tilespmem:s29+$0x4650];
	v3 =	vadd.f32 v7, v3  }
0x8a: {  	v28 =	vld [tilespmem:s31+$0x700]  }
0x8b: {  	v15 =	vadd.f32 v20, v18;
	v18 =	vmul.f32 v23, v2;
	[tilespmem:$0x1FE70] =	vst v3;
	v3 =	vadd.f32 v38, v37  }
0x8c: {  	v41 =	vld [tilespmem:s30+$0x630];
	[tilespmem:$0x1FED0] =	vst v17;
	v17 =	vmul.f32 v29, v0;
	v16 =	vmul.f32 v34, v2  }
0x8d: {  	v35 =	vld [tilespmem:s31+$0x46D0];
	v20 =	vmul.f32 v26, v0;
	v34 =	vmul.f32 v43, v0;
	v3 =	vadd.f32 v18, v3  }
0x8e: {  	v24 =	vld [tilespmem:s31+$0x46E0];
	[tilespmem:$0x1FEC0] =	vst v30;
	v30 =	vadd.f32 v4, v5;
	v4 =	vadd.f32 v16, v15;
	v15 =	vmul.f32 v54, v0  }
0x8f: {  	v38 =	vmul.f32 v28, v0;
	[tilespmem:$0x1FEA0] =	vst v3;
	v3 =	vmul.f32 v25, v0;
	v0 =	vld [tilespmem:s29+$0x690]  }
0x90: {  	v42 =	vld [tilespmem:s31+$0x86E0]  }
0x91: {  	v49 =	vld [tilespmem:s31+$0x46F0]  }
0x92: {  	v31 =	vld [tilespmem:s31+$0x86F0]  }
0x93: {  	v48 =	vld [tilespmem:s31+$0x4700]  }
0x94: {  	[tilespmem:$0x1FF70] =	vst v0;
	v0 =	vld [tilespmem:s29+$0x4690]  }
0x95: {  	v32 =	vld [tilespmem:s31+$0x4710]  }
0x96: {  	v62 =	vld [tilespmem:s31+$0x4720]  }
0x97: {  	v39 =	vld [tilespmem:s29+$0x8650];
	v23 =	vmul.f32 v24, v1  }
0x98: {  	v21 =	vmul.f32 v35, v1;
	v22 =	vld [tilespmem:s29+$0x8660]  }
0x99: {  	v35 =	vmul.f32 v49, v1;
	v26 =	vmul.f32 v42, v2;
	v3 =	vadd.f32 v23, v3;
	[tilespmem:$0x1FF80] =	vst v0;
	v0 =	vld [tilespmem:$0x1FB80]  }
0x9a: {  	v44 =	vld [tilespmem:s30+$0x4630]  }
0x9b: {  	v27 =	vld [tilespmem:s31+$0x86D0];
	v49 =	vmul.f32 v31, v2;
	v42 =	vadd.f32 v26, v3;
	v3 =	vadd.f32 v35, v34  }
0x9c: {  	v33 =	vld [tilespmem:s31+$0x8710];
	[tilespmem:$0x1FEF0] =	vst v39;
	v39 =	vmul.f32 v48, v1  }
0x9d: {  	v37 =	vld [tilespmem:s29+$0x8670];
	v34 =	vadd.f32 v49, v3;
	v3 =	vmul.f32 v32, v1;
	v1 =	vmul.f32 v62, v1  }
0x9e: {  	[tilespmem:$0x1FF00] =	vst v22;
	v22 =	vperm.xlane v0, v11;
	v0 =	vld [tilespmem:$0x1FB90]  }
0x9f: {  	[tilespmem:$0x1FE90] =	vst v4;
	v4 =	vadd.f32 v21, v20;
	v20 =	vadd.f32 v1, v17;
	v1 =	vld [tilespmem:$0x1FBA0]  }
0xa0: {  	v25 =	vmul.f32 v27, v2;
	v27 =	vld [tilespmem:s29+$0x4670];
	_ =	sdelay $0x1  }
0xa1: {  	v52 =	vld [tilespmem:s30+$0x8630]  }
0xa2: {  	v18 =	vmul.f32 v33, v2;
	v3 =	vadd.f32 v3, v15;
	v0 =	vperm.xlane v0, v11  }
0xa3: {  	[tilespmem:$0x1FF30] =	vst v37;
	v37 =	vadd.f32 v25, v4;
	v25 =	vld [tilespmem:s29+$0x86A0];
	v1 =	vperm.xlane v1, v11  }
0xa4: {  	[tilespmem:$0x1FF20] =	vst v27;
	v27 =	vadd.f32 v18, v3;
	v3 =	vmul.f32 v41, v22;
	v23 =	vmul.f32 v44, v0;
	_ =	sdelay $0x1  }
0xa5: {  	v26 =	vmul.f32 v52, v1;
	v3 =	vadd.f32 v23, v3;
	_ =	sdelay $0x1  }
0xa6: {  	[tilespmem:$0x1FFB0] =	vst v25;
	v25 =	vadd.f32 v26, v3;
	v3 =	vld [tilespmem:s29+$0x86B0];
	_ =	sdelay $0x1  }
0xa7: {  	v53 =	vld [tilespmem:s31+$0x8700]  }
0xa8: {  	v40 =	vld [tilespmem:s31+$0x8720]  }
0xa9: {  	v14 =	vld [tilespmem:s29+$0x4640]  }
0xaa: {  	[tilespmem:$0x1FFE0] =	vst v3;
	v3 =	vld [tilespmem:$0x1FBC0];
	_ =	sdelay $0x3  }
0xab: {  	[tilespmem:$0x1FE60] =	vst v14;
	v14 =	vmul.f32 v53, v2  }
0xac: {  	v2 =	vmul.f32 v40, v2;
	v40 =	vmul.f32 v3, v1;
	v3 =	vld [tilespmem:$0x1FBD0];
	_ =	sdelay $0x4  }
0xad: {  	v41 =	vmul.f32 v3, v22;
	v3 =	vld [tilespmem:$0x1FBE0];
	_ =	sdelay $0x2  }
0xae: {  	v45 =	vld [tilespmem:s30+$0x4640]  }
0xaf: {  	v24 =	vld [tilespmem:s29+$0x670]  }
0xb0: {  	v44 =	vmul.f32 v3, v0;
	v3 =	vld [tilespmem:$0x1FBF0];
	_ =	sdelay $0x3  }
0xb1: {  	v46 =	vld [tilespmem:s30+$0x640]  }
0xb2: {  	[tilespmem:$0x1FF10] =	vst v24;
	v24 =	vmul.f32 v45, v0;
	v45 =	vmul.f32 v3, v22;
	v3 =	vld [tilespmem:$0x1FC00];
	_ =	sdelay $0x3  }
0xb3: {  	v51 =	vld [tilespmem:s30+$0x4650]  }
0xb4: {  	v35 =	vadd.f32 v2, v20;
	v2 =	vmul.f32 v46, v22;
	v46 =	vmul.f32 v3, v0;
	v3 =	vld [tilespmem:$0x1FC10];
	_ =	sdelay $0x4  }
0xb5: {  	v32 =	vmul.f32 v51, v0;
	v51 =	vmul.f32 v3, v1;
	v3 =	vld [tilespmem:$0x1FC20];
	_ =	sdelay $0x4  }
0xb6: {  	v52 =	vmul.f32 v3, v1;
	v3 =	vld [tilespmem:$0x1FC30];
	_ =	sdelay $0x4  }
0xb7: {  	v53 =	vmul.f32 v3, v22;
	v3 =	vld [tilespmem:$0x1FC40];
	_ =	sdelay $0x4  }
0xb8: {  	v6 =	vmul.f32 v3, v0;
	v3 =	vld [tilespmem:s29+$0x86D0];
	_ =	sdelay $0x4  }
0xb9: {  	[tilespmem:$0x1FFF0] =	vst v3;
	v3 =	vld [tilespmem:$0x1FC60];
	_ =	sdelay $0x4  }
0xba: {  	v7 =	vmul.f32 v3, v0;
	v3 =	vld [tilespmem:$0x1FC70]  }
0xbb: {  	v56 =	vld [tilespmem:s30+$0x650]  }
0xbc: {  	v57 =	vld [tilespmem:s30+$0x8650]  }
0xbd: {  	v9 =	vld [tilespmem:s29+$0x8630]  }
0xbe: {  	v21 =	vld [tilespmem:s29+$0x6A0]  }
0xbf: {  	v8 =	vmul.f32 v3, v1;
	v3 =	vld [tilespmem:$0x1FC80]  }
0xc0: {  	v31 =	vmul.f32 v56, v22;
	_ =	sdelay $0x1  }
0xc1: {  	[tilespmem:$0x1FE80] =	vst v9;
	v4 =	vadd.f32 v39, v38;
	v38 =	vmul.f32 v57, v1;
	v9 =	vadd.f32 v32, v31  }
0xc2: {  	v47 =	vld [tilespmem:s30+$0x8640]  }
0xc3: {  	[tilespmem:$0x1FF90] =	vst v21;
	v21 =	vadd.f32 v38, v9;
	v9 =	vmul.f32 v3, v1;
	v3 =	vld [tilespmem:$0x1FC90];
	_ =	sdelay $0x3  }
0xc4: {  	v12 =	vld [tilespmem:s29+$0x4680]  }
0xc5: {  	v28 =	vmul.f32 v47, v1;
	v2 =	vadd.f32 v24, v2;
	v10 =	vmul.f32 v3, v22;
	v3 =	vld [tilespmem:$0x1FCA0]  }
0xc6: {  	v61 =	vld [tilespmem:s30+$0x660]  }
0xc7: {  	v26 =	vadd.f32 v28, v2;
	v2 =	vld [tilespmem:$0x1FBB0];
	_ =	sdelay $0x2  }
0xc8: {  	[tilespmem:$0x1FF50] =	vst v12;
	v12 =	vmul.f32 v3, v0;
	v3 =	vld [tilespmem:$0x1FCB0];
	_ =	sdelay $0x1  }
0xc9: {  	v39 =	vmul.f32 v61, v22;
	v2 =	vmul.f32 v2, v0;
	_ =	sdelay $0x1  }
0xca: {  	v2 =	vadd.f32 v2, v39  }
0xcb: {  	v43 =	vadd.f32 v14, v4;
	v14 =	vmul.f32 v3, v22;
	v3 =	vld [tilespmem:$0x1FCC0]  }
0xcc: {  	v23 =	vadd.f32 v40, v2;
	v2 =	vadd.f32 v46, v45;
	_ =	sdelay $0x1  }
0xcd: {  	v57 =	vadd.f32 v52, v2;
	v2 =	vld [tilespmem:$0x1FC50]  }
0xce: {  	v16 =	vld [tilespmem:s29+$0x8680]  }
0xcf: {  	v15 =	vmul.f32 v3, v0;
	v3 =	vld [tilespmem:$0x1FCD0];
	_ =	sdelay $0x2  }
0xd0: {  	v19 =	vld [tilespmem:s29+$0x4660];
	v2 =	vmul.f32 v2, v22;
	_ =	sdelay $0x1  }
0xd1: {  	[tilespmem:$0x1FF60] =	vst v16;
	v2 =	vadd.f32 v7, v2;
	v16 =	vmul.f32 v3, v1;
	v3 =	vld [tilespmem:$0x1FCE0];
	_ =	sdelay $0x1  }
0xd2: {  	v45 =	vadd.f32 v9, v2;
	v2 =	vadd.f32 v12, v10  }
0xd3: {  	[tilespmem:$0x1FEE0] =	vst v19;
	v19 =	vld [tilespmem:s29+$0x8690]  }
0xd4: {  	v52 =	vadd.f32 v16, v2;
	v2 =	vld [tilespmem:$0x1FD00]  }
0xd5: {  	v18 =	vmul.f32 v3, v1;
	v3 =	vld [tilespmem:$0x1FCF0];
	_ =	sdelay $0x4  }
0xd6: {  	[tilespmem:$0x1FFA0] =	vst v19;
	v19 =	vmul.f32 v3, v22;
	v3 =	vmul.f32 v2, v0;
	v2 =	vld [tilespmem:$0x1FD10];
	_ =	sdelay $0x4  }
0xd7: {  	v20 =	vmul.f32 v2, v1;
	v2 =	vld [tilespmem:$0x1FD20]  }
0xd8: {  	v36 =	vld [tilespmem:s30+$0x4710];
	_ =	sdelay $0x1  }
0xd9: {  	v24 =	vadd.f32 v6, v53;
	_ =	sdelay $0x1  }
0xda: {  	v46 =	vadd.f32 v8, v24;
	v8 =	vmul.f32 v2, v22;
	v2 =	vld [tilespmem:$0x1FD30]  }
0xdb: {  	[tilespmem:$0x1FDA0] =	vst v36;
	v36 =	vld [tilespmem:s30+$0x8710]  }
0xdc: {  	v9 =	vld [tilespmem:$0x1FD40];
	_ =	sdelay $0x2  }
0xdd: {  	v2 =	vmul.f32 v2, v0  }
0xde: {  	v47 =	vadd.f32 v44, v41;
	v3 =	vadd.f32 v3, v19  }
0xdf: {  	[tilespmem:$0x1FDE0] =	vst v36;
	v36 =	vld [tilespmem:s30+$0x720];
	v41 =	vmul.f32 v9, v1;
	v17 =	vadd.f32 v15, v14;
	v2 =	vadd.f32 v2, v8  }
0xe0: {  	v61 =	vadd.f32 v51, v47;
	v19 =	vadd.f32 v20, v3;
	v3 =	vld [tilespmem:$0x1FD80]  }
0xe1: {  	v47 =	vadd.f32 v18, v17;
	v18 =	vadd.f32 v41, v2;
	v2 =	vld [tilespmem:$0x1FD90]  }
0xe2: {  	[tilespmem:s31+$0xC640] =	vst v59;
	v59 =	vld [tilespmem:$0x1FDD0]  }
0xe3: {  	[tilespmem:s31+$0xC650] =	vst v55;
	v55 =	vld [tilespmem:s29+$0x4720]  }
0xe4: {  	v48 =	vld [tilespmem:s29+$0x680]  }
0xe5: {  	v15 =	vmul.f32 v3, v0;
	v3 =	vld [tilespmem:$0x1FDB0]  }
0xe6: {  	v17 =	vmul.f32 v2, v0;
	v2 =	vld [tilespmem:$0x1FDA0]  }
0xe7: {  	v29 =	vld [tilespmem:s29+$0x6B0]  }
0xe8: {  	v10 =	vld [tilespmem:$0x1FD50]  }
0xe9: {  	v12 =	vld [tilespmem:$0x1FD60]  }
0xea: {  	v14 =	vld [tilespmem:$0x1FD70]  }
0xeb: {  	v3 =	vmul.f32 v3, v0;
	v2 =	vmul.f32 v2, v0;
	v0 =	vld [tilespmem:$0x1FDC0]  }
0xec: {  	[tilespmem:s31+$0xC660] =	vst v50;
	v50 =	vld [tilespmem:s29+$0x8720]  }
0xed: {  	s0 =	sor.u32 $0x3, s28;
	v13 =	vld [tilespmem:s29+$0x8640]  }
0xee: {  	s9 =	sand.u32 $0xFF, s0;
	[tilespmem:$0x1FF40] =	vst v48;
	v48 =	vld [tilespmem:s29+$0x46C0];
	v5 =	vmul.f32 v10, v22  }
0xef: {  	s8 =	sor.u32 s26, s9;
	[tilespmem:$0x1FFC0] =	vst v29;
	v29 =	vld [tilespmem:s29+$0x46E0];
	v6 =	vmul.f32 v12, v22;
	v7 =	vmul.f32 v14, v22  }
0xf0: {  	[tilespmem:s31+$0xC680] =	vst v60;
	v60 =	vld [tilespmem:s8+$0x410];
	v8 =	vmul.f32 v36, v22;
	v22 =	vadd.f32 v15, v5;
	v0 =	vmul.f32 v0, v1  }
0xf1: {  	v10 =	vld [tilespmem:$0x1FDE0]  }
0xf2: {  	v22 =	vadd.f32 v0, v22;
	v0 =	vld [tilespmem:$0x1FDF0]  }
0xf3: {  	v12 =	vld [tilespmem:$0x1FE10]  }
0xf4: {  	v14 =	vadd.f32 v2, v7;
	v2 =	vld [tilespmem:$0x1FE50]  }
0xf5: {  	v54 =	vld [tilespmem:s29+$0x6C0]  }
0xf6: {  	v33 =	vld [tilespmem:s29+$0x46B0]  }
0xf7: {  	v9 =	vmul.f32 v59, v1;
	v59 =	vperm.xlane v0, v11;
	v0 =	vld [tilespmem:$0x1FE00]  }
0xf8: {  	[tilespmem:s31+$0xC630] =	vst v58;
	v58 =	vmul.f32 v12, v1;
	v5 =	vmul.f32 v10, v1;
	v1 =	vld [tilespmem:$0x1FE20]  }
0xf9: {  	v40 =	vmul.f32 v2, v59;
	v2 =	vld [tilespmem:$0x1FE60]  }
0xfa: {  	[tilespmem:s31+$0xC690] =	vst v30;
	v30 =	vld [tilespmem:s8+$0x520]  }
0xfb: {  	[tilespmem:$0x1FFD0] =	vst v33;
	v33 =	vld [tilespmem:s29+$0x710]  }
0xfc: {  	v62 =	vld [tilespmem:s29+$0x46A0];
	v0 =	vperm.xlane v0, v11  }
0xfd: {  	v49 =	vld [tilespmem:s29+$0x86C0]  }
0xfe: {  	[tilespmem:s31+$0xC670] =	vst v63;
	v56 =	vld [tilespmem:s29+$0x6D0];
	v63 =	vperm.xlane v1, v11;
	v2 =	vmul.f32 v2, v0  }
0xff: {  	v31 =	vld [tilespmem:s29+$0x86F0];
	v3 =	vadd.f32 v3, v8  }
0x100: {  	v32 =	vld [tilespmem:s29+$0x4700];
	v6 =	vadd.f32 v17, v6;
	v8 =	vmul.f32 v13, v63;
	v2 =	vadd.f32 v2, v40  }
0x101: {  	v38 =	vld [tilespmem:s29+$0x6F0]  }
0x102: {  	v15 =	vadd.f32 v9, v6;
	v9 =	vadd.f32 v8, v2;
	v2 =	vld [tilespmem:$0x1FED0]  }
0x103: {  	v1 =	vld [tilespmem:$0x1FE30]  }
0x104: {  	v28 =	vld [tilespmem:s29+$0x700]  }
0x105: {  	v39 =	vld [tilespmem:s29+$0x46D0]  }
0x106: {  	v44 =	vld [tilespmem:s29+$0x6E0]  }
0x107: {  	v8 =	vmul.f32 v2, v59;
	v2 =	vld [tilespmem:$0x1FEE0]  }
0x108: {  	v16 =	vmul.f32 v1, v59;
	v1 =	vld [tilespmem:$0x1FE40]  }
0x109: {  	v51 =	vld [tilespmem:s29+$0x8700]  }
0x10a: {  	v12 =	vld [tilespmem:$0x1FE80]  }
0x10b: {  	v53 =	vld [tilespmem:s29+$0x86E0]  }
0x10c: {  	[tilespmem:s31+$0xC6D0] =	vst v37;
	v37 =	vmul.f32 v2, v0;
	v2 =	vld [tilespmem:$0x1FEF0]  }
0x10d: {  	s9 =	sshll.u32 s0, $0x8;
	v24 =	vld [tilespmem:s29+$0x46F0];
	v1 =	vmul.f32 v1, v0  }
0x10e: {  	[tilespmem:s30+$0xC690] =	vst v46;
	v46 =	vld [tilespmem:s9+$0x680]  }
0x10f: {  	[tilespmem:s30+$0xC6A0] =	vst v45;
	v45 =	vld [tilespmem:s9+$0x4680];
	v4 =	vadd.f32 v5, v14;
	v5 =	vmul.f32 v12, v63;
	v1 =	vadd.f32 v1, v16  }
0x110: {  	v10 =	vld [tilespmem:$0x1FE70]  }
0x111: {  	v6 =	vadd.f32 v5, v1;
	v5 =	vmul.f32 v2, v63;
	v2 =	vld [tilespmem:$0x1FF00]  }
0x112: {  	v20 =	vld [tilespmem:s29+$0x720]  }
0x113: {  	v36 =	vld [tilespmem:s29+$0x4710]  }
0x114: {  	v41 =	vld [tilespmem:s29+$0x8710]  }
0x115: {  	[tilespmem:s31+$0xC6A0] =	vst v10;
	v10 =	vadd.f32 v58, v3;
	v58 =	vld [tilespmem:s9+$0x4630]  }
0x116: {  	[tilespmem:s31+$0xC6E0] =	vst v42;
	v42 =	vmul.f32 v2, v63;
	v2 =	vld [tilespmem:$0x1FF10]  }
0x117: {  	v1 =	vld [tilespmem:$0x1FEB0]  }
0x118: {  	s1 =	sor.u32 s24, s0;
	v3 =	vld [tilespmem:$0x1FEA0]  }
0x119: {  	v17 =	vld [tilespmem:s1+$0x300]  }
0x11a: {  	v14 =	vld [tilespmem:$0x1FE90]  }
0x11b: {  	[tilespmem:s31+$0xC6F0] =	vst v34;
	v34 =	vmul.f32 v2, v59;
	v2 =	vld [tilespmem:$0x1FF20]  }
0x11c: {  	v40 =	vmul.f32 v1, v59;
	v1 =	vld [tilespmem:$0x1FEC0]  }
0x11d: {  	[tilespmem:s31+$0xC6C0] =	vst v3;
	v3 =	vld [tilespmem:s9+$0x650]  }
0x11e: {  	v7 =	vld [tilespmem:s9+$0x8640]  }
0x11f: {  	v12 =	vld [tilespmem:s9+$0x4640]  }
0x120: {  	v8 =	vadd.f32 v37, v8;
	v37 =	vmul.f32 v2, v0;
	v2 =	vld [tilespmem:$0x1FF30]  }
0x121: {  	[tilespmem:s31+$0xC6B0] =	vst v14;
	v14 =	vld [tilespmem:s9+$0x8630];
	v1 =	vmul.f32 v1, v0  }
0x122: {  	[tilespmem:s30+$0xC700] =	vst v15;
	v15 =	vperm.xlane v17, v11;
	v17 =	vperm.xlane v60, v11;
	v13 =	vld [tilespmem:s9+$0x640]  }
0x123: {  	[tilespmem:s30+$0xC680] =	vst v57;
	v57 =	vmul.f32 v56, v59;
	v56 =	vld [tilespmem:$0x1FFF0];
	v1 =	vadd.f32 v1, v40  }
0x124: {  	[tilespmem:s30+$0xC6F0] =	vst v22;
	v22 =	vmul.f32 v12, v17;
	v12 =	vld [tilespmem:s9+$0x46C0]  }
0x125: {  	v1 =	vadd.f32 v5, v1;
	v5 =	vmul.f32 v2, v63;
	v2 =	vld [tilespmem:$0x1FF40]  }
0x126: {  	[tilespmem:s30+$0xC670] =	vst v61;
	v61 =	vmul.f32 v48, v0;
	v48 =	vld [tilespmem:s9+$0x4670]  }
0x127: {  	v40 =	vld [tilespmem:$0x1FF80]  }
0x128: {  	v34 =	vadd.f32 v37, v34;
	v37 =	vld [tilespmem:$0x1FF70]  }
0x129: {  	[tilespmem:s30+$0xC6B0] =	vst v52;
	v52 =	vmul.f32 v36, v0;
	v36 =	vld [tilespmem:s9+$0x86A0]  }
0x12a: {  	[tilespmem:s31+$0xC700] =	vst v43;
	v13 =	vmul.f32 v13, v15;
	v43 =	vmul.f32 v2, v59;
	v2 =	vld [tilespmem:$0x1FF50]  }
0x12b: {  	[tilespmem:s31+$0xC710] =	vst v27;
	v16 =	vld [tilespmem:s9+$0x630]  }
0x12c: {  	[tilespmem:s29+$0xC640] =	vst v9;
	v9 =	vadd.f32 v22, v13;
	v13 =	vld [tilespmem:s9+$0x86D0]  }
0x12d: {  	[tilespmem:s31+$0xC720] =	vst v35;
	v22 =	vld [tilespmem:s9+$0x6E0];
	v35 =	vmul.f32 v37, v59;
	v37 =	vmul.f32 v40, v0  }
0x12e: {  	[tilespmem:s29+$0xC630] =	vst v6;
	v6 =	vld [tilespmem:s9+$0x46D0]  }
0x12f: {  	[tilespmem:s30+$0xC640] =	vst v26;
	v26 =	vadd.f32 v37, v35;
	v37 =	vld [tilespmem:$0x1FFA0];
	v27 =	vmul.f32 v2, v0  }
0x130: {  	v2 =	vld [tilespmem:$0x1FF60]  }
0x131: {  	[tilespmem:s30+$0xC630] =	vst v25;
	v3 =	vmul.f32 v3, v15;
	v46 =	vmul.f32 v46, v15;
	v25 =	vadd.f32 v27, v43;
	v43 =	vld [tilespmem:$0x1FF90]  }
0x132: {  	v49 =	vmul.f32 v49, v63;
	v31 =	vmul.f32 v31, v63;
	v40 =	vld [tilespmem:s9+$0x8650]  }
0x133: {  	[tilespmem:s30+$0xC6C0] =	vst v47;
	v47 =	vmul.f32 v51, v63;
	v38 =	vmul.f32 v38, v59;
	v35 =	vld [tilespmem:s9+$0x4660]  }
0x134: {  	v28 =	vmul.f32 v28, v59;
	v5 =	vadd.f32 v5, v34;
	v34 =	vmul.f32 v37, v63;
	v37 =	vld [tilespmem:$0x1FFB0]  }
0x135: {  	v33 =	vmul.f32 v33, v59;
	v8 =	vadd.f32 v42, v8;
	v42 =	vmul.f32 v2, v63;
	v2 =	vld [tilespmem:s9+$0x4650]  }
0x136: {  	v27 =	vmul.f32 v43, v59;
	v43 =	vmul.f32 v62, v0;
	v62 =	vld [tilespmem:s9+$0x660]  }
0x137: {  	[tilespmem:s30+$0xC650] =	vst v21;
	v20 =	vmul.f32 v20, v59;
	v39 =	vmul.f32 v39, v0;
	v21 =	vadd.f32 v42, v25;
	v42 =	vld [tilespmem:$0x1FFC0]  }
0x138: {  	v29 =	vmul.f32 v29, v0;
	v24 =	vmul.f32 v24, v0;
	v25 =	vadd.f32 v43, v27;
	v43 =	vld [tilespmem:$0x1FFD0]  }
0x139: {  	v39 =	vadd.f32 v39, v57;
	v57 =	vmul.f32 v53, v63;
	v27 =	vmul.f32 v37, v63;
	v37 =	vld [tilespmem:s9+$0x8660]  }
0x13a: {  	v53 =	vmul.f32 v41, v63;
	v12 =	vmul.f32 v12, v17;
	[tilespmem:s29+$0xC680] =	vst v21;
	v21 =	vld [tilespmem:s9+$0x6D0]  }
0x13b: {  	v16 =	vmul.f32 v16, v15;
	v25 =	vadd.f32 v27, v25;
	v27 =	vmul.f32 v54, v59;
	v54 =	vld [tilespmem:$0x1FFE0]  }
0x13c: {  	[tilespmem:s30+$0xC660] =	vst v23;
	v23 =	vadd.f32 v34, v26;
	v2 =	vmul.f32 v2, v17;
	v26 =	vmul.f32 v42, v59;
	v42 =	vld [tilespmem:s9+$0x670]  }
0x13d: {  	v27 =	vadd.f32 v61, v27;
	v61 =	vmul.f32 v44, v59;
	v44 =	vld [tilespmem:s9+$0x690];
	v34 =	vmul.f32 v43, v0  }
0x13e: {  	v2 =	vadd.f32 v2, v3;
	v43 =	vmul.f32 v56, v63;
	v56 =	vmul.f32 v55, v0;
	v55 =	vld [tilespmem:s9+$0x6F0]  }
0x13f: {  	[tilespmem:s30+$0xC6D0] =	vst v19;
	v59 =	vmul.f32 v50, v63;
	v27 =	vadd.f32 v49, v27;
	v49 =	vld [tilespmem:s9+$0x8680];
	v29 =	vadd.f32 v29, v61  }
0x140: {  	[tilespmem:s30+$0xC6E0] =	vst v18;
	v61 =	vmul.f32 v32, v0;
	v32 =	vld [tilespmem:s9+$0x8690];
	v0 =	vperm.xlane v30, v11;
	v26 =	vadd.f32 v34, v26  }
0x141: {  	[tilespmem:s30+$0xC720] =	vst v10;
	v30 =	vld [tilespmem:s9+$0x46B0];
	v34 =	vmul.f32 v54, v63;
	v19 =	vadd.f32 v43, v39;
	v43 =	vadd.f32 v24, v38  }
0x142: {  	[tilespmem:s30+$0xC710] =	vst v4;
	v54 =	vld [tilespmem:s9+$0x8670];
	v60 =	vadd.f32 v56, v20;
	v38 =	vmul.f32 v35, v17;
	v18 =	vadd.f32 v57, v29  }
0x143: {  	[tilespmem:s29+$0xC650] =	vst v1;
	v39 =	vld [tilespmem:s9+$0x4690];
	v51 =	vadd.f32 v61, v28;
	v61 =	vmul.f32 v58, v17;
	v63 =	vmul.f32 v14, v0  }
0x144: {  	[tilespmem:s29+$0xC660] =	vst v8;
	v24 =	vld [tilespmem:s9+$0x6B0];
	v57 =	vadd.f32 v52, v33;
	v7 =	vmul.f32 v7, v0;
	v33 =	vmul.f32 v62, v15  }
0x145: {  	[tilespmem:s29+$0xC670] =	vst v5;
	v35 =	vld [tilespmem:s9+$0x4700];
	v3 =	vmul.f32 v40, v0;
	v11 =	vmul.f32 v37, v0;
	v26 =	vadd.f32 v34, v26  }
0x146: {  	[tilespmem:s29+$0xC690] =	vst v23;
	v29 =	vld [tilespmem:s9+$0x46A0];
	v4 =	vadd.f32 v31, v43;
	v8 =	vadd.f32 v59, v60;
	v43 =	vmul.f32 v48, v17  }
0x147: {  	[tilespmem:s29+$0xC6A0] =	vst v25;
	v14 =	vld [tilespmem:s9+$0x6C0];
	v10 =	vadd.f32 v47, v51;
	v2 =	vadd.f32 v3, v2;
	v3 =	vmul.f32 v42, v15  }
0x148: {  	[tilespmem:s29+$0xC6C0] =	vst v27;
	v52 =	vld [tilespmem:s9+$0x86E0];
	v1 =	vadd.f32 v53, v57;
	v47 =	vmul.f32 v45, v17;
	v53 =	vmul.f32 v44, v15  }
0x149: {  	v58 =	vld [tilespmem:s9+$0x46F0];
	[tilespmem:s29+$0xC6D0] =	vst v19;
	v28 =	vadd.f32 v61, v16;
	v61 =	vmul.f32 v36, v0;
	v44 =	vmul.f32 v6, v17  }
0x14a: {  	v34 =	vld [tilespmem:s9+$0x6A0];
	v41 =	vadd.f32 v38, v33;
	[tilespmem:s29+$0xC6E0] =	vst v18;
	v51 =	vmul.f32 v49, v0;
	v56 =	vmul.f32 v32, v0  }
0x14b: {  	v31 =	vld [tilespmem:s9+$0x86B0];
	v7 =	vadd.f32 v7, v9;
	[tilespmem:s29+$0xC6B0] =	vst v26;
	v30 =	vmul.f32 v30, v17;
	v49 =	vmul.f32 v13, v0  }
0x14c: {  	v48 =	vld [tilespmem:s9+$0x46E0];
	[tilespmem:s29+$0xC6F0] =	vst v4;
	v5 =	vadd.f32 v63, v28;
	v9 =	vadd.f32 v11, v41;
	v50 =	vmul.f32 v54, v0  }
0x14d: {  	v62 =	vld [tilespmem:s9+$0x86F0];
	[tilespmem:s29+$0xC720] =	vst v8;
	v3 =	vadd.f32 v43, v3;
	v54 =	vmul.f32 v39, v17;
	v63 =	vmul.f32 v24, v15  }
0x14e: {  	v16 =	vld [tilespmem:s9+$0x86C0];
	v11 =	vadd.f32 v47, v46;
	[tilespmem:s29+$0xC700] =	vst v10;
	v43 =	vmul.f32 v21, v15;
	v46 =	vmul.f32 v22, v15  }
0x14f: {  	v42 =	vld [tilespmem:s9+$0x710];
	[tilespmem:s29+$0xC710] =	vst v1;
	v60 =	vmul.f32 v29, v17;
	v3 =	vadd.f32 v50, v3;
	v57 =	vmul.f32 v34, v15  }
0x150: {  	v45 =	vld [tilespmem:s9+$0x720];
	[tilespmem:s9+$0xC640] =	vst v7;
	v59 =	vadd.f32 v51, v11;
	v34 =	vmul.f32 v14, v15;
	v37 =	vmul.f32 v31, v0  }
0x151: {  	v38 =	vld [tilespmem:s9+$0x8700];
	[tilespmem:s9+$0xC650] =	vst v2;
	v1 =	vadd.f32 v54, v53;
	v47 =	vmul.f32 v48, v17;
	v50 =	vmul.f32 v52, v0  }
0x152: {  	v32 =	vld [tilespmem:s9+$0x700];
	[tilespmem:s9+$0xC630] =	vst v5;
	v36 =	vadd.f32 v30, v63;
	v52 =	vmul.f32 v55, v15;
	v53 =	vmul.f32 v58, v17  }
0x153: {  	[tilespmem:s9+$0xC660] =	vst v9;
	v48 =	vld [tilespmem:s9+$0x4710];
	v58 =	vmul.f32 v62, v0;
	v41 =	vmul.f32 v16, v0;
	v33 =	vadd.f32 v60, v57  }
0x154: {  	v51 =	vld [tilespmem:s9+$0x4720];
	v55 =	vmul.f32 v42, v15;
	v1 =	vadd.f32 v56, v1;
	v40 =	vadd.f32 v12, v34;
	[tilespmem:s9+$0xC670] =	vst v3  }
0x155: {  	v54 =	vld [tilespmem:s9+$0x8710];
	v6 =	vmul.f32 v45, v15;
	v2 =	vadd.f32 v37, v36;
	v3 =	vadd.f32 v44, v43;
	[tilespmem:s9+$0xC680] =	vst v59  }
0x156: {  	v9 =	vadd.f32 v47, v46;
	v56 =	vld [tilespmem:s9+$0x8720];
	v57 =	vmul.f32 v35, v17;
	v39 =	vadd.f32 v61, v33;
	[tilespmem:s9+$0xC690] =	vst v1  }
0x157: {  	v8 =	vadd.f32 v41, v40;
	v1 =	vadd.f32 v49, v3;
	v3 =	vmul.f32 v32, v15;
	[tilespmem:s9+$0xC6B0] =	vst v2  }
0x158: {  	v5 =	vadd.f32 v50, v9;
	v2 =	vadd.f32 v53, v52;
	v59 =	vmul.f32 v48, v17;
	[tilespmem:s9+$0xC6A0] =	vst v39  }
0x159: {  	v61 =	vmul.f32 v38, v0;
	v60 =	vmul.f32 v51, v17;
	[tilespmem:s9+$0xC6C0] =	vst v8;
	v3 =	vadd.f32 v57, v3  }
0x15a: {  	p0 =	slt.u32 s28, $0x3C;
	v62 =	vmul.f32 v54, v0;
	[tilespmem:s9+$0xC6D0] =	vst v1;
	v1 =	vadd.f32 v58, v2;
	v2 =	vadd.f32 v59, v55  }
.Ltmp0:
0x15b: {  	[tilespmem:s9+$0xC6E0] =	vst v5;
	v63 =	vadd.f32 v60, v6;
	v0 =	vmul.f32 v56, v0;
	v3 =	vadd.f32 v61, v3;
	(pc) =	sbr.rel @p0 .LBB2_3-.Ltmp0, $4  }
0x15c: {  	[tilespmem:s9+$0xC6F0] =	vst v1;
	v1 =	vadd.f32 v62, v2  }
0x15d: {  	v0 =	vadd.f32 v0, v63;
	[tilespmem:s9+$0xC700] =	vst v3  }
0x15e: {  	s31 =	sadd.s32 $0x4, s28;
	[tilespmem:s9+$0xC710] =	vst v1  }
0x15f: {  	s28 =	smov.u32 s31;
	v1 =	vimm.s32 $0x0;
	[tilespmem:s9+$0xC720] =	vst v0  }
0x160: {  	s0 =	sshll.u32 s23, $0xB;
	s23 =	sadd.s32 $0x1, s23  }
0x161: {  	p0 =	sne.s32 s23, $0x4  }
.Ltmp1:
0x162: {  	s0 =	sadd.s32 s0, s6;
	(pc) =	sbr.rel @p0 .LBB2_2-.Ltmp1, $4  }
0x163: {  	[hbm4b:s0+s2] =	stream.linear.scatter [tilespmem:s21], [sflag:$0x2], $0x4000, $0x38;
	[tilespmem:$0x10630] =	vst v63  }
0x164: {  	_ =	swait.ge [sflag:s10], $0x4000  }
0x165: {  	[sflag:s10] =	ssyncset.done $0x0  }
0x166: {  	[sflag:s10] =	ssyncadd.s32 $0xFFFFC000  }
0x167: {  	s22 =	sadd.s32 $0x1, s22  }
0x168: {  	p0 =	sne.s32 s22, s7  }
.Ltmp2:
0x169: {  	_ = 	snop;
	(pc) =	sbr.rel @p0 .LBB2_1-.Ltmp2, $1  }
0x16a: {  	_ =	sdelay $0x3  }
0x16b: {  	_ =	sfence.sel $0x180000  }
0x16c: {  	[bflag:$0x0] =	sbarrier.arrive $0xFFFF  }
0x16d: {  	_ =	strace $0x90000047  }
0x16e: {  	s0 =	stileid.u32;
	[bflag:$0x2] =	sbarrier.arrive $0xFFFF  }
0x16f: {  	p0 =	sne.s32 s0, $0x0;
	s0 =	rddreg [dreg:$0x1]  }
0x170: {  	s0 =	sadd.s32 @!p0 $0x100000, s0  }
0x171: {  	[sflag:s0] =	ssyncadd.tile.s32 @!p0 $0x1;
	_ =	shalt  }
.Lfunc_end2:
_tile_overlayer_lowered:
.L_overlay_start_2:
0x172: {  	(tag) =	ssettag $0x2  }
0x173: {  	s0 =	rddreg [dreg:$0x0];
	s2 =	stileid.u32  }
0x174: {  	s1 =	rddreg [dreg:$0x1];
	p0 =	sne.s32 s2, $0x0  }
0x175: {  	s3 =	rddreg [dreg:$0x2];
	[bflag:$0x3] =	sbarrier.arrive $0xFFFF;
	s2 =	simm.s32 @!p0 $0x1C02  }
0x176: {  	[timem:s3], [sflag:s2] =	dma.local @!p0 [hbm:s0], s1  }
0x177: {  	s0 =	simm.s32 @!p0 $0x2  }
0x178: {  	_ =	swait.ge @!p0 [sflag:s0], s1  }
0x179: {  	s1 =	ssub.s32 @!p0 $0x0, s1;
	[sflag:s0] =	ssyncset.done @!p0 $0x0  }
0x17a: {  	[sflag:s0] =	ssyncadd.s32 @!p0 s1  }
0x17b: {  	[bflag:$0x3] =	sbarrier.arrive $0xFFFF  }
0x17c: {  	_ =	shalt  }

// kernel: kernel.20.cloned.1.call-start
scs
__scs_entry_jumppad:
0x0: {  	(pc) =	sbr.rel $0x88, $3  }
0x1: {  	(tag) =	ssettag $0x0;
	lr =	simm.s32 $0x1  }
0x2: {  	[smem:$0x3F99] =	sst lr;
	_ =	strace $0xD0000000  }
0x3: {  	_ = 	snop  }
0x4: {  	_ = 	snop  }
0x5: {  	_ = 	snop  }
0x6: {  	_ = 	snop  }
0x7: {  	_ = 	snop  }
__scs_overlays_trampoline_lowered:
0x8: {  	[smem:$0x3FA8] =	sst s0  }
0x9: {  	[smem:$0x3FA9] =	sst s1  }
0xa: {  	[smem:$0x3FAA] =	sst s2  }
0xb: {  	[smem:$0x3FAB] =	sst s3  }
0xc: {  	[smem:$0x3FAC] =	sst s4  }
0xd: {  	[smem:$0x3FAD] =	sst s5  }
0xe: {  	[smem:$0x3FAE] =	sst s6  }
0xf: {  	[smem:$0x3FAF] =	sst s7  }
0x10: {  	[smem:$0x3FB0] =	sst s8  }
0x11: {  	[smem:$0x3FB1] =	sst s9;
	s0 =	simm.s32 @!p0 $0x0  }
0x12: {  	s1 =	sld [smem:$0x3F97];
	s0 =	simm.s32 @p0 $0x1  }
0x13: {  	[smem:$0x3FB2] =	sst s0;
	s0 =	simm.s32 @!p1 $0x0  }
0x14: {  	s2 =	sld [smem:$0x3F96];
	s0 =	simm.s32 @p1 $0x1  }
0x15: {  	[smem:$0x3FB3] =	sst s0;
	s0 =	simm.s32 @!p2 $0x0  }
0x16: {  	s3 =	sld [smem:$0x3FDB];
	s0 =	simm.s32 @p2 $0x1  }
0x17: {  	s4 =	simm.s32 $0x1BF5;
	[smem:$0x3FB5] =	sst s0  }
0x18: {  	s0 =	sld [smem:$0x3F98];
	_ =	swait.ge [sflag:s4], $0x0  }
0x19: {  	s7 =	sld [smem:$0x3F99]  }
0x1a: {  	s8 =	sadd.s32 $0xFFFFE003, lr  }
0x1b: {  	s9 =	sadd.s32 $0xFFFFFEF7, lr;
	s5 =	simm.s32 $0xFFFFFFFF;
	p2 =	slt.u32 s8, $0xFFFFF086  }
0x1c: {  	p1 =	slt.u32 s9, $0xF7A;
	s5 =	simm.s32 @!p2 $0x0  }
0x1d: {  	s5 =	simm.s32 @p1 $0x1;
	p0 =	seq.s32 s7, s2  }
0x1e: {  	s7 =	smul.u32 @!p0 $0xF7A, s2;
	p2 =	seq.s32 @!p0 s5, $0x0  }
0x1f: {  	s9 =	smul.u32 $0xF7A, s1;
	s8 =	simm.s32 @!p0 $0x1BF5;
	p2 =	por !p2, p0  }
0x20: {  	[sflag:s8] =	ssyncset.s32 @!p0 $0xFFFFF086;
	s6 =	sadd.s32 @!p0 s3, s7;
	s7 =	simm.s32 @!p0 $0x108  }
0x21: {  	s3 =	sadd.s32 s3, s9;
	s6 =	sadd.s32 @!p0 $0x88, s6;
	s7 =	simm.s32 @p2 $0x1082  }
0x22: {  	[simem:s7], [sflag:s8] =	dma.local @!p0 [hbm:s6], $0xF7A  }
0x23: {  	s9 =	sor.u32 $0xD0000000, s2;
	s6 =	simm.s32 $0x108;
	_ =	swait.ge @!p0 [sflag:s8], $0x0  }
0x24: {  	s3 =	sadd.s32 $0x88, s3;
	s6 =	simm.s32 @!p1 $0x1082;
	[sflag:s4] =	ssyncset.s32 $0xFFFFF086  }
0x25: {  	[simem:s6], [sflag:s4] =	dma.local [hbm:s3], $0xF7A  }
0x26: {  	[smem:$0x3F99] =	sst s1;
	(tag) =	ssettag s2;
	_ =	strace s9  }
0x27: {  	s1 =	sld [smem:$0x3FA9]  }
0x28: {  	s2 =	sld [smem:$0x3FAA]  }
0x29: {  	s4 =	sld [smem:$0x3FAC]  }
0x2a: {  	p0 =	seq.s32 s5, $0x0;
	s5 =	sld [smem:$0x3FAD]  }
0x2b: {  	s6 =	sld [smem:$0x3FAE]  }
0x2c: {  	s7 =	sld [smem:$0x3FAF]  }
0x2d: {  	s3 =	simm.s32 $0x108;
	s8 =	sld [smem:$0x3FB0]  }
0x2e: {  	s3 =	simm.s32 @!p0 $0x1082;
	s9 =	sld [smem:$0x3FB1]  }
0x2f: {  	lr =	sadd.s32 s0, s3;
	s0 =	sld [smem:$0x3FA8]  }
0x30: {  	s3 =	sld [smem:$0x3FAB]  }
0x31: {  	[smem:$0x3FB4] =	sst s10  }
0x32: {  	s10 =	sld [smem:$0x3FB2];
	_ =	sdelay $0x3  }
0x33: {  	p0 =	seq.s32 s10, $0x1;
	s10 =	sld [smem:$0x3FB4];
	_ =	sdelay $0x3  }
0x34: {  	[smem:$0x3FB4] =	sst s10  }
0x35: {  	s10 =	sld [smem:$0x3FB3];
	_ =	sdelay $0x3  }
0x36: {  	p1 =	seq.s32 s10, $0x1;
	s10 =	sld [smem:$0x3FB4];
	_ =	sdelay $0x3  }
0x37: {  	[smem:$0x3FB4] =	sst s10  }
0x38: {  	s10 =	sld [smem:$0x3FB5]  }
0x39: {  	_ = 	snop;
	(pc) =	sbr.ind lr, $3  }
0x3a: {  	_ = 	snop  }
0x3b: {  	_ = 	snop  }
0x3c: {  	p2 =	seq.s32 s10, $0x1;
	s10 =	sld [smem:$0x3FB4]  }
0x3d: {  	_ =	shalt  }
0x3e: {  	_ =	shalt  }
0x3f: {  	_ =	shalt  }
0x40: {  	_ =	shalt  }
0x41: {  	_ =	shalt  }
0x42: {  	_ =	shalt  }
0x43: {  	_ =	shalt  }
0x44: {  	_ =	shalt  }
0x45: {  	_ =	shalt  }
0x46: {  	_ =	shalt  }
0x47: {  	_ =	shalt  }
0x48: {  	_ =	shalt  }
0x49: {  	_ =	shalt  }
0x4a: {  	_ =	shalt  }
0x4b: {  	_ =	shalt  }
0x4c: {  	_ =	shalt  }
0x4d: {  	_ =	shalt  }
0x4e: {  	_ =	shalt  }
0x4f: {  	_ =	shalt  }
0x50: {  	_ =	shalt  }
0x51: {  	_ =	shalt  }
0x52: {  	_ =	shalt  }
0x53: {  	_ =	shalt  }
0x54: {  	_ =	shalt  }
0x55: {  	_ =	shalt  }
0x56: {  	_ =	shalt  }
0x57: {  	_ =	shalt  }
0x58: {  	_ =	shalt  }
0x59: {  	_ =	shalt  }
0x5a: {  	_ =	shalt  }
0x5b: {  	_ =	shalt  }
0x5c: {  	_ =	shalt  }
0x5d: {  	_ =	shalt  }
0x5e: {  	_ =	shalt  }
0x5f: {  	_ =	shalt  }
0x60: {  	_ =	shalt  }
0x61: {  	_ =	shalt  }
0x62: {  	_ =	shalt  }
0x63: {  	_ =	shalt  }
0x64: {  	_ =	shalt  }
0x65: {  	_ =	shalt  }
0x66: {  	_ =	shalt  }
0x67: {  	_ =	shalt  }
0x68: {  	_ =	shalt  }
0x69: {  	_ =	shalt  }
0x6a: {  	_ =	shalt  }
0x6b: {  	_ =	shalt  }
0x6c: {  	_ =	shalt  }
0x6d: {  	_ =	shalt  }
0x6e: {  	_ =	shalt  }
0x6f: {  	_ =	shalt  }
0x70: {  	_ =	shalt  }
0x71: {  	_ =	shalt  }
0x72: {  	_ =	shalt  }
0x73: {  	_ =	shalt  }
0x74: {  	_ =	shalt  }
0x75: {  	_ =	shalt  }
0x76: {  	_ =	shalt  }
0x77: {  	_ =	shalt  }
0x78: {  	_ =	shalt  }
0x79: {  	_ =	shalt  }
0x7a: {  	_ =	shalt  }
0x7b: {  	_ =	shalt  }
0x7c: {  	_ =	shalt  }
0x7d: {  	_ =	shalt  }
0x7e: {  	_ =	shalt  }
0x7f: {  	_ =	shalt  }
0x80: {  	_ =	shalt  }
0x81: {  	_ =	shalt  }
0x82: {  	_ =	shalt  }
0x83: {  	_ =	shalt  }
0x84: {  	_ =	shalt  }
0x85: {  	_ =	shalt  }
0x86: {  	_ =	shalt  }
0x87: {  	_ =	shalt  }
.Lfunc_end0:
.L_simem_size_0:
called_computation.2_lowered:
.L_overlay_start_0:
0x88: {  	s2 =	sld [smem:$0x3FD9]  }
0x89: {  	s3 =	sld [smem:$0x3FFE];
	_ =	sdelay $0x1  }
0x8a: {  	s1 =	srdreg.scid  }
0x8b: {  	s0 =	sand.u32 $0x1, s1  }
0x8c: {  	s17 =	sshll.u32 s0, $0xA;
	s2 =	sadd.s32 s3, s2  }
0x8d: {  	s2 =	sadd.s32 s2, s17  }
0x8e: {  	[smem:$0x3FC0] =	sst s2  }
0x8f: {  	_ = 	snop  }
0x90: {  	s18 =	sld [smem:$0x3FD0];
	(tm) =	ssettm $0x1  }
0x91: {  	s19 =	sld [smem:$0x3FFB];
	_ =	sdelay $0x3  }
0x92: {  	_ =	strace s19  }
0x93: {  	s2 =	sld [smem:$0x3FFC];
	_ =	sdelay $0x3  }
0x94: {  	_ =	strace s2  }
0x95: {  	s2 =	sld [smem:$0x3FFD];
	_ =	sdelay $0x3  }
0x96: {  	_ =	strace s2  }
0x97: {  	_ =	strace $0x8FFFFFFF  }
0x98: {  	s20 =	sld [smem:$0x3FDB];
	_ =	sdelay $0x1  }
0x99: {  	s4 =	simm.s32 $_scs_section_size  }
0x9a: {  	s5 =	simm.s32 $_size__tile_overlayer_lowered;
	s6 =	simm.s32 $_tile_overlayer_lowered  }
0x9b: {  	s7 =	simm.s32 $0x1BFF;
	s21 =	sshll.u32 s6, $0x1;
	s4 =	sadd.s32 s4, s20  }
0x9c: {  	s22 =	simm.s32 $0x0;
	s5 =	sshll.u32 s5, $0x1;
	s6 =	sadd.s32 s21, s4  }
0x9d: {  	[timem:s22], [sflag:s7] =	dma.local [hbm:s6], s5  }
0x9e: {  	_ =	swait.ge [sflag:s7], s5  }
0x9f: {  	s5 =	ssub.s32 $0x0, s5;
	[sflag:s7] =	ssyncset.done $0x0  }
0xa0: {  	[sflag:s7] =	ssyncadd.s32 s5;
	_ =	sdelay $0x1  }
0xa1: {  	s23 =	simm.s32 $0x1B8B  }
0xa2: {  	_ =	swait.ge [sflag:s23], $0x1  }
0xa3: {  	[sflag:s23] =	ssyncset.done $0x0  }
0xa4: {  	[sflag:s23] =	ssyncadd.s32 $0xFFFFFFFF  }
0xa5: {  	s5 =	sld [smem:$0x0]  }
0xa6: {  	s6 =	sand.u32 $0xFFFFFFFE, s1  }
0xa7: {  	p0 =	sne.s32 s1, s6  }
0xa8: {  	s6 =	sshll.u32 @p0 s6, $0xE  }
0xa9: {  	s6 =	sadd.s32 @p0 $0x11B8D, s6;
	s7 =	sshll.u32 @p0 s5, $0x11  }
0xaa: {  	s6 =	sor.u32 @p0 s7, s6  }
0xab: {  	[sflag:s6] =	ssyncadd.remote.s32 @p0 $0x1;
	_ =	sdelay $0x1  }
0xac: {  	s6 =	simm.s32 @p0 $0x1B8D  }
0xad: {  	_ =	swait.eq @p0 [sflag:s6], $0x1  }
0xae: {  	[sflag:s6] =	ssyncadd.s32 @p0 $0xFFFFFFFF  }
0xaf: {  	s7 =	sshll.u32 @!p0 s1, $0xE  }
0xb0: {  	s7 =	sor.u32 @!p0 $0x4000, s7;
	s6 =	simm.s32 @!p0 $0x1B8D  }
0xb1: {  	s5 =	sshll.u32 @!p0 s5, $0x11;
	s7 =	sadd.s32 @!p0 $0x11B8D, s7;
	_ =	swait.eq @!p0 [sflag:s6], $0x1  }
0xb2: {  	s5 =	sor.u32 @!p0 s5, s7;
	[sflag:s6] =	ssyncadd.s32 @!p0 $0xFFFFFFFF  }
0xb3: {  	s25 =	simm.s32 $0x1B8E;
	s24 =	sld [smem:$0x3FFE];
	[sflag:s5] =	ssyncadd.remote.s32 @!p0 $0x1  }
0xb4: {  	s26 =	simm.s32 $execute0_lowered;
	[smem:$0x3FD2] =	sst s25  }
0xb5: {  	s6 =	sshll.u32 s26, $0x1;
	_ =	strace $0x80000049;
	[dreg:$0x1] =	wrdreg $0xFFFFFFFF  }
0xb6: {  	s28 =	simm.s32 $_size_execute0_lowered;
	s4 =	sadd.s32 s4, s6;
	[dreg:$0x0] =	wrdreg $0x0  }
0xb7: {  	s6 =	sshll.u32 s28, $0x1;
	[dreg:$0x2] =	wrdreg s4  }
0xb8: {  	[dreg:$0x3] =	wrdreg s6  }
0xb9: {  	[dreg:$0x4] =	wrdreg $0xC0  }
0xba: {  	_ =	task [dreg:s22], $0x5FFFF  }
0xbb: {  	[dreg:$0x1] =	wrdreg $0xFFFFFFFF  }
0xbc: {  	[dreg:$0x0] =	wrdreg $0x60  }
0xbd: {  	[dreg:$0x2] =	wrdreg s24  }
0xbe: {  	[dreg:$0x3] =	wrdreg s18  }
0xbf: {  	[dreg:$0x4] =	wrdreg $0xB  }
0xc0: {  	_ =	task.clear_ibuf [dreg:s22], $0x5FFFF;
	_ =	strace $0x90000049  }
0xc1: {  	s29 =	simm.s32 $0xB;
	_ =	strace $0x8000004B  }
0xc2: {  	_ =	swait.ge [sflag:s29], $0x1  }
0xc3: {  	[sflag:s29] =	ssyncadd.s32 $0xFFFFFFFF  }
0xc4: {  	_ =	strace $0x9000004B  }
0xc5: {  	_ =	sfence  }
0xc6: {  	s30 =	sld [smem:$0x0];
	_ =	sdelay $0x2  }
0xc7: {  	s31 =	sshll.u32 s1, $0xD;
	s1 =	sshrl.u32 s1, $0x2  }
0xc8: {  	s4 =	sand.u32 $0x4000, s31;
	s1 =	sadd.s32 s1, s30  }
0xc9: {  	s0 =	sor.u32 s4, s0;
	s1 =	sshll.u32 s1, $0x11  }
0xca: {  	s0 =	sor.u32 s1, s0  }
0xcb: {  	s0 =	sadd.s32 $0x8F2B, s0  }
0xcc: {  	[sflag:s0] =	ssyncadd.remote.s32 $0x1  }
0xcd: {  	_ =	sfence.sel $0xFFFF  }
0xce: {  	[dreg:$0x0] =	wrdreg $0xFFFFFFFF;
	(pc) =	sbr.abs _section_cstart, $3  }
0xcf: {  	[dreg:$0x1] =	wrdreg $0xFFFFFFFF  }
0xd0: {  	_ =	task.clear_ibuf [dreg:s22], $0x2FFFF;
	_ =	strace $0x9FFFFFFF  }
0xd1: {  	(tm) =	ssettm $0x7FFFFFFF  }
tec
execute0_lowered:
.L_overlay_start_1:
0x0: {  	(tag) =	ssettag $0x1  }
0x1: {  	s0 =	srdreg.scid  }
0x2: {  	s2 =	stileid.u32;
	s3 =	rddreg [dreg:$0x0]  }
0x3: {  	s6 =	rddreg [dreg:$0x1];
	s10 =	simm.s32 $0x2;
	s11 =	simm.s32 $0x300  }
0x4: {  	s13 =	simm.s32 $0x410;
	s15 =	simm.s32 $0x520;
	s16 =	simm.s32 $0x40  }
0x5: {  	s17 =	simm.s32 $0x630;
	s18 =	simm.s32 $0x4630;
	s19 =	simm.s32 $0x8630  }
0x6: {  	s20 =	simm.s32 $0x1;
	s0 =	sand.u32 $0x1, s0;
	s1 =	sshll.u32 s2, $0x1  }
0x7: {  	s21 =	simm.s32 $0xC630;
	s2 =	sshrl.u32 s2, $0x3;
	s1 =	sor.u32 s0, s1  }
0x8: {  	s22 =	simm.s32 $0x0;
	s4 =	smul.u32 $0x3000, s2;
	s5 =	sshll.u32 s1, $0x8  }
0x9: {  	s2 =	simm.s32 $0x0;
	s0 =	ssub.s32 $0x2, s0;
	s5 =	sand.u32 $0xF00, s5  }
0xa: {  	[smem:$0x7FF] =	sst s2;
	s31 =	sshrl.u32 s0, $0x1;
	s4 =	sor.u32 s4, s5  }
0xb: {  	s1 =	sshll.u32 s1, $0xD;
	_ =	strace $0x8000004A;
	s4 =	sshrl.u32 s4, $0x3  }
0xc: {  	s0 =	ssub.s32 s0, s31;
	s6 =	sadd.s32 s6, s1;
	s30 =	sadd.s32 s4, s3  }
0xd: {  	s7 =	smax.u32 s0, $0x1;
	s3 =	sadd.s32 $0x57A00, s3;
	s5 =	sadd.s32 $0x56E00, s30  }
0xe: {  	v1 =	vimm.s32 $0x0;
	s4 =	sadd.s32 $0x56200, s30;
	s12 =	sadd.s32 $0x200, s5;
	s14 =	sadd.s32 $0x400, s5  }
.LBB2_1:
0xf: {  	s0 =	simm.s32 $0x100;
	s1 =	simm.s32 $0x1000  }
0x10: {  	[tilespmem:s2], [sflag:$0x2] =	stream.strided.gather [hbm4b:s4+s0], $0x300, s1, s0, $0x38;
	[tilespmem:$0x10630] =	vst v63  }
0x11: {  	_ =	swait.ge [sflag:s10], $0x300  }
0x12: {  	[sflag:s10] =	ssyncset.done $0x0  }
0x13: {  	[sflag:s10] =	ssyncadd.s32 $0xFFFFFD00  }
0x14: {  	[tilespmem:s11], [sflag:$0x2] =	stream.linear.gather [hbm4b:s5+s2], $0x100, $0x38;
	[tilespmem:$0x10630] =	vst v63  }
0x15: {  	_ = 	snop  }
0x16: {  	[tilespmem:s13], [sflag:$0x2] =	stream.linear.gather [hbm4b:s12+s2], $0x100, $0x38;
	[tilespmem:$0x10630] =	vst v63  }
0x17: {  	_ = 	snop  }
0x18: {  	[tilespmem:s15], [sflag:$0x2] =	stream.linear.gather [hbm4b:s14+s2], $0x100, $0x38;
	[tilespmem:$0x10630] =	vst v63  }
0x19: {  	_ =	swait.ge [sflag:s10], $0x300  }
0x1a: {  	[sflag:s10] =	ssyncset.done $0x0  }
0x1b: {  	s23 =	simm.s32 $0x0;
	[sflag:s10] =	ssyncadd.s32 $0xFFFFFD00  }
.LBB2_2:
0x1c: {  	s24 =	sshll.u32 s23, $0x6  }
0x1d: {  	[tilespmem:s17], [sflag:$0x1] =	stream.indirect.gather [hbm4b:s3+s16], $0x100, s24, s16, $0xb8;
	[tilespmem:$0x10630] =	vst v63  }
0x1e: {  	s0 =	sadd.s32 $0x100, s24  }
0x1f: {  	[tilespmem:s18], [sflag:$0x1] =	stream.indirect.gather [hbm4b:s3+s16], $0x100, s0, s16, $0xb8;
	[tilespmem:$0x10630] =	vst v63  }
0x20: {  	s31 =	sadd.s32 $0x200, s24  }
0x21: {  	[tilespmem:s19], [sflag:$0x1] =	stream.indirect.gather [hbm4b:s3+s16], $0x100, s31, s16, $0xb8;
	[tilespmem:$0x10630] =	vst v63  }
0x22: {  	_ =	swait.ge [sflag:s20], $0x4000  }
0x23: {  	[sflag:s20] =	ssyncset.done $0x0  }
0x24: {  	[sflag:s20] =	ssyncadd.s32 $0xFFFFC000  }
0x25: {  	_ =	swait.ge [sflag:s20], $0x4000  }
0x26: {  	[sflag:s20] =	ssyncset.done $0x0  }
0x27: {  	[sflag:s20] =	ssyncadd.s32 $0xFFFFC000  }
0x28: {  	_ =	swait.ge [sflag:s20], $0x4000  }
0x29: {  	s28 =	simm.s32 $0x0;
	[sflag:s20] =	ssyncset.done $0x0  }
0x2a: {  	s25 =	sadd.s32 $0x300, s24;
	s26 =	sand.u32 $0xF8, s24;
	[sflag:s20] =	ssyncadd.s32 $0xFFFFC000  }
.LBB2_3:
0x2b: {  	s0 =	sand.u32 $0x38, s28  }
0x2c: {  	s31 =	sadd.s32 s0, s25  }
0x2d: {  	s8 =	sand.u32 $0x4, s28;
	s29 =	sadd.s32 $0x110, s31  }
0x2e: {  	s30 =	sor.u32 $0x1, s28;
	s1 =	sadd.s32 $0x220, s31;
	s9 =	sadd.s32 s8, s29  }
0x2f: {  	s0 =	sadd.s32 s8, s31;
	v36 =	vld [tilespmem:s9+$0x0];
	s9 =	sadd.s32 s8, s1;
	s8 =	sand.u32 $0x5, s30  }
0x30: {  	v37 =	vld [tilespmem:s9+$0x0];
	s9 =	sadd.s32 s8, s31  }
0x31: {  	v2 =	vld [tilespmem:s9+$0x0];
	_ =	sdelay $0x3  }
0x32: {  	s9 =	sadd.s32 s8, s29  }
0x33: {  	[tilespmem:$0x1FB80] =	vst v2;
	v2 =	vld [tilespmem:s9+$0x0];
	_ =	sdelay $0x3  }
0x34: {  	s9 =	sadd.s32 s8, s1  }
0x35: {  	[tilespmem:$0x1FB90] =	vst v2;
	v2 =	vld [tilespmem:s9+$0x0];
	_ =	sdelay $0x1  }
0x36: {  	v0 =	vld [tilespmem:s0+$0x0];
	s0 =	sor.u32 $0x2, s28  }
0x37: {  	s8 =	sand.u32 $0x6, s0  }
0x38: {  	s31 =	sadd.s32 s8, s31  }
0x39: {  	[tilespmem:$0x1FBA0] =	vst v2;
	v2 =	vld [tilespmem:s31+$0x0];
	_ =	sdelay $0x3  }
0x3a: {  	s30 =	sshll.u32 s30, $0x8  }
0x3b: {  	[tilespmem:$0x1FDF0] =	vst v2;
	v2 =	vld [tilespmem:s30+$0x4660];
	_ =	sdelay $0x4  }
0x3c: {  	[tilespmem:$0x1FBB0] =	vst v2;
	v2 =	vld [tilespmem:s30+$0x8660];
	_ =	sdelay $0x4  }
0x3d: {  	[tilespmem:$0x1FBC0] =	vst v2;
	v2 =	vld [tilespmem:s30+$0x670];
	_ =	sdelay $0x4  }
0x3e: {  	[tilespmem:$0x1FBD0] =	vst v2;
	v2 =	vld [tilespmem:s30+$0x4670];
	_ =	sdelay $0x4  }
0x3f: {  	[tilespmem:$0x1FBE0] =	vst v2;
	v2 =	vld [tilespmem:s30+$0x8670];
	_ =	sdelay $0x4  }
0x40: {  	[tilespmem:$0x1FC10] =	vst v2;
	v2 =	vld [tilespmem:s30+$0x680];
	_ =	sdelay $0x4  }
0x41: {  	[tilespmem:$0x1FBF0] =	vst v2;
	v2 =	vld [tilespmem:s30+$0x4680];
	_ =	sdelay $0x4  }
0x42: {  	[tilespmem:$0x1FC00] =	vst v2;
	v2 =	vld [tilespmem:s30+$0x8680];
	_ =	sdelay $0x4  }
0x43: {  	[tilespmem:$0x1FC20] =	vst v2;
	v2 =	vld [tilespmem:s30+$0x690];
	_ =	sdelay $0x4  }
0x44: {  	[tilespmem:$0x1FC30] =	vst v2;
	v2 =	vld [tilespmem:s30+$0x4690];
	_ =	sdelay $0x4  }
0x45: {  	[tilespmem:$0x1FC40] =	vst v2;
	v2 =	vld [tilespmem:s30+$0x8690];
	_ =	sdelay $0x4  }
0x46: {  	[tilespmem:$0x1FC70] =	vst v2;
	v2 =	vld [tilespmem:s30+$0x6A0];
	_ =	sdelay $0x4  }
0x47: {  	[tilespmem:$0x1FC50] =	vst v2;
	v2 =	vld [tilespmem:s30+$0x46A0];
	_ =	sdelay $0x4  }
0x48: {  	[tilespmem:$0x1FC60] =	vst v2;
	v2 =	vld [tilespmem:s30+$0x86A0];
	_ =	sdelay $0x4  }
0x49: {  	[tilespmem:$0x1FC80] =	vst v2;
	v2 =	vld [tilespmem:s30+$0x6B0];
	_ =	sdelay $0x4  }
0x4a: {  	[tilespmem:$0x1FC90] =	vst v2;
	v2 =	vld [tilespmem:s30+$0x46B0];
	_ =	sdelay $0x4  }
0x4b: {  	[tilespmem:$0x1FCA0] =	vst v2;
	v2 =	vld [tilespmem:s30+$0x86B0];
	_ =	sdelay $0x4  }
0x4c: {  	[tilespmem:$0x1FCD0] =	vst v2;
	v2 =	vld [tilespmem:s30+$0x6C0];
	_ =	sdelay $0x4  }
0x4d: {  	[tilespmem:$0x1FCB0] =	vst v2;
	v2 =	vld [tilespmem:s30+$0x46C0];
	_ =	sdelay $0x4  }
0x4e: {  	[tilespmem:$0x1FCC0] =	vst v2;
	v2 =	vld [tilespmem:s30+$0x86C0];
	_ =	sdelay $0x4  }
0x4f: {  	[tilespmem:$0x1FCE0] =	vst v2;
	v2 =	vld [tilespmem:s30+$0x6D0];
	_ =	sdelay $0x4  }
0x50: {  	[tilespmem:$0x1FCF0] =	vst v2;
	v2 =	vld [tilespmem:s30+$0x46D0];
	_ =	sdelay $0x4  }
0x51: {  	[tilespmem:$0x1FD00] =	vst v2;
	v2 =	vld [tilespmem:s30+$0x86D0];
	_ =	sdelay $0x4  }
0x52: {  	[tilespmem:$0x1FD10] =	vst v2;
	v2 =	vld [tilespmem:s30+$0x6E0];
	_ =	sdelay $0x4  }
0x53: {  	[tilespmem:$0x1FD20] =	vst v2;
	v2 =	vld [tilespmem:s30+$0x46E0];
	_ =	sdelay $0x4  }
0x54: {  	[tilespmem:$0x1FD30] =	vst v2;
	v2 =	vld [tilespmem:s30+$0x86E0];
	_ =	sdelay $0x4  }
0x55: {  	[tilespmem:$0x1FD40] =	vst v2;
	v2 =	vld [tilespmem:s30+$0x6F0];
	_ =	sdelay $0x4  }
0x56: {  	[tilespmem:$0x1FD50] =	vst v2;
	v2 =	vld [tilespmem:s30+$0x46F0];
	_ =	sdelay $0x4  }
0x57: {  	[tilespmem:$0x1FD80] =	vst v2;
	v2 =	vld [tilespmem:s30+$0x86F0];
	_ =	sdelay $0x1  }
0x58: {  	s31 =	sshll.u32 s28, $0x8  }
0x59: {  	v38 =	vld [tilespmem:s31+$0x630]  }
0x5a: {  	v39 =	vld [tilespmem:s31+$0x4630]  }
0x5b: {  	[tilespmem:$0x1FDC0] =	vst v2;
	v2 =	vld [tilespmem:s30+$0x700]  }
0x5c: {  	v50 =	vld [tilespmem:s31+$0x8630]  }
0x5d: {  	v55 =	vld [tilespmem:s31+$0x640]  }
0x5e: {  	v58 =	vld [tilespmem:s31+$0x4640]  }
0x5f: {  	v59 =	vld [tilespmem:s31+$0x8640]  }
0x60: {  	[tilespmem:$0x1FD60] =	vst v2;
	v2 =	vld [tilespmem:s30+$0x4700]  }
0x61: {  	v60 =	vld [tilespmem:s31+$0x650]  }
0x62: {  	v63 =	vld [tilespmem:s31+$0x4650]  }
0x63: {  	v4 =	vld [tilespmem:s31+$0x8650]  }
0x64: {  	v30 =	vld [tilespmem:s31+$0x660]  }
0x65: {  	[tilespmem:$0x1FD90] =	vst v2;
	v2 =	vld [tilespmem:s30+$0x8700]  }
0x66: {  	v3 =	vld [tilespmem:s31+$0x4660]  }
0x67: {  	v5 =	vld [tilespmem:s31+$0x8660]  }
0x68: {  	v6 =	vld [tilespmem:s31+$0x670]  }
0x69: {  	v7 =	vld [tilespmem:s31+$0x4670]  }
0x6a: {  	[tilespmem:$0x1FDD0] =	vst v2;
	v2 =	vld [tilespmem:s30+$0x710]  }
0x6b: {  	v12 =	vld [tilespmem:s31+$0x8670]  }
0x6c: {  	v8 =	vld [tilespmem:s31+$0x680]  }
0x6d: {  	v11 =	vimm.s32 $0x0;
	v9 =	vld [tilespmem:s31+$0x4680]  }
0x6e: {  	v0 =	vperm.xlane v0, v1;
	v1 =	vperm.xlane v36, v11;
	v10 =	vld [tilespmem:s31+$0x8680]  }
0x6f: {  	v13 =	vld [tilespmem:s31+$0x690];
	[tilespmem:$0x1FD70] =	vst v2;
	v2 =	vperm.xlane v37, v11  }
0x70: {  	v14 =	vld [tilespmem:s31+$0x4690];
	v37 =	vmul.f32 v38, v0;
	v38 =	vmul.f32 v39, v1  }
0x71: {  	v16 =	vld [tilespmem:s31+$0x8690]  }
0x72: {  	v37 =	vadd.f32 v38, v37;
	v38 =	vmul.f32 v60, v0;
	v60 =	vmul.f32 v63, v1;
	v63 =	vld [tilespmem:s30+$0x8720]  }
0x73: {  	v15 =	vld [tilespmem:s31+$0x6A0]  }
0x74: {  	v18 =	vld [tilespmem:s31+$0x46A0]  }
0x75: {  	v17 =	vld [tilespmem:s31+$0x86A0]  }
0x76: {  	s29 =	sadd.s32 s8, s29;
	v20 =	vld [tilespmem:s31+$0x6B0]  }
0x77: {  	[tilespmem:$0x1FE10] =	vst v63;
	v63 =	vld [tilespmem:s29+$0x0]  }
0x78: {  	v19 =	vld [tilespmem:s31+$0x46B0];
	v39 =	vmul.f32 v50, v2  }
0x79: {  	v34 =	vld [tilespmem:s31+$0x86B0];
	v50 =	vmul.f32 v55, v0;
	v55 =	vmul.f32 v58, v1  }
0x7a: {  	s1 =	sadd.s32 s8, s1;
	v58 =	vld [tilespmem:s30+$0x4720]  }
0x7b: {  	v50 =	vadd.f32 v55, v50;
	v55 =	vadd.f32 v60, v38;
	v60 =	vld [tilespmem:s1+$0x0];
	s29 =	sshll.u32 s0, $0x8  }
0x7c: {  	v30 =	vmul.f32 v30, v0;
	[tilespmem:$0x1FE00] =	vst v63;
	v63 =	vld [tilespmem:s29+$0x630]  }
0x7d: {  	v22 =	vld [tilespmem:s31+$0x6C0];
	v3 =	vmul.f32 v3, v1;
	v59 =	vmul.f32 v59, v2  }
0x7e: {  	v21 =	vld [tilespmem:s31+$0x46C0];
	v4 =	vmul.f32 v4, v2;
	v5 =	vmul.f32 v5, v2  }
0x7f: {  	v23 =	vld [tilespmem:s31+$0x86C0];
	v3 =	vadd.f32 v3, v30;
	v12 =	vmul.f32 v12, v2;
	v38 =	vmul.f32 v6, v0;
	[tilespmem:$0x1FDB0] =	vst v58  }
0x80: {  	v59 =	vadd.f32 v59, v50;
	v58 =	vadd.f32 v39, v37;
	v39 =	vmul.f32 v7, v1;
	[tilespmem:$0x1FE20] =	vst v60;
	v60 =	vld [tilespmem:s29+$0x4630]  }
0x81: {  	v26 =	vld [tilespmem:s31+$0x6D0];
	v50 =	vadd.f32 v5, v3;
	v3 =	vmul.f32 v8, v0;
	[tilespmem:$0x1FE30] =	vst v63;
	v63 =	vmul.f32 v9, v1  }
0x82: {  	v55 =	vadd.f32 v4, v55;
	v7 =	vmul.f32 v17, v2;
	v17 =	vld [tilespmem:s29+$0x650];
	v4 =	vadd.f32 v39, v38  }
0x83: {  	v30 =	vmul.f32 v10, v2;
	v37 =	vld [tilespmem:s29+$0x640];
	v3 =	vadd.f32 v63, v3  }
0x84: {  	v25 =	vld [tilespmem:s31+$0x6E0];
	v63 =	vadd.f32 v12, v4;
	v4 =	vmul.f32 v16, v2  }
0x85: {  	v43 =	vld [tilespmem:s31+$0x6F0];
	[tilespmem:$0x1FE40] =	vst v60;
	v16 =	vmul.f32 v15, v0;
	v60 =	vadd.f32 v30, v3;
	v3 =	vmul.f32 v18, v1  }
0x86: {  	v29 =	vld [tilespmem:s31+$0x720];
	v38 =	vmul.f32 v13, v0;
	v39 =	vmul.f32 v14, v1  }
0x87: {  	[tilespmem:$0x1FEB0] =	vst v17;
	v17 =	vld [tilespmem:s29+$0x660];
	v3 =	vadd.f32 v3, v16  }
0x88: {  	v54 =	vld [tilespmem:s31+$0x710];
	v5 =	vadd.f32 v39, v38;
	v38 =	vmul.f32 v21, v1;
	[tilespmem:$0x1FE50] =	vst v37;
	v37 =	vmul.f32 v22, v0  }
0x89: {  	v18 =	vmul.f32 v20, v0;
	v20 =	vmul.f32 v19, v1;
	v30 =	vld [tilespmem:s29+$0x4650];
	v3 =	vadd.f32 v7, v3  }
0x8a: {  	v28 =	vld [tilespmem:s31+$0x700]  }
0x8b: {  	v15 =	vadd.f32 v20, v18;
	v18 =	vmul.f32 v23, v2;
	[tilespmem:$0x1FE70] =	vst v3;
	v3 =	vadd.f32 v38, v37  }
0x8c: {  	v41 =	vld [tilespmem:s30+$0x630];
	[tilespmem:$0x1FED0] =	vst v17;
	v17 =	vmul.f32 v29, v0;
	v16 =	vmul.f32 v34, v2  }
0x8d: {  	v35 =	vld [tilespmem:s31+$0x46D0];
	v20 =	vmul.f32 v26, v0;
	v34 =	vmul.f32 v43, v0;
	v3 =	vadd.f32 v18, v3  }
0x8e: {  	v24 =	vld [tilespmem:s31+$0x46E0];
	[tilespmem:$0x1FEC0] =	vst v30;
	v30 =	vadd.f32 v4, v5;
	v4 =	vadd.f32 v16, v15;
	v15 =	vmul.f32 v54, v0  }
0x8f: {  	v38 =	vmul.f32 v28, v0;
	[tilespmem:$0x1FEA0] =	vst v3;
	v3 =	vmul.f32 v25, v0;
	v0 =	vld [tilespmem:s29+$0x690]  }
0x90: {  	v42 =	vld [tilespmem:s31+$0x86E0]  }
0x91: {  	v49 =	vld [tilespmem:s31+$0x46F0]  }
0x92: {  	v31 =	vld [tilespmem:s31+$0x86F0]  }
0x93: {  	v48 =	vld [tilespmem:s31+$0x4700]  }
0x94: {  	[tilespmem:$0x1FF70] =	vst v0;
	v0 =	vld [tilespmem:s29+$0x4690]  }
0x95: {  	v32 =	vld [tilespmem:s31+$0x4710]  }
0x96: {  	v62 =	vld [tilespmem:s31+$0x4720]  }
0x97: {  	v39 =	vld [tilespmem:s29+$0x8650];
	v23 =	vmul.f32 v24, v1  }
0x98: {  	v21 =	vmul.f32 v35, v1;
	v22 =	vld [tilespmem:s29+$0x8660]  }
0x99: {  	v35 =	vmul.f32 v49, v1;
	v26 =	vmul.f32 v42, v2;
	v3 =	vadd.f32 v23, v3;
	[tilespmem:$0x1FF80] =	vst v0;
	v0 =	vld [tilespmem:$0x1FB80]  }
0x9a: {  	v44 =	vld [tilespmem:s30+$0x4630]  }
0x9b: {  	v27 =	vld [tilespmem:s31+$0x86D0];
	v49 =	vmul.f32 v31, v2;
	v42 =	vadd.f32 v26, v3;
	v3 =	vadd.f32 v35, v34  }
0x9c: {  	v33 =	vld [tilespmem:s31+$0x8710];
	[tilespmem:$0x1FEF0] =	vst v39;
	v39 =	vmul.f32 v48, v1  }
0x9d: {  	v37 =	vld [tilespmem:s29+$0x8670];
	v34 =	vadd.f32 v49, v3;
	v3 =	vmul.f32 v32, v1;
	v1 =	vmul.f32 v62, v1  }
0x9e: {  	[tilespmem:$0x1FF00] =	vst v22;
	v22 =	vperm.xlane v0, v11;
	v0 =	vld [tilespmem:$0x1FB90]  }
0x9f: {  	[tilespmem:$0x1FE90] =	vst v4;
	v4 =	vadd.f32 v21, v20;
	v20 =	vadd.f32 v1, v17;
	v1 =	vld [tilespmem:$0x1FBA0]  }
0xa0: {  	v25 =	vmul.f32 v27, v2;
	v27 =	vld [tilespmem:s29+$0x4670];
	_ =	sdelay $0x1  }
0xa1: {  	v52 =	vld [tilespmem:s30+$0x8630]  }
0xa2: {  	v18 =	vmul.f32 v33, v2;
	v3 =	vadd.f32 v3, v15;
	v0 =	vperm.xlane v0, v11  }
0xa3: {  	[tilespmem:$0x1FF30] =	vst v37;
	v37 =	vadd.f32 v25, v4;
	v25 =	vld [tilespmem:s29+$0x86A0];
	v1 =	vperm.xlane v1, v11  }
0xa4: {  	[tilespmem:$0x1FF20] =	vst v27;
	v27 =	vadd.f32 v18, v3;
	v3 =	vmul.f32 v41, v22;
	v23 =	vmul.f32 v44, v0;
	_ =	sdelay $0x1  }
0xa5: {  	v26 =	vmul.f32 v52, v1;
	v3 =	vadd.f32 v23, v3;
	_ =	sdelay $0x1  }
0xa6: {  	[tilespmem:$0x1FFB0] =	vst v25;
	v25 =	vadd.f32 v26, v3;
	v3 =	vld [tilespmem:s29+$0x86B0];
	_ =	sdelay $0x1  }
0xa7: {  	v53 =	vld [tilespmem:s31+$0x8700]  }
0xa8: {  	v40 =	vld [tilespmem:s31+$0x8720]  }
0xa9: {  	v14 =	vld [tilespmem:s29+$0x4640]  }
0xaa: {  	[tilespmem:$0x1FFE0] =	vst v3;
	v3 =	vld [tilespmem:$0x1FBC0];
	_ =	sdelay $0x3  }
0xab: {  	[tilespmem:$0x1FE60] =	vst v14;
	v14 =	vmul.f32 v53, v2  }
0xac: {  	v2 =	vmul.f32 v40, v2;
	v40 =	vmul.f32 v3, v1;
	v3 =	vld [tilespmem:$0x1FBD0];
	_ =	sdelay $0x4  }
0xad: {  	v41 =	vmul.f32 v3, v22;
	v3 =	vld [tilespmem:$0x1FBE0];
	_ =	sdelay $0x2  }
0xae: {  	v45 =	vld [tilespmem:s30+$0x4640]  }
0xaf: {  	v24 =	vld [tilespmem:s29+$0x670]  }
0xb0: {  	v44 =	vmul.f32 v3, v0;
	v3 =	vld [tilespmem:$0x1FBF0];
	_ =	sdelay $0x3  }
0xb1: {  	v46 =	vld [tilespmem:s30+$0x640]  }
0xb2: {  	[tilespmem:$0x1FF10] =	vst v24;
	v24 =	vmul.f32 v45, v0;
	v45 =	vmul.f32 v3, v22;
	v3 =	vld [tilespmem:$0x1FC00];
	_ =	sdelay $0x3  }
0xb3: {  	v51 =	vld [tilespmem:s30+$0x4650]  }
0xb4: {  	v35 =	vadd.f32 v2, v20;
	v2 =	vmul.f32 v46, v22;
	v46 =	vmul.f32 v3, v0;
	v3 =	vld [tilespmem:$0x1FC10];
	_ =	sdelay $0x4  }
0xb5: {  	v32 =	vmul.f32 v51, v0;
	v51 =	vmul.f32 v3, v1;
	v3 =	vld [tilespmem:$0x1FC20];
	_ =	sdelay $0x4  }
0xb6: {  	v52 =	vmul.f32 v3, v1;
	v3 =	vld [tilespmem:$0x1FC30];
	_ =	sdelay $0x4  }
0xb7: {  	v53 =	vmul.f32 v3, v22;
	v3 =	vld [tilespmem:$0x1FC40];
	_ =	sdelay $0x4  }
0xb8: {  	v6 =	vmul.f32 v3, v0;
	v3 =	vld [tilespmem:s29+$0x86D0];
	_ =	sdelay $0x4  }
0xb9: {  	[tilespmem:$0x1FFF0] =	vst v3;
	v3 =	vld [tilespmem:$0x1FC60];
	_ =	sdelay $0x4  }
0xba: {  	v7 =	vmul.f32 v3, v0;
	v3 =	vld [tilespmem:$0x1FC70]  }
0xbb: {  	v56 =	vld [tilespmem:s30+$0x650]  }
0xbc: {  	v57 =	vld [tilespmem:s30+$0x8650]  }
0xbd: {  	v9 =	vld [tilespmem:s29+$0x8630]  }
0xbe: {  	v21 =	vld [tilespmem:s29+$0x6A0]  }
0xbf: {  	v8 =	vmul.f32 v3, v1;
	v3 =	vld [tilespmem:$0x1FC80]  }
0xc0: {  	v31 =	vmul.f32 v56, v22;
	_ =	sdelay $0x1  }
0xc1: {  	[tilespmem:$0x1FE80] =	vst v9;
	v4 =	vadd.f32 v39, v38;
	v38 =	vmul.f32 v57, v1;
	v9 =	vadd.f32 v32, v31  }
0xc2: {  	v47 =	vld [tilespmem:s30+$0x8640]  }
0xc3: {  	[tilespmem:$0x1FF90] =	vst v21;
	v21 =	vadd.f32 v38, v9;
	v9 =	vmul.f32 v3, v1;
	v3 =	vld [tilespmem:$0x1FC90];
	_ =	sdelay $0x3  }
0xc4: {  	v12 =	vld [tilespmem:s29+$0x4680]  }
0xc5: {  	v28 =	vmul.f32 v47, v1;
	v2 =	vadd.f32 v24, v2;
	v10 =	vmul.f32 v3, v22;
	v3 =	vld [tilespmem:$0x1FCA0]  }
0xc6: {  	v61 =	vld [tilespmem:s30+$0x660]  }
0xc7: {  	v26 =	vadd.f32 v28, v2;
	v2 =	vld [tilespmem:$0x1FBB0];
	_ =	sdelay $0x2  }
0xc8: {  	[tilespmem:$0x1FF50] =	vst v12;
	v12 =	vmul.f32 v3, v0;
	v3 =	vld [tilespmem:$0x1FCB0];
	_ =	sdelay $0x1  }
0xc9: {  	v39 =	vmul.f32 v61, v22;
	v2 =	vmul.f32 v2, v0;
	_ =	sdelay $0x1  }
0xca: {  	v2 =	vadd.f32 v2, v39  }
0xcb: {  	v43 =	vadd.f32 v14, v4;
	v14 =	vmul.f32 v3, v22;
	v3 =	vld [tilespmem:$0x1FCC0]  }
0xcc: {  	v23 =	vadd.f32 v40, v2;
	v2 =	vadd.f32 v46, v45;
	_ =	sdelay $0x1  }
0xcd: {  	v57 =	vadd.f32 v52, v2;
	v2 =	vld [tilespmem:$0x1FC50]  }
0xce: {  	v16 =	vld [tilespmem:s29+$0x8680]  }
0xcf: {  	v15 =	vmul.f32 v3, v0;
	v3 =	vld [tilespmem:$0x1FCD0];
	_ =	sdelay $0x2  }
0xd0: {  	v19 =	vld [tilespmem:s29+$0x4660];
	v2 =	vmul.f32 v2, v22;
	_ =	sdelay $0x1  }
0xd1: {  	[tilespmem:$0x1FF60] =	vst v16;
	v2 =	vadd.f32 v7, v2;
	v16 =	vmul.f32 v3, v1;
	v3 =	vld [tilespmem:$0x1FCE0];
	_ =	sdelay $0x1  }
0xd2: {  	v45 =	vadd.f32 v9, v2;
	v2 =	vadd.f32 v12, v10  }
0xd3: {  	[tilespmem:$0x1FEE0] =	vst v19;
	v19 =	vld [tilespmem:s29+$0x8690]  }
0xd4: {  	v52 =	vadd.f32 v16, v2;
	v2 =	vld [tilespmem:$0x1FD00]  }
0xd5: {  	v18 =	vmul.f32 v3, v1;
	v3 =	vld [tilespmem:$0x1FCF0];
	_ =	sdelay $0x4  }
0xd6: {  	[tilespmem:$0x1FFA0] =	vst v19;
	v19 =	vmul.f32 v3, v22;
	v3 =	vmul.f32 v2, v0;
	v2 =	vld [tilespmem:$0x1FD10];
	_ =	sdelay $0x4  }
0xd7: {  	v20 =	vmul.f32 v2, v1;
	v2 =	vld [tilespmem:$0x1FD20]  }
0xd8: {  	v36 =	vld [tilespmem:s30+$0x4710];
	_ =	sdelay $0x1  }
0xd9: {  	v24 =	vadd.f32 v6, v53;
	_ =	sdelay $0x1  }
0xda: {  	v46 =	vadd.f32 v8, v24;
	v8 =	vmul.f32 v2, v22;
	v2 =	vld [tilespmem:$0x1FD30]  }
0xdb: {  	[tilespmem:$0x1FDA0] =	vst v36;
	v36 =	vld [tilespmem:s30+$0x8710]  }
0xdc: {  	v9 =	vld [tilespmem:$0x1FD40];
	_ =	sdelay $0x2  }
0xdd: {  	v2 =	vmul.f32 v2, v0  }
0xde: {  	v47 =	vadd.f32 v44, v41;
	v3 =	vadd.f32 v3, v19  }
0xdf: {  	[tilespmem:$0x1FDE0] =	vst v36;
	v36 =	vld [tilespmem:s30+$0x720];
	v41 =	vmul.f32 v9, v1;
	v17 =	vadd.f32 v15, v14;
	v2 =	vadd.f32 v2, v8  }
0xe0: {  	v61 =	vadd.f32 v51, v47;
	v19 =	vadd.f32 v20, v3;
	v3 =	vld [tilespmem:$0x1FD80]  }
0xe1: {  	v47 =	vadd.f32 v18, v17;
	v18 =	vadd.f32 v41, v2;
	v2 =	vld [tilespmem:$0x1FD90]  }
0xe2: {  	[tilespmem:s31+$0xC640] =	vst v59;
	v59 =	vld [tilespmem:$0x1FDD0]  }
0xe3: {  	[tilespmem:s31+$0xC650] =	vst v55;
	v55 =	vld [tilespmem:s29+$0x4720]  }
0xe4: {  	v48 =	vld [tilespmem:s29+$0x680]  }
0xe5: {  	v15 =	vmul.f32 v3, v0;
	v3 =	vld [tilespmem:$0x1FDB0]  }
0xe6: {  	v17 =	vmul.f32 v2, v0;
	v2 =	vld [tilespmem:$0x1FDA0]  }
0xe7: {  	v29 =	vld [tilespmem:s29+$0x6B0]  }
0xe8: {  	v10 =	vld [tilespmem:$0x1FD50]  }
0xe9: {  	v12 =	vld [tilespmem:$0x1FD60]  }
0xea: {  	v14 =	vld [tilespmem:$0x1FD70]  }
0xeb: {  	v3 =	vmul.f32 v3, v0;
	v2 =	vmul.f32 v2, v0;
	v0 =	vld [tilespmem:$0x1FDC0]  }
0xec: {  	[tilespmem:s31+$0xC660] =	vst v50;
	v50 =	vld [tilespmem:s29+$0x8720]  }
0xed: {  	s0 =	sor.u32 $0x3, s28;
	v13 =	vld [tilespmem:s29+$0x8640]  }
0xee: {  	s9 =	sand.u32 $0xFF, s0;
	[tilespmem:$0x1FF40] =	vst v48;
	v48 =	vld [tilespmem:s29+$0x46C0];
	v5 =	vmul.f32 v10, v22  }
0xef: {  	s8 =	sor.u32 s26, s9;
	[tilespmem:$0x1FFC0] =	vst v29;
	v29 =	vld [tilespmem:s29+$0x46E0];
	v6 =	vmul.f32 v12, v22;
	v7 =	vmul.f32 v14, v22  }
0xf0: {  	[tilespmem:s31+$0xC680] =	vst v60;
	v60 =	vld [tilespmem:s8+$0x410];
	v8 =	vmul.f32 v36, v22;
	v22 =	vadd.f32 v15, v5;
	v0 =	vmul.f32 v0, v1  }
0xf1: {  	v10 =	vld [tilespmem:$0x1FDE0]  }
0xf2: {  	v22 =	vadd.f32 v0, v22;
	v0 =	vld [tilespmem:$0x1FDF0]  }
0xf3: {  	v12 =	vld [tilespmem:$0x1FE10]  }
0xf4: {  	v14 =	vadd.f32 v2, v7;
	v2 =	vld [tilespmem:$0x1FE50]  }
0xf5: {  	v54 =	vld [tilespmem:s29+$0x6C0]  }
0xf6: {  	v33 =	vld [tilespmem:s29+$0x46B0]  }
0xf7: {  	v9 =	vmul.f32 v59, v1;
	v59 =	vperm.xlane v0, v11;
	v0 =	vld [tilespmem:$0x1FE00]  }
0xf8: {  	[tilespmem:s31+$0xC630] =	vst v58;
	v58 =	vmul.f32 v12, v1;
	v5 =	vmul.f32 v10, v1;
	v1 =	vld [tilespmem:$0x1FE20]  }
0xf9: {  	v40 =	vmul.f32 v2, v59;
	v2 =	vld [tilespmem:$0x1FE60]  }
0xfa: {  	[tilespmem:s31+$0xC690] =	vst v30;
	v30 =	vld [tilespmem:s8+$0x520]  }
0xfb: {  	[tilespmem:$0x1FFD0] =	vst v33;
	v33 =	vld [tilespmem:s29+$0x710]  }
0xfc: {  	v62 =	vld [tilespmem:s29+$0x46A0];
	v0 =	vperm.xlane v0, v11  }
0xfd: {  	v49 =	vld [tilespmem:s29+$0x86C0]  }
0xfe: {  	[tilespmem:s31+$0xC670] =	vst v63;
	v56 =	vld [tilespmem:s29+$0x6D0];
	v63 =	vperm.xlane v1, v11;
	v2 =	vmul.f32 v2, v0  }
0xff: {  	v31 =	vld [tilespmem:s29+$0x86F0];
	v3 =	vadd.f32 v3, v8  }
0x100: {  	v32 =	vld [tilespmem:s29+$0x4700];
	v6 =	vadd.f32 v17, v6;
	v8 =	vmul.f32 v13, v63;
	v2 =	vadd.f32 v2, v40  }
0x101: {  	v38 =	vld [tilespmem:s29+$0x6F0]  }
0x102: {  	v15 =	vadd.f32 v9, v6;
	v9 =	vadd.f32 v8, v2;
	v2 =	vld [tilespmem:$0x1FED0]  }
0x103: {  	v1 =	vld [tilespmem:$0x1FE30]  }
0x104: {  	v28 =	vld [tilespmem:s29+$0x700]  }
0x105: {  	v39 =	vld [tilespmem:s29+$0x46D0]  }
0x106: {  	v44 =	vld [tilespmem:s29+$0x6E0]  }
0x107: {  	v8 =	vmul.f32 v2, v59;
	v2 =	vld [tilespmem:$0x1FEE0]  }
0x108: {  	v16 =	vmul.f32 v1, v59;
	v1 =	vld [tilespmem:$0x1FE40]  }
0x109: {  	v51 =	vld [tilespmem:s29+$0x8700]  }
0x10a: {  	v12 =	vld [tilespmem:$0x1FE80]  }
0x10b: {  	v53 =	vld [tilespmem:s29+$0x86E0]  }
0x10c: {  	[tilespmem:s31+$0xC6D0] =	vst v37;
	v37 =	vmul.f32 v2, v0;
	v2 =	vld [tilespmem:$0x1FEF0]  }
0x10d: {  	s9 =	sshll.u32 s0, $0x8;
	v24 =	vld [tilespmem:s29+$0x46F0];
	v1 =	vmul.f32 v1, v0  }
0x10e: {  	[tilespmem:s30+$0xC690] =	vst v46;
	v46 =	vld [tilespmem:s9+$0x680]  }
0x10f: {  	[tilespmem:s30+$0xC6A0] =	vst v45;
	v45 =	vld [tilespmem:s9+$0x4680];
	v4 =	vadd.f32 v5, v14;
	v5 =	vmul.f32 v12, v63;
	v1 =	vadd.f32 v1, v16  }
0x110: {  	v10 =	vld [tilespmem:$0x1FE70]  }
0x111: {  	v6 =	vadd.f32 v5, v1;
	v5 =	vmul.f32 v2, v63;
	v2 =	vld [tilespmem:$0x1FF00]  }
0x112: {  	v20 =	vld [tilespmem:s29+$0x720]  }
0x113: {  	v36 =	vld [tilespmem:s29+$0x4710]  }
0x114: {  	v41 =	vld [tilespmem:s29+$0x8710]  }
0x115: {  	[tilespmem:s31+$0xC6A0] =	vst v10;
	v10 =	vadd.f32 v58, v3;
	v58 =	vld [tilespmem:s9+$0x4630]  }
0x116: {  	[tilespmem:s31+$0xC6E0] =	vst v42;
	v42 =	vmul.f32 v2, v63;
	v2 =	vld [tilespmem:$0x1FF10]  }
0x117: {  	v1 =	vld [tilespmem:$0x1FEB0]  }
0x118: {  	s1 =	sor.u32 s24, s0;
	v3 =	vld [tilespmem:$0x1FEA0]  }
0x119: {  	v17 =	vld [tilespmem:s1+$0x300]  }
0x11a: {  	v14 =	vld [tilespmem:$0x1FE90]  }
0x11b: {  	[tilespmem:s31+$0xC6F0] =	vst v34;
	v34 =	vmul.f32 v2, v59;
	v2 =	vld [tilespmem:$0x1FF20]  }
0x11c: {  	v40 =	vmul.f32 v1, v59;
	v1 =	vld [tilespmem:$0x1FEC0]  }
0x11d: {  	[tilespmem:s31+$0xC6C0] =	vst v3;
	v3 =	vld [tilespmem:s9+$0x650]  }
0x11e: {  	v7 =	vld [tilespmem:s9+$0x8640]  }
0x11f: {  	v12 =	vld [tilespmem:s9+$0x4640]  }
0x120: {  	v8 =	vadd.f32 v37, v8;
	v37 =	vmul.f32 v2, v0;
	v2 =	vld [tilespmem:$0x1FF30]  }
0x121: {  	[tilespmem:s31+$0xC6B0] =	vst v14;
	v14 =	vld [tilespmem:s9+$0x8630];
	v1 =	vmul.f32 v1, v0  }
0x122: {  	[tilespmem:s30+$0xC700] =	vst v15;
	v15 =	vperm.xlane v17, v11;
	v17 =	vperm.xlane v60, v11;
	v13 =	vld [tilespmem:s9+$0x640]  }
0x123: {  	[tilespmem:s30+$0xC680] =	vst v57;
	v57 =	vmul.f32 v56, v59;
	v56 =	vld [tilespmem:$0x1FFF0];
	v1 =	vadd.f32 v1, v40  }
0x124: {  	[tilespmem:s30+$0xC6F0] =	vst v22;
	v22 =	vmul.f32 v12, v17;
	v12 =	vld [tilespmem:s9+$0x46C0]  }
0x125: {  	v1 =	vadd.f32 v5, v1;
	v5 =	vmul.f32 v2, v63;
	v2 =	vld [tilespmem:$0x1FF40]  }
0x126: {  	[tilespmem:s30+$0xC670] =	vst v61;
	v61 =	vmul.f32 v48, v0;
	v48 =	vld [tilespmem:s9+$0x4670]  }
0x127: {  	v40 =	vld [tilespmem:$0x1FF80]  }
0x128: {  	v34 =	vadd.f32 v37, v34;
	v37 =	vld [tilespmem:$0x1FF70]  }
0x129: {  	[tilespmem:s30+$0xC6B0] =	vst v52;
	v52 =	vmul.f32 v36, v0;
	v36 =	vld [tilespmem:s9+$0x86A0]  }
0x12a: {  	[tilespmem:s31+$0xC700] =	vst v43;
	v13 =	vmul.f32 v13, v15;
	v43 =	vmul.f32 v2, v59;
	v2 =	vld [tilespmem:$0x1FF50]  }
0x12b: {  	[tilespmem:s31+$0xC710] =	vst v27;
	v16 =	vld [tilespmem:s9+$0x630]  }
0x12c: {  	[tilespmem:s29+$0xC640] =	vst v9;
	v9 =	vadd.f32 v22, v13;
	v13 =	vld [tilespmem:s9+$0x86D0]  }
0x12d: {  	[tilespmem:s31+$0xC720] =	vst v35;
	v22 =	vld [tilespmem:s9+$0x6E0];
	v35 =	vmul.f32 v37, v59;
	v37 =	vmul.f32 v40, v0  }
0x12e: {  	[tilespmem:s29+$0xC630] =	vst v6;
	v6 =	vld [tilespmem:s9+$0x46D0]  }
0x12f: {  	[tilespmem:s30+$0xC640] =	vst v26;
	v26 =	vadd.f32 v37, v35;
	v37 =	vld [tilespmem:$0x1FFA0];
	v27 =	vmul.f32 v2, v0  }
0x130: {  	v2 =	vld [tilespmem:$0x1FF60]  }
0x131: {  	[tilespmem:s30+$0xC630] =	vst v25;
	v3 =	vmul.f32 v3, v15;
	v46 =	vmul.f32 v46, v15;
	v25 =	vadd.f32 v27, v43;
	v43 =	vld [tilespmem:$0x1FF90]  }
0x132: {  	v49 =	vmul.f32 v49, v63;
	v31 =	vmul.f32 v31, v63;
	v40 =	vld [tilespmem:s9+$0x8650]  }
0x133: {  	[tilespmem:s30+$0xC6C0] =	vst v47;
	v47 =	vmul.f32 v51, v63;
	v38 =	vmul.f32 v38, v59;
	v35 =	vld [tilespmem:s9+$0x4660]  }
0x134: {  	v28 =	vmul.f32 v28, v59;
	v5 =	vadd.f32 v5, v34;
	v34 =	vmul.f32 v37, v63;
	v37 =	vld [tilespmem:$0x1FFB0]  }
0x135: {  	v33 =	vmul.f32 v33, v59;
	v8 =	vadd.f32 v42, v8;
	v42 =	vmul.f32 v2, v63;
	v2 =	vld [tilespmem:s9+$0x4650]  }
0x136: {  	v27 =	vmul.f32 v43, v59;
	v43 =	vmul.f32 v62, v0;
	v62 =	vld [tilespmem:s9+$0x660]  }
0x137: {  	[tilespmem:s30+$0xC650] =	vst v21;
	v20 =	vmul.f32 v20, v59;
	v39 =	vmul.f32 v39, v0;
	v21 =	vadd.f32 v42, v25;
	v42 =	vld [tilespmem:$0x1FFC0]  }
0x138: {  	v29 =	vmul.f32 v29, v0;
	v24 =	vmul.f32 v24, v0;
	v25 =	vadd.f32 v43, v27;
	v43 =	vld [tilespmem:$0x1FFD0]  }
0x139: {  	v39 =	vadd.f32 v39, v57;
	v57 =	vmul.f32 v53, v63;
	v27 =	vmul.f32 v37, v63;
	v37 =	vld [tilespmem:s9+$0x8660]  }
0x13a: {  	v53 =	vmul.f32 v41, v63;
	v12 =	vmul.f32 v12, v17;
	[tilespmem:s29+$0xC680] =	vst v21;
	v21 =	vld [tilespmem:s9+$0x6D0]  }
0x13b: {  	v16 =	vmul.f32 v16, v15;
	v25 =	vadd.f32 v27, v25;
	v27 =	vmul.f32 v54, v59;
	v54 =	vld [tilespmem:$0x1FFE0]  }
0x13c: {  	[tilespmem:s30+$0xC660] =	vst v23;
	v23 =	vadd.f32 v34, v26;
	v2 =	vmul.f32 v2, v17;
	v26 =	vmul.f32 v42, v59;
	v42 =	vld [tilespmem:s9+$0x670]  }
0x13d: {  	v27 =	vadd.f32 v61, v27;
	v61 =	vmul.f32 v44, v59;
	v44 =	vld [tilespmem:s9+$0x690];
	v34 =	vmul.f32 v43, v0  }
0x13e: {  	v2 =	vadd.f32 v2, v3;
	v43 =	vmul.f32 v56, v63;
	v56 =	vmul.f32 v55, v0;
	v55 =	vld [tilespmem:s9+$0x6F0]  }
0x13f: {  	[tilespmem:s30+$0xC6D0] =	vst v19;
	v59 =	vmul.f32 v50, v63;
	v27 =	vadd.f32 v49, v27;
	v49 =	vld [tilespmem:s9+$0x8680];
	v29 =	vadd.f32 v29, v61  }
0x140: {  	[tilespmem:s30+$0xC6E0] =	vst v18;
	v61 =	vmul.f32 v32, v0;
	v32 =	vld [tilespmem:s9+$0x8690];
	v0 =	vperm.xlane v30, v11;
	v26 =	vadd.f32 v34, v26  }
0x141: {  	[tilespmem:s30+$0xC720] =	vst v10;
	v30 =	vld [tilespmem:s9+$0x46B0];
	v34 =	vmul.f32 v54, v63;
	v19 =	vadd.f32 v43, v39;
	v43 =	vadd.f32 v24, v38  }
0x142: {  	[tilespmem:s30+$0xC710] =	vst v4;
	v54 =	vld [tilespmem:s9+$0x8670];
	v60 =	vadd.f32 v56, v20;
	v38 =	vmul.f32 v35, v17;
	v18 =	vadd.f32 v57, v29  }
0x143: {  	[tilespmem:s29+$0xC650] =	vst v1;
	v39 =	vld [tilespmem:s9+$0x4690];
	v51 =	vadd.f32 v61, v28;
	v61 =	vmul.f32 v58, v17;
	v63 =	vmul.f32 v14, v0  }
0x144: {  	[tilespmem:s29+$0xC660] =	vst v8;
	v24 =	vld [tilespmem:s9+$0x6B0];
	v57 =	vadd.f32 v52, v33;
	v7 =	vmul.f32 v7, v0;
	v33 =	vmul.f32 v62, v15  }
0x145: {  	[tilespmem:s29+$0xC670] =	vst v5;
	v35 =	vld [tilespmem:s9+$0x4700];
	v3 =	vmul.f32 v40, v0;
	v11 =	vmul.f32 v37, v0;
	v26 =	vadd.f32 v34, v26  }
0x146: {  	[tilespmem:s29+$0xC690] =	vst v23;
	v29 =	vld [tilespmem:s9+$0x46A0];
	v4 =	vadd.f32 v31, v43;
	v8 =	vadd.f32 v59, v60;
	v43 =	vmul.f32 v48, v17  }
0x147: {  	[tilespmem:s29+$0xC6A0] =	vst v25;
	v14 =	vld [tilespmem:s9+$0x6C0];
	v10 =	vadd.f32 v47, v51;
	v2 =	vadd.f32 v3, v2;
	v3 =	vmul.f32 v42, v15  }
0x148: {  	[tilespmem:s29+$0xC6C0] =	vst v27;
	v52 =	vld [tilespmem:s9+$0x86E0];
	v1 =	vadd.f32 v53, v57;
	v47 =	vmul.f32 v45, v17;
	v53 =	vmul.f32 v44, v15  }
0x149: {  	v58 =	vld [tilespmem:s9+$0x46F0];
	[tilespmem:s29+$0xC6D0] =	vst v19;
	v28 =	vadd.f32 v61, v16;
	v61 =	vmul.f32 v36, v0;
	v44 =	vmul.f32 v6, v17  }
0x14a: {  	v34 =	vld [tilespmem:s9+$0x6A0];
	v41 =	vadd.f32 v38, v33;
	[tilespmem:s29+$0xC6E0] =	vst v18;
	v51 =	vmul.f32 v49, v0;
	v56 =	vmul.f32 v32, v0  }
0x14b: {  	v31 =	vld [tilespmem:s9+$0x86B0];
	v7 =	vadd.f32 v7, v9;
	[tilespmem:s29+$0xC6B0] =	vst v26;
	v30 =	vmul.f32 v30, v17;
	v49 =	vmul.f32 v13, v0  }
0x14c: {  	v48 =	vld [tilespmem:s9+$0x46E0];
	[tilespmem:s29+$0xC6F0] =	vst v4;
	v5 =	vadd.f32 v63, v28;
	v9 =	vadd.f32 v11, v41;
	v50 =	vmul.f32 v54, v0  }
0x14d: {  	v62 =	vld [tilespmem:s9+$0x86F0];
	[tilespmem:s29+$0xC720] =	vst v8;
	v3 =	vadd.f32 v43, v3;
	v54 =	vmul.f32 v39, v17;
	v63 =	vmul.f32 v24, v15  }
0x14e: {  	v16 =	vld [tilespmem:s9+$0x86C0];
	v11 =	vadd.f32 v47, v46;
	[tilespmem:s29+$0xC700] =	vst v10;
	v43 =	vmul.f32 v21, v15;
	v46 =	vmul.f32 v22, v15  }
0x14f: {  	v42 =	vld [tilespmem:s9+$0x710];
	[tilespmem:s29+$0xC710] =	vst v1;
	v60 =	vmul.f32 v29, v17;
	v3 =	vadd.f32 v50, v3;
	v57 =	vmul.f32 v34, v15  }
0x150: {  	v45 =	vld [tilespmem:s9+$0x720];
	[tilespmem:s9+$0xC640] =	vst v7;
	v59 =	vadd.f32 v51, v11;
	v34 =	vmul.f32 v14, v15;
	v37 =	vmul.f32 v31, v0  }
0x151: {  	v38 =	vld [tilespmem:s9+$0x8700];
	[tilespmem:s9+$0xC650] =	vst v2;
	v1 =	vadd.f32 v54, v53;
	v47 =	vmul.f32 v48, v17;
	v50 =	vmul.f32 v52, v0  }
0x152: {  	v32 =	vld [tilespmem:s9+$0x700];
	[tilespmem:s9+$0xC630] =	vst v5;
	v36 =	vadd.f32 v30, v63;
	v52 =	vmul.f32 v55, v15;
	v53 =	vmul.f32 v58, v17  }
0x153: {  	[tilespmem:s9+$0xC660] =	vst v9;
	v48 =	vld [tilespmem:s9+$0x4710];
	v58 =	vmul.f32 v62, v0;
	v41 =	vmul.f32 v16, v0;
	v33 =	vadd.f32 v60, v57  }
0x154: {  	v51 =	vld [tilespmem:s9+$0x4720];
	v55 =	vmul.f32 v42, v15;
	v1 =	vadd.f32 v56, v1;
	v40 =	vadd.f32 v12, v34;
	[tilespmem:s9+$0xC670] =	vst v3  }
0x155: {  	v54 =	vld [tilespmem:s9+$0x8710];
	v6 =	vmul.f32 v45, v15;
	v2 =	vadd.f32 v37, v36;
	v3 =	vadd.f32 v44, v43;
	[tilespmem:s9+$0xC680] =	vst v59  }
0x156: {  	v9 =	vadd.f32 v47, v46;
	v56 =	vld [tilespmem:s9+$0x8720];
	v57 =	vmul.f32 v35, v17;
	v39 =	vadd.f32 v61, v33;
	[tilespmem:s9+$0xC690] =	vst v1  }
0x157: {  	v8 =	vadd.f32 v41, v40;
	v1 =	vadd.f32 v49, v3;
	v3 =	vmul.f32 v32, v15;
	[tilespmem:s9+$0xC6B0] =	vst v2  }
0x158: {  	v5 =	vadd.f32 v50, v9;
	v2 =	vadd.f32 v53, v52;
	v59 =	vmul.f32 v48, v17;
	[tilespmem:s9+$0xC6A0] =	vst v39  }
0x159: {  	v61 =	vmul.f32 v38, v0;
	v60 =	vmul.f32 v51, v17;
	[tilespmem:s9+$0xC6C0] =	vst v8;
	v3 =	vadd.f32 v57, v3  }
0x15a: {  	p0 =	slt.u32 s28, $0x3C;
	v62 =	vmul.f32 v54, v0;
	[tilespmem:s9+$0xC6D0] =	vst v1;
	v1 =	vadd.f32 v58, v2;
	v2 =	vadd.f32 v59, v55  }
.Ltmp0:
0x15b: {  	[tilespmem:s9+$0xC6E0] =	vst v5;
	v63 =	vadd.f32 v60, v6;
	v0 =	vmul.f32 v56, v0;
	v3 =	vadd.f32 v61, v3;
	(pc) =	sbr.rel @p0 .LBB2_3-.Ltmp0, $4  }
0x15c: {  	[tilespmem:s9+$0xC6F0] =	vst v1;
	v1 =	vadd.f32 v62, v2  }
0x15d: {  	v0 =	vadd.f32 v0, v63;
	[tilespmem:s9+$0xC700] =	vst v3  }
0x15e: {  	s31 =	sadd.s32 $0x4, s28;
	[tilespmem:s9+$0xC710] =	vst v1  }
0x15f: {  	s28 =	smov.u32 s31;
	v1 =	vimm.s32 $0x0;
	[tilespmem:s9+$0xC720] =	vst v0  }
0x160: {  	s0 =	sshll.u32 s23, $0xB;
	s23 =	sadd.s32 $0x1, s23  }
0x161: {  	p0 =	sne.s32 s23, $0x4  }
.Ltmp1:
0x162: {  	s0 =	sadd.s32 s0, s6;
	(pc) =	sbr.rel @p0 .LBB2_2-.Ltmp1, $4  }
0x163: {  	[hbm4b:s0+s2] =	stream.linear.scatter [tilespmem:s21], [sflag:$0x2], $0x4000, $0x38;
	[tilespmem:$0x10630] =	vst v63  }
0x164: {  	_ =	swait.ge [sflag:s10], $0x4000  }
0x165: {  	[sflag:s10] =	ssyncset.done $0x0  }
0x166: {  	[sflag:s10] =	ssyncadd.s32 $0xFFFFC000  }
0x167: {  	s22 =	sadd.s32 $0x1, s22  }
0x168: {  	p0 =	sne.s32 s22, s7  }
.Ltmp2:
0x169: {  	_ = 	snop;
	(pc) =	sbr.rel @p0 .LBB2_1-.Ltmp2, $1  }
0x16a: {  	_ =	sdelay $0x3  }
0x16b: {  	_ =	sfence.sel $0x180000  }
0x16c: {  	[bflag:$0x0] =	sbarrier.arrive $0xFFFF  }
0x16d: {  	_ =	strace $0x9000004A  }
0x16e: {  	s0 =	stileid.u32;
	[bflag:$0x2] =	sbarrier.arrive $0xFFFF  }
0x16f: {  	p0 =	sne.s32 s0, $0x0;
	s0 =	rddreg [dreg:$0x2]  }
0x170: {  	s0 =	sadd.s32 @!p0 $0x100000, s0  }
0x171: {  	[sflag:s0] =	ssyncadd.tile.s32 @!p0 $0x1;
	_ =	shalt  }
.Lfunc_end2:
_tile_overlayer_lowered:
.L_overlay_start_2:
0x172: {  	(tag) =	ssettag $0x2  }
0x173: {  	s0 =	rddreg [dreg:$0x0];
	s2 =	stileid.u32  }
0x174: {  	s1 =	rddreg [dreg:$0x1];
	p0 =	sne.s32 s2, $0x0  }
0x175: {  	s3 =	rddreg [dreg:$0x2];
	[bflag:$0x3] =	sbarrier.arrive $0xFFFF;
	s2 =	simm.s32 @!p0 $0x1C02  }
0x176: {  	[timem:s3], [sflag:s2] =	dma.local @!p0 [hbm:s0], s1  }
0x177: {  	s0 =	simm.s32 @!p0 $0x2  }
0x178: {  	_ =	swait.ge @!p0 [sflag:s0], s1  }
0x179: {  	s1 =	ssub.s32 @!p0 $0x0, s1;
	[sflag:s0] =	ssyncset.done @!p0 $0x0  }
0x17a: {  	[sflag:s0] =	ssyncadd.s32 @!p0 s1  }
0x17b: {  	[bflag:$0x3] =	sbarrier.arrive $0xFFFF  }
0x17c: {  	_ =	shalt  }

// kernel: kernel.23.cloned.1.call-start
scs
__scs_entry_jumppad:
0x0: {  	(pc) =	sbr.rel $0x88, $3  }
0x1: {  	(tag) =	ssettag $0x0;
	lr =	simm.s32 $0x1  }
0x2: {  	[smem:$0x3F99] =	sst lr;
	_ =	strace $0xD0000000  }
0x3: {  	_ = 	snop  }
0x4: {  	_ = 	snop  }
0x5: {  	_ = 	snop  }
0x6: {  	_ = 	snop  }
0x7: {  	_ = 	snop  }
__scs_overlays_trampoline_lowered:
0x8: {  	[smem:$0x3FA8] =	sst s0  }
0x9: {  	[smem:$0x3FA9] =	sst s1  }
0xa: {  	[smem:$0x3FAA] =	sst s2  }
0xb: {  	[smem:$0x3FAB] =	sst s3  }
0xc: {  	[smem:$0x3FAC] =	sst s4  }
0xd: {  	[smem:$0x3FAD] =	sst s5  }
0xe: {  	[smem:$0x3FAE] =	sst s6  }
0xf: {  	[smem:$0x3FAF] =	sst s7  }
0x10: {  	[smem:$0x3FB0] =	sst s8  }
0x11: {  	[smem:$0x3FB1] =	sst s9;
	s0 =	simm.s32 @!p0 $0x0  }
0x12: {  	s1 =	sld [smem:$0x3F97];
	s0 =	simm.s32 @p0 $0x1  }
0x13: {  	[smem:$0x3FB2] =	sst s0;
	s0 =	simm.s32 @!p1 $0x0  }
0x14: {  	s2 =	sld [smem:$0x3F96];
	s0 =	simm.s32 @p1 $0x1  }
0x15: {  	[smem:$0x3FB3] =	sst s0;
	s0 =	simm.s32 @!p2 $0x0  }
0x16: {  	s3 =	sld [smem:$0x3FDB];
	s0 =	simm.s32 @p2 $0x1  }
0x17: {  	s4 =	simm.s32 $0x1BF5;
	[smem:$0x3FB5] =	sst s0  }
0x18: {  	s0 =	sld [smem:$0x3F98];
	_ =	swait.ge [sflag:s4], $0x0  }
0x19: {  	s7 =	sld [smem:$0x3F99]  }
0x1a: {  	s8 =	sadd.s32 $0xFFFFE003, lr  }
0x1b: {  	s9 =	sadd.s32 $0xFFFFFEF7, lr;
	s5 =	simm.s32 $0xFFFFFFFF;
	p2 =	slt.u32 s8, $0xFFFFF086  }
0x1c: {  	p1 =	slt.u32 s9, $0xF7A;
	s5 =	simm.s32 @!p2 $0x0  }
0x1d: {  	s5 =	simm.s32 @p1 $0x1;
	p0 =	seq.s32 s7, s2  }
0x1e: {  	s7 =	smul.u32 @!p0 $0xF7A, s2;
	p2 =	seq.s32 @!p0 s5, $0x0  }
0x1f: {  	s9 =	smul.u32 $0xF7A, s1;
	s8 =	simm.s32 @!p0 $0x1BF5;
	p2 =	por !p2, p0  }
0x20: {  	[sflag:s8] =	ssyncset.s32 @!p0 $0xFFFFF086;
	s6 =	sadd.s32 @!p0 s3, s7;
	s7 =	simm.s32 @!p0 $0x108  }
0x21: {  	s3 =	sadd.s32 s3, s9;
	s6 =	sadd.s32 @!p0 $0x88, s6;
	s7 =	simm.s32 @p2 $0x1082  }
0x22: {  	[simem:s7], [sflag:s8] =	dma.local @!p0 [hbm:s6], $0xF7A  }
0x23: {  	s9 =	sor.u32 $0xD0000000, s2;
	s6 =	simm.s32 $0x108;
	_ =	swait.ge @!p0 [sflag:s8], $0x0  }
0x24: {  	s3 =	sadd.s32 $0x88, s3;
	s6 =	simm.s32 @!p1 $0x1082;
	[sflag:s4] =	ssyncset.s32 $0xFFFFF086  }
0x25: {  	[simem:s6], [sflag:s4] =	dma.local [hbm:s3], $0xF7A  }
0x26: {  	[smem:$0x3F99] =	sst s1;
	(tag) =	ssettag s2;
	_ =	strace s9  }
0x27: {  	s1 =	sld [smem:$0x3FA9]  }
0x28: {  	s2 =	sld [smem:$0x3FAA]  }
0x29: {  	s4 =	sld [smem:$0x3FAC]  }
0x2a: {  	p0 =	seq.s32 s5, $0x0;
	s5 =	sld [smem:$0x3FAD]  }
0x2b: {  	s6 =	sld [smem:$0x3FAE]  }
0x2c: {  	s7 =	sld [smem:$0x3FAF]  }
0x2d: {  	s3 =	simm.s32 $0x108;
	s8 =	sld [smem:$0x3FB0]  }
0x2e: {  	s3 =	simm.s32 @!p0 $0x1082;
	s9 =	sld [smem:$0x3FB1]  }
0x2f: {  	lr =	sadd.s32 s0, s3;
	s0 =	sld [smem:$0x3FA8]  }
0x30: {  	s3 =	sld [smem:$0x3FAB]  }
0x31: {  	[smem:$0x3FB4] =	sst s10  }
0x32: {  	s10 =	sld [smem:$0x3FB2];
	_ =	sdelay $0x3  }
0x33: {  	p0 =	seq.s32 s10, $0x1;
	s10 =	sld [smem:$0x3FB4];
	_ =	sdelay $0x3  }
0x34: {  	[smem:$0x3FB4] =	sst s10  }
0x35: {  	s10 =	sld [smem:$0x3FB3];
	_ =	sdelay $0x3  }
0x36: {  	p1 =	seq.s32 s10, $0x1;
	s10 =	sld [smem:$0x3FB4];
	_ =	sdelay $0x3  }
0x37: {  	[smem:$0x3FB4] =	sst s10  }
0x38: {  	s10 =	sld [smem:$0x3FB5]  }
0x39: {  	_ = 	snop;
	(pc) =	sbr.ind lr, $3  }
0x3a: {  	_ = 	snop  }
0x3b: {  	_ = 	snop  }
0x3c: {  	p2 =	seq.s32 s10, $0x1;
	s10 =	sld [smem:$0x3FB4]  }
0x3d: {  	_ =	shalt  }
0x3e: {  	_ =	shalt  }
0x3f: {  	_ =	shalt  }
0x40: {  	_ =	shalt  }
0x41: {  	_ =	shalt  }
0x42: {  	_ =	shalt  }
0x43: {  	_ =	shalt  }
0x44: {  	_ =	shalt  }
0x45: {  	_ =	shalt  }
0x46: {  	_ =	shalt  }
0x47: {  	_ =	shalt  }
0x48: {  	_ =	shalt  }
0x49: {  	_ =	shalt  }
0x4a: {  	_ =	shalt  }
0x4b: {  	_ =	shalt  }
0x4c: {  	_ =	shalt  }
0x4d: {  	_ =	shalt  }
0x4e: {  	_ =	shalt  }
0x4f: {  	_ =	shalt  }
0x50: {  	_ =	shalt  }
0x51: {  	_ =	shalt  }
0x52: {  	_ =	shalt  }
0x53: {  	_ =	shalt  }
0x54: {  	_ =	shalt  }
0x55: {  	_ =	shalt  }
0x56: {  	_ =	shalt  }
0x57: {  	_ =	shalt  }
0x58: {  	_ =	shalt  }
0x59: {  	_ =	shalt  }
0x5a: {  	_ =	shalt  }
0x5b: {  	_ =	shalt  }
0x5c: {  	_ =	shalt  }
0x5d: {  	_ =	shalt  }
0x5e: {  	_ =	shalt  }
0x5f: {  	_ =	shalt  }
0x60: {  	_ =	shalt  }
0x61: {  	_ =	shalt  }
0x62: {  	_ =	shalt  }
0x63: {  	_ =	shalt  }
0x64: {  	_ =	shalt  }
0x65: {  	_ =	shalt  }
0x66: {  	_ =	shalt  }
0x67: {  	_ =	shalt  }
0x68: {  	_ =	shalt  }
0x69: {  	_ =	shalt  }
0x6a: {  	_ =	shalt  }
0x6b: {  	_ =	shalt  }
0x6c: {  	_ =	shalt  }
0x6d: {  	_ =	shalt  }
0x6e: {  	_ =	shalt  }
0x6f: {  	_ =	shalt  }
0x70: {  	_ =	shalt  }
0x71: {  	_ =	shalt  }
0x72: {  	_ =	shalt  }
0x73: {  	_ =	shalt  }
0x74: {  	_ =	shalt  }
0x75: {  	_ =	shalt  }
0x76: {  	_ =	shalt  }
0x77: {  	_ =	shalt  }
0x78: {  	_ =	shalt  }
0x79: {  	_ =	shalt  }
0x7a: {  	_ =	shalt  }
0x7b: {  	_ =	shalt  }
0x7c: {  	_ =	shalt  }
0x7d: {  	_ =	shalt  }
0x7e: {  	_ =	shalt  }
0x7f: {  	_ =	shalt  }
0x80: {  	_ =	shalt  }
0x81: {  	_ =	shalt  }
0x82: {  	_ =	shalt  }
0x83: {  	_ =	shalt  }
0x84: {  	_ =	shalt  }
0x85: {  	_ =	shalt  }
0x86: {  	_ =	shalt  }
0x87: {  	_ =	shalt  }
.Lfunc_end0:
.L_simem_size_0:
called_computation.3_lowered:
.L_overlay_start_0:
0x88: {  	s2 =	sld [smem:$0x3FD9]  }
0x89: {  	s3 =	sld [smem:$0x3FFE];
	_ =	sdelay $0x1  }
0x8a: {  	s1 =	srdreg.scid  }
0x8b: {  	s0 =	sand.u32 $0x1, s1  }
0x8c: {  	s17 =	sshll.u32 s0, $0xA;
	s2 =	sadd.s32 s3, s2  }
0x8d: {  	s2 =	sadd.s32 s2, s17  }
0x8e: {  	[smem:$0x3FC0] =	sst s2  }
0x8f: {  	_ = 	snop  }
0x90: {  	(tm) =	ssettm $0x1  }
0x91: {  	s18 =	sld [smem:$0x3FFB];
	_ =	sdelay $0x3  }
0x92: {  	_ =	strace s18  }
0x93: {  	s2 =	sld [smem:$0x3FFC];
	_ =	sdelay $0x3  }
0x94: {  	_ =	strace s2  }
0x95: {  	s2 =	sld [smem:$0x3FFD];
	_ =	sdelay $0x3  }
0x96: {  	_ =	strace s2  }
0x97: {  	_ =	strace $0x8FFFFFFF  }
0x98: {  	s19 =	sld [smem:$0x3FDB];
	_ =	sdelay $0x1  }
0x99: {  	s20 =	simm.s32 $_scs_section_size  }
0x9a: {  	s4 =	simm.s32 $_size__tile_overlayer_lowered;
	s5 =	simm.s32 $_tile_overlayer_lowered  }
0x9b: {  	s6 =	simm.s32 $0x1BFF;
	s21 =	sshll.u32 s5, $0x1;
	s3 =	sadd.s32 s20, s19  }
0x9c: {  	s22 =	simm.s32 $0x0;
	s4 =	sshll.u32 s4, $0x1;
	s5 =	sadd.s32 s21, s3  }
0x9d: {  	[timem:s22], [sflag:s6] =	dma.local [hbm:s5], s4  }
0x9e: {  	_ =	swait.ge [sflag:s6], s4  }
0x9f: {  	s4 =	ssub.s32 $0x0, s4;
	[sflag:s6] =	ssyncset.done $0x0  }
0xa0: {  	[sflag:s6] =	ssyncadd.s32 s4;
	_ =	sdelay $0x1  }
0xa1: {  	s23 =	simm.s32 $0x1B8B  }
0xa2: {  	_ =	swait.ge [sflag:s23], $0x1  }
0xa3: {  	[sflag:s23] =	ssyncset.done $0x0  }
0xa4: {  	[sflag:s23] =	ssyncadd.s32 $0xFFFFFFFF  }
0xa5: {  	s4 =	sld [smem:$0x0]  }
0xa6: {  	s5 =	sand.u32 $0xFFFFFFFE, s1  }
0xa7: {  	p0 =	sne.s32 s1, s5  }
0xa8: {  	s5 =	sshll.u32 @p0 s5, $0xE  }
0xa9: {  	s5 =	sadd.s32 @p0 $0x11B8D, s5;
	s6 =	sshll.u32 @p0 s4, $0x11  }
0xaa: {  	s5 =	sor.u32 @p0 s6, s5  }
0xab: {  	[sflag:s5] =	ssyncadd.remote.s32 @p0 $0x1;
	_ =	sdelay $0x1  }
0xac: {  	s5 =	simm.s32 @p0 $0x1B8D  }
0xad: {  	_ =	swait.eq @p0 [sflag:s5], $0x1  }
0xae: {  	[sflag:s5] =	ssyncadd.s32 @p0 $0xFFFFFFFF  }
0xaf: {  	s6 =	sshll.u32 @!p0 s1, $0xE  }
0xb0: {  	s6 =	sor.u32 @!p0 $0x4000, s6;
	s5 =	simm.s32 @!p0 $0x1B8D  }
0xb1: {  	s4 =	sshll.u32 @!p0 s4, $0x11;
	s6 =	sadd.s32 @!p0 $0x11B8D, s6;
	_ =	swait.eq @!p0 [sflag:s5], $0x1  }
0xb2: {  	s4 =	sor.u32 @!p0 s4, s6;
	[sflag:s5] =	ssyncadd.s32 @!p0 $0xFFFFFFFF  }
0xb3: {  	s25 =	simm.s32 $0x1B8E;
	s24 =	sld [smem:$0x3FFE];
	[sflag:s4] =	ssyncadd.remote.s32 @!p0 $0x1  }
0xb4: {  	s26 =	simm.s32 $execute0_lowered;
	[smem:$0x3FD2] =	sst s25  }
0xb5: {  	s5 =	sshll.u32 s26, $0x1;
	_ =	strace $0x8000004C;
	[dreg:$0x1] =	wrdreg $0xFFFFFFFF  }
0xb6: {  	s28 =	simm.s32 $_size_execute0_lowered;
	s3 =	sadd.s32 s3, s5;
	[dreg:$0x0] =	wrdreg $0x0  }
0xb7: {  	s5 =	sshll.u32 s28, $0x1;
	[dreg:$0x2] =	wrdreg s3  }
0xb8: {  	[dreg:$0x3] =	wrdreg s5  }
0xb9: {  	[dreg:$0x4] =	wrdreg $0xC0  }
0xba: {  	_ =	task [dreg:s22], $0x5FFFF  }
0xbb: {  	[dreg:$0x1] =	wrdreg $0xFFFFFFFF  }
0xbc: {  	[dreg:$0x0] =	wrdreg $0x60  }
0xbd: {  	[dreg:$0x2] =	wrdreg s24  }
0xbe: {  	[dreg:$0x3] =	wrdreg $0xC  }
0xbf: {  	_ =	task.clear_ibuf [dreg:s22], $0x4FFFF;
	_ =	strace $0x9000004C  }
0xc0: {  	s29 =	simm.s32 $0xC;
	_ =	strace $0x8000004E  }
0xc1: {  	_ =	swait.ge [sflag:s29], $0x1  }
0xc2: {  	[sflag:s29] =	ssyncadd.s32 $0xFFFFFFFF  }
0xc3: {  	_ =	strace $0x9000004E  }
0xc4: {  	_ =	sfence  }
0xc5: {  	s30 =	sld [smem:$0x0];
	_ =	sdelay $0x2  }
0xc6: {  	s31 =	sshll.u32 s1, $0xD;
	s1 =	sshrl.u32 s1, $0x2  }
0xc7: {  	s4 =	sand.u32 $0x4000, s31;
	s1 =	sadd.s32 s1, s30  }
0xc8: {  	s0 =	sor.u32 s4, s0;
	s1 =	sshll.u32 s1, $0x11  }
0xc9: {  	s0 =	sor.u32 s1, s0  }
0xca: {  	s0 =	sadd.s32 $0x8F2B, s0  }
0xcb: {  	[sflag:s0] =	ssyncadd.remote.s32 $0x1  }
0xcc: {  	_ =	sfence.sel $0xFFFF  }
0xcd: {  	[dreg:$0x0] =	wrdreg $0xFFFFFFFF;
	(pc) =	sbr.abs _section_cstart, $3  }
0xce: {  	[dreg:$0x1] =	wrdreg $0xFFFFFFFF  }
0xcf: {  	_ =	task.clear_ibuf [dreg:s22], $0x2FFFF;
	_ =	strace $0x9FFFFFFF  }
0xd0: {  	(tm) =	ssettm $0x7FFFFFFF  }
0xd1: {  	_ =	shalt  }
tec
execute0_lowered:
.L_overlay_start_1:
0x0: {  	(tag) =	ssettag $0x1  }
0x1: {  	s0 =	srdreg.scid  }
0x2: {  	s2 =	stileid.u32;
	s4 =	rddreg [dreg:$0x0]  }
0x3: {  	s10 =	simm.s32 $0x2;
	s11 =	simm.s32 $0x300;
	s13 =	simm.s32 $0x410  }
0x4: {  	s15 =	simm.s32 $0x520;
	s16 =	simm.s32 $0x40;
	s17 =	simm.s32 $0x630  }
0x5: {  	s18 =	simm.s32 $0x4630;
	s19 =	simm.s32 $0x8630;
	s20 =	simm.s32 $0x1  }
0x6: {  	s21 =	simm.s32 $0xC630;
	s0 =	sand.u32 $0x1, s0;
	s1 =	sshll.u32 s2, $0x1  }
0x7: {  	s22 =	simm.s32 $0x0;
	s2 =	sshrl.u32 s2, $0x3;
	s1 =	sor.u32 s0, s1  }
0x8: {  	s3 =	smul.u32 $0x3000, s2;
	s2 =	simm.s32 $0x0;
	s30 =	sshll.u32 s1, $0x8  }
0x9: {  	s0 =	ssub.s32 $0x2, s0;
	[smem:$0x7FF] =	sst s2;
	s5 =	sand.u32 $0xF00, s30  }
0xa: {  	s1 =	sshll.u32 s1, $0xD;
	s6 =	sshrl.u32 s0, $0x1;
	s3 =	sor.u32 s3, s5  }
0xb: {  	_ =	strace $0x8000004D;
	s1 =	sadd.s32 s1, s4;
	s3 =	sshrl.u32 s3, $0x3  }
0xc: {  	s0 =	ssub.s32 s0, s6;
	s6 =	sadd.s32 $0x79200, s1;
	s31 =	sadd.s32 s3, s4  }
0xd: {  	s7 =	smax.u32 s0, $0x1;
	s3 =	sadd.s32 $0x69200, s4;
	s5 =	sadd.s32 $0x68600, s31  }
0xe: {  	v1 =	vimm.s32 $0x0;
	s4 =	sadd.s32 $0x67A00, s31;
	s12 =	sadd.s32 $0x200, s5;
	s14 =	sadd.s32 $0x400, s5  }
.LBB2_1:
0xf: {  	s0 =	simm.s32 $0x100;
	s1 =	simm.s32 $0x1000  }
0x10: {  	[tilespmem:s2], [sflag:$0x2] =	stream.strided.gather [hbm4b:s4+s0], $0x300, s1, s0, $0x38;
	[tilespmem:$0x10630] =	vst v63  }
0x11: {  	_ =	swait.ge [sflag:s10], $0x300  }
0x12: {  	[sflag:s10] =	ssyncset.done $0x0  }
0x13: {  	[sflag:s10] =	ssyncadd.s32 $0xFFFFFD00  }
0x14: {  	[tilespmem:s11], [sflag:$0x2] =	stream.linear.gather [hbm4b:s5+s2], $0x100, $0x38;
	[tilespmem:$0x10630] =	vst v63  }
0x15: {  	_ = 	snop  }
0x16: {  	[tilespmem:s13], [sflag:$0x2] =	stream.linear.gather [hbm4b:s12+s2], $0x100, $0x38;
	[tilespmem:$0x10630] =	vst v63  }
0x17: {  	_ = 	snop  }
0x18: {  	[tilespmem:s15], [sflag:$0x2] =	stream.linear.gather [hbm4b:s14+s2], $0x100, $0x38;
	[tilespmem:$0x10630] =	vst v63  }
0x19: {  	_ =	swait.ge [sflag:s10], $0x300  }
0x1a: {  	[sflag:s10] =	ssyncset.done $0x0  }
0x1b: {  	s23 =	simm.s32 $0x0;
	[sflag:s10] =	ssyncadd.s32 $0xFFFFFD00  }
.LBB2_2:
0x1c: {  	s24 =	sshll.u32 s23, $0x6  }
0x1d: {  	[tilespmem:s17], [sflag:$0x1] =	stream.indirect.gather [hbm4b:s3+s16], $0x100, s24, s16, $0xb8;
	[tilespmem:$0x10630] =	vst v63  }
0x1e: {  	s0 =	sadd.s32 $0x100, s24  }
0x1f: {  	[tilespmem:s18], [sflag:$0x1] =	stream.indirect.gather [hbm4b:s3+s16], $0x100, s0, s16, $0xb8;
	[tilespmem:$0x10630] =	vst v63  }
0x20: {  	s31 =	sadd.s32 $0x200, s24  }
0x21: {  	[tilespmem:s19], [sflag:$0x1] =	stream.indirect.gather [hbm4b:s3+s16], $0x100, s31, s16, $0xb8;
	[tilespmem:$0x10630] =	vst v63  }
0x22: {  	_ =	swait.ge [sflag:s20], $0x4000  }
0x23: {  	[sflag:s20] =	ssyncset.done $0x0  }
0x24: {  	[sflag:s20] =	ssyncadd.s32 $0xFFFFC000  }
0x25: {  	_ =	swait.ge [sflag:s20], $0x4000  }
0x26: {  	[sflag:s20] =	ssyncset.done $0x0  }
0x27: {  	[sflag:s20] =	ssyncadd.s32 $0xFFFFC000  }
0x28: {  	_ =	swait.ge [sflag:s20], $0x4000  }
0x29: {  	s28 =	simm.s32 $0x0;
	[sflag:s20] =	ssyncset.done $0x0  }
0x2a: {  	s25 =	sadd.s32 $0x300, s24;
	s26 =	sand.u32 $0xF8, s24;
	[sflag:s20] =	ssyncadd.s32 $0xFFFFC000  }
.LBB2_3:
0x2b: {  	s0 =	sand.u32 $0x38, s28  }
0x2c: {  	s31 =	sadd.s32 s0, s25  }
0x2d: {  	s8 =	sand.u32 $0x4, s28;
	s29 =	sadd.s32 $0x110, s31  }
0x2e: {  	s30 =	sor.u32 $0x1, s28;
	s1 =	sadd.s32 $0x220, s31;
	s9 =	sadd.s32 s8, s29  }
0x2f: {  	s0 =	sadd.s32 s8, s31;
	v36 =	vld [tilespmem:s9+$0x0];
	s9 =	sadd.s32 s8, s1;
	s8 =	sand.u32 $0x5, s30  }
0x30: {  	v37 =	vld [tilespmem:s9+$0x0];
	s9 =	sadd.s32 s8, s31  }
0x31: {  	v2 =	vld [tilespmem:s9+$0x0];
	_ =	sdelay $0x3  }
0x32: {  	s9 =	sadd.s32 s8, s29  }
0x33: {  	[tilespmem:$0x1FB80] =	vst v2;
	v2 =	vld [tilespmem:s9+$0x0];
	_ =	sdelay $0x3  }
0x34: {  	s9 =	sadd.s32 s8, s1  }
0x35: {  	[tilespmem:$0x1FB90] =	vst v2;
	v2 =	vld [tilespmem:s9+$0x0];
	_ =	sdelay $0x1  }
0x36: {  	v0 =	vld [tilespmem:s0+$0x0];
	s0 =	sor.u32 $0x2, s28  }
0x37: {  	s8 =	sand.u32 $0x6, s0  }
0x38: {  	s31 =	sadd.s32 s8, s31  }
0x39: {  	[tilespmem:$0x1FBA0] =	vst v2;
	v2 =	vld [tilespmem:s31+$0x0];
	_ =	sdelay $0x3  }
0x3a: {  	s30 =	sshll.u32 s30, $0x8  }
0x3b: {  	[tilespmem:$0x1FDF0] =	vst v2;
	v2 =	vld [tilespmem:s30+$0x4660];
	_ =	sdelay $0x4  }
0x3c: {  	[tilespmem:$0x1FBB0] =	vst v2;
	v2 =	vld [tilespmem:s30+$0x8660];
	_ =	sdelay $0x4  }
0x3d: {  	[tilespmem:$0x1FBC0] =	vst v2;
	v2 =	vld [tilespmem:s30+$0x670];
	_ =	sdelay $0x4  }
0x3e: {  	[tilespmem:$0x1FBD0] =	vst v2;
	v2 =	vld [tilespmem:s30+$0x4670];
	_ =	sdelay $0x4  }
0x3f: {  	[tilespmem:$0x1FBE0] =	vst v2;
	v2 =	vld [tilespmem:s30+$0x8670];
	_ =	sdelay $0x4  }
0x40: {  	[tilespmem:$0x1FC10] =	vst v2;
	v2 =	vld [tilespmem:s30+$0x680];
	_ =	sdelay $0x4  }
0x41: {  	[tilespmem:$0x1FBF0] =	vst v2;
	v2 =	vld [tilespmem:s30+$0x4680];
	_ =	sdelay $0x4  }
0x42: {  	[tilespmem:$0x1FC00] =	vst v2;
	v2 =	vld [tilespmem:s30+$0x8680];
	_ =	sdelay $0x4  }
0x43: {  	[tilespmem:$0x1FC20] =	vst v2;
	v2 =	vld [tilespmem:s30+$0x690];
	_ =	sdelay $0x4  }
0x44: {  	[tilespmem:$0x1FC30] =	vst v2;
	v2 =	vld [tilespmem:s30+$0x4690];
	_ =	sdelay $0x4  }
0x45: {  	[tilespmem:$0x1FC40] =	vst v2;
	v2 =	vld [tilespmem:s30+$0x8690];
	_ =	sdelay $0x4  }
0x46: {  	[tilespmem:$0x1FC70] =	vst v2;
	v2 =	vld [tilespmem:s30+$0x6A0];
	_ =	sdelay $0x4  }
0x47: {  	[tilespmem:$0x1FC50] =	vst v2;
	v2 =	vld [tilespmem:s30+$0x46A0];
	_ =	sdelay $0x4  }
0x48: {  	[tilespmem:$0x1FC60] =	vst v2;
	v2 =	vld [tilespmem:s30+$0x86A0];
	_ =	sdelay $0x4  }
0x49: {  	[tilespmem:$0x1FC80] =	vst v2;
	v2 =	vld [tilespmem:s30+$0x6B0];
	_ =	sdelay $0x4  }
0x4a: {  	[tilespmem:$0x1FC90] =	vst v2;
	v2 =	vld [tilespmem:s30+$0x46B0];
	_ =	sdelay $0x4  }
0x4b: {  	[tilespmem:$0x1FCA0] =	vst v2;
	v2 =	vld [tilespmem:s30+$0x86B0];
	_ =	sdelay $0x4  }
0x4c: {  	[tilespmem:$0x1FCD0] =	vst v2;
	v2 =	vld [tilespmem:s30+$0x6C0];
	_ =	sdelay $0x4  }
0x4d: {  	[tilespmem:$0x1FCB0] =	vst v2;
	v2 =	vld [tilespmem:s30+$0x46C0];
	_ =	sdelay $0x4  }
0x4e: {  	[tilespmem:$0x1FCC0] =	vst v2;
	v2 =	vld [tilespmem:s30+$0x86C0];
	_ =	sdelay $0x4  }
0x4f: {  	[tilespmem:$0x1FCE0] =	vst v2;
	v2 =	vld [tilespmem:s30+$0x6D0];
	_ =	sdelay $0x4  }
0x50: {  	[tilespmem:$0x1FCF0] =	vst v2;
	v2 =	vld [tilespmem:s30+$0x46D0];
	_ =	sdelay $0x4  }
0x51: {  	[tilespmem:$0x1FD00] =	vst v2;
	v2 =	vld [tilespmem:s30+$0x86D0];
	_ =	sdelay $0x4  }
0x52: {  	[tilespmem:$0x1FD10] =	vst v2;
	v2 =	vld [tilespmem:s30+$0x6E0];
	_ =	sdelay $0x4  }
0x53: {  	[tilespmem:$0x1FD20] =	vst v2;
	v2 =	vld [tilespmem:s30+$0x46E0];
	_ =	sdelay $0x4  }
0x54: {  	[tilespmem:$0x1FD30] =	vst v2;
	v2 =	vld [tilespmem:s30+$0x86E0];
	_ =	sdelay $0x4  }
0x55: {  	[tilespmem:$0x1FD40] =	vst v2;
	v2 =	vld [tilespmem:s30+$0x6F0];
	_ =	sdelay $0x4  }
0x56: {  	[tilespmem:$0x1FD50] =	vst v2;
	v2 =	vld [tilespmem:s30+$0x46F0];
	_ =	sdelay $0x4  }
0x57: {  	[tilespmem:$0x1FD80] =	vst v2;
	v2 =	vld [tilespmem:s30+$0x86F0];
	_ =	sdelay $0x1  }
0x58: {  	s31 =	sshll.u32 s28, $0x8  }
0x59: {  	v38 =	vld [tilespmem:s31+$0x630]  }
0x5a: {  	v39 =	vld [tilespmem:s31+$0x4630]  }
0x5b: {  	[tilespmem:$0x1FDC0] =	vst v2;
	v2 =	vld [tilespmem:s30+$0x700]  }
0x5c: {  	v50 =	vld [tilespmem:s31+$0x8630]  }
0x5d: {  	v55 =	vld [tilespmem:s31+$0x640]  }
0x5e: {  	v58 =	vld [tilespmem:s31+$0x4640]  }
0x5f: {  	v59 =	vld [tilespmem:s31+$0x8640]  }
0x60: {  	[tilespmem:$0x1FD60] =	vst v2;
	v2 =	vld [tilespmem:s30+$0x4700]  }
0x61: {  	v60 =	vld [tilespmem:s31+$0x650]  }
0x62: {  	v63 =	vld [tilespmem:s31+$0x4650]  }
0x63: {  	v4 =	vld [tilespmem:s31+$0x8650]  }
0x64: {  	v30 =	vld [tilespmem:s31+$0x660]  }
0x65: {  	[tilespmem:$0x1FD90] =	vst v2;
	v2 =	vld [tilespmem:s30+$0x8700]  }
0x66: {  	v3 =	vld [tilespmem:s31+$0x4660]  }
0x67: {  	v5 =	vld [tilespmem:s31+$0x8660]  }
0x68: {  	v6 =	vld [tilespmem:s31+$0x670]  }
0x69: {  	v7 =	vld [tilespmem:s31+$0x4670]  }
0x6a: {  	[tilespmem:$0x1FDD0] =	vst v2;
	v2 =	vld [tilespmem:s30+$0x710]  }
0x6b: {  	v12 =	vld [tilespmem:s31+$0x8670]  }
0x6c: {  	v8 =	vld [tilespmem:s31+$0x680]  }
0x6d: {  	v11 =	vimm.s32 $0x0;
	v9 =	vld [tilespmem:s31+$0x4680]  }
0x6e: {  	v0 =	vperm.xlane v0, v1;
	v1 =	vperm.xlane v36, v11;
	v10 =	vld [tilespmem:s31+$0x8680]  }
0x6f: {  	v13 =	vld [tilespmem:s31+$0x690];
	[tilespmem:$0x1FD70] =	vst v2;
	v2 =	vperm.xlane v37, v11  }
0x70: {  	v14 =	vld [tilespmem:s31+$0x4690];
	v37 =	vmul.f32 v38, v0;
	v38 =	vmul.f32 v39, v1  }
0x71: {  	v16 =	vld [tilespmem:s31+$0x8690]  }
0x72: {  	v37 =	vadd.f32 v38, v37;
	v38 =	vmul.f32 v60, v0;
	v60 =	vmul.f32 v63, v1;
	v63 =	vld [tilespmem:s30+$0x8720]  }
0x73: {  	v15 =	vld [tilespmem:s31+$0x6A0]  }
0x74: {  	v18 =	vld [tilespmem:s31+$0x46A0]  }
0x75: {  	v17 =	vld [tilespmem:s31+$0x86A0]  }
0x76: {  	s29 =	sadd.s32 s8, s29;
	v20 =	vld [tilespmem:s31+$0x6B0]  }
0x77: {  	[tilespmem:$0x1FE10] =	vst v63;
	v63 =	vld [tilespmem:s29+$0x0]  }
0x78: {  	v19 =	vld [tilespmem:s31+$0x46B0];
	v39 =	vmul.f32 v50, v2  }
0x79: {  	v34 =	vld [tilespmem:s31+$0x86B0];
	v50 =	vmul.f32 v55, v0;
	v55 =	vmul.f32 v58, v1  }
0x7a: {  	s1 =	sadd.s32 s8, s1;
	v58 =	vld [tilespmem:s30+$0x4720]  }
0x7b: {  	v50 =	vadd.f32 v55, v50;
	v55 =	vadd.f32 v60, v38;
	v60 =	vld [tilespmem:s1+$0x0];
	s29 =	sshll.u32 s0, $0x8  }
0x7c: {  	v30 =	vmul.f32 v30, v0;
	[tilespmem:$0x1FE00] =	vst v63;
	v63 =	vld [tilespmem:s29+$0x630]  }
0x7d: {  	v22 =	vld [tilespmem:s31+$0x6C0];
	v3 =	vmul.f32 v3, v1;
	v59 =	vmul.f32 v59, v2  }
0x7e: {  	v21 =	vld [tilespmem:s31+$0x46C0];
	v4 =	vmul.f32 v4, v2;
	v5 =	vmul.f32 v5, v2  }
0x7f: {  	v23 =	vld [tilespmem:s31+$0x86C0];
	v3 =	vadd.f32 v3, v30;
	v12 =	vmul.f32 v12, v2;
	v38 =	vmul.f32 v6, v0;
	[tilespmem:$0x1FDB0] =	vst v58  }
0x80: {  	v59 =	vadd.f32 v59, v50;
	v58 =	vadd.f32 v39, v37;
	v39 =	vmul.f32 v7, v1;
	[tilespmem:$0x1FE20] =	vst v60;
	v60 =	vld [tilespmem:s29+$0x4630]  }
0x81: {  	v26 =	vld [tilespmem:s31+$0x6D0];
	v50 =	vadd.f32 v5, v3;
	v3 =	vmul.f32 v8, v0;
	[tilespmem:$0x1FE30] =	vst v63;
	v63 =	vmul.f32 v9, v1  }
0x82: {  	v55 =	vadd.f32 v4, v55;
	v7 =	vmul.f32 v17, v2;
	v17 =	vld [tilespmem:s29+$0x650];
	v4 =	vadd.f32 v39, v38  }
0x83: {  	v30 =	vmul.f32 v10, v2;
	v37 =	vld [tilespmem:s29+$0x640];
	v3 =	vadd.f32 v63, v3  }
0x84: {  	v25 =	vld [tilespmem:s31+$0x6E0];
	v63 =	vadd.f32 v12, v4;
	v4 =	vmul.f32 v16, v2  }
0x85: {  	v43 =	vld [tilespmem:s31+$0x6F0];
	[tilespmem:$0x1FE40] =	vst v60;
	v16 =	vmul.f32 v15, v0;
	v60 =	vadd.f32 v30, v3;
	v3 =	vmul.f32 v18, v1  }
0x86: {  	v29 =	vld [tilespmem:s31+$0x720];
	v38 =	vmul.f32 v13, v0;
	v39 =	vmul.f32 v14, v1  }
0x87: {  	[tilespmem:$0x1FEB0] =	vst v17;
	v17 =	vld [tilespmem:s29+$0x660];
	v3 =	vadd.f32 v3, v16  }
0x88: {  	v54 =	vld [tilespmem:s31+$0x710];
	v5 =	vadd.f32 v39, v38;
	v38 =	vmul.f32 v21, v1;
	[tilespmem:$0x1FE50] =	vst v37;
	v37 =	vmul.f32 v22, v0  }
0x89: {  	v18 =	vmul.f32 v20, v0;
	v20 =	vmul.f32 v19, v1;
	v30 =	vld [tilespmem:s29+$0x4650];
	v3 =	vadd.f32 v7, v3  }
0x8a: {  	v28 =	vld [tilespmem:s31+$0x700]  }
0x8b: {  	v15 =	vadd.f32 v20, v18;
	v18 =	vmul.f32 v23, v2;
	[tilespmem:$0x1FE70] =	vst v3;
	v3 =	vadd.f32 v38, v37  }
0x8c: {  	v41 =	vld [tilespmem:s30+$0x630];
	[tilespmem:$0x1FED0] =	vst v17;
	v17 =	vmul.f32 v29, v0;
	v16 =	vmul.f32 v34, v2  }
0x8d: {  	v35 =	vld [tilespmem:s31+$0x46D0];
	v20 =	vmul.f32 v26, v0;
	v34 =	vmul.f32 v43, v0;
	v3 =	vadd.f32 v18, v3  }
0x8e: {  	v24 =	vld [tilespmem:s31+$0x46E0];
	[tilespmem:$0x1FEC0] =	vst v30;
	v30 =	vadd.f32 v4, v5;
	v4 =	vadd.f32 v16, v15;
	v15 =	vmul.f32 v54, v0  }
0x8f: {  	v38 =	vmul.f32 v28, v0;
	[tilespmem:$0x1FEA0] =	vst v3;
	v3 =	vmul.f32 v25, v0;
	v0 =	vld [tilespmem:s29+$0x690]  }
0x90: {  	v42 =	vld [tilespmem:s31+$0x86E0]  }
0x91: {  	v49 =	vld [tilespmem:s31+$0x46F0]  }
0x92: {  	v31 =	vld [tilespmem:s31+$0x86F0]  }
0x93: {  	v48 =	vld [tilespmem:s31+$0x4700]  }
0x94: {  	[tilespmem:$0x1FF70] =	vst v0;
	v0 =	vld [tilespmem:s29+$0x4690]  }
0x95: {  	v32 =	vld [tilespmem:s31+$0x4710]  }
0x96: {  	v62 =	vld [tilespmem:s31+$0x4720]  }
0x97: {  	v39 =	vld [tilespmem:s29+$0x8650];
	v23 =	vmul.f32 v24, v1  }
0x98: {  	v21 =	vmul.f32 v35, v1;
	v22 =	vld [tilespmem:s29+$0x8660]  }
0x99: {  	v35 =	vmul.f32 v49, v1;
	v26 =	vmul.f32 v42, v2;
	v3 =	vadd.f32 v23, v3;
	[tilespmem:$0x1FF80] =	vst v0;
	v0 =	vld [tilespmem:$0x1FB80]  }
0x9a: {  	v44 =	vld [tilespmem:s30+$0x4630]  }
0x9b: {  	v27 =	vld [tilespmem:s31+$0x86D0];
	v49 =	vmul.f32 v31, v2;
	v42 =	vadd.f32 v26, v3;
	v3 =	vadd.f32 v35, v34  }
0x9c: {  	v33 =	vld [tilespmem:s31+$0x8710];
	[tilespmem:$0x1FEF0] =	vst v39;
	v39 =	vmul.f32 v48, v1  }
0x9d: {  	v37 =	vld [tilespmem:s29+$0x8670];
	v34 =	vadd.f32 v49, v3;
	v3 =	vmul.f32 v32, v1;
	v1 =	vmul.f32 v62, v1  }
0x9e: {  	[tilespmem:$0x1FF00] =	vst v22;
	v22 =	vperm.xlane v0, v11;
	v0 =	vld [tilespmem:$0x1FB90]  }
0x9f: {  	[tilespmem:$0x1FE90] =	vst v4;
	v4 =	vadd.f32 v21, v20;
	v20 =	vadd.f32 v1, v17;
	v1 =	vld [tilespmem:$0x1FBA0]  }
0xa0: {  	v25 =	vmul.f32 v27, v2;
	v27 =	vld [tilespmem:s29+$0x4670];
	_ =	sdelay $0x1  }
0xa1: {  	v52 =	vld [tilespmem:s30+$0x8630]  }
0xa2: {  	v18 =	vmul.f32 v33, v2;
	v3 =	vadd.f32 v3, v15;
	v0 =	vperm.xlane v0, v11  }
0xa3: {  	[tilespmem:$0x1FF30] =	vst v37;
	v37 =	vadd.f32 v25, v4;
	v25 =	vld [tilespmem:s29+$0x86A0];
	v1 =	vperm.xlane v1, v11  }
0xa4: {  	[tilespmem:$0x1FF20] =	vst v27;
	v27 =	vadd.f32 v18, v3;
	v3 =	vmul.f32 v41, v22;
	v23 =	vmul.f32 v44, v0;
	_ =	sdelay $0x1  }
0xa5: {  	v26 =	vmul.f32 v52, v1;
	v3 =	vadd.f32 v23, v3;
	_ =	sdelay $0x1  }
0xa6: {  	[tilespmem:$0x1FFB0] =	vst v25;
	v25 =	vadd.f32 v26, v3;
	v3 =	vld [tilespmem:s29+$0x86B0];
	_ =	sdelay $0x1  }
0xa7: {  	v53 =	vld [tilespmem:s31+$0x8700]  }
0xa8: {  	v40 =	vld [tilespmem:s31+$0x8720]  }
0xa9: {  	v14 =	vld [tilespmem:s29+$0x4640]  }
0xaa: {  	[tilespmem:$0x1FFE0] =	vst v3;
	v3 =	vld [tilespmem:$0x1FBC0];
	_ =	sdelay $0x3  }
0xab: {  	[tilespmem:$0x1FE60] =	vst v14;
	v14 =	vmul.f32 v53, v2  }
0xac: {  	v2 =	vmul.f32 v40, v2;
	v40 =	vmul.f32 v3, v1;
	v3 =	vld [tilespmem:$0x1FBD0];
	_ =	sdelay $0x4  }
0xad: {  	v41 =	vmul.f32 v3, v22;
	v3 =	vld [tilespmem:$0x1FBE0];
	_ =	sdelay $0x2  }
0xae: {  	v45 =	vld [tilespmem:s30+$0x4640]  }
0xaf: {  	v24 =	vld [tilespmem:s29+$0x670]  }
0xb0: {  	v44 =	vmul.f32 v3, v0;
	v3 =	vld [tilespmem:$0x1FBF0];
	_ =	sdelay $0x3  }
0xb1: {  	v46 =	vld [tilespmem:s30+$0x640]  }
0xb2: {  	[tilespmem:$0x1FF10] =	vst v24;
	v24 =	vmul.f32 v45, v0;
	v45 =	vmul.f32 v3, v22;
	v3 =	vld [tilespmem:$0x1FC00];
	_ =	sdelay $0x3  }
0xb3: {  	v51 =	vld [tilespmem:s30+$0x4650]  }
0xb4: {  	v35 =	vadd.f32 v2, v20;
	v2 =	vmul.f32 v46, v22;
	v46 =	vmul.f32 v3, v0;
	v3 =	vld [tilespmem:$0x1FC10];
	_ =	sdelay $0x4  }
0xb5: {  	v32 =	vmul.f32 v51, v0;
	v51 =	vmul.f32 v3, v1;
	v3 =	vld [tilespmem:$0x1FC20];
	_ =	sdelay $0x4  }
0xb6: {  	v52 =	vmul.f32 v3, v1;
	v3 =	vld [tilespmem:$0x1FC30];
	_ =	sdelay $0x4  }
0xb7: {  	v53 =	vmul.f32 v3, v22;
	v3 =	vld [tilespmem:$0x1FC40];
	_ =	sdelay $0x4  }
0xb8: {  	v6 =	vmul.f32 v3, v0;
	v3 =	vld [tilespmem:s29+$0x86D0];
	_ =	sdelay $0x4  }
0xb9: {  	[tilespmem:$0x1FFF0] =	vst v3;
	v3 =	vld [tilespmem:$0x1FC60];
	_ =	sdelay $0x4  }
0xba: {  	v7 =	vmul.f32 v3, v0;
	v3 =	vld [tilespmem:$0x1FC70]  }
0xbb: {  	v56 =	vld [tilespmem:s30+$0x650]  }
0xbc: {  	v57 =	vld [tilespmem:s30+$0x8650]  }
0xbd: {  	v9 =	vld [tilespmem:s29+$0x8630]  }
0xbe: {  	v21 =	vld [tilespmem:s29+$0x6A0]  }
0xbf: {  	v8 =	vmul.f32 v3, v1;
	v3 =	vld [tilespmem:$0x1FC80]  }
0xc0: {  	v31 =	vmul.f32 v56, v22;
	_ =	sdelay $0x1  }
0xc1: {  	[tilespmem:$0x1FE80] =	vst v9;
	v4 =	vadd.f32 v39, v38;
	v38 =	vmul.f32 v57, v1;
	v9 =	vadd.f32 v32, v31  }
0xc2: {  	v47 =	vld [tilespmem:s30+$0x8640]  }
0xc3: {  	[tilespmem:$0x1FF90] =	vst v21;
	v21 =	vadd.f32 v38, v9;
	v9 =	vmul.f32 v3, v1;
	v3 =	vld [tilespmem:$0x1FC90];
	_ =	sdelay $0x3  }
0xc4: {  	v12 =	vld [tilespmem:s29+$0x4680]  }
0xc5: {  	v28 =	vmul.f32 v47, v1;
	v2 =	vadd.f32 v24, v2;
	v10 =	vmul.f32 v3, v22;
	v3 =	vld [tilespmem:$0x1FCA0]  }
0xc6: {  	v61 =	vld [tilespmem:s30+$0x660]  }
0xc7: {  	v26 =	vadd.f32 v28, v2;
	v2 =	vld [tilespmem:$0x1FBB0];
	_ =	sdelay $0x2  }
0xc8: {  	[tilespmem:$0x1FF50] =	vst v12;
	v12 =	vmul.f32 v3, v0;
	v3 =	vld [tilespmem:$0x1FCB0];
	_ =	sdelay $0x1  }
0xc9: {  	v39 =	vmul.f32 v61, v22;
	v2 =	vmul.f32 v2, v0;
	_ =	sdelay $0x1  }
0xca: {  	v2 =	vadd.f32 v2, v39  }
0xcb: {  	v43 =	vadd.f32 v14, v4;
	v14 =	vmul.f32 v3, v22;
	v3 =	vld [tilespmem:$0x1FCC0]  }
0xcc: {  	v23 =	vadd.f32 v40, v2;
	v2 =	vadd.f32 v46, v45;
	_ =	sdelay $0x1  }
0xcd: {  	v57 =	vadd.f32 v52, v2;
	v2 =	vld [tilespmem:$0x1FC50]  }
0xce: {  	v16 =	vld [tilespmem:s29+$0x8680]  }
0xcf: {  	v15 =	vmul.f32 v3, v0;
	v3 =	vld [tilespmem:$0x1FCD0];
	_ =	sdelay $0x2  }
0xd0: {  	v19 =	vld [tilespmem:s29+$0x4660];
	v2 =	vmul.f32 v2, v22;
	_ =	sdelay $0x1  }
0xd1: {  	[tilespmem:$0x1FF60] =	vst v16;
	v2 =	vadd.f32 v7, v2;
	v16 =	vmul.f32 v3, v1;
	v3 =	vld [tilespmem:$0x1FCE0];
	_ =	sdelay $0x1  }
0xd2: {  	v45 =	vadd.f32 v9, v2;
	v2 =	vadd.f32 v12, v10  }
0xd3: {  	[tilespmem:$0x1FEE0] =	vst v19;
	v19 =	vld [tilespmem:s29+$0x8690]  }
0xd4: {  	v52 =	vadd.f32 v16, v2;
	v2 =	vld [tilespmem:$0x1FD00]  }
0xd5: {  	v18 =	vmul.f32 v3, v1;
	v3 =	vld [tilespmem:$0x1FCF0];
	_ =	sdelay $0x4  }
0xd6: {  	[tilespmem:$0x1FFA0] =	vst v19;
	v19 =	vmul.f32 v3, v22;
	v3 =	vmul.f32 v2, v0;
	v2 =	vld [tilespmem:$0x1FD10];
	_ =	sdelay $0x4  }
0xd7: {  	v20 =	vmul.f32 v2, v1;
	v2 =	vld [tilespmem:$0x1FD20]  }
0xd8: {  	v36 =	vld [tilespmem:s30+$0x4710];
	_ =	sdelay $0x1  }
0xd9: {  	v24 =	vadd.f32 v6, v53;
	_ =	sdelay $0x1  }
0xda: {  	v46 =	vadd.f32 v8, v24;
	v8 =	vmul.f32 v2, v22;
	v2 =	vld [tilespmem:$0x1FD30]  }
0xdb: {  	[tilespmem:$0x1FDA0] =	vst v36;
	v36 =	vld [tilespmem:s30+$0x8710]  }
0xdc: {  	v9 =	vld [tilespmem:$0x1FD40];
	_ =	sdelay $0x2  }
0xdd: {  	v2 =	vmul.f32 v2, v0  }
0xde: {  	v47 =	vadd.f32 v44, v41;
	v3 =	vadd.f32 v3, v19  }
0xdf: {  	[tilespmem:$0x1FDE0] =	vst v36;
	v36 =	vld [tilespmem:s30+$0x720];
	v41 =	vmul.f32 v9, v1;
	v17 =	vadd.f32 v15, v14;
	v2 =	vadd.f32 v2, v8  }
0xe0: {  	v61 =	vadd.f32 v51, v47;
	v19 =	vadd.f32 v20, v3;
	v3 =	vld [tilespmem:$0x1FD80]  }
0xe1: {  	v47 =	vadd.f32 v18, v17;
	v18 =	vadd.f32 v41, v2;
	v2 =	vld [tilespmem:$0x1FD90]  }
0xe2: {  	[tilespmem:s31+$0xC640] =	vst v59;
	v59 =	vld [tilespmem:$0x1FDD0]  }
0xe3: {  	[tilespmem:s31+$0xC650] =	vst v55;
	v55 =	vld [tilespmem:s29+$0x4720]  }
0xe4: {  	v48 =	vld [tilespmem:s29+$0x680]  }
0xe5: {  	v15 =	vmul.f32 v3, v0;
	v3 =	vld [tilespmem:$0x1FDB0]  }
0xe6: {  	v17 =	vmul.f32 v2, v0;
	v2 =	vld [tilespmem:$0x1FDA0]  }
0xe7: {  	v29 =	vld [tilespmem:s29+$0x6B0]  }
0xe8: {  	v10 =	vld [tilespmem:$0x1FD50]  }
0xe9: {  	v12 =	vld [tilespmem:$0x1FD60]  }
0xea: {  	v14 =	vld [tilespmem:$0x1FD70]  }
0xeb: {  	v3 =	vmul.f32 v3, v0;
	v2 =	vmul.f32 v2, v0;
	v0 =	vld [tilespmem:$0x1FDC0]  }
0xec: {  	[tilespmem:s31+$0xC660] =	vst v50;
	v50 =	vld [tilespmem:s29+$0x8720]  }
0xed: {  	s0 =	sor.u32 $0x3, s28;
	v13 =	vld [tilespmem:s29+$0x8640]  }
0xee: {  	s9 =	sand.u32 $0xFF, s0;
	[tilespmem:$0x1FF40] =	vst v48;
	v48 =	vld [tilespmem:s29+$0x46C0];
	v5 =	vmul.f32 v10, v22  }
0xef: {  	s8 =	sor.u32 s26, s9;
	[tilespmem:$0x1FFC0] =	vst v29;
	v29 =	vld [tilespmem:s29+$0x46E0];
	v6 =	vmul.f32 v12, v22;
	v7 =	vmul.f32 v14, v22  }
0xf0: {  	[tilespmem:s31+$0xC680] =	vst v60;
	v60 =	vld [tilespmem:s8+$0x410];
	v8 =	vmul.f32 v36, v22;
	v22 =	vadd.f32 v15, v5;
	v0 =	vmul.f32 v0, v1  }
0xf1: {  	v10 =	vld [tilespmem:$0x1FDE0]  }
0xf2: {  	v22 =	vadd.f32 v0, v22;
	v0 =	vld [tilespmem:$0x1FDF0]  }
0xf3: {  	v12 =	vld [tilespmem:$0x1FE10]  }
0xf4: {  	v14 =	vadd.f32 v2, v7;
	v2 =	vld [tilespmem:$0x1FE50]  }
0xf5: {  	v54 =	vld [tilespmem:s29+$0x6C0]  }
0xf6: {  	v33 =	vld [tilespmem:s29+$0x46B0]  }
0xf7: {  	v9 =	vmul.f32 v59, v1;
	v59 =	vperm.xlane v0, v11;
	v0 =	vld [tilespmem:$0x1FE00]  }
0xf8: {  	[tilespmem:s31+$0xC630] =	vst v58;
	v58 =	vmul.f32 v12, v1;
	v5 =	vmul.f32 v10, v1;
	v1 =	vld [tilespmem:$0x1FE20]  }
0xf9: {  	v40 =	vmul.f32 v2, v59;
	v2 =	vld [tilespmem:$0x1FE60]  }
0xfa: {  	[tilespmem:s31+$0xC690] =	vst v30;
	v30 =	vld [tilespmem:s8+$0x520]  }
0xfb: {  	[tilespmem:$0x1FFD0] =	vst v33;
	v33 =	vld [tilespmem:s29+$0x710]  }
0xfc: {  	v62 =	vld [tilespmem:s29+$0x46A0];
	v0 =	vperm.xlane v0, v11  }
0xfd: {  	v49 =	vld [tilespmem:s29+$0x86C0]  }
0xfe: {  	[tilespmem:s31+$0xC670] =	vst v63;
	v56 =	vld [tilespmem:s29+$0x6D0];
	v63 =	vperm.xlane v1, v11;
	v2 =	vmul.f32 v2, v0  }
0xff: {  	v31 =	vld [tilespmem:s29+$0x86F0];
	v3 =	vadd.f32 v3, v8  }
0x100: {  	v32 =	vld [tilespmem:s29+$0x4700];
	v6 =	vadd.f32 v17, v6;
	v8 =	vmul.f32 v13, v63;
	v2 =	vadd.f32 v2, v40  }
0x101: {  	v38 =	vld [tilespmem:s29+$0x6F0]  }
0x102: {  	v15 =	vadd.f32 v9, v6;
	v9 =	vadd.f32 v8, v2;
	v2 =	vld [tilespmem:$0x1FED0]  }
0x103: {  	v1 =	vld [tilespmem:$0x1FE30]  }
0x104: {  	v28 =	vld [tilespmem:s29+$0x700]  }
0x105: {  	v39 =	vld [tilespmem:s29+$0x46D0]  }
0x106: {  	v44 =	vld [tilespmem:s29+$0x6E0]  }
0x107: {  	v8 =	vmul.f32 v2, v59;
	v2 =	vld [tilespmem:$0x1FEE0]  }
0x108: {  	v16 =	vmul.f32 v1, v59;
	v1 =	vld [tilespmem:$0x1FE40]  }
0x109: {  	v51 =	vld [tilespmem:s29+$0x8700]  }
0x10a: {  	v12 =	vld [tilespmem:$0x1FE80]  }
0x10b: {  	v53 =	vld [tilespmem:s29+$0x86E0]  }
0x10c: {  	[tilespmem:s31+$0xC6D0] =	vst v37;
	v37 =	vmul.f32 v2, v0;
	v2 =	vld [tilespmem:$0x1FEF0]  }
0x10d: {  	s9 =	sshll.u32 s0, $0x8;
	v24 =	vld [tilespmem:s29+$0x46F0];
	v1 =	vmul.f32 v1, v0  }
0x10e: {  	[tilespmem:s30+$0xC690] =	vst v46;
	v46 =	vld [tilespmem:s9+$0x680]  }
0x10f: {  	[tilespmem:s30+$0xC6A0] =	vst v45;
	v45 =	vld [tilespmem:s9+$0x4680];
	v4 =	vadd.f32 v5, v14;
	v5 =	vmul.f32 v12, v63;
	v1 =	vadd.f32 v1, v16  }
0x110: {  	v10 =	vld [tilespmem:$0x1FE70]  }
0x111: {  	v6 =	vadd.f32 v5, v1;
	v5 =	vmul.f32 v2, v63;
	v2 =	vld [tilespmem:$0x1FF00]  }
0x112: {  	v20 =	vld [tilespmem:s29+$0x720]  }
0x113: {  	v36 =	vld [tilespmem:s29+$0x4710]  }
0x114: {  	v41 =	vld [tilespmem:s29+$0x8710]  }
0x115: {  	[tilespmem:s31+$0xC6A0] =	vst v10;
	v10 =	vadd.f32 v58, v3;
	v58 =	vld [tilespmem:s9+$0x4630]  }
0x116: {  	[tilespmem:s31+$0xC6E0] =	vst v42;
	v42 =	vmul.f32 v2, v63;
	v2 =	vld [tilespmem:$0x1FF10]  }
0x117: {  	v1 =	vld [tilespmem:$0x1FEB0]  }
0x118: {  	s1 =	sor.u32 s24, s0;
	v3 =	vld [tilespmem:$0x1FEA0]  }
0x119: {  	v17 =	vld [tilespmem:s1+$0x300]  }
0x11a: {  	v14 =	vld [tilespmem:$0x1FE90]  }
0x11b: {  	[tilespmem:s31+$0xC6F0] =	vst v34;
	v34 =	vmul.f32 v2, v59;
	v2 =	vld [tilespmem:$0x1FF20]  }
0x11c: {  	v40 =	vmul.f32 v1, v59;
	v1 =	vld [tilespmem:$0x1FEC0]  }
0x11d: {  	[tilespmem:s31+$0xC6C0] =	vst v3;
	v3 =	vld [tilespmem:s9+$0x650]  }
0x11e: {  	v7 =	vld [tilespmem:s9+$0x8640]  }
0x11f: {  	v12 =	vld [tilespmem:s9+$0x4640]  }
0x120: {  	v8 =	vadd.f32 v37, v8;
	v37 =	vmul.f32 v2, v0;
	v2 =	vld [tilespmem:$0x1FF30]  }
0x121: {  	[tilespmem:s31+$0xC6B0] =	vst v14;
	v14 =	vld [tilespmem:s9+$0x8630];
	v1 =	vmul.f32 v1, v0  }
0x122: {  	[tilespmem:s30+$0xC700] =	vst v15;
	v15 =	vperm.xlane v17, v11;
	v17 =	vperm.xlane v60, v11;
	v13 =	vld [tilespmem:s9+$0x640]  }
0x123: {  	[tilespmem:s30+$0xC680] =	vst v57;
	v57 =	vmul.f32 v56, v59;
	v56 =	vld [tilespmem:$0x1FFF0];
	v1 =	vadd.f32 v1, v40  }
0x124: {  	[tilespmem:s30+$0xC6F0] =	vst v22;
	v22 =	vmul.f32 v12, v17;
	v12 =	vld [tilespmem:s9+$0x46C0]  }
0x125: {  	v1 =	vadd.f32 v5, v1;
	v5 =	vmul.f32 v2, v63;
	v2 =	vld [tilespmem:$0x1FF40]  }
0x126: {  	[tilespmem:s30+$0xC670] =	vst v61;
	v61 =	vmul.f32 v48, v0;
	v48 =	vld [tilespmem:s9+$0x4670]  }
0x127: {  	v40 =	vld [tilespmem:$0x1FF80]  }
0x128: {  	v34 =	vadd.f32 v37, v34;
	v37 =	vld [tilespmem:$0x1FF70]  }
0x129: {  	[tilespmem:s30+$0xC6B0] =	vst v52;
	v52 =	vmul.f32 v36, v0;
	v36 =	vld [tilespmem:s9+$0x86A0]  }
0x12a: {  	[tilespmem:s31+$0xC700] =	vst v43;
	v13 =	vmul.f32 v13, v15;
	v43 =	vmul.f32 v2, v59;
	v2 =	vld [tilespmem:$0x1FF50]  }
0x12b: {  	[tilespmem:s31+$0xC710] =	vst v27;
	v16 =	vld [tilespmem:s9+$0x630]  }
0x12c: {  	[tilespmem:s29+$0xC640] =	vst v9;
	v9 =	vadd.f32 v22, v13;
	v13 =	vld [tilespmem:s9+$0x86D0]  }
0x12d: {  	[tilespmem:s31+$0xC720] =	vst v35;
	v22 =	vld [tilespmem:s9+$0x6E0];
	v35 =	vmul.f32 v37, v59;
	v37 =	vmul.f32 v40, v0  }
0x12e: {  	[tilespmem:s29+$0xC630] =	vst v6;
	v6 =	vld [tilespmem:s9+$0x46D0]  }
0x12f: {  	[tilespmem:s30+$0xC640] =	vst v26;
	v26 =	vadd.f32 v37, v35;
	v37 =	vld [tilespmem:$0x1FFA0];
	v27 =	vmul.f32 v2, v0  }
0x130: {  	v2 =	vld [tilespmem:$0x1FF60]  }
0x131: {  	[tilespmem:s30+$0xC630] =	vst v25;
	v3 =	vmul.f32 v3, v15;
	v46 =	vmul.f32 v46, v15;
	v25 =	vadd.f32 v27, v43;
	v43 =	vld [tilespmem:$0x1FF90]  }
0x132: {  	v49 =	vmul.f32 v49, v63;
	v31 =	vmul.f32 v31, v63;
	v40 =	vld [tilespmem:s9+$0x8650]  }
0x133: {  	[tilespmem:s30+$0xC6C0] =	vst v47;
	v47 =	vmul.f32 v51, v63;
	v38 =	vmul.f32 v38, v59;
	v35 =	vld [tilespmem:s9+$0x4660]  }
0x134: {  	v28 =	vmul.f32 v28, v59;
	v5 =	vadd.f32 v5, v34;
	v34 =	vmul.f32 v37, v63;
	v37 =	vld [tilespmem:$0x1FFB0]  }
0x135: {  	v33 =	vmul.f32 v33, v59;
	v8 =	vadd.f32 v42, v8;
	v42 =	vmul.f32 v2, v63;
	v2 =	vld [tilespmem:s9+$0x4650]  }
0x136: {  	v27 =	vmul.f32 v43, v59;
	v43 =	vmul.f32 v62, v0;
	v62 =	vld [tilespmem:s9+$0x660]  }
0x137: {  	[tilespmem:s30+$0xC650] =	vst v21;
	v20 =	vmul.f32 v20, v59;
	v39 =	vmul.f32 v39, v0;
	v21 =	vadd.f32 v42, v25;
	v42 =	vld [tilespmem:$0x1FFC0]  }
0x138: {  	v29 =	vmul.f32 v29, v0;
	v24 =	vmul.f32 v24, v0;
	v25 =	vadd.f32 v43, v27;
	v43 =	vld [tilespmem:$0x1FFD0]  }
0x139: {  	v39 =	vadd.f32 v39, v57;
	v57 =	vmul.f32 v53, v63;
	v27 =	vmul.f32 v37, v63;
	v37 =	vld [tilespmem:s9+$0x8660]  }
0x13a: {  	v53 =	vmul.f32 v41, v63;
	v12 =	vmul.f32 v12, v17;
	[tilespmem:s29+$0xC680] =	vst v21;
	v21 =	vld [tilespmem:s9+$0x6D0]  }
0x13b: {  	v16 =	vmul.f32 v16, v15;
	v25 =	vadd.f32 v27, v25;
	v27 =	vmul.f32 v54, v59;
	v54 =	vld [tilespmem:$0x1FFE0]  }
0x13c: {  	[tilespmem:s30+$0xC660] =	vst v23;
	v23 =	vadd.f32 v34, v26;
	v2 =	vmul.f32 v2, v17;
	v26 =	vmul.f32 v42, v59;
	v42 =	vld [tilespmem:s9+$0x670]  }
0x13d: {  	v27 =	vadd.f32 v61, v27;
	v61 =	vmul.f32 v44, v59;
	v44 =	vld [tilespmem:s9+$0x690];
	v34 =	vmul.f32 v43, v0  }
0x13e: {  	v2 =	vadd.f32 v2, v3;
	v43 =	vmul.f32 v56, v63;
	v56 =	vmul.f32 v55, v0;
	v55 =	vld [tilespmem:s9+$0x6F0]  }
0x13f: {  	[tilespmem:s30+$0xC6D0] =	vst v19;
	v59 =	vmul.f32 v50, v63;
	v27 =	vadd.f32 v49, v27;
	v49 =	vld [tilespmem:s9+$0x8680];
	v29 =	vadd.f32 v29, v61  }
0x140: {  	[tilespmem:s30+$0xC6E0] =	vst v18;
	v61 =	vmul.f32 v32, v0;
	v32 =	vld [tilespmem:s9+$0x8690];
	v0 =	vperm.xlane v30, v11;
	v26 =	vadd.f32 v34, v26  }
0x141: {  	[tilespmem:s30+$0xC720] =	vst v10;
	v30 =	vld [tilespmem:s9+$0x46B0];
	v34 =	vmul.f32 v54, v63;
	v19 =	vadd.f32 v43, v39;
	v43 =	vadd.f32 v24, v38  }
0x142: {  	[tilespmem:s30+$0xC710] =	vst v4;
	v54 =	vld [tilespmem:s9+$0x8670];
	v60 =	vadd.f32 v56, v20;
	v38 =	vmul.f32 v35, v17;
	v18 =	vadd.f32 v57, v29  }
0x143: {  	[tilespmem:s29+$0xC650] =	vst v1;
	v39 =	vld [tilespmem:s9+$0x4690];
	v51 =	vadd.f32 v61, v28;
	v61 =	vmul.f32 v58, v17;
	v63 =	vmul.f32 v14, v0  }
0x144: {  	[tilespmem:s29+$0xC660] =	vst v8;
	v24 =	vld [tilespmem:s9+$0x6B0];
	v57 =	vadd.f32 v52, v33;
	v7 =	vmul.f32 v7, v0;
	v33 =	vmul.f32 v62, v15  }
0x145: {  	[tilespmem:s29+$0xC670] =	vst v5;
	v35 =	vld [tilespmem:s9+$0x4700];
	v3 =	vmul.f32 v40, v0;
	v11 =	vmul.f32 v37, v0;
	v26 =	vadd.f32 v34, v26  }
0x146: {  	[tilespmem:s29+$0xC690] =	vst v23;
	v29 =	vld [tilespmem:s9+$0x46A0];
	v4 =	vadd.f32 v31, v43;
	v8 =	vadd.f32 v59, v60;
	v43 =	vmul.f32 v48, v17  }
0x147: {  	[tilespmem:s29+$0xC6A0] =	vst v25;
	v14 =	vld [tilespmem:s9+$0x6C0];
	v10 =	vadd.f32 v47, v51;
	v2 =	vadd.f32 v3, v2;
	v3 =	vmul.f32 v42, v15  }
0x148: {  	[tilespmem:s29+$0xC6C0] =	vst v27;
	v52 =	vld [tilespmem:s9+$0x86E0];
	v1 =	vadd.f32 v53, v57;
	v47 =	vmul.f32 v45, v17;
	v53 =	vmul.f32 v44, v15  }
0x149: {  	v58 =	vld [tilespmem:s9+$0x46F0];
	[tilespmem:s29+$0xC6D0] =	vst v19;
	v28 =	vadd.f32 v61, v16;
	v61 =	vmul.f32 v36, v0;
	v44 =	vmul.f32 v6, v17  }
0x14a: {  	v34 =	vld [tilespmem:s9+$0x6A0];
	v41 =	vadd.f32 v38, v33;
	[tilespmem:s29+$0xC6E0] =	vst v18;
	v51 =	vmul.f32 v49, v0;
	v56 =	vmul.f32 v32, v0  }
0x14b: {  	v31 =	vld [tilespmem:s9+$0x86B0];
	v7 =	vadd.f32 v7, v9;
	[tilespmem:s29+$0xC6B0] =	vst v26;
	v30 =	vmul.f32 v30, v17;
	v49 =	vmul.f32 v13, v0  }
0x14c: {  	v48 =	vld [tilespmem:s9+$0x46E0];
	[tilespmem:s29+$0xC6F0] =	vst v4;
	v5 =	vadd.f32 v63, v28;
	v9 =	vadd.f32 v11, v41;
	v50 =	vmul.f32 v54, v0  }
0x14d: {  	v62 =	vld [tilespmem:s9+$0x86F0];
	[tilespmem:s29+$0xC720] =	vst v8;
	v3 =	vadd.f32 v43, v3;
	v54 =	vmul.f32 v39, v17;
	v63 =	vmul.f32 v24, v15  }
0x14e: {  	v16 =	vld [tilespmem:s9+$0x86C0];
	v11 =	vadd.f32 v47, v46;
	[tilespmem:s29+$0xC700] =	vst v10;
	v43 =	vmul.f32 v21, v15;
	v46 =	vmul.f32 v22, v15  }
0x14f: {  	v42 =	vld [tilespmem:s9+$0x710];
	[tilespmem:s29+$0xC710] =	vst v1;
	v60 =	vmul.f32 v29, v17;
	v3 =	vadd.f32 v50, v3;
	v57 =	vmul.f32 v34, v15  }
0x150: {  	v45 =	vld [tilespmem:s9+$0x720];
	[tilespmem:s9+$0xC640] =	vst v7;
	v59 =	vadd.f32 v51, v11;
	v34 =	vmul.f32 v14, v15;
	v37 =	vmul.f32 v31, v0  }
0x151: {  	v38 =	vld [tilespmem:s9+$0x8700];
	[tilespmem:s9+$0xC650] =	vst v2;
	v1 =	vadd.f32 v54, v53;
	v47 =	vmul.f32 v48, v17;
	v50 =	vmul.f32 v52, v0  }
0x152: {  	v32 =	vld [tilespmem:s9+$0x700];
	[tilespmem:s9+$0xC630] =	vst v5;
	v36 =	vadd.f32 v30, v63;
	v52 =	vmul.f32 v55, v15;
	v53 =	vmul.f32 v58, v17  }
0x153: {  	[tilespmem:s9+$0xC660] =	vst v9;
	v48 =	vld [tilespmem:s9+$0x4710];
	v58 =	vmul.f32 v62, v0;
	v41 =	vmul.f32 v16, v0;
	v33 =	vadd.f32 v60, v57  }
0x154: {  	v51 =	vld [tilespmem:s9+$0x4720];
	v55 =	vmul.f32 v42, v15;
	v1 =	vadd.f32 v56, v1;
	v40 =	vadd.f32 v12, v34;
	[tilespmem:s9+$0xC670] =	vst v3  }
0x155: {  	v54 =	vld [tilespmem:s9+$0x8710];
	v6 =	vmul.f32 v45, v15;
	v2 =	vadd.f32 v37, v36;
	v3 =	vadd.f32 v44, v43;
	[tilespmem:s9+$0xC680] =	vst v59  }
0x156: {  	v9 =	vadd.f32 v47, v46;
	v56 =	vld [tilespmem:s9+$0x8720];
	v57 =	vmul.f32 v35, v17;
	v39 =	vadd.f32 v61, v33;
	[tilespmem:s9+$0xC690] =	vst v1  }
0x157: {  	v8 =	vadd.f32 v41, v40;
	v1 =	vadd.f32 v49, v3;
	v3 =	vmul.f32 v32, v15;
	[tilespmem:s9+$0xC6B0] =	vst v2  }
0x158: {  	v5 =	vadd.f32 v50, v9;
	v2 =	vadd.f32 v53, v52;
	v59 =	vmul.f32 v48, v17;
	[tilespmem:s9+$0xC6A0] =	vst v39  }
0x159: {  	v61 =	vmul.f32 v38, v0;
	v60 =	vmul.f32 v51, v17;
	[tilespmem:s9+$0xC6C0] =	vst v8;
	v3 =	vadd.f32 v57, v3  }
0x15a: {  	p0 =	slt.u32 s28, $0x3C;
	v62 =	vmul.f32 v54, v0;
	[tilespmem:s9+$0xC6D0] =	vst v1;
	v1 =	vadd.f32 v58, v2;
	v2 =	vadd.f32 v59, v55  }
.Ltmp0:
0x15b: {  	[tilespmem:s9+$0xC6E0] =	vst v5;
	v63 =	vadd.f32 v60, v6;
	v0 =	vmul.f32 v56, v0;
	v3 =	vadd.f32 v61, v3;
	(pc) =	sbr.rel @p0 .LBB2_3-.Ltmp0, $4  }
0x15c: {  	[tilespmem:s9+$0xC6F0] =	vst v1;
	v1 =	vadd.f32 v62, v2  }
0x15d: {  	v0 =	vadd.f32 v0, v63;
	[tilespmem:s9+$0xC700] =	vst v3  }
0x15e: {  	s31 =	sadd.s32 $0x4, s28;
	[tilespmem:s9+$0xC710] =	vst v1  }
0x15f: {  	s28 =	smov.u32 s31;
	v1 =	vimm.s32 $0x0;
	[tilespmem:s9+$0xC720] =	vst v0  }
0x160: {  	s0 =	sshll.u32 s23, $0xB;
	s23 =	sadd.s32 $0x1, s23  }
0x161: {  	p0 =	sne.s32 s23, $0x4  }
.Ltmp1:
0x162: {  	s0 =	sadd.s32 s0, s6;
	(pc) =	sbr.rel @p0 .LBB2_2-.Ltmp1, $4  }
0x163: {  	[hbm4b:s0+s2] =	stream.linear.scatter [tilespmem:s21], [sflag:$0x2], $0x4000, $0x38;
	[tilespmem:$0x10630] =	vst v63  }
0x164: {  	_ =	swait.ge [sflag:s10], $0x4000  }
0x165: {  	[sflag:s10] =	ssyncset.done $0x0  }
0x166: {  	[sflag:s10] =	ssyncadd.s32 $0xFFFFC000  }
0x167: {  	s22 =	sadd.s32 $0x1, s22  }
0x168: {  	p0 =	sne.s32 s22, s7  }
.Ltmp2:
0x169: {  	_ = 	snop;
	(pc) =	sbr.rel @p0 .LBB2_1-.Ltmp2, $1  }
0x16a: {  	_ =	sdelay $0x3  }
0x16b: {  	_ =	sfence.sel $0x180000  }
0x16c: {  	[bflag:$0x0] =	sbarrier.arrive $0xFFFF  }
0x16d: {  	_ =	strace $0x9000004D  }
0x16e: {  	s0 =	stileid.u32;
	[bflag:$0x2] =	sbarrier.arrive $0xFFFF  }
0x16f: {  	p0 =	sne.s32 s0, $0x0;
	s0 =	rddreg [dreg:$0x1]  }
0x170: {  	s0 =	sadd.s32 @!p0 $0x100000, s0  }
0x171: {  	[sflag:s0] =	ssyncadd.tile.s32 @!p0 $0x1;
	_ =	shalt  }
.Lfunc_end2:
_tile_overlayer_lowered:
.L_overlay_start_2:
0x172: {  	(tag) =	ssettag $0x2  }
0x173: {  	s0 =	rddreg [dreg:$0x0];
	s2 =	stileid.u32  }
0x174: {  	s1 =	rddreg [dreg:$0x1];
	p0 =	sne.s32 s2, $0x0  }
0x175: {  	s3 =	rddreg [dreg:$0x2];
	[bflag:$0x3] =	sbarrier.arrive $0xFFFF;
	s2 =	simm.s32 @!p0 $0x1C02  }
0x176: {  	[timem:s3], [sflag:s2] =	dma.local @!p0 [hbm:s0], s1  }
0x177: {  	s0 =	simm.s32 @!p0 $0x2  }
0x178: {  	_ =	swait.ge @!p0 [sflag:s0], s1  }
0x179: {  	s1 =	ssub.s32 @!p0 $0x0, s1;
	[sflag:s0] =	ssyncset.done @!p0 $0x0  }
0x17a: {  	[sflag:s0] =	ssyncadd.s32 @!p0 s1  }
0x17b: {  	[bflag:$0x3] =	sbarrier.arrive $0xFFFF  }
0x17c: {  	_ =	shalt  }

</sc_bundles>
